<compile_context>
chip_gen: v7x
topology: tpu7x:2x2x1
jax: 0.10.2.dev20260603
libtpu: 0.0.44.dev20260713+nightly
codegen_flags: <defaults>
</compile_context>

<pallas_src>
import functools

import jax
import jax.numpy as jnp
from jax import lax
from jax.experimental import pallas as pl
from jax.experimental.pallas import tpu as pltpu
from jax.experimental.pallas import tpu_sc as plsc

N = 10000
NP = 10240
E = 320000
D = 128

NC = 2
NS = 16
NW = NC * NS
EPT = E // NW
CH = 80
NCH = EPT // CH
KD = 2
NSETD = NCH // KD
KS = 2
NGS = NCH // (2 * KS)
RPT = NP // NS

_mesh = plsc.VectorSubcoreMesh(core_axis_name="c", subcore_axis_name="s")


@functools.partial(
    pl.kernel,
    out_type=jax.ShapeDtypeStruct((NC, NP, D), jnp.float32),
    mesh=_mesh,
    scratch_types=(
        [pltpu.VMEM((CH, D), jnp.float32)] * 2
        + [pltpu.VMEM((CH,), jnp.int32)] * (4 * KD)
        + [pltpu.VMEM((CH,), jnp.int32)] * (4 * KD)
        + [
            pltpu.VMEM_SHARED((NP, D), jnp.float32),
        ]
        + [pltpu.SemaphoreType.DMA] * 4
        + [
            pltpu.SemaphoreType.DMA,
            pltpu.SemaphoreType.DMA,
            pltpu.SemaphoreType.DMA,
        ]
    ),
)
def _deg_kernel(src_hbm, dst_hbm, onehot_hbm, zeros_hbm, out_hbm,
                ohs_v, ohd_v, *rest):
    sidx = rest[0:4 * KD]
    didx = rest[4 * KD:8 * KD]
    deg_sh = rest[8 * KD]
    semi = rest[8 * KD + 1:8 * KD + 5]
    sems_a, sems_b, semz = rest[8 * KD + 5:]
    sems = (sems_a, sems_b)
    c = lax.axis_index("c")
    s = lax.axis_index("s")
    base = (s * NC + c) * EPT
    rows = pl.ds(s * RPT, RPT)
    zcp = pltpu.async_copy(zeros_hbm, deg_sh.at[rows], semz)
    pltpu.sync_copy(onehot_hbm.at[0], ohs_v)
    pltpu.sync_copy(onehot_hbm.at[1], ohd_v)

    def fire_idx(off, j):
        for k in range(KD):
            sl = pl.ds(off + k * CH, CH)
            pltpu.async_copy(src_hbm.at[sl], sidx[j * KD + k], semi[j])
            pltpu.async_copy(dst_hbm.at[sl], didx[j * KD + k], semi[j])

    def drain_idx(off, j):
        for k in range(KD):
            sl = pl.ds(off + k * CH, CH)
            pltpu.make_async_copy(src_hbm.at[sl], sidx[j * KD + k],
                                  semi[j]).wait()
            pltpu.make_async_copy(dst_hbm.at[sl], didx[j * KD + k],
                                  semi[j]).wait()

    def fire_adds(j, h):
        for k in range(KD):
            pltpu.async_copy(ohs_v, deg_sh.at[sidx[j * KD + k]], sems[h],
                             add=True)
            pltpu.async_copy(ohd_v, deg_sh.at[didx[j * KD + k]], sems[h],
                             add=True)

    def drain_adds(j, h):
        for k in range(KD):
            pltpu.make_async_copy(ohs_v, deg_sh.at[sidx[j * KD + k]],
                                  sems[h]).wait()
            pltpu.make_async_copy(ohd_v, deg_sh.at[didx[j * KD + k]],
                                  sems[h]).wait()

    def set_off(t):
        return base + t * (KD * CH)

    fire_idx(set_off(0), 0)
    fire_idx(set_off(1), 1)
    zcp.wait()
    plsc.subcore_barrier()

    drain_idx(set_off(0), 0)
    fire_idx(set_off(2), 2)
    fire_adds(0, 0)
    drain_idx(set_off(1), 1)
    fire_idx(set_off(3), 3)
    fire_adds(1, 1)

    def body(i, carry):
        for u in range(4):
            t = 4 * i + 2 + u
            j = (2 + u) % 4
            h = u % 2
            drain_adds(j, h)
            fire_idx(set_off(t + 2), u)
            drain_idx(set_off(t), j)
            fire_adds(j, h)
        return carry

    lax.fori_loop(0, (NSETD - 6) // 4, body, 0)
    drain_adds(2, 0)
    fire_idx(set_off(60), 0)
    drain_idx(set_off(58), 2)
    fire_adds(2, 0)
    drain_adds(3, 1)
    fire_idx(set_off(61), 1)
    drain_idx(set_off(59), 3)
    fire_adds(3, 1)
    drain_adds(0, 0)
    drain_idx(set_off(60), 0)
    fire_adds(0, 0)
    drain_adds(1, 1)
    drain_idx(set_off(61), 1)
    fire_adds(1, 1)
    drain_adds(0, 0)
    drain_adds(1, 1)
    toff = base + NSETD * (KD * CH)
    pltpu.sync_copy(src_hbm.at[pl.ds(toff, CH)], sidx[0])
    pltpu.sync_copy(dst_hbm.at[pl.ds(toff, CH)], didx[0])
    pltpu.sync_copy(ohs_v, deg_sh.at[sidx[0]], add=True)
    pltpu.sync_copy(ohd_v, deg_sh.at[didx[0]], add=True)
    plsc.subcore_barrier()
    pltpu.sync_copy(deg_sh.at[rows], out_hbm.at[c, rows])


NSET = NCH // KS
PR = 4


@functools.partial(
    pl.kernel,
    out_type=jax.ShapeDtypeStruct((NC, NP, D), jnp.float32),
    mesh=_mesh,
    scratch_types=(
        [pltpu.VMEM((CH,), jnp.int32)] * (PR * KS)
        + [pltpu.VMEM((CH,), jnp.int32)] * (PR * KS)
        + [pltpu.VMEM((CH, D), jnp.float32)] * (2 * KS)
        + [
            pltpu.VMEM_SHARED((NP, D), jnp.float32),
        ]
        + [pltpu.SemaphoreType.DMA] * PR
        + [
            pltpu.SemaphoreType.DMA,
            pltpu.SemaphoreType.DMA,
            pltpu.SemaphoreType.DMA,
            pltpu.SemaphoreType.DMA,
        ]
    ),
)
def _scatter_kernel(y_hbm, src_hbm, dst_hbm, zeros_hbm, out_hbm, *rest):
    sidx = rest[0:PR * KS]
    didx = rest[PR * KS:2 * PR * KS]
    rows_v = rest[2 * PR * KS:2 * PR * KS + 2 * KS]
    agg_sh = rest[2 * PR * KS + 2 * KS]
    semi = rest[2 * PR * KS + 2 * KS + 1:2 * PR * KS + 2 * KS + 1 + PR]
    semg, sems_a, sems_b, semz = rest[2 * PR * KS + 2 * KS + 1 + PR:]
    sems = (sems_a, sems_b)
    c = lax.axis_index("c")
    s = lax.axis_index("s")
    base = (s * NC + c) * EPT
    rows = pl.ds(s * RPT, RPT)
    zcp = pltpu.async_copy(zeros_hbm, agg_sh.at[rows], semz)

    def fire_idx(off, j):
        for k in range(KS):
            sl = pl.ds(off + k * CH, CH)
            pltpu.async_copy(src_hbm.at[sl], sidx[j * KS + k], semi[j])
            pltpu.async_copy(dst_hbm.at[sl], didx[j * KS + k], semi[j])

    def drain_idx(off, j):
        for k in range(KS):
            sl = pl.ds(off + k * CH, CH)
            pltpu.make_async_copy(src_hbm.at[sl], sidx[j * KS + k],
                                  semi[j]).wait()
            pltpu.make_async_copy(dst_hbm.at[sl], didx[j * KS + k],
                                  semi[j]).wait()

    def gathers(j, h):
        ds = [
            pltpu.async_copy(y_hbm.at[sidx[j * KS + k]], rows_v[h * KS + k],
                             semg)
            for k in range(KS)
        ]
        for d in ds:
            d.wait()

    def fire_adds(j, h):
        for k in range(KS):
            pltpu.async_copy(rows_v[h * KS + k], agg_sh.at[didx[j * KS + k]],
                             sems[h], add=True)

    def drain_adds(j, h):
        for k in range(KS):
            pltpu.make_async_copy(rows_v[h * KS + k],
                                  agg_sh.at[didx[j * KS + k]],
                                  sems[h]).wait()

    def set_off(t):
        return base + t * (KS * CH)

    fire_idx(set_off(0), 0)
    fire_idx(set_off(1), 1)
    zcp.wait()
    plsc.subcore_barrier()

    drain_idx(set_off(0), 0)
    fire_idx(set_off(2), 2)
    gathers(0, 0)
    fire_adds(0, 0)
    drain_idx(set_off(1), 1)
    fire_idx(set_off(3), 3)
    gathers(1, 1)
    fire_adds(1, 1)

    def body(i, carry):
        for u in range(4):
            t = 4 * i + 2 + u
            j = (2 + u) % PR
            h = u % 2
            drain_adds(j, h)
            fire_idx(set_off(t + 2), u)
            drain_idx(set_off(t), j)
            gathers(j, h)
            fire_adds(j, h)
        return carry

    lax.fori_loop(0, (NSET - 6) // 4, body, 0)
    drain_adds(2, 0)
    fire_idx(set_off(60), 0)
    drain_idx(set_off(58), 2)
    gathers(2, 0)
    fire_adds(2, 0)
    drain_adds(3, 1)
    fire_idx(set_off(61), 1)
    drain_idx(set_off(59), 3)
    gathers(3, 1)
    fire_adds(3, 1)
    drain_adds(0, 0)
    drain_idx(set_off(60), 0)
    gathers(0, 0)
    fire_adds(0, 0)
    drain_adds(1, 1)
    drain_idx(set_off(61), 1)
    gathers(1, 1)
    fire_adds(1, 1)
    drain_adds(0, 0)
    drain_adds(1, 1)
    toff = base + NSET * (KS * CH)
    pltpu.sync_copy(src_hbm.at[pl.ds(toff, CH)], sidx[0])
    pltpu.async_copy(y_hbm.at[sidx[0]], rows_v[0], semg).wait()
    pltpu.sync_copy(dst_hbm.at[pl.ds(toff, CH)], didx[0])
    pltpu.sync_copy(rows_v[0], agg_sh.at[didx[0]], add=True)
    plsc.subcore_barrier()
    pltpu.sync_copy(agg_sh.at[rows], out_hbm.at[c, rows])


NB = 10
BR = N // NB


def _tc1_body(parts_ref, x_ref, w_ref, y_ref, nrm_ref):
    p = parts_ref[0] + parts_ref[1]
    t_out = p[:, 0:16]
    t_in = p[:, 16:32]
    deg_out = jnp.maximum(jnp.sum(t_out, axis=1, keepdims=True), 1.0)
    deg_in = jnp.maximum(jnp.sum(t_in, axis=1, keepdims=True), 1.0)
    ns = lax.rsqrt(deg_out)
    nd = lax.rsqrt(deg_in)
    nrm_ref[:, 0:1] = ns
    nrm_ref[:, 1:2] = nd
    hw = jnp.dot(x_ref[...], w_ref[...], preferred_element_type=jnp.float32)
    y_ref[...] = hw * ns


def _tc2_body(agg_ref, nrm_ref, b_ref, w_ref, y_ref):
    agg = agg_ref[0] + agg_ref[1]
    ns = nrm_ref[:, 0:1]
    nd = nrm_ref[:, 1:2]
    h = jnp.maximum(agg * nd + b_ref[...][None, :], 0.0)
    hw = jnp.dot(h, w_ref[...], preferred_element_type=jnp.float32)
    y_ref[...] = hw * ns


def _tc3_body(agg_ref, nrm_ref, b_ref, out_ref):
    agg = agg_ref[0] + agg_ref[1]
    nd = nrm_ref[:, 1:2]
    out_ref[...] = agg * nd + b_ref[...][None, :]


_row_spec = pl.BlockSpec((BR, D), lambda i: (i, 0))
_nrm_spec = pl.BlockSpec((BR, 2), lambda i: (i, 0))
_agg_spec = pl.BlockSpec((NC, BR, D), lambda i: (0, i, 0))
_w_spec = pl.BlockSpec((D, D), lambda i: (0, 0))
_b_spec = pl.BlockSpec((D,), lambda i: (0,))

_tc1 = pl.pallas_call(
    _tc1_body,
    grid=(NB,),
    in_specs=[_agg_spec, _row_spec, _w_spec],
    out_specs=(_row_spec, _nrm_spec),
    out_shape=(
        jax.ShapeDtypeStruct((N, D), jnp.float32),
        jax.ShapeDtypeStruct((N, 2), jnp.float32),
    ),
)

_tc2 = pl.pallas_call(
    _tc2_body,
    grid=(NB,),
    in_specs=[_agg_spec, _nrm_spec, _b_spec, _w_spec],
    out_specs=_row_spec,
    out_shape=jax.ShapeDtypeStruct((N, D), jnp.float32),
)

_tc3 = pl.pallas_call(
    _tc3_body,
    grid=(NB,),
    in_specs=[_agg_spec, _nrm_spec, _b_spec],
    out_specs=_row_spec,
    out_shape=jax.ShapeDtypeStruct((N, D), jnp.float32),
)


@jax.jit
def kernel(in_feat, edge_index, W1, b1, W2, b2):
    src = edge_index[0]
    dst = edge_index[1]
    eye = jnp.tile(jnp.eye(16, dtype=jnp.float32), (CH // 16, 1))
    oh_src = jnp.pad(eye, ((0, 0), (0, D - 16)))
    oh_dst = jnp.pad(eye, ((0, 0), (16, D - 32)))
    onehot = jnp.stack([oh_src, oh_dst])
    zerosd = jnp.zeros((RPT, D), jnp.float32)

    parts = _deg_kernel(src, dst, onehot, zerosd)
    y1, nrm = _tc1(parts, in_feat, W1)
    agg1 = _scatter_kernel(y1, src, dst, zerosd)
    y2 = _tc2(agg1, nrm, b1, W2)
    agg2 = _scatter_kernel(y2, src, dst, zerosd)
    return _tc3(agg2, nrm, b2)

# --- scband reference (transcript-rebuilt; emitter-appended) ---
"""Pipeline reference for scband-gcn-34359738415 (READ-ONLY COPY).

The authoritative reference and input builder live on the scoring server;
editing this copy changes nothing except your own understanding.
"""

import jax, jax.numpy as jnp
import numpy as np

N = 10000
E = 320000
D_IN = 128
H1 = 128
D_OUT = 128


def setup_inputs(seed: int = 0) -> dict:
    key = jax.random.key(seed)
    k1, k2, k3, k4, k5, k6 = jax.random.split(key, 6)
    x = jax.random.normal(k1, (N, D_IN), dtype=jnp.float32)
    edge_index = jax.random.randint(k2, (2, E), 0, N, dtype=jnp.int32)
    # GraphConv layer 1 params (glorot-like init)
    W1 = jax.random.normal(k3, (D_IN, H1), dtype=jnp.float32) * (1.0 / np.sqrt(D_IN))
    b1 = jnp.zeros((H1,), dtype=jnp.float32)
    # GraphConv layer 2 params
    W2 = jax.random.normal(k4, (H1, D_OUT), dtype=jnp.float32) * (1.0 / np.sqrt(H1))
    b2 = jnp.zeros((D_OUT,), dtype=jnp.float32)
    return {"in_feat": x, "edge_index": edge_index, "W1": W1, "b1": b1, "W2": W2, "b2": b2}


def reference(in_feat, edge_index, W1, b1, W2, b2):
    # Faithful DGL GraphConv(norm='both', weight=True, bias=True) semantics:
    # h = D_in^{-1/2} * A^T_agg( D_out^{-1/2} * (x @ W) ) + b
    src = edge_index[0]
    dst = edge_index[1]
    n = in_feat.shape[0]
    deg_out = jnp.zeros((n,), dtype=jnp.float32).at[src].add(1.0)
    deg_in = jnp.zeros((n,), dtype=jnp.float32).at[dst].add(1.0)
    deg_out = jnp.clip(deg_out, 1.0, None)
    deg_in = jnp.clip(deg_in, 1.0, None)
    norm_src = jax.lax.rsqrt(deg_out)
    norm_dst = jax.lax.rsqrt(deg_in)

    def gconv(h, W, b):
        hw = h @ W
        msg = hw[src] * norm_src[src][:, None]
        agg = jnp.zeros((n, hw.shape[1]), dtype=hw.dtype).at[dst].add(msg)
        return agg * norm_dst[:, None] + b

    h = gconv(in_feat, W1, b1)
    # dropout is a no-op in eval/inference mode
    h = jax.nn.relu(h)
    out = gconv(h, W2, b2)
    return out

if __name__ == "__main__":
    import jax
    _d = setup_inputs()
    print(jax.jit(kernel)(*tuple(_d.values())))

</pallas_src>

<mosaic_0001>
#map = affine_map<(d0, d1) -> (0, 0)>
#map1 = affine_map<(d0, d1) -> (0)>
#map2 = affine_map<(d0, d1) -> (0, 0, 0)>
module attributes {stable_mosaic.version = 14 : i64} {
  func.func @_scatter_kernel(%arg0: i32, %arg1: i32, %arg2: memref<10000x128xf32, #tpu.memory_space<hbm>>, %arg3: memref<320000xi32, #tpu.memory_space<hbm>>, %arg4: memref<320000xi32, #tpu.memory_space<hbm>>, %arg5: memref<640x128xf32, #tpu.memory_space<hbm>>, %arg6: memref<2x10240x128xf32, #tpu.memory_space<hbm>>, %arg7: memref<80xi32, #tpu.memory_space<vmem>>, %arg8: memref<80xi32, #tpu.memory_space<vmem>>, %arg9: memref<80xi32, #tpu.memory_space<vmem>>, %arg10: memref<80xi32, #tpu.memory_space<vmem>>, %arg11: memref<80xi32, #tpu.memory_space<vmem>>, %arg12: memref<80xi32, #tpu.memory_space<vmem>>, %arg13: memref<80xi32, #tpu.memory_space<vmem>>, %arg14: memref<80xi32, #tpu.memory_space<vmem>>, %arg15: memref<80xi32, #tpu.memory_space<vmem>>, %arg16: memref<80xi32, #tpu.memory_space<vmem>>, %arg17: memref<80xi32, #tpu.memory_space<vmem>>, %arg18: memref<80xi32, #tpu.memory_space<vmem>>, %arg19: memref<80xi32, #tpu.memory_space<vmem>>, %arg20: memref<80xi32, #tpu.memory_space<vmem>>, %arg21: memref<80xi32, #tpu.memory_space<vmem>>, %arg22: memref<80xi32, #tpu.memory_space<vmem>>, %arg23: memref<80x128xf32, #tpu.memory_space<vmem>>, %arg24: memref<80x128xf32, #tpu.memory_space<vmem>>, %arg25: memref<80x128xf32, #tpu.memory_space<vmem>>, %arg26: memref<80x128xf32, #tpu.memory_space<vmem>>, %arg27: memref<10240x128xf32, #tpu.memory_space<vmem_shared>>, %arg28: memref<!tpu.dma_semaphore, #tpu.memory_space<semaphore_mem>>, %arg29: memref<!tpu.dma_semaphore, #tpu.memory_space<semaphore_mem>>, %arg30: memref<!tpu.dma_semaphore, #tpu.memory_space<semaphore_mem>>, %arg31: memref<!tpu.dma_semaphore, #tpu.memory_space<semaphore_mem>>, %arg32: memref<!tpu.dma_semaphore, #tpu.memory_space<semaphore_mem>>, %arg33: memref<!tpu.dma_semaphore, #tpu.memory_space<semaphore_mem>>, %arg34: memref<!tpu.dma_semaphore, #tpu.memory_space<semaphore_mem>>, %arg35: memref<!tpu.dma_semaphore, #tpu.memory_space<semaphore_mem>>) attributes {dimension_semantics = [#tpu.dimension_semantics<core_parallel>, #tpu.dimension_semantics<subcore_parallel>], iteration_bounds = array<i64: 2, 16>, scalar_prefetch = 0 : i64, scratch_operands = 29 : i64, tpu.core_type = #tpu.core_type<sc_vector_subcore>, window_params = [{transform_indices = #map}, {transform_indices = #map1}, {transform_indices = #map1}, {transform_indices = #map}, {transform_indices = #map2}]} {
    %mul3A = arith.constant 2 : i32
    %mul3A_0 = arith.muli %arg1, %mul3A : i32
    %add3A = arith.addi %mul3A_0, %arg0 : i32
    %mul3A_1 = arith.constant 10000 : i32
    %mul3A_2 = arith.muli %add3A, %mul3A_1 : i32
    %mul3A_3 = arith.constant 640 : i32
    %mul3A_4 = arith.muli %arg1, %mul3A_3 : i32
    %dma_start3A = arith.constant 0 : i32
    %dma_start3A_5 = tpu.memref_slice %arg27[%mul3A_4, %dma_start3A] : memref<10240x128xf32, #tpu.memory_space<vmem_shared>> -> memref<640x128xf32, #tpu.memory_space<vmem_shared>>
    tpu.enqueue_dma source(%arg5 : memref<640x128xf32, #tpu.memory_space<hbm>>) target(%dma_start3A_5 : memref<640x128xf32, #tpu.memory_space<vmem_shared>>) target_semaphore(%arg35 : memref<!tpu.dma_semaphore, #tpu.memory_space<semaphore_mem>>)
    %add3A_6 = arith.constant 0 : i32
    %add3A_7 = arith.addi %mul3A_2, %add3A_6 : i32
    %add3A_8 = arith.constant 0 : i32
    %add3A_9 = arith.addi %add3A_7, %add3A_8 : i32
    %dma_start3A_10 = tpu.memref_slice %arg3[%add3A_9] : memref<320000xi32, #tpu.memory_space<hbm>> -> memref<80xi32, #tpu.memory_space<hbm>>
    %dma_start3A_11 = tpu.memref_slice %arg3[%add3A_9] : memref<320000xi32, #tpu.memory_space<hbm>> -> memref<80xi32, #tpu.memory_space<hbm>>
    tpu.enqueue_dma source(%dma_start3A_11 : memref<80xi32, #tpu.memory_space<hbm>>) target(%arg7 : memref<80xi32, #tpu.memory_space<vmem>>) target_semaphore(%arg28 : memref<!tpu.dma_semaphore, #tpu.memory_space<semaphore_mem>>)
    %dma_start3A_12 = tpu.memref_slice %arg4[%add3A_9] : memref<320000xi32, #tpu.memory_space<hbm>> -> memref<80xi32, #tpu.memory_space<hbm>>
    %dma_start3A_13 = tpu.memref_slice %arg4[%add3A_9] : memref<320000xi32, #tpu.memory_space<hbm>> -> memref<80xi32, #tpu.memory_space<hbm>>
    tpu.enqueue_dma source(%dma_start3A_13 : memref<80xi32, #tpu.memory_space<hbm>>) target(%arg15 : memref<80xi32, #tpu.memory_space<vmem>>) target_semaphore(%arg28 : memref<!tpu.dma_semaphore, #tpu.memory_space<semaphore_mem>>)
    %add3A_14 = arith.constant 80 : i32
    %add3A_15 = arith.addi %add3A_7, %add3A_14 : i32
    %dma_start3A_16 = tpu.memref_slice %arg3[%add3A_15] : memref<320000xi32, #tpu.memory_space<hbm>> -> memref<80xi32, #tpu.memory_space<hbm>>
    %dma_start3A_17 = tpu.memref_slice %arg3[%add3A_15] : memref<320000xi32, #tpu.memory_space<hbm>> -> memref<80xi32, #tpu.memory_space<hbm>>
    tpu.enqueue_dma source(%dma_start3A_17 : memref<80xi32, #tpu.memory_space<hbm>>) target(%arg8 : memref<80xi32, #tpu.memory_space<vmem>>) target_semaphore(%arg28 : memref<!tpu.dma_semaphore, #tpu.memory_space<semaphore_mem>>)
    %dma_start3A_18 = tpu.memref_slice %arg4[%add3A_15] : memref<320000xi32, #tpu.memory_space<hbm>> -> memref<80xi32, #tpu.memory_space<hbm>>
    %dma_start3A_19 = tpu.memref_slice %arg4[%add3A_15] : memref<320000xi32, #tpu.memory_space<hbm>> -> memref<80xi32, #tpu.memory_space<hbm>>
    tpu.enqueue_dma source(%dma_start3A_19 : memref<80xi32, #tpu.memory_space<hbm>>) target(%arg16 : memref<80xi32, #tpu.memory_space<vmem>>) target_semaphore(%arg28 : memref<!tpu.dma_semaphore, #tpu.memory_space<semaphore_mem>>)
    %add3A_20 = arith.constant 160 : i32
    %add3A_21 = arith.addi %mul3A_2, %add3A_20 : i32
    %add3A_22 = arith.constant 0 : i32
    %add3A_23 = arith.addi %add3A_21, %add3A_22 : i32
    %dma_start3A_24 = tpu.memref_slice %arg3[%add3A_23] : memref<320000xi32, #tpu.memory_space<hbm>> -> memref<80xi32, #tpu.memory_space<hbm>>
    %dma_start3A_25 = tpu.memref_slice %arg3[%add3A_23] : memref<320000xi32, #tpu.memory_space<hbm>> -> memref<80xi32, #tpu.memory_space<hbm>>
    tpu.enqueue_dma source(%dma_start3A_25 : memref<80xi32, #tpu.memory_space<hbm>>) target(%arg9 : memref<80xi32, #tpu.memory_space<vmem>>) target_semaphore(%arg29 : memref<!tpu.dma_semaphore, #tpu.memory_space<semaphore_mem>>)
    %dma_start3A_26 = tpu.memref_slice %arg4[%add3A_23] : memref<320000xi32, #tpu.memory_space<hbm>> -> memref<80xi32, #tpu.memory_space<hbm>>
    %dma_start3A_27 = tpu.memref_slice %arg4[%add3A_23] : memref<320000xi32, #tpu.memory_space<hbm>> -> memref<80xi32, #tpu.memory_space<hbm>>
    tpu.enqueue_dma source(%dma_start3A_27 : memref<80xi32, #tpu.memory_space<hbm>>) target(%arg17 : memref<80xi32, #tpu.memory_space<vmem>>) target_semaphore(%arg29 : memref<!tpu.dma_semaphore, #tpu.memory_space<semaphore_mem>>)
    %add3A_28 = arith.constant 80 : i32
    %add3A_29 = arith.addi %add3A_21, %add3A_28 : i32
    %dma_start3A_30 = tpu.memref_slice %arg3[%add3A_29] : memref<320000xi32, #tpu.memory_space<hbm>> -> memref<80xi32, #tpu.memory_space<hbm>>
    %dma_start3A_31 = tpu.memref_slice %arg3[%add3A_29] : memref<320000xi32, #tpu.memory_space<hbm>> -> memref<80xi32, #tpu.memory_space<hbm>>
    tpu.enqueue_dma source(%dma_start3A_31 : memref<80xi32, #tpu.memory_space<hbm>>) target(%arg10 : memref<80xi32, #tpu.memory_space<vmem>>) target_semaphore(%arg29 : memref<!tpu.dma_semaphore, #tpu.memory_space<semaphore_mem>>)
    %dma_start3A_32 = tpu.memref_slice %arg4[%add3A_29] : memref<320000xi32, #tpu.memory_space<hbm>> -> memref<80xi32, #tpu.memory_space<hbm>>
    %dma_start3A_33 = tpu.memref_slice %arg4[%add3A_29] : memref<320000xi32, #tpu.memory_space<hbm>> -> memref<80xi32, #tpu.memory_space<hbm>>
    tpu.enqueue_dma source(%dma_start3A_33 : memref<80xi32, #tpu.memory_space<hbm>>) target(%arg18 : memref<80xi32, #tpu.memory_space<vmem>>) target_semaphore(%arg29 : memref<!tpu.dma_semaphore, #tpu.memory_space<semaphore_mem>>)
    %dma_wait3A = arith.constant 0 : i32
    %dma_wait3A_34 = tpu.memref_slice %arg27[%mul3A_4, %dma_wait3A] : memref<10240x128xf32, #tpu.memory_space<vmem_shared>> -> memref<640x128xf32, #tpu.memory_space<vmem_shared>>
    tpu.wait_dma2 semaphore(%arg35 : memref<!tpu.dma_semaphore, #tpu.memory_space<semaphore_mem>>) src(%arg5 : memref<640x128xf32, #tpu.memory_space<hbm>>) dst(%dma_wait3A_34 : memref<640x128xf32, #tpu.memory_space<vmem_shared>>)
    %barrier3A = arith.constant 0 : index
    tpu.barrier barrier_id(%barrier3A)
    %add3A_35 = arith.constant 0 : i32
    %add3A_36 = arith.addi %mul3A_2, %add3A_35 : i32
    %add3A_37 = arith.constant 0 : i32
    %add3A_38 = arith.addi %add3A_36, %add3A_37 : i32
    %dma_wait3A_39 = tpu.memref_slice %arg3[%add3A_38] : memref<320000xi32, #tpu.memory_space<hbm>> -> memref<80xi32, #tpu.memory_space<hbm>>
    %dma_wait3A_40 = tpu.memref_slice %arg3[%add3A_38] : memref<320000xi32, #tpu.memory_space<hbm>> -> memref<80xi32, #tpu.memory_space<hbm>>
    tpu.wait_dma2 semaphore(%arg28 : memref<!tpu.dma_semaphore, #tpu.memory_space<semaphore_mem>>) src(%dma_wait3A_40 : memref<80xi32, #tpu.memory_space<hbm>>) dst(%arg7 : memref<80xi32, #tpu.memory_space<vmem>>)
    %dma_wait3A_41 = tpu.memref_slice %arg4[%add3A_38] : memref<320000xi32, #tpu.memory_space<hbm>> -> memref<80xi32, #tpu.memory_space<hbm>>
    %dma_wait3A_42 = tpu.memref_slice %arg4[%add3A_38] : memref<320000xi32, #tpu.memory_space<hbm>> -> memref<80xi32, #tpu.memory_space<hbm>>
    tpu.wait_dma2 semaphore(%arg28 : memref<!tpu.dma_semaphore, #tpu.memory_space<semaphore_mem>>) src(%dma_wait3A_42 : memref<80xi32, #tpu.memory_space<hbm>>) dst(%arg15 : memref<80xi32, #tpu.memory_space<vmem>>)
    %add3A_43 = arith.constant 80 : i32
    %add3A_44 = arith.addi %add3A_36, %add3A_43 : i32
    %dma_wait3A_45 = tpu.memref_slice %arg3[%add3A_44] : memref<320000xi32, #tpu.memory_space<hbm>> -> memref<80xi32, #tpu.memory_space<hbm>>
    %dma_wait3A_46 = tpu.memref_slice %arg3[%add3A_44] : memref<320000xi32, #tpu.memory_space<hbm>> -> memref<80xi32, #tpu.memory_space<hbm>>
    tpu.wait_dma2 semaphore(%arg28 : memref<!tpu.dma_semaphore, #tpu.memory_space<semaphore_mem>>) src(%dma_wait3A_46 : memref<80xi32, #tpu.memory_space<hbm>>) dst(%arg8 : memref<80xi32, #tpu.memory_space<vmem>>)
    %dma_wait3A_47 = tpu.memref_slice %arg4[%add3A_44] : memref<320000xi32, #tpu.memory_space<hbm>> -> memref<80xi32, #tpu.memory_space<hbm>>
    %dma_wait3A_48 = tpu.memref_slice %arg4[%add3A_44] : memref<320000xi32, #tpu.memory_space<hbm>> -> memref<80xi32, #tpu.memory_space<hbm>>
    tpu.wait_dma2 semaphore(%arg28 : memref<!tpu.dma_semaphore, #tpu.memory_space<semaphore_mem>>) src(%dma_wait3A_48 : memref<80xi32, #tpu.memory_space<hbm>>) dst(%arg16 : memref<80xi32, #tpu.memory_space<vmem>>)
    %add3A_49 = arith.constant 320 : i32
    %add3A_50 = arith.addi %mul3A_2, %add3A_49 : i32
    %add3A_51 = arith.constant 0 : i32
    %add3A_52 = arith.addi %add3A_50, %add3A_51 : i32
    %dma_start3A_53 = tpu.memref_slice %arg3[%add3A_52] : memref<320000xi32, #tpu.memory_space<hbm>> -> memref<80xi32, #tpu.memory_space<hbm>>
    %dma_start3A_54 = tpu.memref_slice %arg3[%add3A_52] : memref<320000xi32, #tpu.memory_space<hbm>> -> memref<80xi32, #tpu.memory_space<hbm>>
    tpu.enqueue_dma source(%dma_start3A_54 : memref<80xi32, #tpu.memory_space<hbm>>) target(%arg11 : memref<80xi32, #tpu.memory_space<vmem>>) target_semaphore(%arg30 : memref<!tpu.dma_semaphore, #tpu.memory_space<semaphore_mem>>)
    %dma_start3A_55 = tpu.memref_slice %arg4[%add3A_52] : memref<320000xi32, #tpu.memory_space<hbm>> -> memref<80xi32, #tpu.memory_space<hbm>>
    %dma_start3A_56 = tpu.memref_slice %arg4[%add3A_52] : memref<320000xi32, #tpu.memory_space<hbm>> -> memref<80xi32, #tpu.memory_space<hbm>>
    tpu.enqueue_dma source(%dma_start3A_56 : memref<80xi32, #tpu.memory_space<hbm>>) target(%arg19 : memref<80xi32, #tpu.memory_space<vmem>>) target_semaphore(%arg30 : memref<!tpu.dma_semaphore, #tpu.memory_space<semaphore_mem>>)
    %add3A_57 = arith.constant 80 : i32
    %add3A_58 = arith.addi %add3A_50, %add3A_57 : i32
    %dma_start3A_59 = tpu.memref_slice %arg3[%add3A_58] : memref<320000xi32, #tpu.memory_space<hbm>> -> memref<80xi32, #tpu.memory_space<hbm>>
    %dma_start3A_60 = tpu.memref_slice %arg3[%add3A_58] : memref<320000xi32, #tpu.memory_space<hbm>> -> memref<80xi32, #tpu.memory_space<hbm>>
    tpu.enqueue_dma source(%dma_start3A_60 : memref<80xi32, #tpu.memory_space<hbm>>) target(%arg12 : memref<80xi32, #tpu.memory_space<vmem>>) target_semaphore(%arg30 : memref<!tpu.dma_semaphore, #tpu.memory_space<semaphore_mem>>)
    %dma_start3A_61 = tpu.memref_slice %arg4[%add3A_58] : memref<320000xi32, #tpu.memory_space<hbm>> -> memref<80xi32, #tpu.memory_space<hbm>>
    %dma_start3A_62 = tpu.memref_slice %arg4[%add3A_58] : memref<320000xi32, #tpu.memory_space<hbm>> -> memref<80xi32, #tpu.memory_space<hbm>>
    tpu.enqueue_dma source(%dma_start3A_62 : memref<80xi32, #tpu.memory_space<hbm>>) target(%arg20 : memref<80xi32, #tpu.memory_space<vmem>>) target_semaphore(%arg30 : memref<!tpu.dma_semaphore, #tpu.memory_space<semaphore_mem>>)
    %dma_start3A_63 = arith.constant 0 : i32
    %dma_start3A_64 = arith.constant 0 : i32
    %dma_start3A_65 = tpu.memref_slice %arg2[%dma_start3A_63, %dma_start3A_64] : memref<10000x128xf32, #tpu.memory_space<hbm>> -> memref<10000x128xf32, #tpu.memory_space<hbm>>
    tpu.enqueue_indirect_dma source(%dma_start3A_65 : memref<10000x128xf32, #tpu.memory_space<hbm>>) target(%arg23 : memref<80x128xf32, #tpu.memory_space<vmem>>) offsets(%arg7 : memref<80xi32, #tpu.memory_space<vmem>>) semaphore(%arg32 : memref<!tpu.dma_semaphore, #tpu.memory_space<semaphore_mem>>)
    %dma_start3A_66 = arith.constant 0 : i32
    %dma_start3A_67 = arith.constant 0 : i32
    %dma_start3A_68 = tpu.memref_slice %arg2[%dma_start3A_66, %dma_start3A_67] : memref<10000x128xf32, #tpu.memory_space<hbm>> -> memref<10000x128xf32, #tpu.memory_space<hbm>>
    tpu.enqueue_indirect_dma source(%dma_start3A_68 : memref<10000x128xf32, #tpu.memory_space<hbm>>) target(%arg24 : memref<80x128xf32, #tpu.memory_space<vmem>>) offsets(%arg8 : memref<80xi32, #tpu.memory_space<vmem>>) semaphore(%arg32 : memref<!tpu.dma_semaphore, #tpu.memory_space<semaphore_mem>>)
    %dma_wait3A_69 = arith.constant 0 : i32
    %dma_wait3A_70 = arith.constant 0 : i32
    %dma_wait3A_71 = tpu.memref_slice %arg2[%dma_wait3A_69, %dma_wait3A_70] : memref<10000x128xf32, #tpu.memory_space<hbm>> -> memref<10000x128xf32, #tpu.memory_space<hbm>>
    tpu.wait_indirect_dma semaphore(%arg32 : memref<!tpu.dma_semaphore, #tpu.memory_space<semaphore_mem>>) src(%dma_wait3A_71 : memref<10000x128xf32, #tpu.memory_space<hbm>>) dst(%arg23 : memref<80x128xf32, #tpu.memory_space<vmem>>)
    %dma_wait3A_72 = arith.constant 0 : i32
    %dma_wait3A_73 = arith.constant 0 : i32
    %dma_wait3A_74 = tpu.memref_slice %arg2[%dma_wait3A_72, %dma_wait3A_73] : memref<10000x128xf32, #tpu.memory_space<hbm>> -> memref<10000x128xf32, #tpu.memory_space<hbm>>
    tpu.wait_indirect_dma semaphore(%arg32 : memref<!tpu.dma_semaphore, #tpu.memory_space<semaphore_mem>>) src(%dma_wait3A_74 : memref<10000x128xf32, #tpu.memory_space<hbm>>) dst(%arg24 : memref<80x128xf32, #tpu.memory_space<vmem>>)
    %dma_start3A_75 = arith.constant 0 : i32
    %dma_start3A_76 = arith.constant 0 : i32
    %dma_start3A_77 = tpu.memref_slice %arg27[%dma_start3A_75, %dma_start3A_76] : memref<10240x128xf32, #tpu.memory_space<vmem_shared>> -> memref<10240x128xf32, #tpu.memory_space<vmem_shared>>
    tpu.enqueue_indirect_dma source(%arg23 : memref<80x128xf32, #tpu.memory_space<vmem>>) target(%dma_start3A_77 : memref<10240x128xf32, #tpu.memory_space<vmem_shared>>) offsets(%arg15 : memref<80xi32, #tpu.memory_space<vmem>>) semaphore(%arg33 : memref<!tpu.dma_semaphore, #tpu.memory_space<semaphore_mem>>) {add = true}
    %dma_start3A_78 = arith.constant 0 : i32
    %dma_start3A_79 = arith.constant 0 : i32
    %dma_start3A_80 = tpu.memref_slice %arg27[%dma_start3A_78, %dma_start3A_79] : memref<10240x128xf32, #tpu.memory_space<vmem_shared>> -> memref<10240x128xf32, #tpu.memory_space<vmem_shared>>
    tpu.enqueue_indirect_dma source(%arg24 : memref<80x128xf32, #tpu.memory_space<vmem>>) target(%dma_start3A_80 : memref<10240x128xf32, #tpu.memory_space<vmem_shared>>) offsets(%arg16 : memref<80xi32, #tpu.memory_space<vmem>>) semaphore(%arg33 : memref<!tpu.dma_semaphore, #tpu.memory_space<semaphore_mem>>) {add = true}
    %add3A_81 = arith.constant 160 : i32
    %add3A_82 = arith.addi %mul3A_2, %add3A_81 : i32
    %add3A_83 = arith.constant 0 : i32
    %add3A_84 = arith.addi %add3A_82, %add3A_83 : i32
    %dma_wait3A_85 = tpu.memref_slice %arg3[%add3A_84] : memref<320000xi32, #tpu.memory_space<hbm>> -> memref<80xi32, #tpu.memory_space<hbm>>
    %dma_wait3A_86 = tpu.memref_slice %arg3[%add3A_84] : memref<320000xi32, #tpu.memory_space<hbm>> -> memref<80xi32, #tpu.memory_space<hbm>>
    tpu.wait_dma2 semaphore(%arg29 : memref<!tpu.dma_semaphore, #tpu.memory_space<semaphore_mem>>) src(%dma_wait3A_86 : memref<80xi32, #tpu.memory_space<hbm>>) dst(%arg9 : memref<80xi32, #tpu.memory_space<vmem>>)
    %dma_wait3A_87 = tpu.memref_slice %arg4[%add3A_84] : memref<320000xi32, #tpu.memory_space<hbm>> -> memref<80xi32, #tpu.memory_space<hbm>>
    %dma_wait3A_88 = tpu.memref_slice %arg4[%add3A_84] : memref<320000xi32, #tpu.memory_space<hbm>> -> memref<80xi32, #tpu.memory_space<hbm>>
    tpu.wait_dma2 semaphore(%arg29 : memref<!tpu.dma_semaphore, #tpu.memory_space<semaphore_mem>>) src(%dma_wait3A_88 : memref<80xi32, #tpu.memory_space<hbm>>) dst(%arg17 : memref<80xi32, #tpu.memory_space<vmem>>)
    %add3A_89 = arith.constant 80 : i32
    %add3A_90 = arith.addi %add3A_82, %add3A_89 : i32
    %dma_wait3A_91 = tpu.memref_slice %arg3[%add3A_90] : memref<320000xi32, #tpu.memory_space<hbm>> -> memref<80xi32, #tpu.memory_space<hbm>>
    %dma_wait3A_92 = tpu.memref_slice %arg3[%add3A_90] : memref<320000xi32, #tpu.memory_space<hbm>> -> memref<80xi32, #tpu.memory_space<hbm>>
    tpu.wait_dma2 semaphore(%arg29 : memref<!tpu.dma_semaphore, #tpu.memory_space<semaphore_mem>>) src(%dma_wait3A_92 : memref<80xi32, #tpu.memory_space<hbm>>) dst(%arg10 : memref<80xi32, #tpu.memory_space<vmem>>)
    %dma_wait3A_93 = tpu.memref_slice %arg4[%add3A_90] : memref<320000xi32, #tpu.memory_space<hbm>> -> memref<80xi32, #tpu.memory_space<hbm>>
    %dma_wait3A_94 = tpu.memref_slice %arg4[%add3A_90] : memref<320000xi32, #tpu.memory_space<hbm>> -> memref<80xi32, #tpu.memory_space<hbm>>
    tpu.wait_dma2 semaphore(%arg29 : memref<!tpu.dma_semaphore, #tpu.memory_space<semaphore_mem>>) src(%dma_wait3A_94 : memref<80xi32, #tpu.memory_space<hbm>>) dst(%arg18 : memref<80xi32, #tpu.memory_space<vmem>>)
    %add3A_95 = arith.constant 480 : i32
    %add3A_96 = arith.addi %mul3A_2, %add3A_95 : i32
    %add3A_97 = arith.constant 0 : i32
    %add3A_98 = arith.addi %add3A_96, %add3A_97 : i32
    %dma_start3A_99 = tpu.memref_slice %arg3[%add3A_98] : memref<320000xi32, #tpu.memory_space<hbm>> -> memref<80xi32, #tpu.memory_space<hbm>>
    %dma_start3A_100 = tpu.memref_slice %arg3[%add3A_98] : memref<320000xi32, #tpu.memory_space<hbm>> -> memref<80xi32, #tpu.memory_space<hbm>>
    tpu.enqueue_dma source(%dma_start3A_100 : memref<80xi32, #tpu.memory_space<hbm>>) target(%arg13 : memref<80xi32, #tpu.memory_space<vmem>>) target_semaphore(%arg31 : memref<!tpu.dma_semaphore, #tpu.memory_space<semaphore_mem>>)
    %dma_start3A_101 = tpu.memref_slice %arg4[%add3A_98] : memref<320000xi32, #tpu.memory_space<hbm>> -> memref<80xi32, #tpu.memory_space<hbm>>
    %dma_start3A_102 = tpu.memref_slice %arg4[%add3A_98] : memref<320000xi32, #tpu.memory_space<hbm>> -> memref<80xi32, #tpu.memory_space<hbm>>
    tpu.enqueue_dma source(%dma_start3A_102 : memref<80xi32, #tpu.memory_space<hbm>>) target(%arg21 : memref<80xi32, #tpu.memory_space<vmem>>) target_semaphore(%arg31 : memref<!tpu.dma_semaphore, #tpu.memory_space<semaphore_mem>>)
    %add3A_103 = arith.constant 80 : i32
    %add3A_104 = arith.addi %add3A_96, %add3A_103 : i32
    %dma_start3A_105 = tpu.memref_slice %arg3[%add3A_104] : memref<320000xi32, #tpu.memory_space<hbm>> -> memref<80xi32, #tpu.memory_space<hbm>>
    %dma_start3A_106 = tpu.memref_slice %arg3[%add3A_104] : memref<320000xi32, #tpu.memory_space<hbm>> -> memref<80xi32, #tpu.memory_space<hbm>>
    tpu.enqueue_dma source(%dma_start3A_106 : memref<80xi32, #tpu.memory_space<hbm>>) target(%arg14 : memref<80xi32, #tpu.memory_space<vmem>>) target_semaphore(%arg31 : memref<!tpu.dma_semaphore, #tpu.memory_space<semaphore_mem>>)
    %dma_start3A_107 = tpu.memref_slice %arg4[%add3A_104] : memref<320000xi32, #tpu.memory_space<hbm>> -> memref<80xi32, #tpu.memory_space<hbm>>
    %dma_start3A_108 = tpu.memref_slice %arg4[%add3A_104] : memref<320000xi32, #tpu.memory_space<hbm>> -> memref<80xi32, #tpu.memory_space<hbm>>
    tpu.enqueue_dma source(%dma_start3A_108 : memref<80xi32, #tpu.memory_space<hbm>>) target(%arg22 : memref<80xi32, #tpu.memory_space<vmem>>) target_semaphore(%arg31 : memref<!tpu.dma_semaphore, #tpu.memory_space<semaphore_mem>>)
    %dma_start3A_109 = arith.constant 0 : i32
    %dma_start3A_110 = arith.constant 0 : i32
    %dma_start3A_111 = tpu.memref_slice %arg2[%dma_start3A_109, %dma_start3A_110] : memref<10000x128xf32, #tpu.memory_space<hbm>> -> memref<10000x128xf32, #tpu.memory_space<hbm>>
    tpu.enqueue_indirect_dma source(%dma_start3A_111 : memref<10000x128xf32, #tpu.memory_space<hbm>>) target(%arg25 : memref<80x128xf32, #tpu.memory_space<vmem>>) offsets(%arg9 : memref<80xi32, #tpu.memory_space<vmem>>) semaphore(%arg32 : memref<!tpu.dma_semaphore, #tpu.memory_space<semaphore_mem>>)
    %dma_start3A_112 = arith.constant 0 : i32
    %dma_start3A_113 = arith.constant 0 : i32
    %dma_start3A_114 = tpu.memref_slice %arg2[%dma_start3A_112, %dma_start3A_113] : memref<10000x128xf32, #tpu.memory_space<hbm>> -> memref<10000x128xf32, #tpu.memory_space<hbm>>
    tpu.enqueue_indirect_dma source(%dma_start3A_114 : memref<10000x128xf32, #tpu.memory_space<hbm>>) target(%arg26 : memref<80x128xf32, #tpu.memory_space<vmem>>) offsets(%arg10 : memref<80xi32, #tpu.memory_space<vmem>>) semaphore(%arg32 : memref<!tpu.dma_semaphore, #tpu.memory_space<semaphore_mem>>)
    %dma_wait3A_115 = arith.constant 0 : i32
    %dma_wait3A_116 = arith.constant 0 : i32
    %dma_wait3A_117 = tpu.memref_slice %arg2[%dma_wait3A_115, %dma_wait3A_116] : memref<10000x128xf32, #tpu.memory_space<hbm>> -> memref<10000x128xf32, #tpu.memory_space<hbm>>
    tpu.wait_indirect_dma semaphore(%arg32 : memref<!tpu.dma_semaphore, #tpu.memory_space<semaphore_mem>>) src(%dma_wait3A_117 : memref<10000x128xf32, #tpu.memory_space<hbm>>) dst(%arg25 : memref<80x128xf32, #tpu.memory_space<vmem>>)
    %dma_wait3A_118 = arith.constant 0 : i32
    %dma_wait3A_119 = arith.constant 0 : i32
    %dma_wait3A_120 = tpu.memref_slice %arg2[%dma_wait3A_118, %dma_wait3A_119] : memref<10000x128xf32, #tpu.memory_space<hbm>> -> memref<10000x128xf32, #tpu.memory_space<hbm>>
    tpu.wait_indirect_dma semaphore(%arg32 : memref<!tpu.dma_semaphore, #tpu.memory_space<semaphore_mem>>) src(%dma_wait3A_120 : memref<10000x128xf32, #tpu.memory_space<hbm>>) dst(%arg26 : memref<80x128xf32, #tpu.memory_space<vmem>>)
    %dma_start3A_121 = arith.constant 0 : i32
    %dma_start3A_122 = arith.constant 0 : i32
    %dma_start3A_123 = tpu.memref_slice %arg27[%dma_start3A_121, %dma_start3A_122] : memref<10240x128xf32, #tpu.memory_space<vmem_shared>> -> memref<10240x128xf32, #tpu.memory_space<vmem_shared>>
    tpu.enqueue_indirect_dma source(%arg25 : memref<80x128xf32, #tpu.memory_space<vmem>>) target(%dma_start3A_123 : memref<10240x128xf32, #tpu.memory_space<vmem_shared>>) offsets(%arg17 : memref<80xi32, #tpu.memory_space<vmem>>) semaphore(%arg34 : memref<!tpu.dma_semaphore, #tpu.memory_space<semaphore_mem>>) {add = true}
    %dma_start3A_124 = arith.constant 0 : i32
    %dma_start3A_125 = arith.constant 0 : i32
    %dma_start3A_126 = tpu.memref_slice %arg27[%dma_start3A_124, %dma_start3A_125] : memref<10240x128xf32, #tpu.memory_space<vmem_shared>> -> memref<10240x128xf32, #tpu.memory_space<vmem_shared>>
    tpu.enqueue_indirect_dma source(%arg26 : memref<80x128xf32, #tpu.memory_space<vmem>>) target(%dma_start3A_126 : memref<10240x128xf32, #tpu.memory_space<vmem_shared>>) offsets(%arg18 : memref<80xi32, #tpu.memory_space<vmem>>) semaphore(%arg34 : memref<!tpu.dma_semaphore, #tpu.memory_space<semaphore_mem>>) {add = true}
    %scan3A = arith.constant 0 : i32
    %scan3A_127 = arith.constant 0 : i32
    %scan3A_128 = arith.constant 14 : i32
    %scan3A_129 = arith.addi %scan3A_127, %scan3A_128 : i32
    %scan3A_130 = arith.constant 1 : i32
    scf.for %scan3A_333 = %scan3A_127 to %scan3A_129 step %scan3A_130  : i32 {
      %mul3A_334 = arith.constant 4 : i32
      %mul3A_335 = arith.muli %mul3A_334, %scan3A_333 : i32
      %add3A_336 = arith.constant 2 : i32
      %add3A_337 = arith.addi %mul3A_335, %add3A_336 : i32
      %add3A_338 = arith.constant 0 : i32
      %add3A_339 = arith.addi %add3A_337, %add3A_338 : i32
      %dma_wait3A_340 = arith.constant 0 : i32
      %dma_wait3A_341 = arith.constant 0 : i32
      %dma_wait3A_342 = tpu.memref_slice %arg27[%dma_wait3A_340, %dma_wait3A_341] : memref<10240x128xf32, #tpu.memory_space<vmem_shared>> -> memref<10240x128xf32, #tpu.memory_space<vmem_shared>>
      tpu.wait_indirect_dma semaphore(%arg33 : memref<!tpu.dma_semaphore, #tpu.memory_space<semaphore_mem>>) src(%arg23 : memref<80x128xf32, #tpu.memory_space<vmem>>) dst(%dma_wait3A_342 : memref<10240x128xf32, #tpu.memory_space<vmem_shared>>)
      %dma_wait3A_343 = arith.constant 0 : i32
      %dma_wait3A_344 = arith.constant 0 : i32
      %dma_wait3A_345 = tpu.memref_slice %arg27[%dma_wait3A_343, %dma_wait3A_344] : memref<10240x128xf32, #tpu.memory_space<vmem_shared>> -> memref<10240x128xf32, #tpu.memory_space<vmem_shared>>
      tpu.wait_indirect_dma semaphore(%arg33 : memref<!tpu.dma_semaphore, #tpu.memory_space<semaphore_mem>>) src(%arg24 : memref<80x128xf32, #tpu.memory_space<vmem>>) dst(%dma_wait3A_345 : memref<10240x128xf32, #tpu.memory_space<vmem_shared>>)
      %add3A_346 = arith.constant 2 : i32
      %add3A_347 = arith.addi %add3A_339, %add3A_346 : i32
      %mul3A_348 = arith.constant 160 : i32
      %mul3A_349 = arith.muli %add3A_347, %mul3A_348 : i32
      %add3A_350 = arith.addi %mul3A_2, %mul3A_349 : i32
      %add3A_351 = arith.constant 0 : i32
      %add3A_352 = arith.addi %add3A_350, %add3A_351 : i32
      %dma_start3A_353 = tpu.memref_slice %arg3[%add3A_352] : memref<320000xi32, #tpu.memory_space<hbm>> -> memref<80xi32, #tpu.memory_space<hbm>>
      %dma_start3A_354 = tpu.memref_slice %arg3[%add3A_352] : memref<320000xi32, #tpu.memory_space<hbm>> -> memref<80xi32, #tpu.memory_space<hbm>>
      tpu.enqueue_dma source(%dma_start3A_354 : memref<80xi32, #tpu.memory_space<hbm>>) target(%arg7 : memref<80xi32, #tpu.memory_space<vmem>>) target_semaphore(%arg28 : memref<!tpu.dma_semaphore, #tpu.memory_space<semaphore_mem>>)
      %dma_start3A_355 = tpu.memref_slice %arg4[%add3A_352] : memref<320000xi32, #tpu.memory_space<hbm>> -> memref<80xi32, #tpu.memory_space<hbm>>
      %dma_start3A_356 = tpu.memref_slice %arg4[%add3A_352] : memref<320000xi32, #tpu.memory_space<hbm>> -> memref<80xi32, #tpu.memory_space<hbm>>
      tpu.enqueue_dma source(%dma_start3A_356 : memref<80xi32, #tpu.memory_space<hbm>>) target(%arg15 : memref<80xi32, #tpu.memory_space<vmem>>) target_semaphore(%arg28 : memref<!tpu.dma_semaphore, #tpu.memory_space<semaphore_mem>>)
      %add3A_357 = arith.constant 80 : i32
      %add3A_358 = arith.addi %add3A_350, %add3A_357 : i32
      %dma_start3A_359 = tpu.memref_slice %arg3[%add3A_358] : memref<320000xi32, #tpu.memory_space<hbm>> -> memref<80xi32, #tpu.memory_space<hbm>>
      %dma_start3A_360 = tpu.memref_slice %arg3[%add3A_358] : memref<320000xi32, #tpu.memory_space<hbm>> -> memref<80xi32, #tpu.memory_space<hbm>>
      tpu.enqueue_dma source(%dma_start3A_360 : memref<80xi32, #tpu.memory_space<hbm>>) target(%arg8 : memref<80xi32, #tpu.memory_space<vmem>>) target_semaphore(%arg28 : memref<!tpu.dma_semaphore, #tpu.memory_space<semaphore_mem>>)
      %dma_start3A_361 = tpu.memref_slice %arg4[%add3A_358] : memref<320000xi32, #tpu.memory_space<hbm>> -> memref<80xi32, #tpu.memory_space<hbm>>
      %dma_start3A_362 = tpu.memref_slice %arg4[%add3A_358] : memref<320000xi32, #tpu.memory_space<hbm>> -> memref<80xi32, #tpu.memory_space<hbm>>
      tpu.enqueue_dma source(%dma_start3A_362 : memref<80xi32, #tpu.memory_space<hbm>>) target(%arg16 : memref<80xi32, #tpu.memory_space<vmem>>) target_semaphore(%arg28 : memref<!tpu.dma_semaphore, #tpu.memory_space<semaphore_mem>>)
      %mul3A_363 = arith.constant 160 : i32
      %mul3A_364 = arith.muli %add3A_339, %mul3A_363 : i32
      %add3A_365 = arith.addi %mul3A_2, %mul3A_364 : i32
      %add3A_366 = arith.constant 0 : i32
      %add3A_367 = arith.addi %add3A_365, %add3A_366 : i32
      %dma_wait3A_368 = tpu.memref_slice %arg3[%add3A_367] : memref<320000xi32, #tpu.memory_space<hbm>> -> memref<80xi32, #tpu.memory_space<hbm>>
      %dma_wait3A_369 = tpu.memref_slice %arg3[%add3A_367] : memref<320000xi32, #tpu.memory_space<hbm>> -> memref<80xi32, #tpu.memory_space<hbm>>
      tpu.wait_dma2 semaphore(%arg30 : memref<!tpu.dma_semaphore, #tpu.memory_space<semaphore_mem>>) src(%dma_wait3A_369 : memref<80xi32, #tpu.memory_space<hbm>>) dst(%arg11 : memref<80xi32, #tpu.memory_space<vmem>>)
      %dma_wait3A_370 = tpu.memref_slice %arg4[%add3A_367] : memref<320000xi32, #tpu.memory_space<hbm>> -> memref<80xi32, #tpu.memory_space<hbm>>
      %dma_wait3A_371 = tpu.memref_slice %arg4[%add3A_367] : memref<320000xi32, #tpu.memory_space<hbm>> -> memref<80xi32, #tpu.memory_space<hbm>>
      tpu.wait_dma2 semaphore(%arg30 : memref<!tpu.dma_semaphore, #tpu.memory_space<semaphore_mem>>) src(%dma_wait3A_371 : memref<80xi32, #tpu.memory_space<hbm>>) dst(%arg19 : memref<80xi32, #tpu.memory_space<vmem>>)
      %add3A_372 = arith.constant 80 : i32
      %add3A_373 = arith.addi %add3A_365, %add3A_372 : i32
      %dma_wait3A_374 = tpu.memref_slice %arg3[%add3A_373] : memref<320000xi32, #tpu.memory_space<hbm>> -> memref<80xi32, #tpu.memory_space<hbm>>
      %dma_wait3A_375 = tpu.memref_slice %arg3[%add3A_373] : memref<320000xi32, #tpu.memory_space<hbm>> -> memref<80xi32, #tpu.memory_space<hbm>>
      tpu.wait_dma2 semaphore(%arg30 : memref<!tpu.dma_semaphore, #tpu.memory_space<semaphore_mem>>) src(%dma_wait3A_375 : memref<80xi32, #tpu.memory_space<hbm>>) dst(%arg12 : memref<80xi32, #tpu.memory_space<vmem>>)
      %dma_wait3A_376 = tpu.memref_slice %arg4[%add3A_373] : memref<320000xi32, #tpu.memory_space<hbm>> -> memref<80xi32, #tpu.memory_space<hbm>>
      %dma_wait3A_377 = tpu.memref_slice %arg4[%add3A_373] : memref<320000xi32, #tpu.memory_space<hbm>> -> memref<80xi32, #tpu.memory_space<hbm>>
      tpu.wait_dma2 semaphore(%arg30 : memref<!tpu.dma_semaphore, #tpu.memory_space<semaphore_mem>>) src(%dma_wait3A_377 : memref<80xi32, #tpu.memory_space<hbm>>) dst(%arg20 : memref<80xi32, #tpu.memory_space<vmem>>)
      %dma_start3A_378 = arith.constant 0 : i32
      %dma_start3A_379 = arith.constant 0 : i32
      %dma_start3A_380 = tpu.memref_slice %arg2[%dma_start3A_378, %dma_start3A_379] : memref<10000x128xf32, #tpu.memory_space<hbm>> -> memref<10000x128xf32, #tpu.memory_space<hbm>>
      tpu.enqueue_indirect_dma source(%dma_start3A_380 : memref<10000x128xf32, #tpu.memory_space<hbm>>) target(%arg23 : memref<80x128xf32, #tpu.memory_space<vmem>>) offsets(%arg11 : memref<80xi32, #tpu.memory_space<vmem>>) semaphore(%arg32 : memref<!tpu.dma_semaphore, #tpu.memory_space<semaphore_mem>>)
      %dma_start3A_381 = arith.constant 0 : i32
      %dma_start3A_382 = arith.constant 0 : i32
      %dma_start3A_383 = tpu.memref_slice %arg2[%dma_start3A_381, %dma_start3A_382] : memref<10000x128xf32, #tpu.memory_space<hbm>> -> memref<10000x128xf32, #tpu.memory_space<hbm>>
      tpu.enqueue_indirect_dma source(%dma_start3A_383 : memref<10000x128xf32, #tpu.memory_space<hbm>>) target(%arg24 : memref<80x128xf32, #tpu.memory_space<vmem>>) offsets(%arg12 : memref<80xi32, #tpu.memory_space<vmem>>) semaphore(%arg32 : memref<!tpu.dma_semaphore, #tpu.memory_space<semaphore_mem>>)
      %dma_wait3A_384 = arith.constant 0 : i32
      %dma_wait3A_385 = arith.constant 0 : i32
      %dma_wait3A_386 = tpu.memref_slice %arg2[%dma_wait3A_384, %dma_wait3A_385] : memref<10000x128xf32, #tpu.memory_space<hbm>> -> memref<10000x128xf32, #tpu.memory_space<hbm>>
      tpu.wait_indirect_dma semaphore(%arg32 : memref<!tpu.dma_semaphore, #tpu.memory_space<semaphore_mem>>) src(%dma_wait3A_386 : memref<10000x128xf32, #tpu.memory_space<hbm>>) dst(%arg23 : memref<80x128xf32, #tpu.memory_space<vmem>>)
      %dma_wait3A_387 = arith.constant 0 : i32
      %dma_wait3A_388 = arith.constant 0 : i32
      %dma_wait3A_389 = tpu.memref_slice %arg2[%dma_wait3A_387, %dma_wait3A_388] : memref<10000x128xf32, #tpu.memory_space<hbm>> -> memref<10000x128xf32, #tpu.memory_space<hbm>>
      tpu.wait_indirect_dma semaphore(%arg32 : memref<!tpu.dma_semaphore, #tpu.memory_space<semaphore_mem>>) src(%dma_wait3A_389 : memref<10000x128xf32, #tpu.memory_space<hbm>>) dst(%arg24 : memref<80x128xf32, #tpu.memory_space<vmem>>)
      %dma_start3A_390 = arith.constant 0 : i32
      %dma_start3A_391 = arith.constant 0 : i32
      %dma_start3A_392 = tpu.memref_slice %arg27[%dma_start3A_390, %dma_start3A_391] : memref<10240x128xf32, #tpu.memory_space<vmem_shared>> -> memref<10240x128xf32, #tpu.memory_space<vmem_shared>>
      tpu.enqueue_indirect_dma source(%arg23 : memref<80x128xf32, #tpu.memory_space<vmem>>) target(%dma_start3A_392 : memref<10240x128xf32, #tpu.memory_space<vmem_shared>>) offsets(%arg19 : memref<80xi32, #tpu.memory_space<vmem>>) semaphore(%arg33 : memref<!tpu.dma_semaphore, #tpu.memory_space<semaphore_mem>>) {add = true}
      %dma_start3A_393 = arith.constant 0 : i32
      %dma_start3A_394 = arith.constant 0 : i32
      %dma_start3A_395 = tpu.memref_slice %arg27[%dma_start3A_393, %dma_start3A_394] : memref<10240x128xf32, #tpu.memory_space<vmem_shared>> -> memref<10240x128xf32, #tpu.memory_space<vmem_shared>>
      tpu.enqueue_indirect_dma source(%arg24 : memref<80x128xf32, #tpu.memory_space<vmem>>) target(%dma_start3A_395 : memref<10240x128xf32, #tpu.memory_space<vmem_shared>>) offsets(%arg20 : memref<80xi32, #tpu.memory_space<vmem>>) semaphore(%arg33 : memref<!tpu.dma_semaphore, #tpu.memory_space<semaphore_mem>>) {add = true}
      %mul3A_396 = arith.constant 4 : i32
      %mul3A_397 = arith.muli %mul3A_396, %scan3A_333 : i32
      %add3A_398 = arith.constant 2 : i32
      %add3A_399 = arith.addi %mul3A_397, %add3A_398 : i32
      %add3A_400 = arith.constant 1 : i32
      %add3A_401 = arith.addi %add3A_399, %add3A_400 : i32
      %dma_wait3A_402 = arith.constant 0 : i32
      %dma_wait3A_403 = arith.constant 0 : i32
      %dma_wait3A_404 = tpu.memref_slice %arg27[%dma_wait3A_402, %dma_wait3A_403] : memref<10240x128xf32, #tpu.memory_space<vmem_shared>> -> memref<10240x128xf32, #tpu.memory_space<vmem_shared>>
      tpu.wait_indirect_dma semaphore(%arg34 : memref<!tpu.dma_semaphore, #tpu.memory_space<semaphore_mem>>) src(%arg25 : memref<80x128xf32, #tpu.memory_space<vmem>>) dst(%dma_wait3A_404 : memref<10240x128xf32, #tpu.memory_space<vmem_shared>>)
      %dma_wait3A_405 = arith.constant 0 : i32
      %dma_wait3A_406 = arith.constant 0 : i32
      %dma_wait3A_407 = tpu.memref_slice %arg27[%dma_wait3A_405, %dma_wait3A_406] : memref<10240x128xf32, #tpu.memory_space<vmem_shared>> -> memref<10240x128xf32, #tpu.memory_space<vmem_shared>>
      tpu.wait_indirect_dma semaphore(%arg34 : memref<!tpu.dma_semaphore, #tpu.memory_space<semaphore_mem>>) src(%arg26 : memref<80x128xf32, #tpu.memory_space<vmem>>) dst(%dma_wait3A_407 : memref<10240x128xf32, #tpu.memory_space<vmem_shared>>)
      %add3A_408 = arith.constant 2 : i32
      %add3A_409 = arith.addi %add3A_401, %add3A_408 : i32
      %mul3A_410 = arith.constant 160 : i32
      %mul3A_411 = arith.muli %add3A_409, %mul3A_410 : i32
      %add3A_412 = arith.addi %mul3A_2, %mul3A_411 : i32
      %add3A_413 = arith.constant 0 : i32
      %add3A_414 = arith.addi %add3A_412, %add3A_413 : i32
      %dma_start3A_415 = tpu.memref_slice %arg3[%add3A_414] : memref<320000xi32, #tpu.memory_space<hbm>> -> memref<80xi32, #tpu.memory_space<hbm>>
      %dma_start3A_416 = tpu.memref_slice %arg3[%add3A_414] : memref<320000xi32, #tpu.memory_space<hbm>> -> memref<80xi32, #tpu.memory_space<hbm>>
      tpu.enqueue_dma source(%dma_start3A_416 : memref<80xi32, #tpu.memory_space<hbm>>) target(%arg9 : memref<80xi32, #tpu.memory_space<vmem>>) target_semaphore(%arg29 : memref<!tpu.dma_semaphore, #tpu.memory_space<semaphore_mem>>)
      %dma_start3A_417 = tpu.memref_slice %arg4[%add3A_414] : memref<320000xi32, #tpu.memory_space<hbm>> -> memref<80xi32, #tpu.memory_space<hbm>>
      %dma_start3A_418 = tpu.memref_slice %arg4[%add3A_414] : memref<320000xi32, #tpu.memory_space<hbm>> -> memref<80xi32, #tpu.memory_space<hbm>>
      tpu.enqueue_dma source(%dma_start3A_418 : memref<80xi32, #tpu.memory_space<hbm>>) target(%arg17 : memref<80xi32, #tpu.memory_space<vmem>>) target_semaphore(%arg29 : memref<!tpu.dma_semaphore, #tpu.memory_space<semaphore_mem>>)
      %add3A_419 = arith.constant 80 : i32
      %add3A_420 = arith.addi %add3A_412, %add3A_419 : i32
      %dma_start3A_421 = tpu.memref_slice %arg3[%add3A_420] : memref<320000xi32, #tpu.memory_space<hbm>> -> memref<80xi32, #tpu.memory_space<hbm>>
      %dma_start3A_422 = tpu.memref_slice %arg3[%add3A_420] : memref<320000xi32, #tpu.memory_space<hbm>> -> memref<80xi32, #tpu.memory_space<hbm>>
      tpu.enqueue_dma source(%dma_start3A_422 : memref<80xi32, #tpu.memory_space<hbm>>) target(%arg10 : memref<80xi32, #tpu.memory_space<vmem>>) target_semaphore(%arg29 : memref<!tpu.dma_semaphore, #tpu.memory_space<semaphore_mem>>)
      %dma_start3A_423 = tpu.memref_slice %arg4[%add3A_420] : memref<320000xi32, #tpu.memory_space<hbm>> -> memref<80xi32, #tpu.memory_space<hbm>>
      %dma_start3A_424 = tpu.memref_slice %arg4[%add3A_420] : memref<320000xi32, #tpu.memory_space<hbm>> -> memref<80xi32, #tpu.memory_space<hbm>>
      tpu.enqueue_dma source(%dma_start3A_424 : memref<80xi32, #tpu.memory_space<hbm>>) target(%arg18 : memref<80xi32, #tpu.memory_space<vmem>>) target_semaphore(%arg29 : memref<!tpu.dma_semaphore, #tpu.memory_space<semaphore_mem>>)
      %mul3A_425 = arith.constant 160 : i32
      %mul3A_426 = arith.muli %add3A_401, %mul3A_425 : i32
      %add3A_427 = arith.addi %mul3A_2, %mul3A_426 : i32
      %add3A_428 = arith.constant 0 : i32
      %add3A_429 = arith.addi %add3A_427, %add3A_428 : i32
      %dma_wait3A_430 = tpu.memref_slice %arg3[%add3A_429] : memref<320000xi32, #tpu.memory_space<hbm>> -> memref<80xi32, #tpu.memory_space<hbm>>
      %dma_wait3A_431 = tpu.memref_slice %arg3[%add3A_429] : memref<320000xi32, #tpu.memory_space<hbm>> -> memref<80xi32, #tpu.memory_space<hbm>>
      tpu.wait_dma2 semaphore(%arg31 : memref<!tpu.dma_semaphore, #tpu.memory_space<semaphore_mem>>) src(%dma_wait3A_431 : memref<80xi32, #tpu.memory_space<hbm>>) dst(%arg13 : memref<80xi32, #tpu.memory_space<vmem>>)
      %dma_wait3A_432 = tpu.memref_slice %arg4[%add3A_429] : memref<320000xi32, #tpu.memory_space<hbm>> -> memref<80xi32, #tpu.memory_space<hbm>>
      %dma_wait3A_433 = tpu.memref_slice %arg4[%add3A_429] : memref<320000xi32, #tpu.memory_space<hbm>> -> memref<80xi32, #tpu.memory_space<hbm>>
      tpu.wait_dma2 semaphore(%arg31 : memref<!tpu.dma_semaphore, #tpu.memory_space<semaphore_mem>>) src(%dma_wait3A_433 : memref<80xi32, #tpu.memory_space<hbm>>) dst(%arg21 : memref<80xi32, #tpu.memory_space<vmem>>)
      %add3A_434 = arith.constant 80 : i32
      %add3A_435 = arith.addi %add3A_427, %add3A_434 : i32
      %dma_wait3A_436 = tpu.memref_slice %arg3[%add3A_435] : memref<320000xi32, #tpu.memory_space<hbm>> -> memref<80xi32, #tpu.memory_space<hbm>>
      %dma_wait3A_437 = tpu.memref_slice %arg3[%add3A_435] : memref<320000xi32, #tpu.memory_space<hbm>> -> memref<80xi32, #tpu.memory_space<hbm>>
      tpu.wait_dma2 semaphore(%arg31 : memref<!tpu.dma_semaphore, #tpu.memory_space<semaphore_mem>>) src(%dma_wait3A_437 : memref<80xi32, #tpu.memory_space<hbm>>) dst(%arg14 : memref<80xi32, #tpu.memory_space<vmem>>)
      %dma_wait3A_438 = tpu.memref_slice %arg4[%add3A_435] : memref<320000xi32, #tpu.memory_space<hbm>> -> memref<80xi32, #tpu.memory_space<hbm>>
      %dma_wait3A_439 = tpu.memref_slice %arg4[%add3A_435] : memref<320000xi32, #tpu.memory_space<hbm>> -> memref<80xi32, #tpu.memory_space<hbm>>
      tpu.wait_dma2 semaphore(%arg31 : memref<!tpu.dma_semaphore, #tpu.memory_space<semaphore_mem>>) src(%dma_wait3A_439 : memref<80xi32, #tpu.memory_space<hbm>>) dst(%arg22 : memref<80xi32, #tpu.memory_space<vmem>>)
      %dma_start3A_440 = arith.constant 0 : i32
      %dma_start3A_441 = arith.constant 0 : i32
      %dma_start3A_442 = tpu.memref_slice %arg2[%dma_start3A_440, %dma_start3A_441] : memref<10000x128xf32, #tpu.memory_space<hbm>> -> memref<10000x128xf32, #tpu.memory_space<hbm>>
      tpu.enqueue_indirect_dma source(%dma_start3A_442 : memref<10000x128xf32, #tpu.memory_space<hbm>>) target(%arg25 : memref<80x128xf32, #tpu.memory_space<vmem>>) offsets(%arg13 : memref<80xi32, #tpu.memory_space<vmem>>) semaphore(%arg32 : memref<!tpu.dma_semaphore, #tpu.memory_space<semaphore_mem>>)
      %dma_start3A_443 = arith.constant 0 : i32
      %dma_start3A_444 = arith.constant 0 : i32
      %dma_start3A_445 = tpu.memref_slice %arg2[%dma_start3A_443, %dma_start3A_444] : memref<10000x128xf32, #tpu.memory_space<hbm>> -> memref<10000x128xf32, #tpu.memory_space<hbm>>
      tpu.enqueue_indirect_dma source(%dma_start3A_445 : memref<10000x128xf32, #tpu.memory_space<hbm>>) target(%arg26 : memref<80x128xf32, #tpu.memory_space<vmem>>) offsets(%arg14 : memref<80xi32, #tpu.memory_space<vmem>>) semaphore(%arg32 : memref<!tpu.dma_semaphore, #tpu.memory_space<semaphore_mem>>)
      %dma_wait3A_446 = arith.constant 0 : i32
      %dma_wait3A_447 = arith.constant 0 : i32
      %dma_wait3A_448 = tpu.memref_slice %arg2[%dma_wait3A_446, %dma_wait3A_447] : memref<10000x128xf32, #tpu.memory_space<hbm>> -> memref<10000x128xf32, #tpu.memory_space<hbm>>
      tpu.wait_indirect_dma semaphore(%arg32 : memref<!tpu.dma_semaphore, #tpu.memory_space<semaphore_mem>>) src(%dma_wait3A_448 : memref<10000x128xf32, #tpu.memory_space<hbm>>) dst(%arg25 : memref<80x128xf32, #tpu.memory_space<vmem>>)
      %dma_wait3A_449 = arith.constant 0 : i32
      %dma_wait3A_450 = arith.constant 0 : i32
      %dma_wait3A_451 = tpu.memref_slice %arg2[%dma_wait3A_449, %dma_wait3A_450] : memref<10000x128xf32, #tpu.memory_space<hbm>> -> memref<10000x128xf32, #tpu.memory_space<hbm>>
      tpu.wait_indirect_dma semaphore(%arg32 : memref<!tpu.dma_semaphore, #tpu.memory_space<semaphore_mem>>) src(%dma_wait3A_451 : memref<10000x128xf32, #tpu.memory_space<hbm>>) dst(%arg26 : memref<80x128xf32, #tpu.memory_space<vmem>>)
      %dma_start3A_452 = arith.constant 0 : i32
      %dma_start3A_453 = arith.constant 0 : i32
      %dma_start3A_454 = tpu.memref_slice %arg27[%dma_start3A_452, %dma_start3A_453] : memref<10240x128xf32, #tpu.memory_space<vmem_shared>> -> memref<10240x128xf32, #tpu.memory_space<vmem_shared>>
      tpu.enqueue_indirect_dma source(%arg25 : memref<80x128xf32, #tpu.memory_space<vmem>>) target(%dma_start3A_454 : memref<10240x128xf32, #tpu.memory_space<vmem_shared>>) offsets(%arg21 : memref<80xi32, #tpu.memory_space<vmem>>) semaphore(%arg34 : memref<!tpu.dma_semaphore, #tpu.memory_space<semaphore_mem>>) {add = true}
      %dma_start3A_455 = arith.constant 0 : i32
      %dma_start3A_456 = arith.constant 0 : i32
      %dma_start3A_457 = tpu.memref_slice %arg27[%dma_start3A_455, %dma_start3A_456] : memref<10240x128xf32, #tpu.memory_space<vmem_shared>> -> memref<10240x128xf32, #tpu.memory_space<vmem_shared>>
      tpu.enqueue_indirect_dma source(%arg26 : memref<80x128xf32, #tpu.memory_space<vmem>>) target(%dma_start3A_457 : memref<10240x128xf32, #tpu.memory_space<vmem_shared>>) offsets(%arg22 : memref<80xi32, #tpu.memory_space<vmem>>) semaphore(%arg34 : memref<!tpu.dma_semaphore, #tpu.memory_space<semaphore_mem>>) {add = true}
      %mul3A_458 = arith.constant 4 : i32
      %mul3A_459 = arith.muli %mul3A_458, %scan3A_333 : i32
      %add3A_460 = arith.constant 2 : i32
      %add3A_461 = arith.addi %mul3A_459, %add3A_460 : i32
      %add3A_462 = arith.constant 2 : i32
      %add3A_463 = arith.addi %add3A_461, %add3A_462 : i32
      %dma_wait3A_464 = arith.constant 0 : i32
      %dma_wait3A_465 = arith.constant 0 : i32
      %dma_wait3A_466 = tpu.memref_slice %arg27[%dma_wait3A_464, %dma_wait3A_465] : memref<10240x128xf32, #tpu.memory_space<vmem_shared>> -> memref<10240x128xf32, #tpu.memory_space<vmem_shared>>
      tpu.wait_indirect_dma semaphore(%arg33 : memref<!tpu.dma_semaphore, #tpu.memory_space<semaphore_mem>>) src(%arg23 : memref<80x128xf32, #tpu.memory_space<vmem>>) dst(%dma_wait3A_466 : memref<10240x128xf32, #tpu.memory_space<vmem_shared>>)
      %dma_wait3A_467 = arith.constant 0 : i32
      %dma_wait3A_468 = arith.constant 0 : i32
      %dma_wait3A_469 = tpu.memref_slice %arg27[%dma_wait3A_467, %dma_wait3A_468] : memref<10240x128xf32, #tpu.memory_space<vmem_shared>> -> memref<10240x128xf32, #tpu.memory_space<vmem_shared>>
      tpu.wait_indirect_dma semaphore(%arg33 : memref<!tpu.dma_semaphore, #tpu.memory_space<semaphore_mem>>) src(%arg24 : memref<80x128xf32, #tpu.memory_space<vmem>>) dst(%dma_wait3A_469 : memref<10240x128xf32, #tpu.memory_space<vmem_shared>>)
      %add3A_470 = arith.constant 2 : i32
      %add3A_471 = arith.addi %add3A_463, %add3A_470 : i32
      %mul3A_472 = arith.constant 160 : i32
      %mul3A_473 = arith.muli %add3A_471, %mul3A_472 : i32
      %add3A_474 = arith.addi %mul3A_2, %mul3A_473 : i32
      %add3A_475 = arith.constant 0 : i32
      %add3A_476 = arith.addi %add3A_474, %add3A_475 : i32
      %dma_start3A_477 = tpu.memref_slice %arg3[%add3A_476] : memref<320000xi32, #tpu.memory_space<hbm>> -> memref<80xi32, #tpu.memory_space<hbm>>
      %dma_start3A_478 = tpu.memref_slice %arg3[%add3A_476] : memref<320000xi32, #tpu.memory_space<hbm>> -> memref<80xi32, #tpu.memory_space<hbm>>
      tpu.enqueue_dma source(%dma_start3A_478 : memref<80xi32, #tpu.memory_space<hbm>>) target(%arg11 : memref<80xi32, #tpu.memory_space<vmem>>) target_semaphore(%arg30 : memref<!tpu.dma_semaphore, #tpu.memory_space<semaphore_mem>>)
      %dma_start3A_479 = tpu.memref_slice %arg4[%add3A_476] : memref<320000xi32, #tpu.memory_space<hbm>> -> memref<80xi32, #tpu.memory_space<hbm>>
      %dma_start3A_480 = tpu.memref_slice %arg4[%add3A_476] : memref<320000xi32, #tpu.memory_space<hbm>> -> memref<80xi32, #tpu.memory_space<hbm>>
      tpu.enqueue_dma source(%dma_start3A_480 : memref<80xi32, #tpu.memory_space<hbm>>) target(%arg19 : memref<80xi32, #tpu.memory_space<vmem>>) target_semaphore(%arg30 : memref<!tpu.dma_semaphore, #tpu.memory_space<semaphore_mem>>)
      %add3A_481 = arith.constant 80 : i32
      %add3A_482 = arith.addi %add3A_474, %add3A_481 : i32
      %dma_start3A_483 = tpu.memref_slice %arg3[%add3A_482] : memref<320000xi32, #tpu.memory_space<hbm>> -> memref<80xi32, #tpu.memory_space<hbm>>
      %dma_start3A_484 = tpu.memref_slice %arg3[%add3A_482] : memref<320000xi32, #tpu.memory_space<hbm>> -> memref<80xi32, #tpu.memory_space<hbm>>
      tpu.enqueue_dma source(%dma_start3A_484 : memref<80xi32, #tpu.memory_space<hbm>>) target(%arg12 : memref<80xi32, #tpu.memory_space<vmem>>) target_semaphore(%arg30 : memref<!tpu.dma_semaphore, #tpu.memory_space<semaphore_mem>>)
      %dma_start3A_485 = tpu.memref_slice %arg4[%add3A_482] : memref<320000xi32, #tpu.memory_space<hbm>> -> memref<80xi32, #tpu.memory_space<hbm>>
      %dma_start3A_486 = tpu.memref_slice %arg4[%add3A_482] : memref<320000xi32, #tpu.memory_space<hbm>> -> memref<80xi32, #tpu.memory_space<hbm>>
      tpu.enqueue_dma source(%dma_start3A_486 : memref<80xi32, #tpu.memory_space<hbm>>) target(%arg20 : memref<80xi32, #tpu.memory_space<vmem>>) target_semaphore(%arg30 : memref<!tpu.dma_semaphore, #tpu.memory_space<semaphore_mem>>)
      %mul3A_487 = arith.constant 160 : i32
      %mul3A_488 = arith.muli %add3A_463, %mul3A_487 : i32
      %add3A_489 = arith.addi %mul3A_2, %mul3A_488 : i32
      %add3A_490 = arith.constant 0 : i32
      %add3A_491 = arith.addi %add3A_489, %add3A_490 : i32
      %dma_wait3A_492 = tpu.memref_slice %arg3[%add3A_491] : memref<320000xi32, #tpu.memory_space<hbm>> -> memref<80xi32, #tpu.memory_space<hbm>>
      %dma_wait3A_493 = tpu.memref_slice %arg3[%add3A_491] : memref<320000xi32, #tpu.memory_space<hbm>> -> memref<80xi32, #tpu.memory_space<hbm>>
      tpu.wait_dma2 semaphore(%arg28 : memref<!tpu.dma_semaphore, #tpu.memory_space<semaphore_mem>>) src(%dma_wait3A_493 : memref<80xi32, #tpu.memory_space<hbm>>) dst(%arg7 : memref<80xi32, #tpu.memory_space<vmem>>)
      %dma_wait3A_494 = tpu.memref_slice %arg4[%add3A_491] : memref<320000xi32, #tpu.memory_space<hbm>> -> memref<80xi32, #tpu.memory_space<hbm>>
      %dma_wait3A_495 = tpu.memref_slice %arg4[%add3A_491] : memref<320000xi32, #tpu.memory_space<hbm>> -> memref<80xi32, #tpu.memory_space<hbm>>
      tpu.wait_dma2 semaphore(%arg28 : memref<!tpu.dma_semaphore, #tpu.memory_space<semaphore_mem>>) src(%dma_wait3A_495 : memref<80xi32, #tpu.memory_space<hbm>>) dst(%arg15 : memref<80xi32, #tpu.memory_space<vmem>>)
      %add3A_496 = arith.constant 80 : i32
      %add3A_497 = arith.addi %add3A_489, %add3A_496 : i32
      %dma_wait3A_498 = tpu.memref_slice %arg3[%add3A_497] : memref<320000xi32, #tpu.memory_space<hbm>> -> memref<80xi32, #tpu.memory_space<hbm>>
      %dma_wait3A_499 = tpu.memref_slice %arg3[%add3A_497] : memref<320000xi32, #tpu.memory_space<hbm>> -> memref<80xi32, #tpu.memory_space<hbm>>
      tpu.wait_dma2 semaphore(%arg28 : memref<!tpu.dma_semaphore, #tpu.memory_space<semaphore_mem>>) src(%dma_wait3A_499 : memref<80xi32, #tpu.memory_space<hbm>>) dst(%arg8 : memref<80xi32, #tpu.memory_space<vmem>>)
      %dma_wait3A_500 = tpu.memref_slice %arg4[%add3A_497] : memref<320000xi32, #tpu.memory_space<hbm>> -> memref<80xi32, #tpu.memory_space<hbm>>
      %dma_wait3A_501 = tpu.memref_slice %arg4[%add3A_497] : memref<320000xi32, #tpu.memory_space<hbm>> -> memref<80xi32, #tpu.memory_space<hbm>>
      tpu.wait_dma2 semaphore(%arg28 : memref<!tpu.dma_semaphore, #tpu.memory_space<semaphore_mem>>) src(%dma_wait3A_501 : memref<80xi32, #tpu.memory_space<hbm>>) dst(%arg16 : memref<80xi32, #tpu.memory_space<vmem>>)
      %dma_start3A_502 = arith.constant 0 : i32
      %dma_start3A_503 = arith.constant 0 : i32
      %dma_start3A_504 = tpu.memref_slice %arg2[%dma_start3A_502, %dma_start3A_503] : memref<10000x128xf32, #tpu.memory_space<hbm>> -> memref<10000x128xf32, #tpu.memory_space<hbm>>
      tpu.enqueue_indirect_dma source(%dma_start3A_504 : memref<10000x128xf32, #tpu.memory_space<hbm>>) target(%arg23 : memref<80x128xf32, #tpu.memory_space<vmem>>) offsets(%arg7 : memref<80xi32, #tpu.memory_space<vmem>>) semaphore(%arg32 : memref<!tpu.dma_semaphore, #tpu.memory_space<semaphore_mem>>)
      %dma_start3A_505 = arith.constant 0 : i32
      %dma_start3A_506 = arith.constant 0 : i32
      %dma_start3A_507 = tpu.memref_slice %arg2[%dma_start3A_505, %dma_start3A_506] : memref<10000x128xf32, #tpu.memory_space<hbm>> -> memref<10000x128xf32, #tpu.memory_space<hbm>>
      tpu.enqueue_indirect_dma source(%dma_start3A_507 : memref<10000x128xf32, #tpu.memory_space<hbm>>) target(%arg24 : memref<80x128xf32, #tpu.memory_space<vmem>>) offsets(%arg8 : memref<80xi32, #tpu.memory_space<vmem>>) semaphore(%arg32 : memref<!tpu.dma_semaphore, #tpu.memory_space<semaphore_mem>>)
      %dma_wait3A_508 = arith.constant 0 : i32
      %dma_wait3A_509 = arith.constant 0 : i32
      %dma_wait3A_510 = tpu.memref_slice %arg2[%dma_wait3A_508, %dma_wait3A_509] : memref<10000x128xf32, #tpu.memory_space<hbm>> -> memref<10000x128xf32, #tpu.memory_space<hbm>>
      tpu.wait_indirect_dma semaphore(%arg32 : memref<!tpu.dma_semaphore, #tpu.memory_space<semaphore_mem>>) src(%dma_wait3A_510 : memref<10000x128xf32, #tpu.memory_space<hbm>>) dst(%arg23 : memref<80x128xf32, #tpu.memory_space<vmem>>)
      %dma_wait3A_511 = arith.constant 0 : i32
      %dma_wait3A_512 = arith.constant 0 : i32
      %dma_wait3A_513 = tpu.memref_slice %arg2[%dma_wait3A_511, %dma_wait3A_512] : memref<10000x128xf32, #tpu.memory_space<hbm>> -> memref<10000x128xf32, #tpu.memory_space<hbm>>
      tpu.wait_indirect_dma semaphore(%arg32 : memref<!tpu.dma_semaphore, #tpu.memory_space<semaphore_mem>>) src(%dma_wait3A_513 : memref<10000x128xf32, #tpu.memory_space<hbm>>) dst(%arg24 : memref<80x128xf32, #tpu.memory_space<vmem>>)
      %dma_start3A_514 = arith.constant 0 : i32
      %dma_start3A_515 = arith.constant 0 : i32
      %dma_start3A_516 = tpu.memref_slice %arg27[%dma_start3A_514, %dma_start3A_515] : memref<10240x128xf32, #tpu.memory_space<vmem_shared>> -> memref<10240x128xf32, #tpu.memory_space<vmem_shared>>
      tpu.enqueue_indirect_dma source(%arg23 : memref<80x128xf32, #tpu.memory_space<vmem>>) target(%dma_start3A_516 : memref<10240x128xf32, #tpu.memory_space<vmem_shared>>) offsets(%arg15 : memref<80xi32, #tpu.memory_space<vmem>>) semaphore(%arg33 : memref<!tpu.dma_semaphore, #tpu.memory_space<semaphore_mem>>) {add = true}
      %dma_start3A_517 = arith.constant 0 : i32
      %dma_start3A_518 = arith.constant 0 : i32
      %dma_start3A_519 = tpu.memref_slice %arg27[%dma_start3A_517, %dma_start3A_518] : memref<10240x128xf32, #tpu.memory_space<vmem_shared>> -> memref<10240x128xf32, #tpu.memory_space<vmem_shared>>
      tpu.enqueue_indirect_dma source(%arg24 : memref<80x128xf32, #tpu.memory_space<vmem>>) target(%dma_start3A_519 : memref<10240x128xf32, #tpu.memory_space<vmem_shared>>) offsets(%arg16 : memref<80xi32, #tpu.memory_space<vmem>>) semaphore(%arg33 : memref<!tpu.dma_semaphore, #tpu.memory_space<semaphore_mem>>) {add = true}
      %mul3A_520 = arith.constant 4 : i32
      %mul3A_521 = arith.muli %mul3A_520, %scan3A_333 : i32
      %add3A_522 = arith.constant 2 : i32
      %add3A_523 = arith.addi %mul3A_521, %add3A_522 : i32
      %add3A_524 = arith.constant 3 : i32
      %add3A_525 = arith.addi %add3A_523, %add3A_524 : i32
      %dma_wait3A_526 = arith.constant 0 : i32
      %dma_wait3A_527 = arith.constant 0 : i32
      %dma_wait3A_528 = tpu.memref_slice %arg27[%dma_wait3A_526, %dma_wait3A_527] : memref<10240x128xf32, #tpu.memory_space<vmem_shared>> -> memref<10240x128xf32, #tpu.memory_space<vmem_shared>>
      tpu.wait_indirect_dma semaphore(%arg34 : memref<!tpu.dma_semaphore, #tpu.memory_space<semaphore_mem>>) src(%arg25 : memref<80x128xf32, #tpu.memory_space<vmem>>) dst(%dma_wait3A_528 : memref<10240x128xf32, #tpu.memory_space<vmem_shared>>)
      %dma_wait3A_529 = arith.constant 0 : i32
      %dma_wait3A_530 = arith.constant 0 : i32
      %dma_wait3A_531 = tpu.memref_slice %arg27[%dma_wait3A_529, %dma_wait3A_530] : memref<10240x128xf32, #tpu.memory_space<vmem_shared>> -> memref<10240x128xf32, #tpu.memory_space<vmem_shared>>
      tpu.wait_indirect_dma semaphore(%arg34 : memref<!tpu.dma_semaphore, #tpu.memory_space<semaphore_mem>>) src(%arg26 : memref<80x128xf32, #tpu.memory_space<vmem>>) dst(%dma_wait3A_531 : memref<10240x128xf32, #tpu.memory_space<vmem_shared>>)
      %add3A_532 = arith.constant 2 : i32
      %add3A_533 = arith.addi %add3A_525, %add3A_532 : i32
      %mul3A_534 = arith.constant 160 : i32
      %mul3A_535 = arith.muli %add3A_533, %mul3A_534 : i32
      %add3A_536 = arith.addi %mul3A_2, %mul3A_535 : i32
      %add3A_537 = arith.constant 0 : i32
      %add3A_538 = arith.addi %add3A_536, %add3A_537 : i32
      %dma_start3A_539 = tpu.memref_slice %arg3[%add3A_538] : memref<320000xi32, #tpu.memory_space<hbm>> -> memref<80xi32, #tpu.memory_space<hbm>>
      %dma_start3A_540 = tpu.memref_slice %arg3[%add3A_538] : memref<320000xi32, #tpu.memory_space<hbm>> -> memref<80xi32, #tpu.memory_space<hbm>>
      tpu.enqueue_dma source(%dma_start3A_540 : memref<80xi32, #tpu.memory_space<hbm>>) target(%arg13 : memref<80xi32, #tpu.memory_space<vmem>>) target_semaphore(%arg31 : memref<!tpu.dma_semaphore, #tpu.memory_space<semaphore_mem>>)
      %dma_start3A_541 = tpu.memref_slice %arg4[%add3A_538] : memref<320000xi32, #tpu.memory_space<hbm>> -> memref<80xi32, #tpu.memory_space<hbm>>
      %dma_start3A_542 = tpu.memref_slice %arg4[%add3A_538] : memref<320000xi32, #tpu.memory_space<hbm>> -> memref<80xi32, #tpu.memory_space<hbm>>
      tpu.enqueue_dma source(%dma_start3A_542 : memref<80xi32, #tpu.memory_space<hbm>>) target(%arg21 : memref<80xi32, #tpu.memory_space<vmem>>) target_semaphore(%arg31 : memref<!tpu.dma_semaphore, #tpu.memory_space<semaphore_mem>>)
      %add3A_543 = arith.constant 80 : i32
      %add3A_544 = arith.addi %add3A_536, %add3A_543 : i32
      %dma_start3A_545 = tpu.memref_slice %arg3[%add3A_544] : memref<320000xi32, #tpu.memory_space<hbm>> -> memref<80xi32, #tpu.memory_space<hbm>>
      %dma_start3A_546 = tpu.memref_slice %arg3[%add3A_544] : memref<320000xi32, #tpu.memory_space<hbm>> -> memref<80xi32, #tpu.memory_space<hbm>>
      tpu.enqueue_dma source(%dma_start3A_546 : memref<80xi32, #tpu.memory_space<hbm>>) target(%arg14 : memref<80xi32, #tpu.memory_space<vmem>>) target_semaphore(%arg31 : memref<!tpu.dma_semaphore, #tpu.memory_space<semaphore_mem>>)
      %dma_start3A_547 = tpu.memref_slice %arg4[%add3A_544] : memref<320000xi32, #tpu.memory_space<hbm>> -> memref<80xi32, #tpu.memory_space<hbm>>
      %dma_start3A_548 = tpu.memref_slice %arg4[%add3A_544] : memref<320000xi32, #tpu.memory_space<hbm>> -> memref<80xi32, #tpu.memory_space<hbm>>
      tpu.enqueue_dma source(%dma_start3A_548 : memref<80xi32, #tpu.memory_space<hbm>>) target(%arg22 : memref<80xi32, #tpu.memory_space<vmem>>) target_semaphore(%arg31 : memref<!tpu.dma_semaphore, #tpu.memory_space<semaphore_mem>>)
      %mul3A_549 = arith.constant 160 : i32
      %mul3A_550 = arith.muli %add3A_525, %mul3A_549 : i32
      %add3A_551 = arith.addi %mul3A_2, %mul3A_550 : i32
      %add3A_552 = arith.constant 0 : i32
      %add3A_553 = arith.addi %add3A_551, %add3A_552 : i32
      %dma_wait3A_554 = tpu.memref_slice %arg3[%add3A_553] : memref<320000xi32, #tpu.memory_space<hbm>> -> memref<80xi32, #tpu.memory_space<hbm>>
      %dma_wait3A_555 = tpu.memref_slice %arg3[%add3A_553] : memref<320000xi32, #tpu.memory_space<hbm>> -> memref<80xi32, #tpu.memory_space<hbm>>
      tpu.wait_dma2 semaphore(%arg29 : memref<!tpu.dma_semaphore, #tpu.memory_space<semaphore_mem>>) src(%dma_wait3A_555 : memref<80xi32, #tpu.memory_space<hbm>>) dst(%arg9 : memref<80xi32, #tpu.memory_space<vmem>>)
      %dma_wait3A_556 = tpu.memref_slice %arg4[%add3A_553] : memref<320000xi32, #tpu.memory_space<hbm>> -> memref<80xi32, #tpu.memory_space<hbm>>
      %dma_wait3A_557 = tpu.memref_slice %arg4[%add3A_553] : memref<320000xi32, #tpu.memory_space<hbm>> -> memref<80xi32, #tpu.memory_space<hbm>>
      tpu.wait_dma2 semaphore(%arg29 : memref<!tpu.dma_semaphore, #tpu.memory_space<semaphore_mem>>) src(%dma_wait3A_557 : memref<80xi32, #tpu.memory_space<hbm>>) dst(%arg17 : memref<80xi32, #tpu.memory_space<vmem>>)
      %add3A_558 = arith.constant 80 : i32
      %add3A_559 = arith.addi %add3A_551, %add3A_558 : i32
      %dma_wait3A_560 = tpu.memref_slice %arg3[%add3A_559] : memref<320000xi32, #tpu.memory_space<hbm>> -> memref<80xi32, #tpu.memory_space<hbm>>
      %dma_wait3A_561 = tpu.memref_slice %arg3[%add3A_559] : memref<320000xi32, #tpu.memory_space<hbm>> -> memref<80xi32, #tpu.memory_space<hbm>>
      tpu.wait_dma2 semaphore(%arg29 : memref<!tpu.dma_semaphore, #tpu.memory_space<semaphore_mem>>) src(%dma_wait3A_561 : memref<80xi32, #tpu.memory_space<hbm>>) dst(%arg10 : memref<80xi32, #tpu.memory_space<vmem>>)
      %dma_wait3A_562 = tpu.memref_slice %arg4[%add3A_559] : memref<320000xi32, #tpu.memory_space<hbm>> -> memref<80xi32, #tpu.memory_space<hbm>>
      %dma_wait3A_563 = tpu.memref_slice %arg4[%add3A_559] : memref<320000xi32, #tpu.memory_space<hbm>> -> memref<80xi32, #tpu.memory_space<hbm>>
      tpu.wait_dma2 semaphore(%arg29 : memref<!tpu.dma_semaphore, #tpu.memory_space<semaphore_mem>>) src(%dma_wait3A_563 : memref<80xi32, #tpu.memory_space<hbm>>) dst(%arg18 : memref<80xi32, #tpu.memory_space<vmem>>)
      %dma_start3A_564 = arith.constant 0 : i32
      %dma_start3A_565 = arith.constant 0 : i32
      %dma_start3A_566 = tpu.memref_slice %arg2[%dma_start3A_564, %dma_start3A_565] : memref<10000x128xf32, #tpu.memory_space<hbm>> -> memref<10000x128xf32, #tpu.memory_space<hbm>>
      tpu.enqueue_indirect_dma source(%dma_start3A_566 : memref<10000x128xf32, #tpu.memory_space<hbm>>) target(%arg25 : memref<80x128xf32, #tpu.memory_space<vmem>>) offsets(%arg9 : memref<80xi32, #tpu.memory_space<vmem>>) semaphore(%arg32 : memref<!tpu.dma_semaphore, #tpu.memory_space<semaphore_mem>>)
      %dma_start3A_567 = arith.constant 0 : i32
      %dma_start3A_568 = arith.constant 0 : i32
      %dma_start3A_569 = tpu.memref_slice %arg2[%dma_start3A_567, %dma_start3A_568] : memref<10000x128xf32, #tpu.memory_space<hbm>> -> memref<10000x128xf32, #tpu.memory_space<hbm>>
      tpu.enqueue_indirect_dma source(%dma_start3A_569 : memref<10000x128xf32, #tpu.memory_space<hbm>>) target(%arg26 : memref<80x128xf32, #tpu.memory_space<vmem>>) offsets(%arg10 : memref<80xi32, #tpu.memory_space<vmem>>) semaphore(%arg32 : memref<!tpu.dma_semaphore, #tpu.memory_space<semaphore_mem>>)
      %dma_wait3A_570 = arith.constant 0 : i32
      %dma_wait3A_571 = arith.constant 0 : i32
      %dma_wait3A_572 = tpu.memref_slice %arg2[%dma_wait3A_570, %dma_wait3A_571] : memref<10000x128xf32, #tpu.memory_space<hbm>> -> memref<10000x128xf32, #tpu.memory_space<hbm>>
      tpu.wait_indirect_dma semaphore(%arg32 : memref<!tpu.dma_semaphore, #tpu.memory_space<semaphore_mem>>) src(%dma_wait3A_572 : memref<10000x128xf32, #tpu.memory_space<hbm>>) dst(%arg25 : memref<80x128xf32, #tpu.memory_space<vmem>>)
      %dma_wait3A_573 = arith.constant 0 : i32
      %dma_wait3A_574 = arith.constant 0 : i32
      %dma_wait3A_575 = tpu.memref_slice %arg2[%dma_wait3A_573, %dma_wait3A_574] : memref<10000x128xf32, #tpu.memory_space<hbm>> -> memref<10000x128xf32, #tpu.memory_space<hbm>>
      tpu.wait_indirect_dma semaphore(%arg32 : memref<!tpu.dma_semaphore, #tpu.memory_space<semaphore_mem>>) src(%dma_wait3A_575 : memref<10000x128xf32, #tpu.memory_space<hbm>>) dst(%arg26 : memref<80x128xf32, #tpu.memory_space<vmem>>)
      %dma_start3A_576 = arith.constant 0 : i32
      %dma_start3A_577 = arith.constant 0 : i32
      %dma_start3A_578 = tpu.memref_slice %arg27[%dma_start3A_576, %dma_start3A_577] : memref<10240x128xf32, #tpu.memory_space<vmem_shared>> -> memref<10240x128xf32, #tpu.memory_space<vmem_shared>>
      tpu.enqueue_indirect_dma source(%arg25 : memref<80x128xf32, #tpu.memory_space<vmem>>) target(%dma_start3A_578 : memref<10240x128xf32, #tpu.memory_space<vmem_shared>>) offsets(%arg17 : memref<80xi32, #tpu.memory_space<vmem>>) semaphore(%arg34 : memref<!tpu.dma_semaphore, #tpu.memory_space<semaphore_mem>>) {add = true}
      %dma_start3A_579 = arith.constant 0 : i32
      %dma_start3A_580 = arith.constant 0 : i32
      %dma_start3A_581 = tpu.memref_slice %arg27[%dma_start3A_579, %dma_start3A_580] : memref<10240x128xf32, #tpu.memory_space<vmem_shared>> -> memref<10240x128xf32, #tpu.memory_space<vmem_shared>>
      tpu.enqueue_indirect_dma source(%arg26 : memref<80x128xf32, #tpu.memory_space<vmem>>) target(%dma_start3A_581 : memref<10240x128xf32, #tpu.memory_space<vmem_shared>>) offsets(%arg18 : memref<80xi32, #tpu.memory_space<vmem>>) semaphore(%arg34 : memref<!tpu.dma_semaphore, #tpu.memory_space<semaphore_mem>>) {add = true}
    }
    %scan3A_131 = arith.constant 14 : i32
    %dma_wait3A_132 = arith.constant 0 : i32
    %dma_wait3A_133 = arith.constant 0 : i32
    %dma_wait3A_134 = tpu.memref_slice %arg27[%dma_wait3A_132, %dma_wait3A_133] : memref<10240x128xf32, #tpu.memory_space<vmem_shared>> -> memref<10240x128xf32, #tpu.memory_space<vmem_shared>>
    tpu.wait_indirect_dma semaphore(%arg33 : memref<!tpu.dma_semaphore, #tpu.memory_space<semaphore_mem>>) src(%arg23 : memref<80x128xf32, #tpu.memory_space<vmem>>) dst(%dma_wait3A_134 : memref<10240x128xf32, #tpu.memory_space<vmem_shared>>)
    %dma_wait3A_135 = arith.constant 0 : i32
    %dma_wait3A_136 = arith.constant 0 : i32
    %dma_wait3A_137 = tpu.memref_slice %arg27[%dma_wait3A_135, %dma_wait3A_136] : memref<10240x128xf32, #tpu.memory_space<vmem_shared>> -> memref<10240x128xf32, #tpu.memory_space<vmem_shared>>
    tpu.wait_indirect_dma semaphore(%arg33 : memref<!tpu.dma_semaphore, #tpu.memory_space<semaphore_mem>>) src(%arg24 : memref<80x128xf32, #tpu.memory_space<vmem>>) dst(%dma_wait3A_137 : memref<10240x128xf32, #tpu.memory_space<vmem_shared>>)
    %add3A_138 = arith.constant 9600 : i32
    %add3A_139 = arith.addi %mul3A_2, %add3A_138 : i32
    %add3A_140 = arith.constant 0 : i32
    %add3A_141 = arith.addi %add3A_139, %add3A_140 : i32
    %dma_start3A_142 = tpu.memref_slice %arg3[%add3A_141] : memref<320000xi32, #tpu.memory_space<hbm>> -> memref<80xi32, #tpu.memory_space<hbm>>
    %dma_start3A_143 = tpu.memref_slice %arg3[%add3A_141] : memref<320000xi32, #tpu.memory_space<hbm>> -> memref<80xi32, #tpu.memory_space<hbm>>
    tpu.enqueue_dma source(%dma_start3A_143 : memref<80xi32, #tpu.memory_space<hbm>>) target(%arg7 : memref<80xi32, #tpu.memory_space<vmem>>) target_semaphore(%arg28 : memref<!tpu.dma_semaphore, #tpu.memory_space<semaphore_mem>>)
    %dma_start3A_144 = tpu.memref_slice %arg4[%add3A_141] : memref<320000xi32, #tpu.memory_space<hbm>> -> memref<80xi32, #tpu.memory_space<hbm>>
    %dma_start3A_145 = tpu.memref_slice %arg4[%add3A_141] : memref<320000xi32, #tpu.memory_space<hbm>> -> memref<80xi32, #tpu.memory_space<hbm>>
    tpu.enqueue_dma source(%dma_start3A_145 : memref<80xi32, #tpu.memory_space<hbm>>) target(%arg15 : memref<80xi32, #tpu.memory_space<vmem>>) target_semaphore(%arg28 : memref<!tpu.dma_semaphore, #tpu.memory_space<semaphore_mem>>)
    %add3A_146 = arith.constant 80 : i32
    %add3A_147 = arith.addi %add3A_139, %add3A_146 : i32
    %dma_start3A_148 = tpu.memref_slice %arg3[%add3A_147] : memref<320000xi32, #tpu.memory_space<hbm>> -> memref<80xi32, #tpu.memory_space<hbm>>
    %dma_start3A_149 = tpu.memref_slice %arg3[%add3A_147] : memref<320000xi32, #tpu.memory_space<hbm>> -> memref<80xi32, #tpu.memory_space<hbm>>
    tpu.enqueue_dma source(%dma_start3A_149 : memref<80xi32, #tpu.memory_space<hbm>>) target(%arg8 : memref<80xi32, #tpu.memory_space<vmem>>) target_semaphore(%arg28 : memref<!tpu.dma_semaphore, #tpu.memory_space<semaphore_mem>>)
    %dma_start3A_150 = tpu.memref_slice %arg4[%add3A_147] : memref<320000xi32, #tpu.memory_space<hbm>> -> memref<80xi32, #tpu.memory_space<hbm>>
    %dma_start3A_151 = tpu.memref_slice %arg4[%add3A_147] : memref<320000xi32, #tpu.memory_space<hbm>> -> memref<80xi32, #tpu.memory_space<hbm>>
    tpu.enqueue_dma source(%dma_start3A_151 : memref<80xi32, #tpu.memory_space<hbm>>) target(%arg16 : memref<80xi32, #tpu.memory_space<vmem>>) target_semaphore(%arg28 : memref<!tpu.dma_semaphore, #tpu.memory_space<semaphore_mem>>)
    %add3A_152 = arith.constant 9280 : i32
    %add3A_153 = arith.addi %mul3A_2, %add3A_152 : i32
    %add3A_154 = arith.constant 0 : i32
    %add3A_155 = arith.addi %add3A_153, %add3A_154 : i32
    %dma_wait3A_156 = tpu.memref_slice %arg3[%add3A_155] : memref<320000xi32, #tpu.memory_space<hbm>> -> memref<80xi32, #tpu.memory_space<hbm>>
    %dma_wait3A_157 = tpu.memref_slice %arg3[%add3A_155] : memref<320000xi32, #tpu.memory_space<hbm>> -> memref<80xi32, #tpu.memory_space<hbm>>
    tpu.wait_dma2 semaphore(%arg30 : memref<!tpu.dma_semaphore, #tpu.memory_space<semaphore_mem>>) src(%dma_wait3A_157 : memref<80xi32, #tpu.memory_space<hbm>>) dst(%arg11 : memref<80xi32, #tpu.memory_space<vmem>>)
    %dma_wait3A_158 = tpu.memref_slice %arg4[%add3A_155] : memref<320000xi32, #tpu.memory_space<hbm>> -> memref<80xi32, #tpu.memory_space<hbm>>
    %dma_wait3A_159 = tpu.memref_slice %arg4[%add3A_155] : memref<320000xi32, #tpu.memory_space<hbm>> -> memref<80xi32, #tpu.memory_space<hbm>>
    tpu.wait_dma2 semaphore(%arg30 : memref<!tpu.dma_semaphore, #tpu.memory_space<semaphore_mem>>) src(%dma_wait3A_159 : memref<80xi32, #tpu.memory_space<hbm>>) dst(%arg19 : memref<80xi32, #tpu.memory_space<vmem>>)
    %add3A_160 = arith.constant 80 : i32
    %add3A_161 = arith.addi %add3A_153, %add3A_160 : i32
    %dma_wait3A_162 = tpu.memref_slice %arg3[%add3A_161] : memref<320000xi32, #tpu.memory_space<hbm>> -> memref<80xi32, #tpu.memory_space<hbm>>
    %dma_wait3A_163 = tpu.memref_slice %arg3[%add3A_161] : memref<320000xi32, #tpu.memory_space<hbm>> -> memref<80xi32, #tpu.memory_space<hbm>>
    tpu.wait_dma2 semaphore(%arg30 : memref<!tpu.dma_semaphore, #tpu.memory_space<semaphore_mem>>) src(%dma_wait3A_163 : memref<80xi32, #tpu.memory_space<hbm>>) dst(%arg12 : memref<80xi32, #tpu.memory_space<vmem>>)
    %dma_wait3A_164 = tpu.memref_slice %arg4[%add3A_161] : memref<320000xi32, #tpu.memory_space<hbm>> -> memref<80xi32, #tpu.memory_space<hbm>>
    %dma_wait3A_165 = tpu.memref_slice %arg4[%add3A_161] : memref<320000xi32, #tpu.memory_space<hbm>> -> memref<80xi32, #tpu.memory_space<hbm>>
    tpu.wait_dma2 semaphore(%arg30 : memref<!tpu.dma_semaphore, #tpu.memory_space<semaphore_mem>>) src(%dma_wait3A_165 : memref<80xi32, #tpu.memory_space<hbm>>) dst(%arg20 : memref<80xi32, #tpu.memory_space<vmem>>)
    %dma_start3A_166 = arith.constant 0 : i32
    %dma_start3A_167 = arith.constant 0 : i32
    %dma_start3A_168 = tpu.memref_slice %arg2[%dma_start3A_166, %dma_start3A_167] : memref<10000x128xf32, #tpu.memory_space<hbm>> -> memref<10000x128xf32, #tpu.memory_space<hbm>>
    tpu.enqueue_indirect_dma source(%dma_start3A_168 : memref<10000x128xf32, #tpu.memory_space<hbm>>) target(%arg23 : memref<80x128xf32, #tpu.memory_space<vmem>>) offsets(%arg11 : memref<80xi32, #tpu.memory_space<vmem>>) semaphore(%arg32 : memref<!tpu.dma_semaphore, #tpu.memory_space<semaphore_mem>>)
    %dma_start3A_169 = arith.constant 0 : i32
    %dma_start3A_170 = arith.constant 0 : i32
    %dma_start3A_171 = tpu.memref_slice %arg2[%dma_start3A_169, %dma_start3A_170] : memref<10000x128xf32, #tpu.memory_space<hbm>> -> memref<10000x128xf32, #tpu.memory_space<hbm>>
    tpu.enqueue_indirect_dma source(%dma_start3A_171 : memref<10000x128xf32, #tpu.memory_space<hbm>>) target(%arg24 : memref<80x128xf32, #tpu.memory_space<vmem>>) offsets(%arg12 : memref<80xi32, #tpu.memory_space<vmem>>) semaphore(%arg32 : memref<!tpu.dma_semaphore, #tpu.memory_space<semaphore_mem>>)
    %dma_wait3A_172 = arith.constant 0 : i32
    %dma_wait3A_173 = arith.constant 0 : i32
    %dma_wait3A_174 = tpu.memref_slice %arg2[%dma_wait3A_172, %dma_wait3A_173] : memref<10000x128xf32, #tpu.memory_space<hbm>> -> memref<10000x128xf32, #tpu.memory_space<hbm>>
    tpu.wait_indirect_dma semaphore(%arg32 : memref<!tpu.dma_semaphore, #tpu.memory_space<semaphore_mem>>) src(%dma_wait3A_174 : memref<10000x128xf32, #tpu.memory_space<hbm>>) dst(%arg23 : memref<80x128xf32, #tpu.memory_space<vmem>>)
    %dma_wait3A_175 = arith.constant 0 : i32
    %dma_wait3A_176 = arith.constant 0 : i32
    %dma_wait3A_177 = tpu.memref_slice %arg2[%dma_wait3A_175, %dma_wait3A_176] : memref<10000x128xf32, #tpu.memory_space<hbm>> -> memref<10000x128xf32, #tpu.memory_space<hbm>>
    tpu.wait_indirect_dma semaphore(%arg32 : memref<!tpu.dma_semaphore, #tpu.memory_space<semaphore_mem>>) src(%dma_wait3A_177 : memref<10000x128xf32, #tpu.memory_space<hbm>>) dst(%arg24 : memref<80x128xf32, #tpu.memory_space<vmem>>)
    %dma_start3A_178 = arith.constant 0 : i32
    %dma_start3A_179 = arith.constant 0 : i32
    %dma_start3A_180 = tpu.memref_slice %arg27[%dma_start3A_178, %dma_start3A_179] : memref<10240x128xf32, #tpu.memory_space<vmem_shared>> -> memref<10240x128xf32, #tpu.memory_space<vmem_shared>>
    tpu.enqueue_indirect_dma source(%arg23 : memref<80x128xf32, #tpu.memory_space<vmem>>) target(%dma_start3A_180 : memref<10240x128xf32, #tpu.memory_space<vmem_shared>>) offsets(%arg19 : memref<80xi32, #tpu.memory_space<vmem>>) semaphore(%arg33 : memref<!tpu.dma_semaphore, #tpu.memory_space<semaphore_mem>>) {add = true}
    %dma_start3A_181 = arith.constant 0 : i32
    %dma_start3A_182 = arith.constant 0 : i32
    %dma_start3A_183 = tpu.memref_slice %arg27[%dma_start3A_181, %dma_start3A_182] : memref<10240x128xf32, #tpu.memory_space<vmem_shared>> -> memref<10240x128xf32, #tpu.memory_space<vmem_shared>>
    tpu.enqueue_indirect_dma source(%arg24 : memref<80x128xf32, #tpu.memory_space<vmem>>) target(%dma_start3A_183 : memref<10240x128xf32, #tpu.memory_space<vmem_shared>>) offsets(%arg20 : memref<80xi32, #tpu.memory_space<vmem>>) semaphore(%arg33 : memref<!tpu.dma_semaphore, #tpu.memory_space<semaphore_mem>>) {add = true}
    %dma_wait3A_184 = arith.constant 0 : i32
    %dma_wait3A_185 = arith.constant 0 : i32
    %dma_wait3A_186 = tpu.memref_slice %arg27[%dma_wait3A_184, %dma_wait3A_185] : memref<10240x128xf32, #tpu.memory_space<vmem_shared>> -> memref<10240x128xf32, #tpu.memory_space<vmem_shared>>
    tpu.wait_indirect_dma semaphore(%arg34 : memref<!tpu.dma_semaphore, #tpu.memory_space<semaphore_mem>>) src(%arg25 : memref<80x128xf32, #tpu.memory_space<vmem>>) dst(%dma_wait3A_186 : memref<10240x128xf32, #tpu.memory_space<vmem_shared>>)
    %dma_wait3A_187 = arith.constant 0 : i32
    %dma_wait3A_188 = arith.constant 0 : i32
    %dma_wait3A_189 = tpu.memref_slice %arg27[%dma_wait3A_187, %dma_wait3A_188] : memref<10240x128xf32, #tpu.memory_space<vmem_shared>> -> memref<10240x128xf32, #tpu.memory_space<vmem_shared>>
    tpu.wait_indirect_dma semaphore(%arg34 : memref<!tpu.dma_semaphore, #tpu.memory_space<semaphore_mem>>) src(%arg26 : memref<80x128xf32, #tpu.memory_space<vmem>>) dst(%dma_wait3A_189 : memref<10240x128xf32, #tpu.memory_space<vmem_shared>>)
    %add3A_190 = arith.constant 9760 : i32
    %add3A_191 = arith.addi %mul3A_2, %add3A_190 : i32
    %add3A_192 = arith.constant 0 : i32
    %add3A_193 = arith.addi %add3A_191, %add3A_192 : i32
    %dma_start3A_194 = tpu.memref_slice %arg3[%add3A_193] : memref<320000xi32, #tpu.memory_space<hbm>> -> memref<80xi32, #tpu.memory_space<hbm>>
    %dma_start3A_195 = tpu.memref_slice %arg3[%add3A_193] : memref<320000xi32, #tpu.memory_space<hbm>> -> memref<80xi32, #tpu.memory_space<hbm>>
    tpu.enqueue_dma source(%dma_start3A_195 : memref<80xi32, #tpu.memory_space<hbm>>) target(%arg9 : memref<80xi32, #tpu.memory_space<vmem>>) target_semaphore(%arg29 : memref<!tpu.dma_semaphore, #tpu.memory_space<semaphore_mem>>)
    %dma_start3A_196 = tpu.memref_slice %arg4[%add3A_193] : memref<320000xi32, #tpu.memory_space<hbm>> -> memref<80xi32, #tpu.memory_space<hbm>>
    %dma_start3A_197 = tpu.memref_slice %arg4[%add3A_193] : memref<320000xi32, #tpu.memory_space<hbm>> -> memref<80xi32, #tpu.memory_space<hbm>>
    tpu.enqueue_dma source(%dma_start3A_197 : memref<80xi32, #tpu.memory_space<hbm>>) target(%arg17 : memref<80xi32, #tpu.memory_space<vmem>>) target_semaphore(%arg29 : memref<!tpu.dma_semaphore, #tpu.memory_space<semaphore_mem>>)
    %add3A_198 = arith.constant 80 : i32
    %add3A_199 = arith.addi %add3A_191, %add3A_198 : i32
    %dma_start3A_200 = tpu.memref_slice %arg3[%add3A_199] : memref<320000xi32, #tpu.memory_space<hbm>> -> memref<80xi32, #tpu.memory_space<hbm>>
    %dma_start3A_201 = tpu.memref_slice %arg3[%add3A_199] : memref<320000xi32, #tpu.memory_space<hbm>> -> memref<80xi32, #tpu.memory_space<hbm>>
    tpu.enqueue_dma source(%dma_start3A_201 : memref<80xi32, #tpu.memory_space<hbm>>) target(%arg10 : memref<80xi32, #tpu.memory_space<vmem>>) target_semaphore(%arg29 : memref<!tpu.dma_semaphore, #tpu.memory_space<semaphore_mem>>)
    %dma_start3A_202 = tpu.memref_slice %arg4[%add3A_199] : memref<320000xi32, #tpu.memory_space<hbm>> -> memref<80xi32, #tpu.memory_space<hbm>>
    %dma_start3A_203 = tpu.memref_slice %arg4[%add3A_199] : memref<320000xi32, #tpu.memory_space<hbm>> -> memref<80xi32, #tpu.memory_space<hbm>>
    tpu.enqueue_dma source(%dma_start3A_203 : memref<80xi32, #tpu.memory_space<hbm>>) target(%arg18 : memref<80xi32, #tpu.memory_space<vmem>>) target_semaphore(%arg29 : memref<!tpu.dma_semaphore, #tpu.memory_space<semaphore_mem>>)
    %add3A_204 = arith.constant 9440 : i32
    %add3A_205 = arith.addi %mul3A_2, %add3A_204 : i32
    %add3A_206 = arith.constant 0 : i32
    %add3A_207 = arith.addi %add3A_205, %add3A_206 : i32
    %dma_wait3A_208 = tpu.memref_slice %arg3[%add3A_207] : memref<320000xi32, #tpu.memory_space<hbm>> -> memref<80xi32, #tpu.memory_space<hbm>>
    %dma_wait3A_209 = tpu.memref_slice %arg3[%add3A_207] : memref<320000xi32, #tpu.memory_space<hbm>> -> memref<80xi32, #tpu.memory_space<hbm>>
    tpu.wait_dma2 semaphore(%arg31 : memref<!tpu.dma_semaphore, #tpu.memory_space<semaphore_mem>>) src(%dma_wait3A_209 : memref<80xi32, #tpu.memory_space<hbm>>) dst(%arg13 : memref<80xi32, #tpu.memory_space<vmem>>)
    %dma_wait3A_210 = tpu.memref_slice %arg4[%add3A_207] : memref<320000xi32, #tpu.memory_space<hbm>> -> memref<80xi32, #tpu.memory_space<hbm>>
    %dma_wait3A_211 = tpu.memref_slice %arg4[%add3A_207] : memref<320000xi32, #tpu.memory_space<hbm>> -> memref<80xi32, #tpu.memory_space<hbm>>
    tpu.wait_dma2 semaphore(%arg31 : memref<!tpu.dma_semaphore, #tpu.memory_space<semaphore_mem>>) src(%dma_wait3A_211 : memref<80xi32, #tpu.memory_space<hbm>>) dst(%arg21 : memref<80xi32, #tpu.memory_space<vmem>>)
    %add3A_212 = arith.constant 80 : i32
    %add3A_213 = arith.addi %add3A_205, %add3A_212 : i32
    %dma_wait3A_214 = tpu.memref_slice %arg3[%add3A_213] : memref<320000xi32, #tpu.memory_space<hbm>> -> memref<80xi32, #tpu.memory_space<hbm>>
    %dma_wait3A_215 = tpu.memref_slice %arg3[%add3A_213] : memref<320000xi32, #tpu.memory_space<hbm>> -> memref<80xi32, #tpu.memory_space<hbm>>
    tpu.wait_dma2 semaphore(%arg31 : memref<!tpu.dma_semaphore, #tpu.memory_space<semaphore_mem>>) src(%dma_wait3A_215 : memref<80xi32, #tpu.memory_space<hbm>>) dst(%arg14 : memref<80xi32, #tpu.memory_space<vmem>>)
    %dma_wait3A_216 = tpu.memref_slice %arg4[%add3A_213] : memref<320000xi32, #tpu.memory_space<hbm>> -> memref<80xi32, #tpu.memory_space<hbm>>
    %dma_wait3A_217 = tpu.memref_slice %arg4[%add3A_213] : memref<320000xi32, #tpu.memory_space<hbm>> -> memref<80xi32, #tpu.memory_space<hbm>>
    tpu.wait_dma2 semaphore(%arg31 : memref<!tpu.dma_semaphore, #tpu.memory_space<semaphore_mem>>) src(%dma_wait3A_217 : memref<80xi32, #tpu.memory_space<hbm>>) dst(%arg22 : memref<80xi32, #tpu.memory_space<vmem>>)
    %dma_start3A_218 = arith.constant 0 : i32
    %dma_start3A_219 = arith.constant 0 : i32
    %dma_start3A_220 = tpu.memref_slice %arg2[%dma_start3A_218, %dma_start3A_219] : memref<10000x128xf32, #tpu.memory_space<hbm>> -> memref<10000x128xf32, #tpu.memory_space<hbm>>
    tpu.enqueue_indirect_dma source(%dma_start3A_220 : memref<10000x128xf32, #tpu.memory_space<hbm>>) target(%arg25 : memref<80x128xf32, #tpu.memory_space<vmem>>) offsets(%arg13 : memref<80xi32, #tpu.memory_space<vmem>>) semaphore(%arg32 : memref<!tpu.dma_semaphore, #tpu.memory_space<semaphore_mem>>)
    %dma_start3A_221 = arith.constant 0 : i32
    %dma_start3A_222 = arith.constant 0 : i32
    %dma_start3A_223 = tpu.memref_slice %arg2[%dma_start3A_221, %dma_start3A_222] : memref<10000x128xf32, #tpu.memory_space<hbm>> -> memref<10000x128xf32, #tpu.memory_space<hbm>>
    tpu.enqueue_indirect_dma source(%dma_start3A_223 : memref<10000x128xf32, #tpu.memory_space<hbm>>) target(%arg26 : memref<80x128xf32, #tpu.memory_space<vmem>>) offsets(%arg14 : memref<80xi32, #tpu.memory_space<vmem>>) semaphore(%arg32 : memref<!tpu.dma_semaphore, #tpu.memory_space<semaphore_mem>>)
    %dma_wait3A_224 = arith.constant 0 : i32
    %dma_wait3A_225 = arith.constant 0 : i32
    %dma_wait3A_226 = tpu.memref_slice %arg2[%dma_wait3A_224, %dma_wait3A_225] : memref<10000x128xf32, #tpu.memory_space<hbm>> -> memref<10000x128xf32, #tpu.memory_space<hbm>>
    tpu.wait_indirect_dma semaphore(%arg32 : memref<!tpu.dma_semaphore, #tpu.memory_space<semaphore_mem>>) src(%dma_wait3A_226 : memref<10000x128xf32, #tpu.memory_space<hbm>>) dst(%arg25 : memref<80x128xf32, #tpu.memory_space<vmem>>)
    %dma_wait3A_227 = arith.constant 0 : i32
    %dma_wait3A_228 = arith.constant 0 : i32
    %dma_wait3A_229 = tpu.memref_slice %arg2[%dma_wait3A_227, %dma_wait3A_228] : memref<10000x128xf32, #tpu.memory_space<hbm>> -> memref<10000x128xf32, #tpu.memory_space<hbm>>
    tpu.wait_indirect_dma semaphore(%arg32 : memref<!tpu.dma_semaphore, #tpu.memory_space<semaphore_mem>>) src(%dma_wait3A_229 : memref<10000x128xf32, #tpu.memory_space<hbm>>) dst(%arg26 : memref<80x128xf32, #tpu.memory_space<vmem>>)
    %dma_start3A_230 = arith.constant 0 : i32
    %dma_start3A_231 = arith.constant 0 : i32
    %dma_start3A_232 = tpu.memref_slice %arg27[%dma_start3A_230, %dma_start3A_231] : memref<10240x128xf32, #tpu.memory_space<vmem_shared>> -> memref<10240x128xf32, #tpu.memory_space<vmem_shared>>
    tpu.enqueue_indirect_dma source(%arg25 : memref<80x128xf32, #tpu.memory_space<vmem>>) target(%dma_start3A_232 : memref<10240x128xf32, #tpu.memory_space<vmem_shared>>) offsets(%arg21 : memref<80xi32, #tpu.memory_space<vmem>>) semaphore(%arg34 : memref<!tpu.dma_semaphore, #tpu.memory_space<semaphore_mem>>) {add = true}
    %dma_start3A_233 = arith.constant 0 : i32
    %dma_start3A_234 = arith.constant 0 : i32
    %dma_start3A_235 = tpu.memref_slice %arg27[%dma_start3A_233, %dma_start3A_234] : memref<10240x128xf32, #tpu.memory_space<vmem_shared>> -> memref<10240x128xf32, #tpu.memory_space<vmem_shared>>
    tpu.enqueue_indirect_dma source(%arg26 : memref<80x128xf32, #tpu.memory_space<vmem>>) target(%dma_start3A_235 : memref<10240x128xf32, #tpu.memory_space<vmem_shared>>) offsets(%arg22 : memref<80xi32, #tpu.memory_space<vmem>>) semaphore(%arg34 : memref<!tpu.dma_semaphore, #tpu.memory_space<semaphore_mem>>) {add = true}
    %dma_wait3A_236 = arith.constant 0 : i32
    %dma_wait3A_237 = arith.constant 0 : i32
    %dma_wait3A_238 = tpu.memref_slice %arg27[%dma_wait3A_236, %dma_wait3A_237] : memref<10240x128xf32, #tpu.memory_space<vmem_shared>> -> memref<10240x128xf32, #tpu.memory_space<vmem_shared>>
    tpu.wait_indirect_dma semaphore(%arg33 : memref<!tpu.dma_semaphore, #tpu.memory_space<semaphore_mem>>) src(%arg23 : memref<80x128xf32, #tpu.memory_space<vmem>>) dst(%dma_wait3A_238 : memref<10240x128xf32, #tpu.memory_space<vmem_shared>>)
    %dma_wait3A_239 = arith.constant 0 : i32
    %dma_wait3A_240 = arith.constant 0 : i32
    %dma_wait3A_241 = tpu.memref_slice %arg27[%dma_wait3A_239, %dma_wait3A_240] : memref<10240x128xf32, #tpu.memory_space<vmem_shared>> -> memref<10240x128xf32, #tpu.memory_space<vmem_shared>>
    tpu.wait_indirect_dma semaphore(%arg33 : memref<!tpu.dma_semaphore, #tpu.memory_space<semaphore_mem>>) src(%arg24 : memref<80x128xf32, #tpu.memory_space<vmem>>) dst(%dma_wait3A_241 : memref<10240x128xf32, #tpu.memory_space<vmem_shared>>)
    %add3A_242 = arith.constant 9600 : i32
    %add3A_243 = arith.addi %mul3A_2, %add3A_242 : i32
    %add3A_244 = arith.constant 0 : i32
    %add3A_245 = arith.addi %add3A_243, %add3A_244 : i32
    %dma_wait3A_246 = tpu.memref_slice %arg3[%add3A_245] : memref<320000xi32, #tpu.memory_space<hbm>> -> memref<80xi32, #tpu.memory_space<hbm>>
    %dma_wait3A_247 = tpu.memref_slice %arg3[%add3A_245] : memref<320000xi32, #tpu.memory_space<hbm>> -> memref<80xi32, #tpu.memory_space<hbm>>
    tpu.wait_dma2 semaphore(%arg28 : memref<!tpu.dma_semaphore, #tpu.memory_space<semaphore_mem>>) src(%dma_wait3A_247 : memref<80xi32, #tpu.memory_space<hbm>>) dst(%arg7 : memref<80xi32, #tpu.memory_space<vmem>>)
    %dma_wait3A_248 = tpu.memref_slice %arg4[%add3A_245] : memref<320000xi32, #tpu.memory_space<hbm>> -> memref<80xi32, #tpu.memory_space<hbm>>
    %dma_wait3A_249 = tpu.memref_slice %arg4[%add3A_245] : memref<320000xi32, #tpu.memory_space<hbm>> -> memref<80xi32, #tpu.memory_space<hbm>>
    tpu.wait_dma2 semaphore(%arg28 : memref<!tpu.dma_semaphore, #tpu.memory_space<semaphore_mem>>) src(%dma_wait3A_249 : memref<80xi32, #tpu.memory_space<hbm>>) dst(%arg15 : memref<80xi32, #tpu.memory_space<vmem>>)
    %add3A_250 = arith.constant 80 : i32
    %add3A_251 = arith.addi %add3A_243, %add3A_250 : i32
    %dma_wait3A_252 = tpu.memref_slice %arg3[%add3A_251] : memref<320000xi32, #tpu.memory_space<hbm>> -> memref<80xi32, #tpu.memory_space<hbm>>
    %dma_wait3A_253 = tpu.memref_slice %arg3[%add3A_251] : memref<320000xi32, #tpu.memory_space<hbm>> -> memref<80xi32, #tpu.memory_space<hbm>>
    tpu.wait_dma2 semaphore(%arg28 : memref<!tpu.dma_semaphore, #tpu.memory_space<semaphore_mem>>) src(%dma_wait3A_253 : memref<80xi32, #tpu.memory_space<hbm>>) dst(%arg8 : memref<80xi32, #tpu.memory_space<vmem>>)
    %dma_wait3A_254 = tpu.memref_slice %arg4[%add3A_251] : memref<320000xi32, #tpu.memory_space<hbm>> -> memref<80xi32, #tpu.memory_space<hbm>>
    %dma_wait3A_255 = tpu.memref_slice %arg4[%add3A_251] : memref<320000xi32, #tpu.memory_space<hbm>> -> memref<80xi32, #tpu.memory_space<hbm>>
    tpu.wait_dma2 semaphore(%arg28 : memref<!tpu.dma_semaphore, #tpu.memory_space<semaphore_mem>>) src(%dma_wait3A_255 : memref<80xi32, #tpu.memory_space<hbm>>) dst(%arg16 : memref<80xi32, #tpu.memory_space<vmem>>)
    %dma_start3A_256 = arith.constant 0 : i32
    %dma_start3A_257 = arith.constant 0 : i32
    %dma_start3A_258 = tpu.memref_slice %arg2[%dma_start3A_256, %dma_start3A_257] : memref<10000x128xf32, #tpu.memory_space<hbm>> -> memref<10000x128xf32, #tpu.memory_space<hbm>>
    tpu.enqueue_indirect_dma source(%dma_start3A_258 : memref<10000x128xf32, #tpu.memory_space<hbm>>) target(%arg23 : memref<80x128xf32, #tpu.memory_space<vmem>>) offsets(%arg7 : memref<80xi32, #tpu.memory_space<vmem>>) semaphore(%arg32 : memref<!tpu.dma_semaphore, #tpu.memory_space<semaphore_mem>>)
    %dma_start3A_259 = arith.constant 0 : i32
    %dma_start3A_260 = arith.constant 0 : i32
    %dma_start3A_261 = tpu.memref_slice %arg2[%dma_start3A_259, %dma_start3A_260] : memref<10000x128xf32, #tpu.memory_space<hbm>> -> memref<10000x128xf32, #tpu.memory_space<hbm>>
    tpu.enqueue_indirect_dma source(%dma_start3A_261 : memref<10000x128xf32, #tpu.memory_space<hbm>>) target(%arg24 : memref<80x128xf32, #tpu.memory_space<vmem>>) offsets(%arg8 : memref<80xi32, #tpu.memory_space<vmem>>) semaphore(%arg32 : memref<!tpu.dma_semaphore, #tpu.memory_space<semaphore_mem>>)
    %dma_wait3A_262 = arith.constant 0 : i32
    %dma_wait3A_263 = arith.constant 0 : i32
    %dma_wait3A_264 = tpu.memref_slice %arg2[%dma_wait3A_262, %dma_wait3A_263] : memref<10000x128xf32, #tpu.memory_space<hbm>> -> memref<10000x128xf32, #tpu.memory_space<hbm>>
    tpu.wait_indirect_dma semaphore(%arg32 : memref<!tpu.dma_semaphore, #tpu.memory_space<semaphore_mem>>) src(%dma_wait3A_264 : memref<10000x128xf32, #tpu.memory_space<hbm>>) dst(%arg23 : memref<80x128xf32, #tpu.memory_space<vmem>>)
    %dma_wait3A_265 = arith.constant 0 : i32
    %dma_wait3A_266 = arith.constant 0 : i32
    %dma_wait3A_267 = tpu.memref_slice %arg2[%dma_wait3A_265, %dma_wait3A_266] : memref<10000x128xf32, #tpu.memory_space<hbm>> -> memref<10000x128xf32, #tpu.memory_space<hbm>>
    tpu.wait_indirect_dma semaphore(%arg32 : memref<!tpu.dma_semaphore, #tpu.memory_space<semaphore_mem>>) src(%dma_wait3A_267 : memref<10000x128xf32, #tpu.memory_space<hbm>>) dst(%arg24 : memref<80x128xf32, #tpu.memory_space<vmem>>)
    %dma_start3A_268 = arith.constant 0 : i32
    %dma_start3A_269 = arith.constant 0 : i32
    %dma_start3A_270 = tpu.memref_slice %arg27[%dma_start3A_268, %dma_start3A_269] : memref<10240x128xf32, #tpu.memory_space<vmem_shared>> -> memref<10240x128xf32, #tpu.memory_space<vmem_shared>>
    tpu.enqueue_indirect_dma source(%arg23 : memref<80x128xf32, #tpu.memory_space<vmem>>) target(%dma_start3A_270 : memref<10240x128xf32, #tpu.memory_space<vmem_shared>>) offsets(%arg15 : memref<80xi32, #tpu.memory_space<vmem>>) semaphore(%arg33 : memref<!tpu.dma_semaphore, #tpu.memory_space<semaphore_mem>>) {add = true}
    %dma_start3A_271 = arith.constant 0 : i32
    %dma_start3A_272 = arith.constant 0 : i32
    %dma_start3A_273 = tpu.memref_slice %arg27[%dma_start3A_271, %dma_start3A_272] : memref<10240x128xf32, #tpu.memory_space<vmem_shared>> -> memref<10240x128xf32, #tpu.memory_space<vmem_shared>>
    tpu.enqueue_indirect_dma source(%arg24 : memref<80x128xf32, #tpu.memory_space<vmem>>) target(%dma_start3A_273 : memref<10240x128xf32, #tpu.memory_space<vmem_shared>>) offsets(%arg16 : memref<80xi32, #tpu.memory_space<vmem>>) semaphore(%arg33 : memref<!tpu.dma_semaphore, #tpu.memory_space<semaphore_mem>>) {add = true}
    %dma_wait3A_274 = arith.constant 0 : i32
    %dma_wait3A_275 = arith.constant 0 : i32
    %dma_wait3A_276 = tpu.memref_slice %arg27[%dma_wait3A_274, %dma_wait3A_275] : memref<10240x128xf32, #tpu.memory_space<vmem_shared>> -> memref<10240x128xf32, #tpu.memory_space<vmem_shared>>
    tpu.wait_indirect_dma semaphore(%arg34 : memref<!tpu.dma_semaphore, #tpu.memory_space<semaphore_mem>>) src(%arg25 : memref<80x128xf32, #tpu.memory_space<vmem>>) dst(%dma_wait3A_276 : memref<10240x128xf32, #tpu.memory_space<vmem_shared>>)
    %dma_wait3A_277 = arith.constant 0 : i32
    %dma_wait3A_278 = arith.constant 0 : i32
    %dma_wait3A_279 = tpu.memref_slice %arg27[%dma_wait3A_277, %dma_wait3A_278] : memref<10240x128xf32, #tpu.memory_space<vmem_shared>> -> memref<10240x128xf32, #tpu.memory_space<vmem_shared>>
    tpu.wait_indirect_dma semaphore(%arg34 : memref<!tpu.dma_semaphore, #tpu.memory_space<semaphore_mem>>) src(%arg26 : memref<80x128xf32, #tpu.memory_space<vmem>>) dst(%dma_wait3A_279 : memref<10240x128xf32, #tpu.memory_space<vmem_shared>>)
    %add3A_280 = arith.constant 9760 : i32
    %add3A_281 = arith.addi %mul3A_2, %add3A_280 : i32
    %add3A_282 = arith.constant 0 : i32
    %add3A_283 = arith.addi %add3A_281, %add3A_282 : i32
    %dma_wait3A_284 = tpu.memref_slice %arg3[%add3A_283] : memref<320000xi32, #tpu.memory_space<hbm>> -> memref<80xi32, #tpu.memory_space<hbm>>
    %dma_wait3A_285 = tpu.memref_slice %arg3[%add3A_283] : memref<320000xi32, #tpu.memory_space<hbm>> -> memref<80xi32, #tpu.memory_space<hbm>>
    tpu.wait_dma2 semaphore(%arg29 : memref<!tpu.dma_semaphore, #tpu.memory_space<semaphore_mem>>) src(%dma_wait3A_285 : memref<80xi32, #tpu.memory_space<hbm>>) dst(%arg9 : memref<80xi32, #tpu.memory_space<vmem>>)
    %dma_wait3A_286 = tpu.memref_slice %arg4[%add3A_283] : memref<320000xi32, #tpu.memory_space<hbm>> -> memref<80xi32, #tpu.memory_space<hbm>>
    %dma_wait3A_287 = tpu.memref_slice %arg4[%add3A_283] : memref<320000xi32, #tpu.memory_space<hbm>> -> memref<80xi32, #tpu.memory_space<hbm>>
    tpu.wait_dma2 semaphore(%arg29 : memref<!tpu.dma_semaphore, #tpu.memory_space<semaphore_mem>>) src(%dma_wait3A_287 : memref<80xi32, #tpu.memory_space<hbm>>) dst(%arg17 : memref<80xi32, #tpu.memory_space<vmem>>)
    %add3A_288 = arith.constant 80 : i32
    %add3A_289 = arith.addi %add3A_281, %add3A_288 : i32
    %dma_wait3A_290 = tpu.memref_slice %arg3[%add3A_289] : memref<320000xi32, #tpu.memory_space<hbm>> -> memref<80xi32, #tpu.memory_space<hbm>>
    %dma_wait3A_291 = tpu.memref_slice %arg3[%add3A_289] : memref<320000xi32, #tpu.memory_space<hbm>> -> memref<80xi32, #tpu.memory_space<hbm>>
    tpu.wait_dma2 semaphore(%arg29 : memref<!tpu.dma_semaphore, #tpu.memory_space<semaphore_mem>>) src(%dma_wait3A_291 : memref<80xi32, #tpu.memory_space<hbm>>) dst(%arg10 : memref<80xi32, #tpu.memory_space<vmem>>)
    %dma_wait3A_292 = tpu.memref_slice %arg4[%add3A_289] : memref<320000xi32, #tpu.memory_space<hbm>> -> memref<80xi32, #tpu.memory_space<hbm>>
    %dma_wait3A_293 = tpu.memref_slice %arg4[%add3A_289] : memref<320000xi32, #tpu.memory_space<hbm>> -> memref<80xi32, #tpu.memory_space<hbm>>
    tpu.wait_dma2 semaphore(%arg29 : memref<!tpu.dma_semaphore, #tpu.memory_space<semaphore_mem>>) src(%dma_wait3A_293 : memref<80xi32, #tpu.memory_space<hbm>>) dst(%arg18 : memref<80xi32, #tpu.memory_space<vmem>>)
    %dma_start3A_294 = arith.constant 0 : i32
    %dma_start3A_295 = arith.constant 0 : i32
    %dma_start3A_296 = tpu.memref_slice %arg2[%dma_start3A_294, %dma_start3A_295] : memref<10000x128xf32, #tpu.memory_space<hbm>> -> memref<10000x128xf32, #tpu.memory_space<hbm>>
    tpu.enqueue_indirect_dma source(%dma_start3A_296 : memref<10000x128xf32, #tpu.memory_space<hbm>>) target(%arg25 : memref<80x128xf32, #tpu.memory_space<vmem>>) offsets(%arg9 : memref<80xi32, #tpu.memory_space<vmem>>) semaphore(%arg32 : memref<!tpu.dma_semaphore, #tpu.memory_space<semaphore_mem>>)
    %dma_start3A_297 = arith.constant 0 : i32
    %dma_start3A_298 = arith.constant 0 : i32
    %dma_start3A_299 = tpu.memref_slice %arg2[%dma_start3A_297, %dma_start3A_298] : memref<10000x128xf32, #tpu.memory_space<hbm>> -> memref<10000x128xf32, #tpu.memory_space<hbm>>
    tpu.enqueue_indirect_dma source(%dma_start3A_299 : memref<10000x128xf32, #tpu.memory_space<hbm>>) target(%arg26 : memref<80x128xf32, #tpu.memory_space<vmem>>) offsets(%arg10 : memref<80xi32, #tpu.memory_space<vmem>>) semaphore(%arg32 : memref<!tpu.dma_semaphore, #tpu.memory_space<semaphore_mem>>)
    %dma_wait3A_300 = arith.constant 0 : i32
    %dma_wait3A_301 = arith.constant 0 : i32
    %dma_wait3A_302 = tpu.memref_slice %arg2[%dma_wait3A_300, %dma_wait3A_301] : memref<10000x128xf32, #tpu.memory_space<hbm>> -> memref<10000x128xf32, #tpu.memory_space<hbm>>
    tpu.wait_indirect_dma semaphore(%arg32 : memref<!tpu.dma_semaphore, #tpu.memory_space<semaphore_mem>>) src(%dma_wait3A_302 : memref<10000x128xf32, #tpu.memory_space<hbm>>) dst(%arg25 : memref<80x128xf32, #tpu.memory_space<vmem>>)
    %dma_wait3A_303 = arith.constant 0 : i32
    %dma_wait3A_304 = arith.constant 0 : i32
    %dma_wait3A_305 = tpu.memref_slice %arg2[%dma_wait3A_303, %dma_wait3A_304] : memref<10000x128xf32, #tpu.memory_space<hbm>> -> memref<10000x128xf32, #tpu.memory_space<hbm>>
    tpu.wait_indirect_dma semaphore(%arg32 : memref<!tpu.dma_semaphore, #tpu.memory_space<semaphore_mem>>) src(%dma_wait3A_305 : memref<10000x128xf32, #tpu.memory_space<hbm>>) dst(%arg26 : memref<80x128xf32, #tpu.memory_space<vmem>>)
    %dma_start3A_306 = arith.constant 0 : i32
    %dma_start3A_307 = arith.constant 0 : i32
    %dma_start3A_308 = tpu.memref_slice %arg27[%dma_start3A_306, %dma_start3A_307] : memref<10240x128xf32, #tpu.memory_space<vmem_shared>> -> memref<10240x128xf32, #tpu.memory_space<vmem_shared>>
    tpu.enqueue_indirect_dma source(%arg25 : memref<80x128xf32, #tpu.memory_space<vmem>>) target(%dma_start3A_308 : memref<10240x128xf32, #tpu.memory_space<vmem_shared>>) offsets(%arg17 : memref<80xi32, #tpu.memory_space<vmem>>) semaphore(%arg34 : memref<!tpu.dma_semaphore, #tpu.memory_space<semaphore_mem>>) {add = true}
    %dma_start3A_309 = arith.constant 0 : i32
    %dma_start3A_310 = arith.constant 0 : i32
    %dma_start3A_311 = tpu.memref_slice %arg27[%dma_start3A_309, %dma_start3A_310] : memref<10240x128xf32, #tpu.memory_space<vmem_shared>> -> memref<10240x128xf32, #tpu.memory_space<vmem_shared>>
    tpu.enqueue_indirect_dma source(%arg26 : memref<80x128xf32, #tpu.memory_space<vmem>>) target(%dma_start3A_311 : memref<10240x128xf32, #tpu.memory_space<vmem_shared>>) offsets(%arg18 : memref<80xi32, #tpu.memory_space<vmem>>) semaphore(%arg34 : memref<!tpu.dma_semaphore, #tpu.memory_space<semaphore_mem>>) {add = true}
    %dma_wait3A_312 = arith.constant 0 : i32
    %dma_wait3A_313 = arith.constant 0 : i32
    %dma_wait3A_314 = tpu.memref_slice %arg27[%dma_wait3A_312, %dma_wait3A_313] : memref<10240x128xf32, #tpu.memory_space<vmem_shared>> -> memref<10240x128xf32, #tpu.memory_space<vmem_shared>>
    tpu.wait_indirect_dma semaphore(%arg33 : memref<!tpu.dma_semaphore, #tpu.memory_space<semaphore_mem>>) src(%arg23 : memref<80x128xf32, #tpu.memory_space<vmem>>) dst(%dma_wait3A_314 : memref<10240x128xf32, #tpu.memory_space<vmem_shared>>)
    %dma_wait3A_315 = arith.constant 0 : i32
    %dma_wait3A_316 = arith.constant 0 : i32
    %dma_wait3A_317 = tpu.memref_slice %arg27[%dma_wait3A_315, %dma_wait3A_316] : memref<10240x128xf32, #tpu.memory_space<vmem_shared>> -> memref<10240x128xf32, #tpu.memory_space<vmem_shared>>
    tpu.wait_indirect_dma semaphore(%arg33 : memref<!tpu.dma_semaphore, #tpu.memory_space<semaphore_mem>>) src(%arg24 : memref<80x128xf32, #tpu.memory_space<vmem>>) dst(%dma_wait3A_317 : memref<10240x128xf32, #tpu.memory_space<vmem_shared>>)
    %dma_wait3A_318 = arith.constant 0 : i32
    %dma_wait3A_319 = arith.constant 0 : i32
    %dma_wait3A_320 = tpu.memref_slice %arg27[%dma_wait3A_318, %dma_wait3A_319] : memref<10240x128xf32, #tpu.memory_space<vmem_shared>> -> memref<10240x128xf32, #tpu.memory_space<vmem_shared>>
    tpu.wait_indirect_dma semaphore(%arg34 : memref<!tpu.dma_semaphore, #tpu.memory_space<semaphore_mem>>) src(%arg25 : memref<80x128xf32, #tpu.memory_space<vmem>>) dst(%dma_wait3A_320 : memref<10240x128xf32, #tpu.memory_space<vmem_shared>>)
    %dma_wait3A_321 = arith.constant 0 : i32
    %dma_wait3A_322 = arith.constant 0 : i32
    %dma_wait3A_323 = tpu.memref_slice %arg27[%dma_wait3A_321, %dma_wait3A_322] : memref<10240x128xf32, #tpu.memory_space<vmem_shared>> -> memref<10240x128xf32, #tpu.memory_space<vmem_shared>>
    tpu.wait_indirect_dma semaphore(%arg34 : memref<!tpu.dma_semaphore, #tpu.memory_space<semaphore_mem>>) src(%arg26 : memref<80x128xf32, #tpu.memory_space<vmem>>) dst(%dma_wait3A_323 : memref<10240x128xf32, #tpu.memory_space<vmem_shared>>)
    %add3A_324 = arith.constant 9920 : i32
    %add3A_325 = arith.addi %mul3A_2, %add3A_324 : i32
    "tpu.region"() ({
      %run_scoped3A = tpu.sem_alloc : memref<!tpu.dma_semaphore, #tpu.memory_space<semaphore_mem>>
      %dma_start3A_333 = tpu.memref_slice %arg3[%add3A_325] : memref<320000xi32, #tpu.memory_space<hbm>> -> memref<80xi32, #tpu.memory_space<hbm>>
      %dma_start3A_334 = tpu.memref_slice %arg3[%add3A_325] : memref<320000xi32, #tpu.memory_space<hbm>> -> memref<80xi32, #tpu.memory_space<hbm>>
      tpu.enqueue_dma source(%dma_start3A_334 : memref<80xi32, #tpu.memory_space<hbm>>) target(%arg7 : memref<80xi32, #tpu.memory_space<vmem>>) target_semaphore(%run_scoped3A : memref<!tpu.dma_semaphore, #tpu.memory_space<semaphore_mem>>)
      %dma_wait3A_335 = tpu.memref_slice %arg3[%add3A_325] : memref<320000xi32, #tpu.memory_space<hbm>> -> memref<80xi32, #tpu.memory_space<hbm>>
      %dma_wait3A_336 = tpu.memref_slice %arg3[%add3A_325] : memref<320000xi32, #tpu.memory_space<hbm>> -> memref<80xi32, #tpu.memory_space<hbm>>
      tpu.wait_dma2 semaphore(%run_scoped3A : memref<!tpu.dma_semaphore, #tpu.memory_space<semaphore_mem>>) src(%dma_wait3A_336 : memref<80xi32, #tpu.memory_space<hbm>>) dst(%arg7 : memref<80xi32, #tpu.memory_space<vmem>>)
      tpu.yield
    }) : () -> ()
    %dma_start3A_326 = arith.constant 0 : i32
    %dma_start3A_327 = arith.constant 0 : i32
    %dma_start3A_328 = tpu.memref_slice %arg2[%dma_start3A_326, %dma_start3A_327] : memref<10000x128xf32, #tpu.memory_space<hbm>> -> memref<10000x128xf32, #tpu.memory_space<hbm>>
    tpu.enqueue_indirect_dma source(%dma_start3A_328 : memref<10000x128xf32, #tpu.memory_space<hbm>>) target(%arg23 : memref<80x128xf32, #tpu.memory_space<vmem>>) offsets(%arg7 : memref<80xi32, #tpu.memory_space<vmem>>) semaphore(%arg32 : memref<!tpu.dma_semaphore, #tpu.memory_space<semaphore_mem>>)
    %dma_wait3A_329 = arith.constant 0 : i32
    %dma_wait3A_330 = arith.constant 0 : i32
    %dma_wait3A_331 = tpu.memref_slice %arg2[%dma_wait3A_329, %dma_wait3A_330] : memref<10000x128xf32, #tpu.memory_space<hbm>> -> memref<10000x128xf32, #tpu.memory_space<hbm>>
    tpu.wait_indirect_dma semaphore(%arg32 : memref<!tpu.dma_semaphore, #tpu.memory_space<semaphore_mem>>) src(%dma_wait3A_331 : memref<10000x128xf32, #tpu.memory_space<hbm>>) dst(%arg23 : memref<80x128xf32, #tpu.memory_space<vmem>>)
    "tpu.region"() ({
      %run_scoped3A = tpu.sem_alloc : memref<!tpu.dma_semaphore, #tpu.memory_space<semaphore_mem>>
      %dma_start3A_333 = tpu.memref_slice %arg4[%add3A_325] : memref<320000xi32, #tpu.memory_space<hbm>> -> memref<80xi32, #tpu.memory_space<hbm>>
      %dma_start3A_334 = tpu.memref_slice %arg4[%add3A_325] : memref<320000xi32, #tpu.memory_space<hbm>> -> memref<80xi32, #tpu.memory_space<hbm>>
      tpu.enqueue_dma source(%dma_start3A_334 : memref<80xi32, #tpu.memory_space<hbm>>) target(%arg15 : memref<80xi32, #tpu.memory_space<vmem>>) target_semaphore(%run_scoped3A : memref<!tpu.dma_semaphore, #tpu.memory_space<semaphore_mem>>)
      %dma_wait3A_335 = tpu.memref_slice %arg4[%add3A_325] : memref<320000xi32, #tpu.memory_space<hbm>> -> memref<80xi32, #tpu.memory_space<hbm>>
      %dma_wait3A_336 = tpu.memref_slice %arg4[%add3A_325] : memref<320000xi32, #tpu.memory_space<hbm>> -> memref<80xi32, #tpu.memory_space<hbm>>
      tpu.wait_dma2 semaphore(%run_scoped3A : memref<!tpu.dma_semaphore, #tpu.memory_space<semaphore_mem>>) src(%dma_wait3A_336 : memref<80xi32, #tpu.memory_space<hbm>>) dst(%arg15 : memref<80xi32, #tpu.memory_space<vmem>>)
      tpu.yield
    }) : () -> ()
    "tpu.region"() ({
      %run_scoped3A = tpu.sem_alloc : memref<!tpu.dma_semaphore, #tpu.memory_space<semaphore_mem>>
      %dma_start3A_333 = arith.constant 0 : i32
      %dma_start3A_334 = arith.constant 0 : i32
      %dma_start3A_335 = tpu.memref_slice %arg27[%dma_start3A_333, %dma_start3A_334] : memref<10240x128xf32, #tpu.memory_space<vmem_shared>> -> memref<10240x128xf32, #tpu.memory_space<vmem_shared>>
      tpu.enqueue_indirect_dma source(%arg23 : memref<80x128xf32, #tpu.memory_space<vmem>>) target(%dma_start3A_335 : memref<10240x128xf32, #tpu.memory_space<vmem_shared>>) offsets(%arg15 : memref<80xi32, #tpu.memory_space<vmem>>) semaphore(%run_scoped3A : memref<!tpu.dma_semaphore, #tpu.memory_space<semaphore_mem>>) {add = true}
      %dma_wait3A_336 = arith.constant 0 : i32
      %dma_wait3A_337 = arith.constant 0 : i32
      %dma_wait3A_338 = tpu.memref_slice %arg27[%dma_wait3A_336, %dma_wait3A_337] : memref<10240x128xf32, #tpu.memory_space<vmem_shared>> -> memref<10240x128xf32, #tpu.memory_space<vmem_shared>>
      tpu.wait_indirect_dma semaphore(%run_scoped3A : memref<!tpu.dma_semaphore, #tpu.memory_space<semaphore_mem>>) src(%arg23 : memref<80x128xf32, #tpu.memory_space<vmem>>) dst(%dma_wait3A_338 : memref<10240x128xf32, #tpu.memory_space<vmem_shared>>)
      tpu.yield
    }) : () -> ()
    %barrier3A_332 = arith.constant 0 : index
    tpu.barrier barrier_id(%barrier3A_332)
    "tpu.region"() ({
      %run_scoped3A = tpu.sem_alloc : memref<!tpu.dma_semaphore, #tpu.memory_space<semaphore_mem>>
      %dma_start3A_333 = arith.constant 0 : i32
      %dma_start3A_334 = tpu.memref_slice %arg6[%arg0, %mul3A_4, %dma_start3A_333] : memref<2x10240x128xf32, #tpu.memory_space<hbm>> -> memref<1x640x128xf32, #tpu.memory_space<hbm>>
      %dma_start3A_335 = tpu.memref_squeeze %dma_start3A_334 : memref<1x640x128xf32, #tpu.memory_space<hbm>> -> memref<640x128xf32, #tpu.memory_space<hbm>>
      %dma_start3A_336 = arith.constant 0 : i32
      %dma_start3A_337 = tpu.memref_slice %arg27[%mul3A_4, %dma_start3A_336] : memref<10240x128xf32, #tpu.memory_space<vmem_shared>> -> memref<640x128xf32, #tpu.memory_space<vmem_shared>>
      tpu.enqueue_dma source(%dma_start3A_337 : memref<640x128xf32, #tpu.memory_space<vmem_shared>>) target(%dma_start3A_335 : memref<640x128xf32, #tpu.memory_space<hbm>>) target_semaphore(%run_scoped3A : memref<!tpu.dma_semaphore, #tpu.memory_space<semaphore_mem>>)
      %dma_wait3A_338 = arith.constant 0 : i32
      %dma_wait3A_339 = tpu.memref_slice %arg6[%arg0, %mul3A_4, %dma_wait3A_338] : memref<2x10240x128xf32, #tpu.memory_space<hbm>> -> memref<1x640x128xf32, #tpu.memory_space<hbm>>
      %dma_wait3A_340 = tpu.memref_squeeze %dma_wait3A_339 : memref<1x640x128xf32, #tpu.memory_space<hbm>> -> memref<640x128xf32, #tpu.memory_space<hbm>>
      %dma_wait3A_341 = arith.constant 0 : i32
      %dma_wait3A_342 = tpu.memref_slice %arg27[%mul3A_4, %dma_wait3A_341] : memref<10240x128xf32, #tpu.memory_space<vmem_shared>> -> memref<640x128xf32, #tpu.memory_space<vmem_shared>>
      tpu.wait_dma2 semaphore(%run_scoped3A : memref<!tpu.dma_semaphore, #tpu.memory_space<semaphore_mem>>) src(%dma_wait3A_342 : memref<640x128xf32, #tpu.memory_space<vmem_shared>>) dst(%dma_wait3A_340 : memref<640x128xf32, #tpu.memory_space<hbm>>)
      tpu.yield
    }) : () -> ()
    return
  }
}

#map = affine_map<(d0, d1) -> (0)>
#map1 = affine_map<(d0, d1) -> (0, 0, 0)>
#map2 = affine_map<(d0, d1) -> (0, 0)>
module attributes {stable_mosaic.version = 14 : i64} {
  func.func @_deg_kernel(%arg0: i32, %arg1: i32, %arg2: memref<320000xi32, #tpu.memory_space<hbm>>, %arg3: memref<320000xi32, #tpu.memory_space<hbm>>, %arg4: memref<2x80x128xf32, #tpu.memory_space<hbm>>, %arg5: memref<640x128xf32, #tpu.memory_space<hbm>>, %arg6: memref<2x10240x128xf32, #tpu.memory_space<hbm>>, %arg7: memref<80x128xf32, #tpu.memory_space<vmem>>, %arg8: memref<80x128xf32, #tpu.memory_space<vmem>>, %arg9: memref<80xi32, #tpu.memory_space<vmem>>, %arg10: memref<80xi32, #tpu.memory_space<vmem>>, %arg11: memref<80xi32, #tpu.memory_space<vmem>>, %arg12: memref<80xi32, #tpu.memory_space<vmem>>, %arg13: memref<80xi32, #tpu.memory_space<vmem>>, %arg14: memref<80xi32, #tpu.memory_space<vmem>>, %arg15: memref<80xi32, #tpu.memory_space<vmem>>, %arg16: memref<80xi32, #tpu.memory_space<vmem>>, %arg17: memref<80xi32, #tpu.memory_space<vmem>>, %arg18: memref<80xi32, #tpu.memory_space<vmem>>, %arg19: memref<80xi32, #tpu.memory_space<vmem>>, %arg20: memref<80xi32, #tpu.memory_space<vmem>>, %arg21: memref<80xi32, #tpu.memory_space<vmem>>, %arg22: memref<80xi32, #tpu.memory_space<vmem>>, %arg23: memref<80xi32, #tpu.memory_space<vmem>>, %arg24: memref<80xi32, #tpu.memory_space<vmem>>, %arg25: memref<10240x128xf32, #tpu.memory_space<vmem_shared>>, %arg26: memref<!tpu.dma_semaphore, #tpu.memory_space<semaphore_mem>>, %arg27: memref<!tpu.dma_semaphore, #tpu.memory_space<semaphore_mem>>, %arg28: memref<!tpu.dma_semaphore, #tpu.memory_space<semaphore_mem>>, %arg29: memref<!tpu.dma_semaphore, #tpu.memory_space<semaphore_mem>>, %arg30: memref<!tpu.dma_semaphore, #tpu.memory_space<semaphore_mem>>, %arg31: memref<!tpu.dma_semaphore, #tpu.memory_space<semaphore_mem>>, %arg32: memref<!tpu.dma_semaphore, #tpu.memory_space<semaphore_mem>>) attributes {dimension_semantics = [#tpu.dimension_semantics<core_parallel>, #tpu.dimension_semantics<subcore_parallel>], iteration_bounds = array<i64: 2, 16>, scalar_prefetch = 0 : i64, scratch_operands = 26 : i64, tpu.core_type = #tpu.core_type<sc_vector_subcore>, window_params = [{transform_indices = #map}, {transform_indices = #map}, {transform_indices = #map1}, {transform_indices = #map2}, {transform_indices = #map1}]} {
    %mul3A = arith.constant 2 : i32
    %mul3A_0 = arith.muli %arg1, %mul3A : i32
    %add3A = arith.addi %mul3A_0, %arg0 : i32
    %mul3A_1 = arith.constant 10000 : i32
    %mul3A_2 = arith.muli %add3A, %mul3A_1 : i32
    %mul3A_3 = arith.constant 640 : i32
    %mul3A_4 = arith.muli %arg1, %mul3A_3 : i32
    %dma_start3A = arith.constant 0 : i32
    %dma_start3A_5 = tpu.memref_slice %arg25[%mul3A_4, %dma_start3A] : memref<10240x128xf32, #tpu.memory_space<vmem_shared>> -> memref<640x128xf32, #tpu.memory_space<vmem_shared>>
    tpu.enqueue_dma source(%arg5 : memref<640x128xf32, #tpu.memory_space<hbm>>) target(%dma_start3A_5 : memref<640x128xf32, #tpu.memory_space<vmem_shared>>) target_semaphore(%arg32 : memref<!tpu.dma_semaphore, #tpu.memory_space<semaphore_mem>>)
    %run_scoped3A = arith.constant 0 : i32
    "tpu.region"() ({
      %run_scoped3A_328 = tpu.sem_alloc : memref<!tpu.dma_semaphore, #tpu.memory_space<semaphore_mem>>
      %dma_start3A_329 = arith.constant 0 : i32
      %dma_start3A_330 = arith.constant 0 : i32
      %dma_start3A_331 = tpu.memref_slice %arg4[%run_scoped3A, %dma_start3A_329, %dma_start3A_330] : memref<2x80x128xf32, #tpu.memory_space<hbm>> -> memref<1x80x128xf32, #tpu.memory_space<hbm>>
      %dma_start3A_332 = tpu.memref_squeeze %dma_start3A_331 : memref<1x80x128xf32, #tpu.memory_space<hbm>> -> memref<80x128xf32, #tpu.memory_space<hbm>>
      %dma_start3A_333 = arith.constant 0 : i32
      %dma_start3A_334 = arith.constant 0 : i32
      %dma_start3A_335 = tpu.memref_slice %arg4[%run_scoped3A, %dma_start3A_333, %dma_start3A_334] : memref<2x80x128xf32, #tpu.memory_space<hbm>> -> memref<1x80x128xf32, #tpu.memory_space<hbm>>
      %dma_start3A_336 = tpu.memref_squeeze %dma_start3A_335 : memref<1x80x128xf32, #tpu.memory_space<hbm>> -> memref<80x128xf32, #tpu.memory_space<hbm>>
      tpu.enqueue_dma source(%dma_start3A_336 : memref<80x128xf32, #tpu.memory_space<hbm>>) target(%arg7 : memref<80x128xf32, #tpu.memory_space<vmem>>) target_semaphore(%run_scoped3A_328 : memref<!tpu.dma_semaphore, #tpu.memory_space<semaphore_mem>>)
      %dma_wait3A_337 = arith.constant 0 : i32
      %dma_wait3A_338 = arith.constant 0 : i32
      %dma_wait3A_339 = tpu.memref_slice %arg4[%run_scoped3A, %dma_wait3A_337, %dma_wait3A_338] : memref<2x80x128xf32, #tpu.memory_space<hbm>> -> memref<1x80x128xf32, #tpu.memory_space<hbm>>
      %dma_wait3A_340 = tpu.memref_squeeze %dma_wait3A_339 : memref<1x80x128xf32, #tpu.memory_space<hbm>> -> memref<80x128xf32, #tpu.memory_space<hbm>>
      %dma_wait3A_341 = arith.constant 0 : i32
      %dma_wait3A_342 = arith.constant 0 : i32
      %dma_wait3A_343 = tpu.memref_slice %arg4[%run_scoped3A, %dma_wait3A_341, %dma_wait3A_342] : memref<2x80x128xf32, #tpu.memory_space<hbm>> -> memref<1x80x128xf32, #tpu.memory_space<hbm>>
      %dma_wait3A_344 = tpu.memref_squeeze %dma_wait3A_343 : memref<1x80x128xf32, #tpu.memory_space<hbm>> -> memref<80x128xf32, #tpu.memory_space<hbm>>
      tpu.wait_dma2 semaphore(%run_scoped3A_328 : memref<!tpu.dma_semaphore, #tpu.memory_space<semaphore_mem>>) src(%dma_wait3A_344 : memref<80x128xf32, #tpu.memory_space<hbm>>) dst(%arg7 : memref<80x128xf32, #tpu.memory_space<vmem>>)
      tpu.yield
    }) : () -> ()
    %run_scoped3A_6 = arith.constant 1 : i32
    "tpu.region"() ({
      %run_scoped3A_328 = tpu.sem_alloc : memref<!tpu.dma_semaphore, #tpu.memory_space<semaphore_mem>>
      %dma_start3A_329 = arith.constant 0 : i32
      %dma_start3A_330 = arith.constant 0 : i32
      %dma_start3A_331 = tpu.memref_slice %arg4[%run_scoped3A_6, %dma_start3A_329, %dma_start3A_330] : memref<2x80x128xf32, #tpu.memory_space<hbm>> -> memref<1x80x128xf32, #tpu.memory_space<hbm>>
      %dma_start3A_332 = tpu.memref_squeeze %dma_start3A_331 : memref<1x80x128xf32, #tpu.memory_space<hbm>> -> memref<80x128xf32, #tpu.memory_space<hbm>>
      %dma_start3A_333 = arith.constant 0 : i32
      %dma_start3A_334 = arith.constant 0 : i32
      %dma_start3A_335 = tpu.memref_slice %arg4[%run_scoped3A_6, %dma_start3A_333, %dma_start3A_334] : memref<2x80x128xf32, #tpu.memory_space<hbm>> -> memref<1x80x128xf32, #tpu.memory_space<hbm>>
      %dma_start3A_336 = tpu.memref_squeeze %dma_start3A_335 : memref<1x80x128xf32, #tpu.memory_space<hbm>> -> memref<80x128xf32, #tpu.memory_space<hbm>>
      tpu.enqueue_dma source(%dma_start3A_336 : memref<80x128xf32, #tpu.memory_space<hbm>>) target(%arg8 : memref<80x128xf32, #tpu.memory_space<vmem>>) target_semaphore(%run_scoped3A_328 : memref<!tpu.dma_semaphore, #tpu.memory_space<semaphore_mem>>)
      %dma_wait3A_337 = arith.constant 0 : i32
      %dma_wait3A_338 = arith.constant 0 : i32
      %dma_wait3A_339 = tpu.memref_slice %arg4[%run_scoped3A_6, %dma_wait3A_337, %dma_wait3A_338] : memref<2x80x128xf32, #tpu.memory_space<hbm>> -> memref<1x80x128xf32, #tpu.memory_space<hbm>>
      %dma_wait3A_340 = tpu.memref_squeeze %dma_wait3A_339 : memref<1x80x128xf32, #tpu.memory_space<hbm>> -> memref<80x128xf32, #tpu.memory_space<hbm>>
      %dma_wait3A_341 = arith.constant 0 : i32
      %dma_wait3A_342 = arith.constant 0 : i32
      %dma_wait3A_343 = tpu.memref_slice %arg4[%run_scoped3A_6, %dma_wait3A_341, %dma_wait3A_342] : memref<2x80x128xf32, #tpu.memory_space<hbm>> -> memref<1x80x128xf32, #tpu.memory_space<hbm>>
      %dma_wait3A_344 = tpu.memref_squeeze %dma_wait3A_343 : memref<1x80x128xf32, #tpu.memory_space<hbm>> -> memref<80x128xf32, #tpu.memory_space<hbm>>
      tpu.wait_dma2 semaphore(%run_scoped3A_328 : memref<!tpu.dma_semaphore, #tpu.memory_space<semaphore_mem>>) src(%dma_wait3A_344 : memref<80x128xf32, #tpu.memory_space<hbm>>) dst(%arg8 : memref<80x128xf32, #tpu.memory_space<vmem>>)
      tpu.yield
    }) : () -> ()
    %add3A_7 = arith.constant 0 : i32
    %add3A_8 = arith.addi %mul3A_2, %add3A_7 : i32
    %add3A_9 = arith.constant 0 : i32
    %add3A_10 = arith.addi %add3A_8, %add3A_9 : i32
    %dma_start3A_11 = tpu.memref_slice %arg2[%add3A_10] : memref<320000xi32, #tpu.memory_space<hbm>> -> memref<80xi32, #tpu.memory_space<hbm>>
    %dma_start3A_12 = tpu.memref_slice %arg2[%add3A_10] : memref<320000xi32, #tpu.memory_space<hbm>> -> memref<80xi32, #tpu.memory_space<hbm>>
    tpu.enqueue_dma source(%dma_start3A_12 : memref<80xi32, #tpu.memory_space<hbm>>) target(%arg9 : memref<80xi32, #tpu.memory_space<vmem>>) target_semaphore(%arg26 : memref<!tpu.dma_semaphore, #tpu.memory_space<semaphore_mem>>)
    %dma_start3A_13 = tpu.memref_slice %arg3[%add3A_10] : memref<320000xi32, #tpu.memory_space<hbm>> -> memref<80xi32, #tpu.memory_space<hbm>>
    %dma_start3A_14 = tpu.memref_slice %arg3[%add3A_10] : memref<320000xi32, #tpu.memory_space<hbm>> -> memref<80xi32, #tpu.memory_space<hbm>>
    tpu.enqueue_dma source(%dma_start3A_14 : memref<80xi32, #tpu.memory_space<hbm>>) target(%arg17 : memref<80xi32, #tpu.memory_space<vmem>>) target_semaphore(%arg26 : memref<!tpu.dma_semaphore, #tpu.memory_space<semaphore_mem>>)
    %add3A_15 = arith.constant 80 : i32
    %add3A_16 = arith.addi %add3A_8, %add3A_15 : i32
    %dma_start3A_17 = tpu.memref_slice %arg2[%add3A_16] : memref<320000xi32, #tpu.memory_space<hbm>> -> memref<80xi32, #tpu.memory_space<hbm>>
    %dma_start3A_18 = tpu.memref_slice %arg2[%add3A_16] : memref<320000xi32, #tpu.memory_space<hbm>> -> memref<80xi32, #tpu.memory_space<hbm>>
    tpu.enqueue_dma source(%dma_start3A_18 : memref<80xi32, #tpu.memory_space<hbm>>) target(%arg10 : memref<80xi32, #tpu.memory_space<vmem>>) target_semaphore(%arg26 : memref<!tpu.dma_semaphore, #tpu.memory_space<semaphore_mem>>)
    %dma_start3A_19 = tpu.memref_slice %arg3[%add3A_16] : memref<320000xi32, #tpu.memory_space<hbm>> -> memref<80xi32, #tpu.memory_space<hbm>>
    %dma_start3A_20 = tpu.memref_slice %arg3[%add3A_16] : memref<320000xi32, #tpu.memory_space<hbm>> -> memref<80xi32, #tpu.memory_space<hbm>>
    tpu.enqueue_dma source(%dma_start3A_20 : memref<80xi32, #tpu.memory_space<hbm>>) target(%arg18 : memref<80xi32, #tpu.memory_space<vmem>>) target_semaphore(%arg26 : memref<!tpu.dma_semaphore, #tpu.memory_space<semaphore_mem>>)
    %add3A_21 = arith.constant 160 : i32
    %add3A_22 = arith.addi %mul3A_2, %add3A_21 : i32
    %add3A_23 = arith.constant 0 : i32
    %add3A_24 = arith.addi %add3A_22, %add3A_23 : i32
    %dma_start3A_25 = tpu.memref_slice %arg2[%add3A_24] : memref<320000xi32, #tpu.memory_space<hbm>> -> memref<80xi32, #tpu.memory_space<hbm>>
    %dma_start3A_26 = tpu.memref_slice %arg2[%add3A_24] : memref<320000xi32, #tpu.memory_space<hbm>> -> memref<80xi32, #tpu.memory_space<hbm>>
    tpu.enqueue_dma source(%dma_start3A_26 : memref<80xi32, #tpu.memory_space<hbm>>) target(%arg11 : memref<80xi32, #tpu.memory_space<vmem>>) target_semaphore(%arg27 : memref<!tpu.dma_semaphore, #tpu.memory_space<semaphore_mem>>)
    %dma_start3A_27 = tpu.memref_slice %arg3[%add3A_24] : memref<320000xi32, #tpu.memory_space<hbm>> -> memref<80xi32, #tpu.memory_space<hbm>>
    %dma_start3A_28 = tpu.memref_slice %arg3[%add3A_24] : memref<320000xi32, #tpu.memory_space<hbm>> -> memref<80xi32, #tpu.memory_space<hbm>>
    tpu.enqueue_dma source(%dma_start3A_28 : memref<80xi32, #tpu.memory_space<hbm>>) target(%arg19 : memref<80xi32, #tpu.memory_space<vmem>>) target_semaphore(%arg27 : memref<!tpu.dma_semaphore, #tpu.memory_space<semaphore_mem>>)
    %add3A_29 = arith.constant 80 : i32
    %add3A_30 = arith.addi %add3A_22, %add3A_29 : i32
    %dma_start3A_31 = tpu.memref_slice %arg2[%add3A_30] : memref<320000xi32, #tpu.memory_space<hbm>> -> memref<80xi32, #tpu.memory_space<hbm>>
    %dma_start3A_32 = tpu.memref_slice %arg2[%add3A_30] : memref<320000xi32, #tpu.memory_space<hbm>> -> memref<80xi32, #tpu.memory_space<hbm>>
    tpu.enqueue_dma source(%dma_start3A_32 : memref<80xi32, #tpu.memory_space<hbm>>) target(%arg12 : memref<80xi32, #tpu.memory_space<vmem>>) target_semaphore(%arg27 : memref<!tpu.dma_semaphore, #tpu.memory_space<semaphore_mem>>)
    %dma_start3A_33 = tpu.memref_slice %arg3[%add3A_30] : memref<320000xi32, #tpu.memory_space<hbm>> -> memref<80xi32, #tpu.memory_space<hbm>>
    %dma_start3A_34 = tpu.memref_slice %arg3[%add3A_30] : memref<320000xi32, #tpu.memory_space<hbm>> -> memref<80xi32, #tpu.memory_space<hbm>>
    tpu.enqueue_dma source(%dma_start3A_34 : memref<80xi32, #tpu.memory_space<hbm>>) target(%arg20 : memref<80xi32, #tpu.memory_space<vmem>>) target_semaphore(%arg27 : memref<!tpu.dma_semaphore, #tpu.memory_space<semaphore_mem>>)
    %dma_wait3A = arith.constant 0 : i32
    %dma_wait3A_35 = tpu.memref_slice %arg25[%mul3A_4, %dma_wait3A] : memref<10240x128xf32, #tpu.memory_space<vmem_shared>> -> memref<640x128xf32, #tpu.memory_space<vmem_shared>>
    tpu.wait_dma2 semaphore(%arg32 : memref<!tpu.dma_semaphore, #tpu.memory_space<semaphore_mem>>) src(%arg5 : memref<640x128xf32, #tpu.memory_space<hbm>>) dst(%dma_wait3A_35 : memref<640x128xf32, #tpu.memory_space<vmem_shared>>)
    %barrier3A = arith.constant 0 : index
    tpu.barrier barrier_id(%barrier3A)
    %add3A_36 = arith.constant 0 : i32
    %add3A_37 = arith.addi %mul3A_2, %add3A_36 : i32
    %add3A_38 = arith.constant 0 : i32
    %add3A_39 = arith.addi %add3A_37, %add3A_38 : i32
    %dma_wait3A_40 = tpu.memref_slice %arg2[%add3A_39] : memref<320000xi32, #tpu.memory_space<hbm>> -> memref<80xi32, #tpu.memory_space<hbm>>
    %dma_wait3A_41 = tpu.memref_slice %arg2[%add3A_39] : memref<320000xi32, #tpu.memory_space<hbm>> -> memref<80xi32, #tpu.memory_space<hbm>>
    tpu.wait_dma2 semaphore(%arg26 : memref<!tpu.dma_semaphore, #tpu.memory_space<semaphore_mem>>) src(%dma_wait3A_41 : memref<80xi32, #tpu.memory_space<hbm>>) dst(%arg9 : memref<80xi32, #tpu.memory_space<vmem>>)
    %dma_wait3A_42 = tpu.memref_slice %arg3[%add3A_39] : memref<320000xi32, #tpu.memory_space<hbm>> -> memref<80xi32, #tpu.memory_space<hbm>>
    %dma_wait3A_43 = tpu.memref_slice %arg3[%add3A_39] : memref<320000xi32, #tpu.memory_space<hbm>> -> memref<80xi32, #tpu.memory_space<hbm>>
    tpu.wait_dma2 semaphore(%arg26 : memref<!tpu.dma_semaphore, #tpu.memory_space<semaphore_mem>>) src(%dma_wait3A_43 : memref<80xi32, #tpu.memory_space<hbm>>) dst(%arg17 : memref<80xi32, #tpu.memory_space<vmem>>)
    %add3A_44 = arith.constant 80 : i32
    %add3A_45 = arith.addi %add3A_37, %add3A_44 : i32
    %dma_wait3A_46 = tpu.memref_slice %arg2[%add3A_45] : memref<320000xi32, #tpu.memory_space<hbm>> -> memref<80xi32, #tpu.memory_space<hbm>>
    %dma_wait3A_47 = tpu.memref_slice %arg2[%add3A_45] : memref<320000xi32, #tpu.memory_space<hbm>> -> memref<80xi32, #tpu.memory_space<hbm>>
    tpu.wait_dma2 semaphore(%arg26 : memref<!tpu.dma_semaphore, #tpu.memory_space<semaphore_mem>>) src(%dma_wait3A_47 : memref<80xi32, #tpu.memory_space<hbm>>) dst(%arg10 : memref<80xi32, #tpu.memory_space<vmem>>)
    %dma_wait3A_48 = tpu.memref_slice %arg3[%add3A_45] : memref<320000xi32, #tpu.memory_space<hbm>> -> memref<80xi32, #tpu.memory_space<hbm>>
    %dma_wait3A_49 = tpu.memref_slice %arg3[%add3A_45] : memref<320000xi32, #tpu.memory_space<hbm>> -> memref<80xi32, #tpu.memory_space<hbm>>
    tpu.wait_dma2 semaphore(%arg26 : memref<!tpu.dma_semaphore, #tpu.memory_space<semaphore_mem>>) src(%dma_wait3A_49 : memref<80xi32, #tpu.memory_space<hbm>>) dst(%arg18 : memref<80xi32, #tpu.memory_space<vmem>>)
    %add3A_50 = arith.constant 320 : i32
    %add3A_51 = arith.addi %mul3A_2, %add3A_50 : i32
    %add3A_52 = arith.constant 0 : i32
    %add3A_53 = arith.addi %add3A_51, %add3A_52 : i32
    %dma_start3A_54 = tpu.memref_slice %arg2[%add3A_53] : memref<320000xi32, #tpu.memory_space<hbm>> -> memref<80xi32, #tpu.memory_space<hbm>>
    %dma_start3A_55 = tpu.memref_slice %arg2[%add3A_53] : memref<320000xi32, #tpu.memory_space<hbm>> -> memref<80xi32, #tpu.memory_space<hbm>>
    tpu.enqueue_dma source(%dma_start3A_55 : memref<80xi32, #tpu.memory_space<hbm>>) target(%arg13 : memref<80xi32, #tpu.memory_space<vmem>>) target_semaphore(%arg28 : memref<!tpu.dma_semaphore, #tpu.memory_space<semaphore_mem>>)
    %dma_start3A_56 = tpu.memref_slice %arg3[%add3A_53] : memref<320000xi32, #tpu.memory_space<hbm>> -> memref<80xi32, #tpu.memory_space<hbm>>
    %dma_start3A_57 = tpu.memref_slice %arg3[%add3A_53] : memref<320000xi32, #tpu.memory_space<hbm>> -> memref<80xi32, #tpu.memory_space<hbm>>
    tpu.enqueue_dma source(%dma_start3A_57 : memref<80xi32, #tpu.memory_space<hbm>>) target(%arg21 : memref<80xi32, #tpu.memory_space<vmem>>) target_semaphore(%arg28 : memref<!tpu.dma_semaphore, #tpu.memory_space<semaphore_mem>>)
    %add3A_58 = arith.constant 80 : i32
    %add3A_59 = arith.addi %add3A_51, %add3A_58 : i32
    %dma_start3A_60 = tpu.memref_slice %arg2[%add3A_59] : memref<320000xi32, #tpu.memory_space<hbm>> -> memref<80xi32, #tpu.memory_space<hbm>>
    %dma_start3A_61 = tpu.memref_slice %arg2[%add3A_59] : memref<320000xi32, #tpu.memory_space<hbm>> -> memref<80xi32, #tpu.memory_space<hbm>>
    tpu.enqueue_dma source(%dma_start3A_61 : memref<80xi32, #tpu.memory_space<hbm>>) target(%arg14 : memref<80xi32, #tpu.memory_space<vmem>>) target_semaphore(%arg28 : memref<!tpu.dma_semaphore, #tpu.memory_space<semaphore_mem>>)
    %dma_start3A_62 = tpu.memref_slice %arg3[%add3A_59] : memref<320000xi32, #tpu.memory_space<hbm>> -> memref<80xi32, #tpu.memory_space<hbm>>
    %dma_start3A_63 = tpu.memref_slice %arg3[%add3A_59] : memref<320000xi32, #tpu.memory_space<hbm>> -> memref<80xi32, #tpu.memory_space<hbm>>
    tpu.enqueue_dma source(%dma_start3A_63 : memref<80xi32, #tpu.memory_space<hbm>>) target(%arg22 : memref<80xi32, #tpu.memory_space<vmem>>) target_semaphore(%arg28 : memref<!tpu.dma_semaphore, #tpu.memory_space<semaphore_mem>>)
    %dma_start3A_64 = arith.constant 0 : i32
    %dma_start3A_65 = arith.constant 0 : i32
    %dma_start3A_66 = tpu.memref_slice %arg25[%dma_start3A_64, %dma_start3A_65] : memref<10240x128xf32, #tpu.memory_space<vmem_shared>> -> memref<10240x128xf32, #tpu.memory_space<vmem_shared>>
    tpu.enqueue_indirect_dma source(%arg7 : memref<80x128xf32, #tpu.memory_space<vmem>>) target(%dma_start3A_66 : memref<10240x128xf32, #tpu.memory_space<vmem_shared>>) offsets(%arg9 : memref<80xi32, #tpu.memory_space<vmem>>) semaphore(%arg30 : memref<!tpu.dma_semaphore, #tpu.memory_space<semaphore_mem>>) {add = true}
    %dma_start3A_67 = arith.constant 0 : i32
    %dma_start3A_68 = arith.constant 0 : i32
    %dma_start3A_69 = tpu.memref_slice %arg25[%dma_start3A_67, %dma_start3A_68] : memref<10240x128xf32, #tpu.memory_space<vmem_shared>> -> memref<10240x128xf32, #tpu.memory_space<vmem_shared>>
    tpu.enqueue_indirect_dma source(%arg8 : memref<80x128xf32, #tpu.memory_space<vmem>>) target(%dma_start3A_69 : memref<10240x128xf32, #tpu.memory_space<vmem_shared>>) offsets(%arg17 : memref<80xi32, #tpu.memory_space<vmem>>) semaphore(%arg30 : memref<!tpu.dma_semaphore, #tpu.memory_space<semaphore_mem>>) {add = true}
    %dma_start3A_70 = arith.constant 0 : i32
    %dma_start3A_71 = arith.constant 0 : i32
    %dma_start3A_72 = tpu.memref_slice %arg25[%dma_start3A_70, %dma_start3A_71] : memref<10240x128xf32, #tpu.memory_space<vmem_shared>> -> memref<10240x128xf32, #tpu.memory_space<vmem_shared>>
    tpu.enqueue_indirect_dma source(%arg7 : memref<80x128xf32, #tpu.memory_space<vmem>>) target(%dma_start3A_72 : memref<10240x128xf32, #tpu.memory_space<vmem_shared>>) offsets(%arg10 : memref<80xi32, #tpu.memory_space<vmem>>) semaphore(%arg30 : memref<!tpu.dma_semaphore, #tpu.memory_space<semaphore_mem>>) {add = true}
    %dma_start3A_73 = arith.constant 0 : i32
    %dma_start3A_74 = arith.constant 0 : i32
    %dma_start3A_75 = tpu.memref_slice %arg25[%dma_start3A_73, %dma_start3A_74] : memref<10240x128xf32, #tpu.memory_space<vmem_shared>> -> memref<10240x128xf32, #tpu.memory_space<vmem_shared>>
    tpu.enqueue_indirect_dma source(%arg8 : memref<80x128xf32, #tpu.memory_space<vmem>>) target(%dma_start3A_75 : memref<10240x128xf32, #tpu.memory_space<vmem_shared>>) offsets(%arg18 : memref<80xi32, #tpu.memory_space<vmem>>) semaphore(%arg30 : memref<!tpu.dma_semaphore, #tpu.memory_space<semaphore_mem>>) {add = true}
    %add3A_76 = arith.constant 160 : i32
    %add3A_77 = arith.addi %mul3A_2, %add3A_76 : i32
    %add3A_78 = arith.constant 0 : i32
    %add3A_79 = arith.addi %add3A_77, %add3A_78 : i32
    %dma_wait3A_80 = tpu.memref_slice %arg2[%add3A_79] : memref<320000xi32, #tpu.memory_space<hbm>> -> memref<80xi32, #tpu.memory_space<hbm>>
    %dma_wait3A_81 = tpu.memref_slice %arg2[%add3A_79] : memref<320000xi32, #tpu.memory_space<hbm>> -> memref<80xi32, #tpu.memory_space<hbm>>
    tpu.wait_dma2 semaphore(%arg27 : memref<!tpu.dma_semaphore, #tpu.memory_space<semaphore_mem>>) src(%dma_wait3A_81 : memref<80xi32, #tpu.memory_space<hbm>>) dst(%arg11 : memref<80xi32, #tpu.memory_space<vmem>>)
    %dma_wait3A_82 = tpu.memref_slice %arg3[%add3A_79] : memref<320000xi32, #tpu.memory_space<hbm>> -> memref<80xi32, #tpu.memory_space<hbm>>
    %dma_wait3A_83 = tpu.memref_slice %arg3[%add3A_79] : memref<320000xi32, #tpu.memory_space<hbm>> -> memref<80xi32, #tpu.memory_space<hbm>>
    tpu.wait_dma2 semaphore(%arg27 : memref<!tpu.dma_semaphore, #tpu.memory_space<semaphore_mem>>) src(%dma_wait3A_83 : memref<80xi32, #tpu.memory_space<hbm>>) dst(%arg19 : memref<80xi32, #tpu.memory_space<vmem>>)
    %add3A_84 = arith.constant 80 : i32
    %add3A_85 = arith.addi %add3A_77, %add3A_84 : i32
    %dma_wait3A_86 = tpu.memref_slice %arg2[%add3A_85] : memref<320000xi32, #tpu.memory_space<hbm>> -> memref<80xi32, #tpu.memory_space<hbm>>
    %dma_wait3A_87 = tpu.memref_slice %arg2[%add3A_85] : memref<320000xi32, #tpu.memory_space<hbm>> -> memref<80xi32, #tpu.memory_space<hbm>>
    tpu.wait_dma2 semaphore(%arg27 : memref<!tpu.dma_semaphore, #tpu.memory_space<semaphore_mem>>) src(%dma_wait3A_87 : memref<80xi32, #tpu.memory_space<hbm>>) dst(%arg12 : memref<80xi32, #tpu.memory_space<vmem>>)
    %dma_wait3A_88 = tpu.memref_slice %arg3[%add3A_85] : memref<320000xi32, #tpu.memory_space<hbm>> -> memref<80xi32, #tpu.memory_space<hbm>>
    %dma_wait3A_89 = tpu.memref_slice %arg3[%add3A_85] : memref<320000xi32, #tpu.memory_space<hbm>> -> memref<80xi32, #tpu.memory_space<hbm>>
    tpu.wait_dma2 semaphore(%arg27 : memref<!tpu.dma_semaphore, #tpu.memory_space<semaphore_mem>>) src(%dma_wait3A_89 : memref<80xi32, #tpu.memory_space<hbm>>) dst(%arg20 : memref<80xi32, #tpu.memory_space<vmem>>)
    %add3A_90 = arith.constant 480 : i32
    %add3A_91 = arith.addi %mul3A_2, %add3A_90 : i32
    %add3A_92 = arith.constant 0 : i32
    %add3A_93 = arith.addi %add3A_91, %add3A_92 : i32
    %dma_start3A_94 = tpu.memref_slice %arg2[%add3A_93] : memref<320000xi32, #tpu.memory_space<hbm>> -> memref<80xi32, #tpu.memory_space<hbm>>
    %dma_start3A_95 = tpu.memref_slice %arg2[%add3A_93] : memref<320000xi32, #tpu.memory_space<hbm>> -> memref<80xi32, #tpu.memory_space<hbm>>
    tpu.enqueue_dma source(%dma_start3A_95 : memref<80xi32, #tpu.memory_space<hbm>>) target(%arg15 : memref<80xi32, #tpu.memory_space<vmem>>) target_semaphore(%arg29 : memref<!tpu.dma_semaphore, #tpu.memory_space<semaphore_mem>>)
    %dma_start3A_96 = tpu.memref_slice %arg3[%add3A_93] : memref<320000xi32, #tpu.memory_space<hbm>> -> memref<80xi32, #tpu.memory_space<hbm>>
    %dma_start3A_97 = tpu.memref_slice %arg3[%add3A_93] : memref<320000xi32, #tpu.memory_space<hbm>> -> memref<80xi32, #tpu.memory_space<hbm>>
    tpu.enqueue_dma source(%dma_start3A_97 : memref<80xi32, #tpu.memory_space<hbm>>) target(%arg23 : memref<80xi32, #tpu.memory_space<vmem>>) target_semaphore(%arg29 : memref<!tpu.dma_semaphore, #tpu.memory_space<semaphore_mem>>)
    %add3A_98 = arith.constant 80 : i32
    %add3A_99 = arith.addi %add3A_91, %add3A_98 : i32
    %dma_start3A_100 = tpu.memref_slice %arg2[%add3A_99] : memref<320000xi32, #tpu.memory_space<hbm>> -> memref<80xi32, #tpu.memory_space<hbm>>
    %dma_start3A_101 = tpu.memref_slice %arg2[%add3A_99] : memref<320000xi32, #tpu.memory_space<hbm>> -> memref<80xi32, #tpu.memory_space<hbm>>
    tpu.enqueue_dma source(%dma_start3A_101 : memref<80xi32, #tpu.memory_space<hbm>>) target(%arg16 : memref<80xi32, #tpu.memory_space<vmem>>) target_semaphore(%arg29 : memref<!tpu.dma_semaphore, #tpu.memory_space<semaphore_mem>>)
    %dma_start3A_102 = tpu.memref_slice %arg3[%add3A_99] : memref<320000xi32, #tpu.memory_space<hbm>> -> memref<80xi32, #tpu.memory_space<hbm>>
    %dma_start3A_103 = tpu.memref_slice %arg3[%add3A_99] : memref<320000xi32, #tpu.memory_space<hbm>> -> memref<80xi32, #tpu.memory_space<hbm>>
    tpu.enqueue_dma source(%dma_start3A_103 : memref<80xi32, #tpu.memory_space<hbm>>) target(%arg24 : memref<80xi32, #tpu.memory_space<vmem>>) target_semaphore(%arg29 : memref<!tpu.dma_semaphore, #tpu.memory_space<semaphore_mem>>)
    %dma_start3A_104 = arith.constant 0 : i32
    %dma_start3A_105 = arith.constant 0 : i32
    %dma_start3A_106 = tpu.memref_slice %arg25[%dma_start3A_104, %dma_start3A_105] : memref<10240x128xf32, #tpu.memory_space<vmem_shared>> -> memref<10240x128xf32, #tpu.memory_space<vmem_shared>>
    tpu.enqueue_indirect_dma source(%arg7 : memref<80x128xf32, #tpu.memory_space<vmem>>) target(%dma_start3A_106 : memref<10240x128xf32, #tpu.memory_space<vmem_shared>>) offsets(%arg11 : memref<80xi32, #tpu.memory_space<vmem>>) semaphore(%arg31 : memref<!tpu.dma_semaphore, #tpu.memory_space<semaphore_mem>>) {add = true}
    %dma_start3A_107 = arith.constant 0 : i32
    %dma_start3A_108 = arith.constant 0 : i32
    %dma_start3A_109 = tpu.memref_slice %arg25[%dma_start3A_107, %dma_start3A_108] : memref<10240x128xf32, #tpu.memory_space<vmem_shared>> -> memref<10240x128xf32, #tpu.memory_space<vmem_shared>>
    tpu.enqueue_indirect_dma source(%arg8 : memref<80x128xf32, #tpu.memory_space<vmem>>) target(%dma_start3A_109 : memref<10240x128xf32, #tpu.memory_space<vmem_shared>>) offsets(%arg19 : memref<80xi32, #tpu.memory_space<vmem>>) semaphore(%arg31 : memref<!tpu.dma_semaphore, #tpu.memory_space<semaphore_mem>>) {add = true}
    %dma_start3A_110 = arith.constant 0 : i32
    %dma_start3A_111 = arith.constant 0 : i32
    %dma_start3A_112 = tpu.memref_slice %arg25[%dma_start3A_110, %dma_start3A_111] : memref<10240x128xf32, #tpu.memory_space<vmem_shared>> -> memref<10240x128xf32, #tpu.memory_space<vmem_shared>>
    tpu.enqueue_indirect_dma source(%arg7 : memref<80x128xf32, #tpu.memory_space<vmem>>) target(%dma_start3A_112 : memref<10240x128xf32, #tpu.memory_space<vmem_shared>>) offsets(%arg12 : memref<80xi32, #tpu.memory_space<vmem>>) semaphore(%arg31 : memref<!tpu.dma_semaphore, #tpu.memory_space<semaphore_mem>>) {add = true}
    %dma_start3A_113 = arith.constant 0 : i32
    %dma_start3A_114 = arith.constant 0 : i32
    %dma_start3A_115 = tpu.memref_slice %arg25[%dma_start3A_113, %dma_start3A_114] : memref<10240x128xf32, #tpu.memory_space<vmem_shared>> -> memref<10240x128xf32, #tpu.memory_space<vmem_shared>>
    tpu.enqueue_indirect_dma source(%arg8 : memref<80x128xf32, #tpu.memory_space<vmem>>) target(%dma_start3A_115 : memref<10240x128xf32, #tpu.memory_space<vmem_shared>>) offsets(%arg20 : memref<80xi32, #tpu.memory_space<vmem>>) semaphore(%arg31 : memref<!tpu.dma_semaphore, #tpu.memory_space<semaphore_mem>>) {add = true}
    %scan3A = arith.constant 0 : i32
    %scan3A_116 = arith.constant 0 : i32
    %scan3A_117 = arith.constant 14 : i32
    %scan3A_118 = arith.addi %scan3A_116, %scan3A_117 : i32
    %scan3A_119 = arith.constant 1 : i32
    scf.for %scan3A_328 = %scan3A_116 to %scan3A_118 step %scan3A_119  : i32 {
      %mul3A_329 = arith.constant 4 : i32
      %mul3A_330 = arith.muli %mul3A_329, %scan3A_328 : i32
      %add3A_331 = arith.constant 2 : i32
      %add3A_332 = arith.addi %mul3A_330, %add3A_331 : i32
      %add3A_333 = arith.constant 0 : i32
      %add3A_334 = arith.addi %add3A_332, %add3A_333 : i32
      %dma_wait3A_335 = arith.constant 0 : i32
      %dma_wait3A_336 = arith.constant 0 : i32
      %dma_wait3A_337 = tpu.memref_slice %arg25[%dma_wait3A_335, %dma_wait3A_336] : memref<10240x128xf32, #tpu.memory_space<vmem_shared>> -> memref<10240x128xf32, #tpu.memory_space<vmem_shared>>
      tpu.wait_indirect_dma semaphore(%arg30 : memref<!tpu.dma_semaphore, #tpu.memory_space<semaphore_mem>>) src(%arg7 : memref<80x128xf32, #tpu.memory_space<vmem>>) dst(%dma_wait3A_337 : memref<10240x128xf32, #tpu.memory_space<vmem_shared>>)
      %dma_wait3A_338 = arith.constant 0 : i32
      %dma_wait3A_339 = arith.constant 0 : i32
      %dma_wait3A_340 = tpu.memref_slice %arg25[%dma_wait3A_338, %dma_wait3A_339] : memref<10240x128xf32, #tpu.memory_space<vmem_shared>> -> memref<10240x128xf32, #tpu.memory_space<vmem_shared>>
      tpu.wait_indirect_dma semaphore(%arg30 : memref<!tpu.dma_semaphore, #tpu.memory_space<semaphore_mem>>) src(%arg8 : memref<80x128xf32, #tpu.memory_space<vmem>>) dst(%dma_wait3A_340 : memref<10240x128xf32, #tpu.memory_space<vmem_shared>>)
      %dma_wait3A_341 = arith.constant 0 : i32
      %dma_wait3A_342 = arith.constant 0 : i32
      %dma_wait3A_343 = tpu.memref_slice %arg25[%dma_wait3A_341, %dma_wait3A_342] : memref<10240x128xf32, #tpu.memory_space<vmem_shared>> -> memref<10240x128xf32, #tpu.memory_space<vmem_shared>>
      tpu.wait_indirect_dma semaphore(%arg30 : memref<!tpu.dma_semaphore, #tpu.memory_space<semaphore_mem>>) src(%arg7 : memref<80x128xf32, #tpu.memory_space<vmem>>) dst(%dma_wait3A_343 : memref<10240x128xf32, #tpu.memory_space<vmem_shared>>)
      %dma_wait3A_344 = arith.constant 0 : i32
      %dma_wait3A_345 = arith.constant 0 : i32
      %dma_wait3A_346 = tpu.memref_slice %arg25[%dma_wait3A_344, %dma_wait3A_345] : memref<10240x128xf32, #tpu.memory_space<vmem_shared>> -> memref<10240x128xf32, #tpu.memory_space<vmem_shared>>
      tpu.wait_indirect_dma semaphore(%arg30 : memref<!tpu.dma_semaphore, #tpu.memory_space<semaphore_mem>>) src(%arg8 : memref<80x128xf32, #tpu.memory_space<vmem>>) dst(%dma_wait3A_346 : memref<10240x128xf32, #tpu.memory_space<vmem_shared>>)
      %add3A_347 = arith.constant 2 : i32
      %add3A_348 = arith.addi %add3A_334, %add3A_347 : i32
      %mul3A_349 = arith.constant 160 : i32
      %mul3A_350 = arith.muli %add3A_348, %mul3A_349 : i32
      %add3A_351 = arith.addi %mul3A_2, %mul3A_350 : i32
      %add3A_352 = arith.constant 0 : i32
      %add3A_353 = arith.addi %add3A_351, %add3A_352 : i32
      %dma_start3A_354 = tpu.memref_slice %arg2[%add3A_353] : memref<320000xi32, #tpu.memory_space<hbm>> -> memref<80xi32, #tpu.memory_space<hbm>>
      %dma_start3A_355 = tpu.memref_slice %arg2[%add3A_353] : memref<320000xi32, #tpu.memory_space<hbm>> -> memref<80xi32, #tpu.memory_space<hbm>>
      tpu.enqueue_dma source(%dma_start3A_355 : memref<80xi32, #tpu.memory_space<hbm>>) target(%arg9 : memref<80xi32, #tpu.memory_space<vmem>>) target_semaphore(%arg26 : memref<!tpu.dma_semaphore, #tpu.memory_space<semaphore_mem>>)
      %dma_start3A_356 = tpu.memref_slice %arg3[%add3A_353] : memref<320000xi32, #tpu.memory_space<hbm>> -> memref<80xi32, #tpu.memory_space<hbm>>
      %dma_start3A_357 = tpu.memref_slice %arg3[%add3A_353] : memref<320000xi32, #tpu.memory_space<hbm>> -> memref<80xi32, #tpu.memory_space<hbm>>
      tpu.enqueue_dma source(%dma_start3A_357 : memref<80xi32, #tpu.memory_space<hbm>>) target(%arg17 : memref<80xi32, #tpu.memory_space<vmem>>) target_semaphore(%arg26 : memref<!tpu.dma_semaphore, #tpu.memory_space<semaphore_mem>>)
      %add3A_358 = arith.constant 80 : i32
      %add3A_359 = arith.addi %add3A_351, %add3A_358 : i32
      %dma_start3A_360 = tpu.memref_slice %arg2[%add3A_359] : memref<320000xi32, #tpu.memory_space<hbm>> -> memref<80xi32, #tpu.memory_space<hbm>>
      %dma_start3A_361 = tpu.memref_slice %arg2[%add3A_359] : memref<320000xi32, #tpu.memory_space<hbm>> -> memref<80xi32, #tpu.memory_space<hbm>>
      tpu.enqueue_dma source(%dma_start3A_361 : memref<80xi32, #tpu.memory_space<hbm>>) target(%arg10 : memref<80xi32, #tpu.memory_space<vmem>>) target_semaphore(%arg26 : memref<!tpu.dma_semaphore, #tpu.memory_space<semaphore_mem>>)
      %dma_start3A_362 = tpu.memref_slice %arg3[%add3A_359] : memref<320000xi32, #tpu.memory_space<hbm>> -> memref<80xi32, #tpu.memory_space<hbm>>
      %dma_start3A_363 = tpu.memref_slice %arg3[%add3A_359] : memref<320000xi32, #tpu.memory_space<hbm>> -> memref<80xi32, #tpu.memory_space<hbm>>
      tpu.enqueue_dma source(%dma_start3A_363 : memref<80xi32, #tpu.memory_space<hbm>>) target(%arg18 : memref<80xi32, #tpu.memory_space<vmem>>) target_semaphore(%arg26 : memref<!tpu.dma_semaphore, #tpu.memory_space<semaphore_mem>>)
      %mul3A_364 = arith.constant 160 : i32
      %mul3A_365 = arith.muli %add3A_334, %mul3A_364 : i32
      %add3A_366 = arith.addi %mul3A_2, %mul3A_365 : i32
      %add3A_367 = arith.constant 0 : i32
      %add3A_368 = arith.addi %add3A_366, %add3A_367 : i32
      %dma_wait3A_369 = tpu.memref_slice %arg2[%add3A_368] : memref<320000xi32, #tpu.memory_space<hbm>> -> memref<80xi32, #tpu.memory_space<hbm>>
      %dma_wait3A_370 = tpu.memref_slice %arg2[%add3A_368] : memref<320000xi32, #tpu.memory_space<hbm>> -> memref<80xi32, #tpu.memory_space<hbm>>
      tpu.wait_dma2 semaphore(%arg28 : memref<!tpu.dma_semaphore, #tpu.memory_space<semaphore_mem>>) src(%dma_wait3A_370 : memref<80xi32, #tpu.memory_space<hbm>>) dst(%arg13 : memref<80xi32, #tpu.memory_space<vmem>>)
      %dma_wait3A_371 = tpu.memref_slice %arg3[%add3A_368] : memref<320000xi32, #tpu.memory_space<hbm>> -> memref<80xi32, #tpu.memory_space<hbm>>
      %dma_wait3A_372 = tpu.memref_slice %arg3[%add3A_368] : memref<320000xi32, #tpu.memory_space<hbm>> -> memref<80xi32, #tpu.memory_space<hbm>>
      tpu.wait_dma2 semaphore(%arg28 : memref<!tpu.dma_semaphore, #tpu.memory_space<semaphore_mem>>) src(%dma_wait3A_372 : memref<80xi32, #tpu.memory_space<hbm>>) dst(%arg21 : memref<80xi32, #tpu.memory_space<vmem>>)
      %add3A_373 = arith.constant 80 : i32
      %add3A_374 = arith.addi %add3A_366, %add3A_373 : i32
      %dma_wait3A_375 = tpu.memref_slice %arg2[%add3A_374] : memref<320000xi32, #tpu.memory_space<hbm>> -> memref<80xi32, #tpu.memory_space<hbm>>
      %dma_wait3A_376 = tpu.memref_slice %arg2[%add3A_374] : memref<320000xi32, #tpu.memory_space<hbm>> -> memref<80xi32, #tpu.memory_space<hbm>>
      tpu.wait_dma2 semaphore(%arg28 : memref<!tpu.dma_semaphore, #tpu.memory_space<semaphore_mem>>) src(%dma_wait3A_376 : memref<80xi32, #tpu.memory_space<hbm>>) dst(%arg14 : memref<80xi32, #tpu.memory_space<vmem>>)
      %dma_wait3A_377 = tpu.memref_slice %arg3[%add3A_374] : memref<320000xi32, #tpu.memory_space<hbm>> -> memref<80xi32, #tpu.memory_space<hbm>>
      %dma_wait3A_378 = tpu.memref_slice %arg3[%add3A_374] : memref<320000xi32, #tpu.memory_space<hbm>> -> memref<80xi32, #tpu.memory_space<hbm>>
      tpu.wait_dma2 semaphore(%arg28 : memref<!tpu.dma_semaphore, #tpu.memory_space<semaphore_mem>>) src(%dma_wait3A_378 : memref<80xi32, #tpu.memory_space<hbm>>) dst(%arg22 : memref<80xi32, #tpu.memory_space<vmem>>)
      %dma_start3A_379 = arith.constant 0 : i32
      %dma_start3A_380 = arith.constant 0 : i32
      %dma_start3A_381 = tpu.memref_slice %arg25[%dma_start3A_379, %dma_start3A_380] : memref<10240x128xf32, #tpu.memory_space<vmem_shared>> -> memref<10240x128xf32, #tpu.memory_space<vmem_shared>>
      tpu.enqueue_indirect_dma source(%arg7 : memref<80x128xf32, #tpu.memory_space<vmem>>) target(%dma_start3A_381 : memref<10240x128xf32, #tpu.memory_space<vmem_shared>>) offsets(%arg13 : memref<80xi32, #tpu.memory_space<vmem>>) semaphore(%arg30 : memref<!tpu.dma_semaphore, #tpu.memory_space<semaphore_mem>>) {add = true}
      %dma_start3A_382 = arith.constant 0 : i32
      %dma_start3A_383 = arith.constant 0 : i32
      %dma_start3A_384 = tpu.memref_slice %arg25[%dma_start3A_382, %dma_start3A_383] : memref<10240x128xf32, #tpu.memory_space<vmem_shared>> -> memref<10240x128xf32, #tpu.memory_space<vmem_shared>>
      tpu.enqueue_indirect_dma source(%arg8 : memref<80x128xf32, #tpu.memory_space<vmem>>) target(%dma_start3A_384 : memref<10240x128xf32, #tpu.memory_space<vmem_shared>>) offsets(%arg21 : memref<80xi32, #tpu.memory_space<vmem>>) semaphore(%arg30 : memref<!tpu.dma_semaphore, #tpu.memory_space<semaphore_mem>>) {add = true}
      %dma_start3A_385 = arith.constant 0 : i32
      %dma_start3A_386 = arith.constant 0 : i32
      %dma_start3A_387 = tpu.memref_slice %arg25[%dma_start3A_385, %dma_start3A_386] : memref<10240x128xf32, #tpu.memory_space<vmem_shared>> -> memref<10240x128xf32, #tpu.memory_space<vmem_shared>>
      tpu.enqueue_indirect_dma source(%arg7 : memref<80x128xf32, #tpu.memory_space<vmem>>) target(%dma_start3A_387 : memref<10240x128xf32, #tpu.memory_space<vmem_shared>>) offsets(%arg14 : memref<80xi32, #tpu.memory_space<vmem>>) semaphore(%arg30 : memref<!tpu.dma_semaphore, #tpu.memory_space<semaphore_mem>>) {add = true}
      %dma_start3A_388 = arith.constant 0 : i32
      %dma_start3A_389 = arith.constant 0 : i32
      %dma_start3A_390 = tpu.memref_slice %arg25[%dma_start3A_388, %dma_start3A_389] : memref<10240x128xf32, #tpu.memory_space<vmem_shared>> -> memref<10240x128xf32, #tpu.memory_space<vmem_shared>>
      tpu.enqueue_indirect_dma source(%arg8 : memref<80x128xf32, #tpu.memory_space<vmem>>) target(%dma_start3A_390 : memref<10240x128xf32, #tpu.memory_space<vmem_shared>>) offsets(%arg22 : memref<80xi32, #tpu.memory_space<vmem>>) semaphore(%arg30 : memref<!tpu.dma_semaphore, #tpu.memory_space<semaphore_mem>>) {add = true}
      %mul3A_391 = arith.constant 4 : i32
      %mul3A_392 = arith.muli %mul3A_391, %scan3A_328 : i32
      %add3A_393 = arith.constant 2 : i32
      %add3A_394 = arith.addi %mul3A_392, %add3A_393 : i32
      %add3A_395 = arith.constant 1 : i32
      %add3A_396 = arith.addi %add3A_394, %add3A_395 : i32
      %dma_wait3A_397 = arith.constant 0 : i32
      %dma_wait3A_398 = arith.constant 0 : i32
      %dma_wait3A_399 = tpu.memref_slice %arg25[%dma_wait3A_397, %dma_wait3A_398] : memref<10240x128xf32, #tpu.memory_space<vmem_shared>> -> memref<10240x128xf32, #tpu.memory_space<vmem_shared>>
      tpu.wait_indirect_dma semaphore(%arg31 : memref<!tpu.dma_semaphore, #tpu.memory_space<semaphore_mem>>) src(%arg7 : memref<80x128xf32, #tpu.memory_space<vmem>>) dst(%dma_wait3A_399 : memref<10240x128xf32, #tpu.memory_space<vmem_shared>>)
      %dma_wait3A_400 = arith.constant 0 : i32
      %dma_wait3A_401 = arith.constant 0 : i32
      %dma_wait3A_402 = tpu.memref_slice %arg25[%dma_wait3A_400, %dma_wait3A_401] : memref<10240x128xf32, #tpu.memory_space<vmem_shared>> -> memref<10240x128xf32, #tpu.memory_space<vmem_shared>>
      tpu.wait_indirect_dma semaphore(%arg31 : memref<!tpu.dma_semaphore, #tpu.memory_space<semaphore_mem>>) src(%arg8 : memref<80x128xf32, #tpu.memory_space<vmem>>) dst(%dma_wait3A_402 : memref<10240x128xf32, #tpu.memory_space<vmem_shared>>)
      %dma_wait3A_403 = arith.constant 0 : i32
      %dma_wait3A_404 = arith.constant 0 : i32
      %dma_wait3A_405 = tpu.memref_slice %arg25[%dma_wait3A_403, %dma_wait3A_404] : memref<10240x128xf32, #tpu.memory_space<vmem_shared>> -> memref<10240x128xf32, #tpu.memory_space<vmem_shared>>
      tpu.wait_indirect_dma semaphore(%arg31 : memref<!tpu.dma_semaphore, #tpu.memory_space<semaphore_mem>>) src(%arg7 : memref<80x128xf32, #tpu.memory_space<vmem>>) dst(%dma_wait3A_405 : memref<10240x128xf32, #tpu.memory_space<vmem_shared>>)
      %dma_wait3A_406 = arith.constant 0 : i32
      %dma_wait3A_407 = arith.constant 0 : i32
      %dma_wait3A_408 = tpu.memref_slice %arg25[%dma_wait3A_406, %dma_wait3A_407] : memref<10240x128xf32, #tpu.memory_space<vmem_shared>> -> memref<10240x128xf32, #tpu.memory_space<vmem_shared>>
      tpu.wait_indirect_dma semaphore(%arg31 : memref<!tpu.dma_semaphore, #tpu.memory_space<semaphore_mem>>) src(%arg8 : memref<80x128xf32, #tpu.memory_space<vmem>>) dst(%dma_wait3A_408 : memref<10240x128xf32, #tpu.memory_space<vmem_shared>>)
      %add3A_409 = arith.constant 2 : i32
      %add3A_410 = arith.addi %add3A_396, %add3A_409 : i32
      %mul3A_411 = arith.constant 160 : i32
      %mul3A_412 = arith.muli %add3A_410, %mul3A_411 : i32
      %add3A_413 = arith.addi %mul3A_2, %mul3A_412 : i32
      %add3A_414 = arith.constant 0 : i32
      %add3A_415 = arith.addi %add3A_413, %add3A_414 : i32
      %dma_start3A_416 = tpu.memref_slice %arg2[%add3A_415] : memref<320000xi32, #tpu.memory_space<hbm>> -> memref<80xi32, #tpu.memory_space<hbm>>
      %dma_start3A_417 = tpu.memref_slice %arg2[%add3A_415] : memref<320000xi32, #tpu.memory_space<hbm>> -> memref<80xi32, #tpu.memory_space<hbm>>
      tpu.enqueue_dma source(%dma_start3A_417 : memref<80xi32, #tpu.memory_space<hbm>>) target(%arg11 : memref<80xi32, #tpu.memory_space<vmem>>) target_semaphore(%arg27 : memref<!tpu.dma_semaphore, #tpu.memory_space<semaphore_mem>>)
      %dma_start3A_418 = tpu.memref_slice %arg3[%add3A_415] : memref<320000xi32, #tpu.memory_space<hbm>> -> memref<80xi32, #tpu.memory_space<hbm>>
      %dma_start3A_419 = tpu.memref_slice %arg3[%add3A_415] : memref<320000xi32, #tpu.memory_space<hbm>> -> memref<80xi32, #tpu.memory_space<hbm>>
      tpu.enqueue_dma source(%dma_start3A_419 : memref<80xi32, #tpu.memory_space<hbm>>) target(%arg19 : memref<80xi32, #tpu.memory_space<vmem>>) target_semaphore(%arg27 : memref<!tpu.dma_semaphore, #tpu.memory_space<semaphore_mem>>)
      %add3A_420 = arith.constant 80 : i32
      %add3A_421 = arith.addi %add3A_413, %add3A_420 : i32
      %dma_start3A_422 = tpu.memref_slice %arg2[%add3A_421] : memref<320000xi32, #tpu.memory_space<hbm>> -> memref<80xi32, #tpu.memory_space<hbm>>
      %dma_start3A_423 = tpu.memref_slice %arg2[%add3A_421] : memref<320000xi32, #tpu.memory_space<hbm>> -> memref<80xi32, #tpu.memory_space<hbm>>
      tpu.enqueue_dma source(%dma_start3A_423 : memref<80xi32, #tpu.memory_space<hbm>>) target(%arg12 : memref<80xi32, #tpu.memory_space<vmem>>) target_semaphore(%arg27 : memref<!tpu.dma_semaphore, #tpu.memory_space<semaphore_mem>>)
      %dma_start3A_424 = tpu.memref_slice %arg3[%add3A_421] : memref<320000xi32, #tpu.memory_space<hbm>> -> memref<80xi32, #tpu.memory_space<hbm>>
      %dma_start3A_425 = tpu.memref_slice %arg3[%add3A_421] : memref<320000xi32, #tpu.memory_space<hbm>> -> memref<80xi32, #tpu.memory_space<hbm>>
      tpu.enqueue_dma source(%dma_start3A_425 : memref<80xi32, #tpu.memory_space<hbm>>) target(%arg20 : memref<80xi32, #tpu.memory_space<vmem>>) target_semaphore(%arg27 : memref<!tpu.dma_semaphore, #tpu.memory_space<semaphore_mem>>)
      %mul3A_426 = arith.constant 160 : i32
      %mul3A_427 = arith.muli %add3A_396, %mul3A_426 : i32
      %add3A_428 = arith.addi %mul3A_2, %mul3A_427 : i32
      %add3A_429 = arith.constant 0 : i32
      %add3A_430 = arith.addi %add3A_428, %add3A_429 : i32
      %dma_wait3A_431 = tpu.memref_slice %arg2[%add3A_430] : memref<320000xi32, #tpu.memory_space<hbm>> -> memref<80xi32, #tpu.memory_space<hbm>>
      %dma_wait3A_432 = tpu.memref_slice %arg2[%add3A_430] : memref<320000xi32, #tpu.memory_space<hbm>> -> memref<80xi32, #tpu.memory_space<hbm>>
      tpu.wait_dma2 semaphore(%arg29 : memref<!tpu.dma_semaphore, #tpu.memory_space<semaphore_mem>>) src(%dma_wait3A_432 : memref<80xi32, #tpu.memory_space<hbm>>) dst(%arg15 : memref<80xi32, #tpu.memory_space<vmem>>)
      %dma_wait3A_433 = tpu.memref_slice %arg3[%add3A_430] : memref<320000xi32, #tpu.memory_space<hbm>> -> memref<80xi32, #tpu.memory_space<hbm>>
      %dma_wait3A_434 = tpu.memref_slice %arg3[%add3A_430] : memref<320000xi32, #tpu.memory_space<hbm>> -> memref<80xi32, #tpu.memory_space<hbm>>
      tpu.wait_dma2 semaphore(%arg29 : memref<!tpu.dma_semaphore, #tpu.memory_space<semaphore_mem>>) src(%dma_wait3A_434 : memref<80xi32, #tpu.memory_space<hbm>>) dst(%arg23 : memref<80xi32, #tpu.memory_space<vmem>>)
      %add3A_435 = arith.constant 80 : i32
      %add3A_436 = arith.addi %add3A_428, %add3A_435 : i32
      %dma_wait3A_437 = tpu.memref_slice %arg2[%add3A_436] : memref<320000xi32, #tpu.memory_space<hbm>> -> memref<80xi32, #tpu.memory_space<hbm>>
      %dma_wait3A_438 = tpu.memref_slice %arg2[%add3A_436] : memref<320000xi32, #tpu.memory_space<hbm>> -> memref<80xi32, #tpu.memory_space<hbm>>
      tpu.wait_dma2 semaphore(%arg29 : memref<!tpu.dma_semaphore, #tpu.memory_space<semaphore_mem>>) src(%dma_wait3A_438 : memref<80xi32, #tpu.memory_space<hbm>>) dst(%arg16 : memref<80xi32, #tpu.memory_space<vmem>>)
      %dma_wait3A_439 = tpu.memref_slice %arg3[%add3A_436] : memref<320000xi32, #tpu.memory_space<hbm>> -> memref<80xi32, #tpu.memory_space<hbm>>
      %dma_wait3A_440 = tpu.memref_slice %arg3[%add3A_436] : memref<320000xi32, #tpu.memory_space<hbm>> -> memref<80xi32, #tpu.memory_space<hbm>>
      tpu.wait_dma2 semaphore(%arg29 : memref<!tpu.dma_semaphore, #tpu.memory_space<semaphore_mem>>) src(%dma_wait3A_440 : memref<80xi32, #tpu.memory_space<hbm>>) dst(%arg24 : memref<80xi32, #tpu.memory_space<vmem>>)
      %dma_start3A_441 = arith.constant 0 : i32
      %dma_start3A_442 = arith.constant 0 : i32
      %dma_start3A_443 = tpu.memref_slice %arg25[%dma_start3A_441, %dma_start3A_442] : memref<10240x128xf32, #tpu.memory_space<vmem_shared>> -> memref<10240x128xf32, #tpu.memory_space<vmem_shared>>
      tpu.enqueue_indirect_dma source(%arg7 : memref<80x128xf32, #tpu.memory_space<vmem>>) target(%dma_start3A_443 : memref<10240x128xf32, #tpu.memory_space<vmem_shared>>) offsets(%arg15 : memref<80xi32, #tpu.memory_space<vmem>>) semaphore(%arg31 : memref<!tpu.dma_semaphore, #tpu.memory_space<semaphore_mem>>) {add = true}
      %dma_start3A_444 = arith.constant 0 : i32
      %dma_start3A_445 = arith.constant 0 : i32
      %dma_start3A_446 = tpu.memref_slice %arg25[%dma_start3A_444, %dma_start3A_445] : memref<10240x128xf32, #tpu.memory_space<vmem_shared>> -> memref<10240x128xf32, #tpu.memory_space<vmem_shared>>
      tpu.enqueue_indirect_dma source(%arg8 : memref<80x128xf32, #tpu.memory_space<vmem>>) target(%dma_start3A_446 : memref<10240x128xf32, #tpu.memory_space<vmem_shared>>) offsets(%arg23 : memref<80xi32, #tpu.memory_space<vmem>>) semaphore(%arg31 : memref<!tpu.dma_semaphore, #tpu.memory_space<semaphore_mem>>) {add = true}
      %dma_start3A_447 = arith.constant 0 : i32
      %dma_start3A_448 = arith.constant 0 : i32
      %dma_start3A_449 = tpu.memref_slice %arg25[%dma_start3A_447, %dma_start3A_448] : memref<10240x128xf32, #tpu.memory_space<vmem_shared>> -> memref<10240x128xf32, #tpu.memory_space<vmem_shared>>
      tpu.enqueue_indirect_dma source(%arg7 : memref<80x128xf32, #tpu.memory_space<vmem>>) target(%dma_start3A_449 : memref<10240x128xf32, #tpu.memory_space<vmem_shared>>) offsets(%arg16 : memref<80xi32, #tpu.memory_space<vmem>>) semaphore(%arg31 : memref<!tpu.dma_semaphore, #tpu.memory_space<semaphore_mem>>) {add = true}
      %dma_start3A_450 = arith.constant 0 : i32
      %dma_start3A_451 = arith.constant 0 : i32
      %dma_start3A_452 = tpu.memref_slice %arg25[%dma_start3A_450, %dma_start3A_451] : memref<10240x128xf32, #tpu.memory_space<vmem_shared>> -> memref<10240x128xf32, #tpu.memory_space<vmem_shared>>
      tpu.enqueue_indirect_dma source(%arg8 : memref<80x128xf32, #tpu.memory_space<vmem>>) target(%dma_start3A_452 : memref<10240x128xf32, #tpu.memory_space<vmem_shared>>) offsets(%arg24 : memref<80xi32, #tpu.memory_space<vmem>>) semaphore(%arg31 : memref<!tpu.dma_semaphore, #tpu.memory_space<semaphore_mem>>) {add = true}
      %mul3A_453 = arith.constant 4 : i32
      %mul3A_454 = arith.muli %mul3A_453, %scan3A_328 : i32
      %add3A_455 = arith.constant 2 : i32
      %add3A_456 = arith.addi %mul3A_454, %add3A_455 : i32
      %add3A_457 = arith.constant 2 : i32
      %add3A_458 = arith.addi %add3A_456, %add3A_457 : i32
      %dma_wait3A_459 = arith.constant 0 : i32
      %dma_wait3A_460 = arith.constant 0 : i32
      %dma_wait3A_461 = tpu.memref_slice %arg25[%dma_wait3A_459, %dma_wait3A_460] : memref<10240x128xf32, #tpu.memory_space<vmem_shared>> -> memref<10240x128xf32, #tpu.memory_space<vmem_shared>>
      tpu.wait_indirect_dma semaphore(%arg30 : memref<!tpu.dma_semaphore, #tpu.memory_space<semaphore_mem>>) src(%arg7 : memref<80x128xf32, #tpu.memory_space<vmem>>) dst(%dma_wait3A_461 : memref<10240x128xf32, #tpu.memory_space<vmem_shared>>)
      %dma_wait3A_462 = arith.constant 0 : i32
      %dma_wait3A_463 = arith.constant 0 : i32
      %dma_wait3A_464 = tpu.memref_slice %arg25[%dma_wait3A_462, %dma_wait3A_463] : memref<10240x128xf32, #tpu.memory_space<vmem_shared>> -> memref<10240x128xf32, #tpu.memory_space<vmem_shared>>
      tpu.wait_indirect_dma semaphore(%arg30 : memref<!tpu.dma_semaphore, #tpu.memory_space<semaphore_mem>>) src(%arg8 : memref<80x128xf32, #tpu.memory_space<vmem>>) dst(%dma_wait3A_464 : memref<10240x128xf32, #tpu.memory_space<vmem_shared>>)
      %dma_wait3A_465 = arith.constant 0 : i32
      %dma_wait3A_466 = arith.constant 0 : i32
      %dma_wait3A_467 = tpu.memref_slice %arg25[%dma_wait3A_465, %dma_wait3A_466] : memref<10240x128xf32, #tpu.memory_space<vmem_shared>> -> memref<10240x128xf32, #tpu.memory_space<vmem_shared>>
      tpu.wait_indirect_dma semaphore(%arg30 : memref<!tpu.dma_semaphore, #tpu.memory_space<semaphore_mem>>) src(%arg7 : memref<80x128xf32, #tpu.memory_space<vmem>>) dst(%dma_wait3A_467 : memref<10240x128xf32, #tpu.memory_space<vmem_shared>>)
      %dma_wait3A_468 = arith.constant 0 : i32
      %dma_wait3A_469 = arith.constant 0 : i32
      %dma_wait3A_470 = tpu.memref_slice %arg25[%dma_wait3A_468, %dma_wait3A_469] : memref<10240x128xf32, #tpu.memory_space<vmem_shared>> -> memref<10240x128xf32, #tpu.memory_space<vmem_shared>>
      tpu.wait_indirect_dma semaphore(%arg30 : memref<!tpu.dma_semaphore, #tpu.memory_space<semaphore_mem>>) src(%arg8 : memref<80x128xf32, #tpu.memory_space<vmem>>) dst(%dma_wait3A_470 : memref<10240x128xf32, #tpu.memory_space<vmem_shared>>)
      %add3A_471 = arith.constant 2 : i32
      %add3A_472 = arith.addi %add3A_458, %add3A_471 : i32
      %mul3A_473 = arith.constant 160 : i32
      %mul3A_474 = arith.muli %add3A_472, %mul3A_473 : i32
      %add3A_475 = arith.addi %mul3A_2, %mul3A_474 : i32
      %add3A_476 = arith.constant 0 : i32
      %add3A_477 = arith.addi %add3A_475, %add3A_476 : i32
      %dma_start3A_478 = tpu.memref_slice %arg2[%add3A_477] : memref<320000xi32, #tpu.memory_space<hbm>> -> memref<80xi32, #tpu.memory_space<hbm>>
      %dma_start3A_479 = tpu.memref_slice %arg2[%add3A_477] : memref<320000xi32, #tpu.memory_space<hbm>> -> memref<80xi32, #tpu.memory_space<hbm>>
      tpu.enqueue_dma source(%dma_start3A_479 : memref<80xi32, #tpu.memory_space<hbm>>) target(%arg13 : memref<80xi32, #tpu.memory_space<vmem>>) target_semaphore(%arg28 : memref<!tpu.dma_semaphore, #tpu.memory_space<semaphore_mem>>)
      %dma_start3A_480 = tpu.memref_slice %arg3[%add3A_477] : memref<320000xi32, #tpu.memory_space<hbm>> -> memref<80xi32, #tpu.memory_space<hbm>>
      %dma_start3A_481 = tpu.memref_slice %arg3[%add3A_477] : memref<320000xi32, #tpu.memory_space<hbm>> -> memref<80xi32, #tpu.memory_space<hbm>>
      tpu.enqueue_dma source(%dma_start3A_481 : memref<80xi32, #tpu.memory_space<hbm>>) target(%arg21 : memref<80xi32, #tpu.memory_space<vmem>>) target_semaphore(%arg28 : memref<!tpu.dma_semaphore, #tpu.memory_space<semaphore_mem>>)
      %add3A_482 = arith.constant 80 : i32
      %add3A_483 = arith.addi %add3A_475, %add3A_482 : i32
      %dma_start3A_484 = tpu.memref_slice %arg2[%add3A_483] : memref<320000xi32, #tpu.memory_space<hbm>> -> memref<80xi32, #tpu.memory_space<hbm>>
      %dma_start3A_485 = tpu.memref_slice %arg2[%add3A_483] : memref<320000xi32, #tpu.memory_space<hbm>> -> memref<80xi32, #tpu.memory_space<hbm>>
      tpu.enqueue_dma source(%dma_start3A_485 : memref<80xi32, #tpu.memory_space<hbm>>) target(%arg14 : memref<80xi32, #tpu.memory_space<vmem>>) target_semaphore(%arg28 : memref<!tpu.dma_semaphore, #tpu.memory_space<semaphore_mem>>)
      %dma_start3A_486 = tpu.memref_slice %arg3[%add3A_483] : memref<320000xi32, #tpu.memory_space<hbm>> -> memref<80xi32, #tpu.memory_space<hbm>>
      %dma_start3A_487 = tpu.memref_slice %arg3[%add3A_483] : memref<320000xi32, #tpu.memory_space<hbm>> -> memref<80xi32, #tpu.memory_space<hbm>>
      tpu.enqueue_dma source(%dma_start3A_487 : memref<80xi32, #tpu.memory_space<hbm>>) target(%arg22 : memref<80xi32, #tpu.memory_space<vmem>>) target_semaphore(%arg28 : memref<!tpu.dma_semaphore, #tpu.memory_space<semaphore_mem>>)
      %mul3A_488 = arith.constant 160 : i32
      %mul3A_489 = arith.muli %add3A_458, %mul3A_488 : i32
      %add3A_490 = arith.addi %mul3A_2, %mul3A_489 : i32
      %add3A_491 = arith.constant 0 : i32
      %add3A_492 = arith.addi %add3A_490, %add3A_491 : i32
      %dma_wait3A_493 = tpu.memref_slice %arg2[%add3A_492] : memref<320000xi32, #tpu.memory_space<hbm>> -> memref<80xi32, #tpu.memory_space<hbm>>
      %dma_wait3A_494 = tpu.memref_slice %arg2[%add3A_492] : memref<320000xi32, #tpu.memory_space<hbm>> -> memref<80xi32, #tpu.memory_space<hbm>>
      tpu.wait_dma2 semaphore(%arg26 : memref<!tpu.dma_semaphore, #tpu.memory_space<semaphore_mem>>) src(%dma_wait3A_494 : memref<80xi32, #tpu.memory_space<hbm>>) dst(%arg9 : memref<80xi32, #tpu.memory_space<vmem>>)
      %dma_wait3A_495 = tpu.memref_slice %arg3[%add3A_492] : memref<320000xi32, #tpu.memory_space<hbm>> -> memref<80xi32, #tpu.memory_space<hbm>>
      %dma_wait3A_496 = tpu.memref_slice %arg3[%add3A_492] : memref<320000xi32, #tpu.memory_space<hbm>> -> memref<80xi32, #tpu.memory_space<hbm>>
      tpu.wait_dma2 semaphore(%arg26 : memref<!tpu.dma_semaphore, #tpu.memory_space<semaphore_mem>>) src(%dma_wait3A_496 : memref<80xi32, #tpu.memory_space<hbm>>) dst(%arg17 : memref<80xi32, #tpu.memory_space<vmem>>)
      %add3A_497 = arith.constant 80 : i32
      %add3A_498 = arith.addi %add3A_490, %add3A_497 : i32
      %dma_wait3A_499 = tpu.memref_slice %arg2[%add3A_498] : memref<320000xi32, #tpu.memory_space<hbm>> -> memref<80xi32, #tpu.memory_space<hbm>>
      %dma_wait3A_500 = tpu.memref_slice %arg2[%add3A_498] : memref<320000xi32, #tpu.memory_space<hbm>> -> memref<80xi32, #tpu.memory_space<hbm>>
      tpu.wait_dma2 semaphore(%arg26 : memref<!tpu.dma_semaphore, #tpu.memory_space<semaphore_mem>>) src(%dma_wait3A_500 : memref<80xi32, #tpu.memory_space<hbm>>) dst(%arg10 : memref<80xi32, #tpu.memory_space<vmem>>)
      %dma_wait3A_501 = tpu.memref_slice %arg3[%add3A_498] : memref<320000xi32, #tpu.memory_space<hbm>> -> memref<80xi32, #tpu.memory_space<hbm>>
      %dma_wait3A_502 = tpu.memref_slice %arg3[%add3A_498] : memref<320000xi32, #tpu.memory_space<hbm>> -> memref<80xi32, #tpu.memory_space<hbm>>
      tpu.wait_dma2 semaphore(%arg26 : memref<!tpu.dma_semaphore, #tpu.memory_space<semaphore_mem>>) src(%dma_wait3A_502 : memref<80xi32, #tpu.memory_space<hbm>>) dst(%arg18 : memref<80xi32, #tpu.memory_space<vmem>>)
      %dma_start3A_503 = arith.constant 0 : i32
      %dma_start3A_504 = arith.constant 0 : i32
      %dma_start3A_505 = tpu.memref_slice %arg25[%dma_start3A_503, %dma_start3A_504] : memref<10240x128xf32, #tpu.memory_space<vmem_shared>> -> memref<10240x128xf32, #tpu.memory_space<vmem_shared>>
      tpu.enqueue_indirect_dma source(%arg7 : memref<80x128xf32, #tpu.memory_space<vmem>>) target(%dma_start3A_505 : memref<10240x128xf32, #tpu.memory_space<vmem_shared>>) offsets(%arg9 : memref<80xi32, #tpu.memory_space<vmem>>) semaphore(%arg30 : memref<!tpu.dma_semaphore, #tpu.memory_space<semaphore_mem>>) {add = true}
      %dma_start3A_506 = arith.constant 0 : i32
      %dma_start3A_507 = arith.constant 0 : i32
      %dma_start3A_508 = tpu.memref_slice %arg25[%dma_start3A_506, %dma_start3A_507] : memref<10240x128xf32, #tpu.memory_space<vmem_shared>> -> memref<10240x128xf32, #tpu.memory_space<vmem_shared>>
      tpu.enqueue_indirect_dma source(%arg8 : memref<80x128xf32, #tpu.memory_space<vmem>>) target(%dma_start3A_508 : memref<10240x128xf32, #tpu.memory_space<vmem_shared>>) offsets(%arg17 : memref<80xi32, #tpu.memory_space<vmem>>) semaphore(%arg30 : memref<!tpu.dma_semaphore, #tpu.memory_space<semaphore_mem>>) {add = true}
      %dma_start3A_509 = arith.constant 0 : i32
      %dma_start3A_510 = arith.constant 0 : i32
      %dma_start3A_511 = tpu.memref_slice %arg25[%dma_start3A_509, %dma_start3A_510] : memref<10240x128xf32, #tpu.memory_space<vmem_shared>> -> memref<10240x128xf32, #tpu.memory_space<vmem_shared>>
      tpu.enqueue_indirect_dma source(%arg7 : memref<80x128xf32, #tpu.memory_space<vmem>>) target(%dma_start3A_511 : memref<10240x128xf32, #tpu.memory_space<vmem_shared>>) offsets(%arg10 : memref<80xi32, #tpu.memory_space<vmem>>) semaphore(%arg30 : memref<!tpu.dma_semaphore, #tpu.memory_space<semaphore_mem>>) {add = true}
      %dma_start3A_512 = arith.constant 0 : i32
      %dma_start3A_513 = arith.constant 0 : i32
      %dma_start3A_514 = tpu.memref_slice %arg25[%dma_start3A_512, %dma_start3A_513] : memref<10240x128xf32, #tpu.memory_space<vmem_shared>> -> memref<10240x128xf32, #tpu.memory_space<vmem_shared>>
      tpu.enqueue_indirect_dma source(%arg8 : memref<80x128xf32, #tpu.memory_space<vmem>>) target(%dma_start3A_514 : memref<10240x128xf32, #tpu.memory_space<vmem_shared>>) offsets(%arg18 : memref<80xi32, #tpu.memory_space<vmem>>) semaphore(%arg30 : memref<!tpu.dma_semaphore, #tpu.memory_space<semaphore_mem>>) {add = true}
      %mul3A_515 = arith.constant 4 : i32
      %mul3A_516 = arith.muli %mul3A_515, %scan3A_328 : i32
      %add3A_517 = arith.constant 2 : i32
      %add3A_518 = arith.addi %mul3A_516, %add3A_517 : i32
      %add3A_519 = arith.constant 3 : i32
      %add3A_520 = arith.addi %add3A_518, %add3A_519 : i32
      %dma_wait3A_521 = arith.constant 0 : i32
      %dma_wait3A_522 = arith.constant 0 : i32
      %dma_wait3A_523 = tpu.memref_slice %arg25[%dma_wait3A_521, %dma_wait3A_522] : memref<10240x128xf32, #tpu.memory_space<vmem_shared>> -> memref<10240x128xf32, #tpu.memory_space<vmem_shared>>
      tpu.wait_indirect_dma semaphore(%arg31 : memref<!tpu.dma_semaphore, #tpu.memory_space<semaphore_mem>>) src(%arg7 : memref<80x128xf32, #tpu.memory_space<vmem>>) dst(%dma_wait3A_523 : memref<10240x128xf32, #tpu.memory_space<vmem_shared>>)
      %dma_wait3A_524 = arith.constant 0 : i32
      %dma_wait3A_525 = arith.constant 0 : i32
      %dma_wait3A_526 = tpu.memref_slice %arg25[%dma_wait3A_524, %dma_wait3A_525] : memref<10240x128xf32, #tpu.memory_space<vmem_shared>> -> memref<10240x128xf32, #tpu.memory_space<vmem_shared>>
      tpu.wait_indirect_dma semaphore(%arg31 : memref<!tpu.dma_semaphore, #tpu.memory_space<semaphore_mem>>) src(%arg8 : memref<80x128xf32, #tpu.memory_space<vmem>>) dst(%dma_wait3A_526 : memref<10240x128xf32, #tpu.memory_space<vmem_shared>>)
      %dma_wait3A_527 = arith.constant 0 : i32
      %dma_wait3A_528 = arith.constant 0 : i32
      %dma_wait3A_529 = tpu.memref_slice %arg25[%dma_wait3A_527, %dma_wait3A_528] : memref<10240x128xf32, #tpu.memory_space<vmem_shared>> -> memref<10240x128xf32, #tpu.memory_space<vmem_shared>>
      tpu.wait_indirect_dma semaphore(%arg31 : memref<!tpu.dma_semaphore, #tpu.memory_space<semaphore_mem>>) src(%arg7 : memref<80x128xf32, #tpu.memory_space<vmem>>) dst(%dma_wait3A_529 : memref<10240x128xf32, #tpu.memory_space<vmem_shared>>)
      %dma_wait3A_530 = arith.constant 0 : i32
      %dma_wait3A_531 = arith.constant 0 : i32
      %dma_wait3A_532 = tpu.memref_slice %arg25[%dma_wait3A_530, %dma_wait3A_531] : memref<10240x128xf32, #tpu.memory_space<vmem_shared>> -> memref<10240x128xf32, #tpu.memory_space<vmem_shared>>
      tpu.wait_indirect_dma semaphore(%arg31 : memref<!tpu.dma_semaphore, #tpu.memory_space<semaphore_mem>>) src(%arg8 : memref<80x128xf32, #tpu.memory_space<vmem>>) dst(%dma_wait3A_532 : memref<10240x128xf32, #tpu.memory_space<vmem_shared>>)
      %add3A_533 = arith.constant 2 : i32
      %add3A_534 = arith.addi %add3A_520, %add3A_533 : i32
      %mul3A_535 = arith.constant 160 : i32
      %mul3A_536 = arith.muli %add3A_534, %mul3A_535 : i32
      %add3A_537 = arith.addi %mul3A_2, %mul3A_536 : i32
      %add3A_538 = arith.constant 0 : i32
      %add3A_539 = arith.addi %add3A_537, %add3A_538 : i32
      %dma_start3A_540 = tpu.memref_slice %arg2[%add3A_539] : memref<320000xi32, #tpu.memory_space<hbm>> -> memref<80xi32, #tpu.memory_space<hbm>>
      %dma_start3A_541 = tpu.memref_slice %arg2[%add3A_539] : memref<320000xi32, #tpu.memory_space<hbm>> -> memref<80xi32, #tpu.memory_space<hbm>>
      tpu.enqueue_dma source(%dma_start3A_541 : memref<80xi32, #tpu.memory_space<hbm>>) target(%arg15 : memref<80xi32, #tpu.memory_space<vmem>>) target_semaphore(%arg29 : memref<!tpu.dma_semaphore, #tpu.memory_space<semaphore_mem>>)
      %dma_start3A_542 = tpu.memref_slice %arg3[%add3A_539] : memref<320000xi32, #tpu.memory_space<hbm>> -> memref<80xi32, #tpu.memory_space<hbm>>
      %dma_start3A_543 = tpu.memref_slice %arg3[%add3A_539] : memref<320000xi32, #tpu.memory_space<hbm>> -> memref<80xi32, #tpu.memory_space<hbm>>
      tpu.enqueue_dma source(%dma_start3A_543 : memref<80xi32, #tpu.memory_space<hbm>>) target(%arg23 : memref<80xi32, #tpu.memory_space<vmem>>) target_semaphore(%arg29 : memref<!tpu.dma_semaphore, #tpu.memory_space<semaphore_mem>>)
      %add3A_544 = arith.constant 80 : i32
      %add3A_545 = arith.addi %add3A_537, %add3A_544 : i32
      %dma_start3A_546 = tpu.memref_slice %arg2[%add3A_545] : memref<320000xi32, #tpu.memory_space<hbm>> -> memref<80xi32, #tpu.memory_space<hbm>>
      %dma_start3A_547 = tpu.memref_slice %arg2[%add3A_545] : memref<320000xi32, #tpu.memory_space<hbm>> -> memref<80xi32, #tpu.memory_space<hbm>>
      tpu.enqueue_dma source(%dma_start3A_547 : memref<80xi32, #tpu.memory_space<hbm>>) target(%arg16 : memref<80xi32, #tpu.memory_space<vmem>>) target_semaphore(%arg29 : memref<!tpu.dma_semaphore, #tpu.memory_space<semaphore_mem>>)
      %dma_start3A_548 = tpu.memref_slice %arg3[%add3A_545] : memref<320000xi32, #tpu.memory_space<hbm>> -> memref<80xi32, #tpu.memory_space<hbm>>
      %dma_start3A_549 = tpu.memref_slice %arg3[%add3A_545] : memref<320000xi32, #tpu.memory_space<hbm>> -> memref<80xi32, #tpu.memory_space<hbm>>
      tpu.enqueue_dma source(%dma_start3A_549 : memref<80xi32, #tpu.memory_space<hbm>>) target(%arg24 : memref<80xi32, #tpu.memory_space<vmem>>) target_semaphore(%arg29 : memref<!tpu.dma_semaphore, #tpu.memory_space<semaphore_mem>>)
      %mul3A_550 = arith.constant 160 : i32
      %mul3A_551 = arith.muli %add3A_520, %mul3A_550 : i32
      %add3A_552 = arith.addi %mul3A_2, %mul3A_551 : i32
      %add3A_553 = arith.constant 0 : i32
      %add3A_554 = arith.addi %add3A_552, %add3A_553 : i32
      %dma_wait3A_555 = tpu.memref_slice %arg2[%add3A_554] : memref<320000xi32, #tpu.memory_space<hbm>> -> memref<80xi32, #tpu.memory_space<hbm>>
      %dma_wait3A_556 = tpu.memref_slice %arg2[%add3A_554] : memref<320000xi32, #tpu.memory_space<hbm>> -> memref<80xi32, #tpu.memory_space<hbm>>
      tpu.wait_dma2 semaphore(%arg27 : memref<!tpu.dma_semaphore, #tpu.memory_space<semaphore_mem>>) src(%dma_wait3A_556 : memref<80xi32, #tpu.memory_space<hbm>>) dst(%arg11 : memref<80xi32, #tpu.memory_space<vmem>>)
      %dma_wait3A_557 = tpu.memref_slice %arg3[%add3A_554] : memref<320000xi32, #tpu.memory_space<hbm>> -> memref<80xi32, #tpu.memory_space<hbm>>
      %dma_wait3A_558 = tpu.memref_slice %arg3[%add3A_554] : memref<320000xi32, #tpu.memory_space<hbm>> -> memref<80xi32, #tpu.memory_space<hbm>>
      tpu.wait_dma2 semaphore(%arg27 : memref<!tpu.dma_semaphore, #tpu.memory_space<semaphore_mem>>) src(%dma_wait3A_558 : memref<80xi32, #tpu.memory_space<hbm>>) dst(%arg19 : memref<80xi32, #tpu.memory_space<vmem>>)
      %add3A_559 = arith.constant 80 : i32
      %add3A_560 = arith.addi %add3A_552, %add3A_559 : i32
      %dma_wait3A_561 = tpu.memref_slice %arg2[%add3A_560] : memref<320000xi32, #tpu.memory_space<hbm>> -> memref<80xi32, #tpu.memory_space<hbm>>
      %dma_wait3A_562 = tpu.memref_slice %arg2[%add3A_560] : memref<320000xi32, #tpu.memory_space<hbm>> -> memref<80xi32, #tpu.memory_space<hbm>>
      tpu.wait_dma2 semaphore(%arg27 : memref<!tpu.dma_semaphore, #tpu.memory_space<semaphore_mem>>) src(%dma_wait3A_562 : memref<80xi32, #tpu.memory_space<hbm>>) dst(%arg12 : memref<80xi32, #tpu.memory_space<vmem>>)
      %dma_wait3A_563 = tpu.memref_slice %arg3[%add3A_560] : memref<320000xi32, #tpu.memory_space<hbm>> -> memref<80xi32, #tpu.memory_space<hbm>>
      %dma_wait3A_564 = tpu.memref_slice %arg3[%add3A_560] : memref<320000xi32, #tpu.memory_space<hbm>> -> memref<80xi32, #tpu.memory_space<hbm>>
      tpu.wait_dma2 semaphore(%arg27 : memref<!tpu.dma_semaphore, #tpu.memory_space<semaphore_mem>>) src(%dma_wait3A_564 : memref<80xi32, #tpu.memory_space<hbm>>) dst(%arg20 : memref<80xi32, #tpu.memory_space<vmem>>)
      %dma_start3A_565 = arith.constant 0 : i32
      %dma_start3A_566 = arith.constant 0 : i32
      %dma_start3A_567 = tpu.memref_slice %arg25[%dma_start3A_565, %dma_start3A_566] : memref<10240x128xf32, #tpu.memory_space<vmem_shared>> -> memref<10240x128xf32, #tpu.memory_space<vmem_shared>>
      tpu.enqueue_indirect_dma source(%arg7 : memref<80x128xf32, #tpu.memory_space<vmem>>) target(%dma_start3A_567 : memref<10240x128xf32, #tpu.memory_space<vmem_shared>>) offsets(%arg11 : memref<80xi32, #tpu.memory_space<vmem>>) semaphore(%arg31 : memref<!tpu.dma_semaphore, #tpu.memory_space<semaphore_mem>>) {add = true}
      %dma_start3A_568 = arith.constant 0 : i32
      %dma_start3A_569 = arith.constant 0 : i32
      %dma_start3A_570 = tpu.memref_slice %arg25[%dma_start3A_568, %dma_start3A_569] : memref<10240x128xf32, #tpu.memory_space<vmem_shared>> -> memref<10240x128xf32, #tpu.memory_space<vmem_shared>>
      tpu.enqueue_indirect_dma source(%arg8 : memref<80x128xf32, #tpu.memory_space<vmem>>) target(%dma_start3A_570 : memref<10240x128xf32, #tpu.memory_space<vmem_shared>>) offsets(%arg19 : memref<80xi32, #tpu.memory_space<vmem>>) semaphore(%arg31 : memref<!tpu.dma_semaphore, #tpu.memory_space<semaphore_mem>>) {add = true}
      %dma_start3A_571 = arith.constant 0 : i32
      %dma_start3A_572 = arith.constant 0 : i32
      %dma_start3A_573 = tpu.memref_slice %arg25[%dma_start3A_571, %dma_start3A_572] : memref<10240x128xf32, #tpu.memory_space<vmem_shared>> -> memref<10240x128xf32, #tpu.memory_space<vmem_shared>>
      tpu.enqueue_indirect_dma source(%arg7 : memref<80x128xf32, #tpu.memory_space<vmem>>) target(%dma_start3A_573 : memref<10240x128xf32, #tpu.memory_space<vmem_shared>>) offsets(%arg12 : memref<80xi32, #tpu.memory_space<vmem>>) semaphore(%arg31 : memref<!tpu.dma_semaphore, #tpu.memory_space<semaphore_mem>>) {add = true}
      %dma_start3A_574 = arith.constant 0 : i32
      %dma_start3A_575 = arith.constant 0 : i32
      %dma_start3A_576 = tpu.memref_slice %arg25[%dma_start3A_574, %dma_start3A_575] : memref<10240x128xf32, #tpu.memory_space<vmem_shared>> -> memref<10240x128xf32, #tpu.memory_space<vmem_shared>>
      tpu.enqueue_indirect_dma source(%arg8 : memref<80x128xf32, #tpu.memory_space<vmem>>) target(%dma_start3A_576 : memref<10240x128xf32, #tpu.memory_space<vmem_shared>>) offsets(%arg20 : memref<80xi32, #tpu.memory_space<vmem>>) semaphore(%arg31 : memref<!tpu.dma_semaphore, #tpu.memory_space<semaphore_mem>>) {add = true}
    }
    %scan3A_120 = arith.constant 14 : i32
    %dma_wait3A_121 = arith.constant 0 : i32
    %dma_wait3A_122 = arith.constant 0 : i32
    %dma_wait3A_123 = tpu.memref_slice %arg25[%dma_wait3A_121, %dma_wait3A_122] : memref<10240x128xf32, #tpu.memory_space<vmem_shared>> -> memref<10240x128xf32, #tpu.memory_space<vmem_shared>>
    tpu.wait_indirect_dma semaphore(%arg30 : memref<!tpu.dma_semaphore, #tpu.memory_space<semaphore_mem>>) src(%arg7 : memref<80x128xf32, #tpu.memory_space<vmem>>) dst(%dma_wait3A_123 : memref<10240x128xf32, #tpu.memory_space<vmem_shared>>)
    %dma_wait3A_124 = arith.constant 0 : i32
    %dma_wait3A_125 = arith.constant 0 : i32
    %dma_wait3A_126 = tpu.memref_slice %arg25[%dma_wait3A_124, %dma_wait3A_125] : memref<10240x128xf32, #tpu.memory_space<vmem_shared>> -> memref<10240x128xf32, #tpu.memory_space<vmem_shared>>
    tpu.wait_indirect_dma semaphore(%arg30 : memref<!tpu.dma_semaphore, #tpu.memory_space<semaphore_mem>>) src(%arg8 : memref<80x128xf32, #tpu.memory_space<vmem>>) dst(%dma_wait3A_126 : memref<10240x128xf32, #tpu.memory_space<vmem_shared>>)
    %dma_wait3A_127 = arith.constant 0 : i32
    %dma_wait3A_128 = arith.constant 0 : i32
    %dma_wait3A_129 = tpu.memref_slice %arg25[%dma_wait3A_127, %dma_wait3A_128] : memref<10240x128xf32, #tpu.memory_space<vmem_shared>> -> memref<10240x128xf32, #tpu.memory_space<vmem_shared>>
    tpu.wait_indirect_dma semaphore(%arg30 : memref<!tpu.dma_semaphore, #tpu.memory_space<semaphore_mem>>) src(%arg7 : memref<80x128xf32, #tpu.memory_space<vmem>>) dst(%dma_wait3A_129 : memref<10240x128xf32, #tpu.memory_space<vmem_shared>>)
    %dma_wait3A_130 = arith.constant 0 : i32
    %dma_wait3A_131 = arith.constant 0 : i32
    %dma_wait3A_132 = tpu.memref_slice %arg25[%dma_wait3A_130, %dma_wait3A_131] : memref<10240x128xf32, #tpu.memory_space<vmem_shared>> -> memref<10240x128xf32, #tpu.memory_space<vmem_shared>>
    tpu.wait_indirect_dma semaphore(%arg30 : memref<!tpu.dma_semaphore, #tpu.memory_space<semaphore_mem>>) src(%arg8 : memref<80x128xf32, #tpu.memory_space<vmem>>) dst(%dma_wait3A_132 : memref<10240x128xf32, #tpu.memory_space<vmem_shared>>)
    %add3A_133 = arith.constant 9600 : i32
    %add3A_134 = arith.addi %mul3A_2, %add3A_133 : i32
    %add3A_135 = arith.constant 0 : i32
    %add3A_136 = arith.addi %add3A_134, %add3A_135 : i32
    %dma_start3A_137 = tpu.memref_slice %arg2[%add3A_136] : memref<320000xi32, #tpu.memory_space<hbm>> -> memref<80xi32, #tpu.memory_space<hbm>>
    %dma_start3A_138 = tpu.memref_slice %arg2[%add3A_136] : memref<320000xi32, #tpu.memory_space<hbm>> -> memref<80xi32, #tpu.memory_space<hbm>>
    tpu.enqueue_dma source(%dma_start3A_138 : memref<80xi32, #tpu.memory_space<hbm>>) target(%arg9 : memref<80xi32, #tpu.memory_space<vmem>>) target_semaphore(%arg26 : memref<!tpu.dma_semaphore, #tpu.memory_space<semaphore_mem>>)
    %dma_start3A_139 = tpu.memref_slice %arg3[%add3A_136] : memref<320000xi32, #tpu.memory_space<hbm>> -> memref<80xi32, #tpu.memory_space<hbm>>
    %dma_start3A_140 = tpu.memref_slice %arg3[%add3A_136] : memref<320000xi32, #tpu.memory_space<hbm>> -> memref<80xi32, #tpu.memory_space<hbm>>
    tpu.enqueue_dma source(%dma_start3A_140 : memref<80xi32, #tpu.memory_space<hbm>>) target(%arg17 : memref<80xi32, #tpu.memory_space<vmem>>) target_semaphore(%arg26 : memref<!tpu.dma_semaphore, #tpu.memory_space<semaphore_mem>>)
    %add3A_141 = arith.constant 80 : i32
    %add3A_142 = arith.addi %add3A_134, %add3A_141 : i32
    %dma_start3A_143 = tpu.memref_slice %arg2[%add3A_142] : memref<320000xi32, #tpu.memory_space<hbm>> -> memref<80xi32, #tpu.memory_space<hbm>>
    %dma_start3A_144 = tpu.memref_slice %arg2[%add3A_142] : memref<320000xi32, #tpu.memory_space<hbm>> -> memref<80xi32, #tpu.memory_space<hbm>>
    tpu.enqueue_dma source(%dma_start3A_144 : memref<80xi32, #tpu.memory_space<hbm>>) target(%arg10 : memref<80xi32, #tpu.memory_space<vmem>>) target_semaphore(%arg26 : memref<!tpu.dma_semaphore, #tpu.memory_space<semaphore_mem>>)
    %dma_start3A_145 = tpu.memref_slice %arg3[%add3A_142] : memref<320000xi32, #tpu.memory_space<hbm>> -> memref<80xi32, #tpu.memory_space<hbm>>
    %dma_start3A_146 = tpu.memref_slice %arg3[%add3A_142] : memref<320000xi32, #tpu.memory_space<hbm>> -> memref<80xi32, #tpu.memory_space<hbm>>
    tpu.enqueue_dma source(%dma_start3A_146 : memref<80xi32, #tpu.memory_space<hbm>>) target(%arg18 : memref<80xi32, #tpu.memory_space<vmem>>) target_semaphore(%arg26 : memref<!tpu.dma_semaphore, #tpu.memory_space<semaphore_mem>>)
    %add3A_147 = arith.constant 9280 : i32
    %add3A_148 = arith.addi %mul3A_2, %add3A_147 : i32
    %add3A_149 = arith.constant 0 : i32
    %add3A_150 = arith.addi %add3A_148, %add3A_149 : i32
    %dma_wait3A_151 = tpu.memref_slice %arg2[%add3A_150] : memref<320000xi32, #tpu.memory_space<hbm>> -> memref<80xi32, #tpu.memory_space<hbm>>
    %dma_wait3A_152 = tpu.memref_slice %arg2[%add3A_150] : memref<320000xi32, #tpu.memory_space<hbm>> -> memref<80xi32, #tpu.memory_space<hbm>>
    tpu.wait_dma2 semaphore(%arg28 : memref<!tpu.dma_semaphore, #tpu.memory_space<semaphore_mem>>) src(%dma_wait3A_152 : memref<80xi32, #tpu.memory_space<hbm>>) dst(%arg13 : memref<80xi32, #tpu.memory_space<vmem>>)
    %dma_wait3A_153 = tpu.memref_slice %arg3[%add3A_150] : memref<320000xi32, #tpu.memory_space<hbm>> -> memref<80xi32, #tpu.memory_space<hbm>>
    %dma_wait3A_154 = tpu.memref_slice %arg3[%add3A_150] : memref<320000xi32, #tpu.memory_space<hbm>> -> memref<80xi32, #tpu.memory_space<hbm>>
    tpu.wait_dma2 semaphore(%arg28 : memref<!tpu.dma_semaphore, #tpu.memory_space<semaphore_mem>>) src(%dma_wait3A_154 : memref<80xi32, #tpu.memory_space<hbm>>) dst(%arg21 : memref<80xi32, #tpu.memory_space<vmem>>)
    %add3A_155 = arith.constant 80 : i32
    %add3A_156 = arith.addi %add3A_148, %add3A_155 : i32
    %dma_wait3A_157 = tpu.memref_slice %arg2[%add3A_156] : memref<320000xi32, #tpu.memory_space<hbm>> -> memref<80xi32, #tpu.memory_space<hbm>>
    %dma_wait3A_158 = tpu.memref_slice %arg2[%add3A_156] : memref<320000xi32, #tpu.memory_space<hbm>> -> memref<80xi32, #tpu.memory_space<hbm>>
    tpu.wait_dma2 semaphore(%arg28 : memref<!tpu.dma_semaphore, #tpu.memory_space<semaphore_mem>>) src(%dma_wait3A_158 : memref<80xi32, #tpu.memory_space<hbm>>) dst(%arg14 : memref<80xi32, #tpu.memory_space<vmem>>)
    %dma_wait3A_159 = tpu.memref_slice %arg3[%add3A_156] : memref<320000xi32, #tpu.memory_space<hbm>> -> memref<80xi32, #tpu.memory_space<hbm>>
    %dma_wait3A_160 = tpu.memref_slice %arg3[%add3A_156] : memref<320000xi32, #tpu.memory_space<hbm>> -> memref<80xi32, #tpu.memory_space<hbm>>
    tpu.wait_dma2 semaphore(%arg28 : memref<!tpu.dma_semaphore, #tpu.memory_space<semaphore_mem>>) src(%dma_wait3A_160 : memref<80xi32, #tpu.memory_space<hbm>>) dst(%arg22 : memref<80xi32, #tpu.memory_space<vmem>>)
    %dma_start3A_161 = arith.constant 0 : i32
    %dma_start3A_162 = arith.constant 0 : i32
    %dma_start3A_163 = tpu.memref_slice %arg25[%dma_start3A_161, %dma_start3A_162] : memref<10240x128xf32, #tpu.memory_space<vmem_shared>> -> memref<10240x128xf32, #tpu.memory_space<vmem_shared>>
    tpu.enqueue_indirect_dma source(%arg7 : memref<80x128xf32, #tpu.memory_space<vmem>>) target(%dma_start3A_163 : memref<10240x128xf32, #tpu.memory_space<vmem_shared>>) offsets(%arg13 : memref<80xi32, #tpu.memory_space<vmem>>) semaphore(%arg30 : memref<!tpu.dma_semaphore, #tpu.memory_space<semaphore_mem>>) {add = true}
    %dma_start3A_164 = arith.constant 0 : i32
    %dma_start3A_165 = arith.constant 0 : i32
    %dma_start3A_166 = tpu.memref_slice %arg25[%dma_start3A_164, %dma_start3A_165] : memref<10240x128xf32, #tpu.memory_space<vmem_shared>> -> memref<10240x128xf32, #tpu.memory_space<vmem_shared>>
    tpu.enqueue_indirect_dma source(%arg8 : memref<80x128xf32, #tpu.memory_space<vmem>>) target(%dma_start3A_166 : memref<10240x128xf32, #tpu.memory_space<vmem_shared>>) offsets(%arg21 : memref<80xi32, #tpu.memory_space<vmem>>) semaphore(%arg30 : memref<!tpu.dma_semaphore, #tpu.memory_space<semaphore_mem>>) {add = true}
    %dma_start3A_167 = arith.constant 0 : i32
    %dma_start3A_168 = arith.constant 0 : i32
    %dma_start3A_169 = tpu.memref_slice %arg25[%dma_start3A_167, %dma_start3A_168] : memref<10240x128xf32, #tpu.memory_space<vmem_shared>> -> memref<10240x128xf32, #tpu.memory_space<vmem_shared>>
    tpu.enqueue_indirect_dma source(%arg7 : memref<80x128xf32, #tpu.memory_space<vmem>>) target(%dma_start3A_169 : memref<10240x128xf32, #tpu.memory_space<vmem_shared>>) offsets(%arg14 : memref<80xi32, #tpu.memory_space<vmem>>) semaphore(%arg30 : memref<!tpu.dma_semaphore, #tpu.memory_space<semaphore_mem>>) {add = true}
    %dma_start3A_170 = arith.constant 0 : i32
    %dma_start3A_171 = arith.constant 0 : i32
    %dma_start3A_172 = tpu.memref_slice %arg25[%dma_start3A_170, %dma_start3A_171] : memref<10240x128xf32, #tpu.memory_space<vmem_shared>> -> memref<10240x128xf32, #tpu.memory_space<vmem_shared>>
    tpu.enqueue_indirect_dma source(%arg8 : memref<80x128xf32, #tpu.memory_space<vmem>>) target(%dma_start3A_172 : memref<10240x128xf32, #tpu.memory_space<vmem_shared>>) offsets(%arg22 : memref<80xi32, #tpu.memory_space<vmem>>) semaphore(%arg30 : memref<!tpu.dma_semaphore, #tpu.memory_space<semaphore_mem>>) {add = true}
    %dma_wait3A_173 = arith.constant 0 : i32
    %dma_wait3A_174 = arith.constant 0 : i32
    %dma_wait3A_175 = tpu.memref_slice %arg25[%dma_wait3A_173, %dma_wait3A_174] : memref<10240x128xf32, #tpu.memory_space<vmem_shared>> -> memref<10240x128xf32, #tpu.memory_space<vmem_shared>>
    tpu.wait_indirect_dma semaphore(%arg31 : memref<!tpu.dma_semaphore, #tpu.memory_space<semaphore_mem>>) src(%arg7 : memref<80x128xf32, #tpu.memory_space<vmem>>) dst(%dma_wait3A_175 : memref<10240x128xf32, #tpu.memory_space<vmem_shared>>)
    %dma_wait3A_176 = arith.constant 0 : i32
    %dma_wait3A_177 = arith.constant 0 : i32
    %dma_wait3A_178 = tpu.memref_slice %arg25[%dma_wait3A_176, %dma_wait3A_177] : memref<10240x128xf32, #tpu.memory_space<vmem_shared>> -> memref<10240x128xf32, #tpu.memory_space<vmem_shared>>
    tpu.wait_indirect_dma semaphore(%arg31 : memref<!tpu.dma_semaphore, #tpu.memory_space<semaphore_mem>>) src(%arg8 : memref<80x128xf32, #tpu.memory_space<vmem>>) dst(%dma_wait3A_178 : memref<10240x128xf32, #tpu.memory_space<vmem_shared>>)
    %dma_wait3A_179 = arith.constant 0 : i32
    %dma_wait3A_180 = arith.constant 0 : i32
    %dma_wait3A_181 = tpu.memref_slice %arg25[%dma_wait3A_179, %dma_wait3A_180] : memref<10240x128xf32, #tpu.memory_space<vmem_shared>> -> memref<10240x128xf32, #tpu.memory_space<vmem_shared>>
    tpu.wait_indirect_dma semaphore(%arg31 : memref<!tpu.dma_semaphore, #tpu.memory_space<semaphore_mem>>) src(%arg7 : memref<80x128xf32, #tpu.memory_space<vmem>>) dst(%dma_wait3A_181 : memref<10240x128xf32, #tpu.memory_space<vmem_shared>>)
    %dma_wait3A_182 = arith.constant 0 : i32
    %dma_wait3A_183 = arith.constant 0 : i32
    %dma_wait3A_184 = tpu.memref_slice %arg25[%dma_wait3A_182, %dma_wait3A_183] : memref<10240x128xf32, #tpu.memory_space<vmem_shared>> -> memref<10240x128xf32, #tpu.memory_space<vmem_shared>>
    tpu.wait_indirect_dma semaphore(%arg31 : memref<!tpu.dma_semaphore, #tpu.memory_space<semaphore_mem>>) src(%arg8 : memref<80x128xf32, #tpu.memory_space<vmem>>) dst(%dma_wait3A_184 : memref<10240x128xf32, #tpu.memory_space<vmem_shared>>)
    %add3A_185 = arith.constant 9760 : i32
    %add3A_186 = arith.addi %mul3A_2, %add3A_185 : i32
    %add3A_187 = arith.constant 0 : i32
    %add3A_188 = arith.addi %add3A_186, %add3A_187 : i32
    %dma_start3A_189 = tpu.memref_slice %arg2[%add3A_188] : memref<320000xi32, #tpu.memory_space<hbm>> -> memref<80xi32, #tpu.memory_space<hbm>>
    %dma_start3A_190 = tpu.memref_slice %arg2[%add3A_188] : memref<320000xi32, #tpu.memory_space<hbm>> -> memref<80xi32, #tpu.memory_space<hbm>>
    tpu.enqueue_dma source(%dma_start3A_190 : memref<80xi32, #tpu.memory_space<hbm>>) target(%arg11 : memref<80xi32, #tpu.memory_space<vmem>>) target_semaphore(%arg27 : memref<!tpu.dma_semaphore, #tpu.memory_space<semaphore_mem>>)
    %dma_start3A_191 = tpu.memref_slice %arg3[%add3A_188] : memref<320000xi32, #tpu.memory_space<hbm>> -> memref<80xi32, #tpu.memory_space<hbm>>
    %dma_start3A_192 = tpu.memref_slice %arg3[%add3A_188] : memref<320000xi32, #tpu.memory_space<hbm>> -> memref<80xi32, #tpu.memory_space<hbm>>
    tpu.enqueue_dma source(%dma_start3A_192 : memref<80xi32, #tpu.memory_space<hbm>>) target(%arg19 : memref<80xi32, #tpu.memory_space<vmem>>) target_semaphore(%arg27 : memref<!tpu.dma_semaphore, #tpu.memory_space<semaphore_mem>>)
    %add3A_193 = arith.constant 80 : i32
    %add3A_194 = arith.addi %add3A_186, %add3A_193 : i32
    %dma_start3A_195 = tpu.memref_slice %arg2[%add3A_194] : memref<320000xi32, #tpu.memory_space<hbm>> -> memref<80xi32, #tpu.memory_space<hbm>>
    %dma_start3A_196 = tpu.memref_slice %arg2[%add3A_194] : memref<320000xi32, #tpu.memory_space<hbm>> -> memref<80xi32, #tpu.memory_space<hbm>>
    tpu.enqueue_dma source(%dma_start3A_196 : memref<80xi32, #tpu.memory_space<hbm>>) target(%arg12 : memref<80xi32, #tpu.memory_space<vmem>>) target_semaphore(%arg27 : memref<!tpu.dma_semaphore, #tpu.memory_space<semaphore_mem>>)
    %dma_start3A_197 = tpu.memref_slice %arg3[%add3A_194] : memref<320000xi32, #tpu.memory_space<hbm>> -> memref<80xi32, #tpu.memory_space<hbm>>
    %dma_start3A_198 = tpu.memref_slice %arg3[%add3A_194] : memref<320000xi32, #tpu.memory_space<hbm>> -> memref<80xi32, #tpu.memory_space<hbm>>
    tpu.enqueue_dma source(%dma_start3A_198 : memref<80xi32, #tpu.memory_space<hbm>>) target(%arg20 : memref<80xi32, #tpu.memory_space<vmem>>) target_semaphore(%arg27 : memref<!tpu.dma_semaphore, #tpu.memory_space<semaphore_mem>>)
    %add3A_199 = arith.constant 9440 : i32
    %add3A_200 = arith.addi %mul3A_2, %add3A_199 : i32
    %add3A_201 = arith.constant 0 : i32
    %add3A_202 = arith.addi %add3A_200, %add3A_201 : i32
    %dma_wait3A_203 = tpu.memref_slice %arg2[%add3A_202] : memref<320000xi32, #tpu.memory_space<hbm>> -> memref<80xi32, #tpu.memory_space<hbm>>
    %dma_wait3A_204 = tpu.memref_slice %arg2[%add3A_202] : memref<320000xi32, #tpu.memory_space<hbm>> -> memref<80xi32, #tpu.memory_space<hbm>>
    tpu.wait_dma2 semaphore(%arg29 : memref<!tpu.dma_semaphore, #tpu.memory_space<semaphore_mem>>) src(%dma_wait3A_204 : memref<80xi32, #tpu.memory_space<hbm>>) dst(%arg15 : memref<80xi32, #tpu.memory_space<vmem>>)
    %dma_wait3A_205 = tpu.memref_slice %arg3[%add3A_202] : memref<320000xi32, #tpu.memory_space<hbm>> -> memref<80xi32, #tpu.memory_space<hbm>>
    %dma_wait3A_206 = tpu.memref_slice %arg3[%add3A_202] : memref<320000xi32, #tpu.memory_space<hbm>> -> memref<80xi32, #tpu.memory_space<hbm>>
    tpu.wait_dma2 semaphore(%arg29 : memref<!tpu.dma_semaphore, #tpu.memory_space<semaphore_mem>>) src(%dma_wait3A_206 : memref<80xi32, #tpu.memory_space<hbm>>) dst(%arg23 : memref<80xi32, #tpu.memory_space<vmem>>)
    %add3A_207 = arith.constant 80 : i32
    %add3A_208 = arith.addi %add3A_200, %add3A_207 : i32
    %dma_wait3A_209 = tpu.memref_slice %arg2[%add3A_208] : memref<320000xi32, #tpu.memory_space<hbm>> -> memref<80xi32, #tpu.memory_space<hbm>>
    %dma_wait3A_210 = tpu.memref_slice %arg2[%add3A_208] : memref<320000xi32, #tpu.memory_space<hbm>> -> memref<80xi32, #tpu.memory_space<hbm>>
    tpu.wait_dma2 semaphore(%arg29 : memref<!tpu.dma_semaphore, #tpu.memory_space<semaphore_mem>>) src(%dma_wait3A_210 : memref<80xi32, #tpu.memory_space<hbm>>) dst(%arg16 : memref<80xi32, #tpu.memory_space<vmem>>)
    %dma_wait3A_211 = tpu.memref_slice %arg3[%add3A_208] : memref<320000xi32, #tpu.memory_space<hbm>> -> memref<80xi32, #tpu.memory_space<hbm>>
    %dma_wait3A_212 = tpu.memref_slice %arg3[%add3A_208] : memref<320000xi32, #tpu.memory_space<hbm>> -> memref<80xi32, #tpu.memory_space<hbm>>
    tpu.wait_dma2 semaphore(%arg29 : memref<!tpu.dma_semaphore, #tpu.memory_space<semaphore_mem>>) src(%dma_wait3A_212 : memref<80xi32, #tpu.memory_space<hbm>>) dst(%arg24 : memref<80xi32, #tpu.memory_space<vmem>>)
    %dma_start3A_213 = arith.constant 0 : i32
    %dma_start3A_214 = arith.constant 0 : i32
    %dma_start3A_215 = tpu.memref_slice %arg25[%dma_start3A_213, %dma_start3A_214] : memref<10240x128xf32, #tpu.memory_space<vmem_shared>> -> memref<10240x128xf32, #tpu.memory_space<vmem_shared>>
    tpu.enqueue_indirect_dma source(%arg7 : memref<80x128xf32, #tpu.memory_space<vmem>>) target(%dma_start3A_215 : memref<10240x128xf32, #tpu.memory_space<vmem_shared>>) offsets(%arg15 : memref<80xi32, #tpu.memory_space<vmem>>) semaphore(%arg31 : memref<!tpu.dma_semaphore, #tpu.memory_space<semaphore_mem>>) {add = true}
    %dma_start3A_216 = arith.constant 0 : i32
    %dma_start3A_217 = arith.constant 0 : i32
    %dma_start3A_218 = tpu.memref_slice %arg25[%dma_start3A_216, %dma_start3A_217] : memref<10240x128xf32, #tpu.memory_space<vmem_shared>> -> memref<10240x128xf32, #tpu.memory_space<vmem_shared>>
    tpu.enqueue_indirect_dma source(%arg8 : memref<80x128xf32, #tpu.memory_space<vmem>>) target(%dma_start3A_218 : memref<10240x128xf32, #tpu.memory_space<vmem_shared>>) offsets(%arg23 : memref<80xi32, #tpu.memory_space<vmem>>) semaphore(%arg31 : memref<!tpu.dma_semaphore, #tpu.memory_space<semaphore_mem>>) {add = true}
    %dma_start3A_219 = arith.constant 0 : i32
    %dma_start3A_220 = arith.constant 0 : i32
    %dma_start3A_221 = tpu.memref_slice %arg25[%dma_start3A_219, %dma_start3A_220] : memref<10240x128xf32, #tpu.memory_space<vmem_shared>> -> memref<10240x128xf32, #tpu.memory_space<vmem_shared>>
    tpu.enqueue_indirect_dma source(%arg7 : memref<80x128xf32, #tpu.memory_space<vmem>>) target(%dma_start3A_221 : memref<10240x128xf32, #tpu.memory_space<vmem_shared>>) offsets(%arg16 : memref<80xi32, #tpu.memory_space<vmem>>) semaphore(%arg31 : memref<!tpu.dma_semaphore, #tpu.memory_space<semaphore_mem>>) {add = true}
    %dma_start3A_222 = arith.constant 0 : i32
    %dma_start3A_223 = arith.constant 0 : i32
    %dma_start3A_224 = tpu.memref_slice %arg25[%dma_start3A_222, %dma_start3A_223] : memref<10240x128xf32, #tpu.memory_space<vmem_shared>> -> memref<10240x128xf32, #tpu.memory_space<vmem_shared>>
    tpu.enqueue_indirect_dma source(%arg8 : memref<80x128xf32, #tpu.memory_space<vmem>>) target(%dma_start3A_224 : memref<10240x128xf32, #tpu.memory_space<vmem_shared>>) offsets(%arg24 : memref<80xi32, #tpu.memory_space<vmem>>) semaphore(%arg31 : memref<!tpu.dma_semaphore, #tpu.memory_space<semaphore_mem>>) {add = true}
    %dma_wait3A_225 = arith.constant 0 : i32
    %dma_wait3A_226 = arith.constant 0 : i32
    %dma_wait3A_227 = tpu.memref_slice %arg25[%dma_wait3A_225, %dma_wait3A_226] : memref<10240x128xf32, #tpu.memory_space<vmem_shared>> -> memref<10240x128xf32, #tpu.memory_space<vmem_shared>>
    tpu.wait_indirect_dma semaphore(%arg30 : memref<!tpu.dma_semaphore, #tpu.memory_space<semaphore_mem>>) src(%arg7 : memref<80x128xf32, #tpu.memory_space<vmem>>) dst(%dma_wait3A_227 : memref<10240x128xf32, #tpu.memory_space<vmem_shared>>)
    %dma_wait3A_228 = arith.constant 0 : i32
    %dma_wait3A_229 = arith.constant 0 : i32
    %dma_wait3A_230 = tpu.memref_slice %arg25[%dma_wait3A_228, %dma_wait3A_229] : memref<10240x128xf32, #tpu.memory_space<vmem_shared>> -> memref<10240x128xf32, #tpu.memory_space<vmem_shared>>
    tpu.wait_indirect_dma semaphore(%arg30 : memref<!tpu.dma_semaphore, #tpu.memory_space<semaphore_mem>>) src(%arg8 : memref<80x128xf32, #tpu.memory_space<vmem>>) dst(%dma_wait3A_230 : memref<10240x128xf32, #tpu.memory_space<vmem_shared>>)
    %dma_wait3A_231 = arith.constant 0 : i32
    %dma_wait3A_232 = arith.constant 0 : i32
    %dma_wait3A_233 = tpu.memref_slice %arg25[%dma_wait3A_231, %dma_wait3A_232] : memref<10240x128xf32, #tpu.memory_space<vmem_shared>> -> memref<10240x128xf32, #tpu.memory_space<vmem_shared>>
    tpu.wait_indirect_dma semaphore(%arg30 : memref<!tpu.dma_semaphore, #tpu.memory_space<semaphore_mem>>) src(%arg7 : memref<80x128xf32, #tpu.memory_space<vmem>>) dst(%dma_wait3A_233 : memref<10240x128xf32, #tpu.memory_space<vmem_shared>>)
    %dma_wait3A_234 = arith.constant 0 : i32
    %dma_wait3A_235 = arith.constant 0 : i32
    %dma_wait3A_236 = tpu.memref_slice %arg25[%dma_wait3A_234, %dma_wait3A_235] : memref<10240x128xf32, #tpu.memory_space<vmem_shared>> -> memref<10240x128xf32, #tpu.memory_space<vmem_shared>>
    tpu.wait_indirect_dma semaphore(%arg30 : memref<!tpu.dma_semaphore, #tpu.memory_space<semaphore_mem>>) src(%arg8 : memref<80x128xf32, #tpu.memory_space<vmem>>) dst(%dma_wait3A_236 : memref<10240x128xf32, #tpu.memory_space<vmem_shared>>)
    %add3A_237 = arith.constant 9600 : i32
    %add3A_238 = arith.addi %mul3A_2, %add3A_237 : i32
    %add3A_239 = arith.constant 0 : i32
    %add3A_240 = arith.addi %add3A_238, %add3A_239 : i32
    %dma_wait3A_241 = tpu.memref_slice %arg2[%add3A_240] : memref<320000xi32, #tpu.memory_space<hbm>> -> memref<80xi32, #tpu.memory_space<hbm>>
    %dma_wait3A_242 = tpu.memref_slice %arg2[%add3A_240] : memref<320000xi32, #tpu.memory_space<hbm>> -> memref<80xi32, #tpu.memory_space<hbm>>
    tpu.wait_dma2 semaphore(%arg26 : memref<!tpu.dma_semaphore, #tpu.memory_space<semaphore_mem>>) src(%dma_wait3A_242 : memref<80xi32, #tpu.memory_space<hbm>>) dst(%arg9 : memref<80xi32, #tpu.memory_space<vmem>>)
    %dma_wait3A_243 = tpu.memref_slice %arg3[%add3A_240] : memref<320000xi32, #tpu.memory_space<hbm>> -> memref<80xi32, #tpu.memory_space<hbm>>
    %dma_wait3A_244 = tpu.memref_slice %arg3[%add3A_240] : memref<320000xi32, #tpu.memory_space<hbm>> -> memref<80xi32, #tpu.memory_space<hbm>>
    tpu.wait_dma2 semaphore(%arg26 : memref<!tpu.dma_semaphore, #tpu.memory_space<semaphore_mem>>) src(%dma_wait3A_244 : memref<80xi32, #tpu.memory_space<hbm>>) dst(%arg17 : memref<80xi32, #tpu.memory_space<vmem>>)
    %add3A_245 = arith.constant 80 : i32
    %add3A_246 = arith.addi %add3A_238, %add3A_245 : i32
    %dma_wait3A_247 = tpu.memref_slice %arg2[%add3A_246] : memref<320000xi32, #tpu.memory_space<hbm>> -> memref<80xi32, #tpu.memory_space<hbm>>
    %dma_wait3A_248 = tpu.memref_slice %arg2[%add3A_246] : memref<320000xi32, #tpu.memory_space<hbm>> -> memref<80xi32, #tpu.memory_space<hbm>>
    tpu.wait_dma2 semaphore(%arg26 : memref<!tpu.dma_semaphore, #tpu.memory_space<semaphore_mem>>) src(%dma_wait3A_248 : memref<80xi32, #tpu.memory_space<hbm>>) dst(%arg10 : memref<80xi32, #tpu.memory_space<vmem>>)
    %dma_wait3A_249 = tpu.memref_slice %arg3[%add3A_246] : memref<320000xi32, #tpu.memory_space<hbm>> -> memref<80xi32, #tpu.memory_space<hbm>>
    %dma_wait3A_250 = tpu.memref_slice %arg3[%add3A_246] : memref<320000xi32, #tpu.memory_space<hbm>> -> memref<80xi32, #tpu.memory_space<hbm>>
    tpu.wait_dma2 semaphore(%arg26 : memref<!tpu.dma_semaphore, #tpu.memory_space<semaphore_mem>>) src(%dma_wait3A_250 : memref<80xi32, #tpu.memory_space<hbm>>) dst(%arg18 : memref<80xi32, #tpu.memory_space<vmem>>)
    %dma_start3A_251 = arith.constant 0 : i32
    %dma_start3A_252 = arith.constant 0 : i32
    %dma_start3A_253 = tpu.memref_slice %arg25[%dma_start3A_251, %dma_start3A_252] : memref<10240x128xf32, #tpu.memory_space<vmem_shared>> -> memref<10240x128xf32, #tpu.memory_space<vmem_shared>>
    tpu.enqueue_indirect_dma source(%arg7 : memref<80x128xf32, #tpu.memory_space<vmem>>) target(%dma_start3A_253 : memref<10240x128xf32, #tpu.memory_space<vmem_shared>>) offsets(%arg9 : memref<80xi32, #tpu.memory_space<vmem>>) semaphore(%arg30 : memref<!tpu.dma_semaphore, #tpu.memory_space<semaphore_mem>>) {add = true}
    %dma_start3A_254 = arith.constant 0 : i32
    %dma_start3A_255 = arith.constant 0 : i32
    %dma_start3A_256 = tpu.memref_slice %arg25[%dma_start3A_254, %dma_start3A_255] : memref<10240x128xf32, #tpu.memory_space<vmem_shared>> -> memref<10240x128xf32, #tpu.memory_space<vmem_shared>>
    tpu.enqueue_indirect_dma source(%arg8 : memref<80x128xf32, #tpu.memory_space<vmem>>) target(%dma_start3A_256 : memref<10240x128xf32, #tpu.memory_space<vmem_shared>>) offsets(%arg17 : memref<80xi32, #tpu.memory_space<vmem>>) semaphore(%arg30 : memref<!tpu.dma_semaphore, #tpu.memory_space<semaphore_mem>>) {add = true}
    %dma_start3A_257 = arith.constant 0 : i32
    %dma_start3A_258 = arith.constant 0 : i32
    %dma_start3A_259 = tpu.memref_slice %arg25[%dma_start3A_257, %dma_start3A_258] : memref<10240x128xf32, #tpu.memory_space<vmem_shared>> -> memref<10240x128xf32, #tpu.memory_space<vmem_shared>>
    tpu.enqueue_indirect_dma source(%arg7 : memref<80x128xf32, #tpu.memory_space<vmem>>) target(%dma_start3A_259 : memref<10240x128xf32, #tpu.memory_space<vmem_shared>>) offsets(%arg10 : memref<80xi32, #tpu.memory_space<vmem>>) semaphore(%arg30 : memref<!tpu.dma_semaphore, #tpu.memory_space<semaphore_mem>>) {add = true}
    %dma_start3A_260 = arith.constant 0 : i32
    %dma_start3A_261 = arith.constant 0 : i32
    %dma_start3A_262 = tpu.memref_slice %arg25[%dma_start3A_260, %dma_start3A_261] : memref<10240x128xf32, #tpu.memory_space<vmem_shared>> -> memref<10240x128xf32, #tpu.memory_space<vmem_shared>>
    tpu.enqueue_indirect_dma source(%arg8 : memref<80x128xf32, #tpu.memory_space<vmem>>) target(%dma_start3A_262 : memref<10240x128xf32, #tpu.memory_space<vmem_shared>>) offsets(%arg18 : memref<80xi32, #tpu.memory_space<vmem>>) semaphore(%arg30 : memref<!tpu.dma_semaphore, #tpu.memory_space<semaphore_mem>>) {add = true}
    %dma_wait3A_263 = arith.constant 0 : i32
    %dma_wait3A_264 = arith.constant 0 : i32
    %dma_wait3A_265 = tpu.memref_slice %arg25[%dma_wait3A_263, %dma_wait3A_264] : memref<10240x128xf32, #tpu.memory_space<vmem_shared>> -> memref<10240x128xf32, #tpu.memory_space<vmem_shared>>
    tpu.wait_indirect_dma semaphore(%arg31 : memref<!tpu.dma_semaphore, #tpu.memory_space<semaphore_mem>>) src(%arg7 : memref<80x128xf32, #tpu.memory_space<vmem>>) dst(%dma_wait3A_265 : memref<10240x128xf32, #tpu.memory_space<vmem_shared>>)
    %dma_wait3A_266 = arith.constant 0 : i32
    %dma_wait3A_267 = arith.constant 0 : i32
    %dma_wait3A_268 = tpu.memref_slice %arg25[%dma_wait3A_266, %dma_wait3A_267] : memref<10240x128xf32, #tpu.memory_space<vmem_shared>> -> memref<10240x128xf32, #tpu.memory_space<vmem_shared>>
    tpu.wait_indirect_dma semaphore(%arg31 : memref<!tpu.dma_semaphore, #tpu.memory_space<semaphore_mem>>) src(%arg8 : memref<80x128xf32, #tpu.memory_space<vmem>>) dst(%dma_wait3A_268 : memref<10240x128xf32, #tpu.memory_space<vmem_shared>>)
    %dma_wait3A_269 = arith.constant 0 : i32
    %dma_wait3A_270 = arith.constant 0 : i32
    %dma_wait3A_271 = tpu.memref_slice %arg25[%dma_wait3A_269, %dma_wait3A_270] : memref<10240x128xf32, #tpu.memory_space<vmem_shared>> -> memref<10240x128xf32, #tpu.memory_space<vmem_shared>>
    tpu.wait_indirect_dma semaphore(%arg31 : memref<!tpu.dma_semaphore, #tpu.memory_space<semaphore_mem>>) src(%arg7 : memref<80x128xf32, #tpu.memory_space<vmem>>) dst(%dma_wait3A_271 : memref<10240x128xf32, #tpu.memory_space<vmem_shared>>)
    %dma_wait3A_272 = arith.constant 0 : i32
    %dma_wait3A_273 = arith.constant 0 : i32
    %dma_wait3A_274 = tpu.memref_slice %arg25[%dma_wait3A_272, %dma_wait3A_273] : memref<10240x128xf32, #tpu.memory_space<vmem_shared>> -> memref<10240x128xf32, #tpu.memory_space<vmem_shared>>
    tpu.wait_indirect_dma semaphore(%arg31 : memref<!tpu.dma_semaphore, #tpu.memory_space<semaphore_mem>>) src(%arg8 : memref<80x128xf32, #tpu.memory_space<vmem>>) dst(%dma_wait3A_274 : memref<10240x128xf32, #tpu.memory_space<vmem_shared>>)
    %add3A_275 = arith.constant 9760 : i32
    %add3A_276 = arith.addi %mul3A_2, %add3A_275 : i32
    %add3A_277 = arith.constant 0 : i32
    %add3A_278 = arith.addi %add3A_276, %add3A_277 : i32
    %dma_wait3A_279 = tpu.memref_slice %arg2[%add3A_278] : memref<320000xi32, #tpu.memory_space<hbm>> -> memref<80xi32, #tpu.memory_space<hbm>>
    %dma_wait3A_280 = tpu.memref_slice %arg2[%add3A_278] : memref<320000xi32, #tpu.memory_space<hbm>> -> memref<80xi32, #tpu.memory_space<hbm>>
    tpu.wait_dma2 semaphore(%arg27 : memref<!tpu.dma_semaphore, #tpu.memory_space<semaphore_mem>>) src(%dma_wait3A_280 : memref<80xi32, #tpu.memory_space<hbm>>) dst(%arg11 : memref<80xi32, #tpu.memory_space<vmem>>)
    %dma_wait3A_281 = tpu.memref_slice %arg3[%add3A_278] : memref<320000xi32, #tpu.memory_space<hbm>> -> memref<80xi32, #tpu.memory_space<hbm>>
    %dma_wait3A_282 = tpu.memref_slice %arg3[%add3A_278] : memref<320000xi32, #tpu.memory_space<hbm>> -> memref<80xi32, #tpu.memory_space<hbm>>
    tpu.wait_dma2 semaphore(%arg27 : memref<!tpu.dma_semaphore, #tpu.memory_space<semaphore_mem>>) src(%dma_wait3A_282 : memref<80xi32, #tpu.memory_space<hbm>>) dst(%arg19 : memref<80xi32, #tpu.memory_space<vmem>>)
    %add3A_283 = arith.constant 80 : i32
    %add3A_284 = arith.addi %add3A_276, %add3A_283 : i32
    %dma_wait3A_285 = tpu.memref_slice %arg2[%add3A_284] : memref<320000xi32, #tpu.memory_space<hbm>> -> memref<80xi32, #tpu.memory_space<hbm>>
    %dma_wait3A_286 = tpu.memref_slice %arg2[%add3A_284] : memref<320000xi32, #tpu.memory_space<hbm>> -> memref<80xi32, #tpu.memory_space<hbm>>
    tpu.wait_dma2 semaphore(%arg27 : memref<!tpu.dma_semaphore, #tpu.memory_space<semaphore_mem>>) src(%dma_wait3A_286 : memref<80xi32, #tpu.memory_space<hbm>>) dst(%arg12 : memref<80xi32, #tpu.memory_space<vmem>>)
    %dma_wait3A_287 = tpu.memref_slice %arg3[%add3A_284] : memref<320000xi32, #tpu.memory_space<hbm>> -> memref<80xi32, #tpu.memory_space<hbm>>
    %dma_wait3A_288 = tpu.memref_slice %arg3[%add3A_284] : memref<320000xi32, #tpu.memory_space<hbm>> -> memref<80xi32, #tpu.memory_space<hbm>>
    tpu.wait_dma2 semaphore(%arg27 : memref<!tpu.dma_semaphore, #tpu.memory_space<semaphore_mem>>) src(%dma_wait3A_288 : memref<80xi32, #tpu.memory_space<hbm>>) dst(%arg20 : memref<80xi32, #tpu.memory_space<vmem>>)
    %dma_start3A_289 = arith.constant 0 : i32
    %dma_start3A_290 = arith.constant 0 : i32
    %dma_start3A_291 = tpu.memref_slice %arg25[%dma_start3A_289, %dma_start3A_290] : memref<10240x128xf32, #tpu.memory_space<vmem_shared>> -> memref<10240x128xf32, #tpu.memory_space<vmem_shared>>
    tpu.enqueue_indirect_dma source(%arg7 : memref<80x128xf32, #tpu.memory_space<vmem>>) target(%dma_start3A_291 : memref<10240x128xf32, #tpu.memory_space<vmem_shared>>) offsets(%arg11 : memref<80xi32, #tpu.memory_space<vmem>>) semaphore(%arg31 : memref<!tpu.dma_semaphore, #tpu.memory_space<semaphore_mem>>) {add = true}
    %dma_start3A_292 = arith.constant 0 : i32
    %dma_start3A_293 = arith.constant 0 : i32
    %dma_start3A_294 = tpu.memref_slice %arg25[%dma_start3A_292, %dma_start3A_293] : memref<10240x128xf32, #tpu.memory_space<vmem_shared>> -> memref<10240x128xf32, #tpu.memory_space<vmem_shared>>
    tpu.enqueue_indirect_dma source(%arg8 : memref<80x128xf32, #tpu.memory_space<vmem>>) target(%dma_start3A_294 : memref<10240x128xf32, #tpu.memory_space<vmem_shared>>) offsets(%arg19 : memref<80xi32, #tpu.memory_space<vmem>>) semaphore(%arg31 : memref<!tpu.dma_semaphore, #tpu.memory_space<semaphore_mem>>) {add = true}
    %dma_start3A_295 = arith.constant 0 : i32
    %dma_start3A_296 = arith.constant 0 : i32
    %dma_start3A_297 = tpu.memref_slice %arg25[%dma_start3A_295, %dma_start3A_296] : memref<10240x128xf32, #tpu.memory_space<vmem_shared>> -> memref<10240x128xf32, #tpu.memory_space<vmem_shared>>
    tpu.enqueue_indirect_dma source(%arg7 : memref<80x128xf32, #tpu.memory_space<vmem>>) target(%dma_start3A_297 : memref<10240x128xf32, #tpu.memory_space<vmem_shared>>) offsets(%arg12 : memref<80xi32, #tpu.memory_space<vmem>>) semaphore(%arg31 : memref<!tpu.dma_semaphore, #tpu.memory_space<semaphore_mem>>) {add = true}
    %dma_start3A_298 = arith.constant 0 : i32
    %dma_start3A_299 = arith.constant 0 : i32
    %dma_start3A_300 = tpu.memref_slice %arg25[%dma_start3A_298, %dma_start3A_299] : memref<10240x128xf32, #tpu.memory_space<vmem_shared>> -> memref<10240x128xf32, #tpu.memory_space<vmem_shared>>
    tpu.enqueue_indirect_dma source(%arg8 : memref<80x128xf32, #tpu.memory_space<vmem>>) target(%dma_start3A_300 : memref<10240x128xf32, #tpu.memory_space<vmem_shared>>) offsets(%arg20 : memref<80xi32, #tpu.memory_space<vmem>>) semaphore(%arg31 : memref<!tpu.dma_semaphore, #tpu.memory_space<semaphore_mem>>) {add = true}
    %dma_wait3A_301 = arith.constant 0 : i32
    %dma_wait3A_302 = arith.constant 0 : i32
    %dma_wait3A_303 = tpu.memref_slice %arg25[%dma_wait3A_301, %dma_wait3A_302] : memref<10240x128xf32, #tpu.memory_space<vmem_shared>> -> memref<10240x128xf32, #tpu.memory_space<vmem_shared>>
    tpu.wait_indirect_dma semaphore(%arg30 : memref<!tpu.dma_semaphore, #tpu.memory_space<semaphore_mem>>) src(%arg7 : memref<80x128xf32, #tpu.memory_space<vmem>>) dst(%dma_wait3A_303 : memref<10240x128xf32, #tpu.memory_space<vmem_shared>>)
    %dma_wait3A_304 = arith.constant 0 : i32
    %dma_wait3A_305 = arith.constant 0 : i32
    %dma_wait3A_306 = tpu.memref_slice %arg25[%dma_wait3A_304, %dma_wait3A_305] : memref<10240x128xf32, #tpu.memory_space<vmem_shared>> -> memref<10240x128xf32, #tpu.memory_space<vmem_shared>>
    tpu.wait_indirect_dma semaphore(%arg30 : memref<!tpu.dma_semaphore, #tpu.memory_space<semaphore_mem>>) src(%arg8 : memref<80x128xf32, #tpu.memory_space<vmem>>) dst(%dma_wait3A_306 : memref<10240x128xf32, #tpu.memory_space<vmem_shared>>)
    %dma_wait3A_307 = arith.constant 0 : i32
    %dma_wait3A_308 = arith.constant 0 : i32
    %dma_wait3A_309 = tpu.memref_slice %arg25[%dma_wait3A_307, %dma_wait3A_308] : memref<10240x128xf32, #tpu.memory_space<vmem_shared>> -> memref<10240x128xf32, #tpu.memory_space<vmem_shared>>
    tpu.wait_indirect_dma semaphore(%arg30 : memref<!tpu.dma_semaphore, #tpu.memory_space<semaphore_mem>>) src(%arg7 : memref<80x128xf32, #tpu.memory_space<vmem>>) dst(%dma_wait3A_309 : memref<10240x128xf32, #tpu.memory_space<vmem_shared>>)
    %dma_wait3A_310 = arith.constant 0 : i32
    %dma_wait3A_311 = arith.constant 0 : i32
    %dma_wait3A_312 = tpu.memref_slice %arg25[%dma_wait3A_310, %dma_wait3A_311] : memref<10240x128xf32, #tpu.memory_space<vmem_shared>> -> memref<10240x128xf32, #tpu.memory_space<vmem_shared>>
    tpu.wait_indirect_dma semaphore(%arg30 : memref<!tpu.dma_semaphore, #tpu.memory_space<semaphore_mem>>) src(%arg8 : memref<80x128xf32, #tpu.memory_space<vmem>>) dst(%dma_wait3A_312 : memref<10240x128xf32, #tpu.memory_space<vmem_shared>>)
    %dma_wait3A_313 = arith.constant 0 : i32
    %dma_wait3A_314 = arith.constant 0 : i32
    %dma_wait3A_315 = tpu.memref_slice %arg25[%dma_wait3A_313, %dma_wait3A_314] : memref<10240x128xf32, #tpu.memory_space<vmem_shared>> -> memref<10240x128xf32, #tpu.memory_space<vmem_shared>>
    tpu.wait_indirect_dma semaphore(%arg31 : memref<!tpu.dma_semaphore, #tpu.memory_space<semaphore_mem>>) src(%arg7 : memref<80x128xf32, #tpu.memory_space<vmem>>) dst(%dma_wait3A_315 : memref<10240x128xf32, #tpu.memory_space<vmem_shared>>)
    %dma_wait3A_316 = arith.constant 0 : i32
    %dma_wait3A_317 = arith.constant 0 : i32
    %dma_wait3A_318 = tpu.memref_slice %arg25[%dma_wait3A_316, %dma_wait3A_317] : memref<10240x128xf32, #tpu.memory_space<vmem_shared>> -> memref<10240x128xf32, #tpu.memory_space<vmem_shared>>
    tpu.wait_indirect_dma semaphore(%arg31 : memref<!tpu.dma_semaphore, #tpu.memory_space<semaphore_mem>>) src(%arg8 : memref<80x128xf32, #tpu.memory_space<vmem>>) dst(%dma_wait3A_318 : memref<10240x128xf32, #tpu.memory_space<vmem_shared>>)
    %dma_wait3A_319 = arith.constant 0 : i32
    %dma_wait3A_320 = arith.constant 0 : i32
    %dma_wait3A_321 = tpu.memref_slice %arg25[%dma_wait3A_319, %dma_wait3A_320] : memref<10240x128xf32, #tpu.memory_space<vmem_shared>> -> memref<10240x128xf32, #tpu.memory_space<vmem_shared>>
    tpu.wait_indirect_dma semaphore(%arg31 : memref<!tpu.dma_semaphore, #tpu.memory_space<semaphore_mem>>) src(%arg7 : memref<80x128xf32, #tpu.memory_space<vmem>>) dst(%dma_wait3A_321 : memref<10240x128xf32, #tpu.memory_space<vmem_shared>>)
    %dma_wait3A_322 = arith.constant 0 : i32
    %dma_wait3A_323 = arith.constant 0 : i32
    %dma_wait3A_324 = tpu.memref_slice %arg25[%dma_wait3A_322, %dma_wait3A_323] : memref<10240x128xf32, #tpu.memory_space<vmem_shared>> -> memref<10240x128xf32, #tpu.memory_space<vmem_shared>>
    tpu.wait_indirect_dma semaphore(%arg31 : memref<!tpu.dma_semaphore, #tpu.memory_space<semaphore_mem>>) src(%arg8 : memref<80x128xf32, #tpu.memory_space<vmem>>) dst(%dma_wait3A_324 : memref<10240x128xf32, #tpu.memory_space<vmem_shared>>)
    %add3A_325 = arith.constant 9920 : i32
    %add3A_326 = arith.addi %mul3A_2, %add3A_325 : i32
    "tpu.region"() ({
      %run_scoped3A_328 = tpu.sem_alloc : memref<!tpu.dma_semaphore, #tpu.memory_space<semaphore_mem>>
      %dma_start3A_329 = tpu.memref_slice %arg2[%add3A_326] : memref<320000xi32, #tpu.memory_space<hbm>> -> memref<80xi32, #tpu.memory_space<hbm>>
      %dma_start3A_330 = tpu.memref_slice %arg2[%add3A_326] : memref<320000xi32, #tpu.memory_space<hbm>> -> memref<80xi32, #tpu.memory_space<hbm>>
      tpu.enqueue_dma source(%dma_start3A_330 : memref<80xi32, #tpu.memory_space<hbm>>) target(%arg9 : memref<80xi32, #tpu.memory_space<vmem>>) target_semaphore(%run_scoped3A_328 : memref<!tpu.dma_semaphore, #tpu.memory_space<semaphore_mem>>)
      %dma_wait3A_331 = tpu.memref_slice %arg2[%add3A_326] : memref<320000xi32, #tpu.memory_space<hbm>> -> memref<80xi32, #tpu.memory_space<hbm>>
      %dma_wait3A_332 = tpu.memref_slice %arg2[%add3A_326] : memref<320000xi32, #tpu.memory_space<hbm>> -> memref<80xi32, #tpu.memory_space<hbm>>
      tpu.wait_dma2 semaphore(%run_scoped3A_328 : memref<!tpu.dma_semaphore, #tpu.memory_space<semaphore_mem>>) src(%dma_wait3A_332 : memref<80xi32, #tpu.memory_space<hbm>>) dst(%arg9 : memref<80xi32, #tpu.memory_space<vmem>>)
      tpu.yield
    }) : () -> ()
    "tpu.region"() ({
      %run_scoped3A_328 = tpu.sem_alloc : memref<!tpu.dma_semaphore, #tpu.memory_space<semaphore_mem>>
      %dma_start3A_329 = tpu.memref_slice %arg3[%add3A_326] : memref<320000xi32, #tpu.memory_space<hbm>> -> memref<80xi32, #tpu.memory_space<hbm>>
      %dma_start3A_330 = tpu.memref_slice %arg3[%add3A_326] : memref<320000xi32, #tpu.memory_space<hbm>> -> memref<80xi32, #tpu.memory_space<hbm>>
      tpu.enqueue_dma source(%dma_start3A_330 : memref<80xi32, #tpu.memory_space<hbm>>) target(%arg17 : memref<80xi32, #tpu.memory_space<vmem>>) target_semaphore(%run_scoped3A_328 : memref<!tpu.dma_semaphore, #tpu.memory_space<semaphore_mem>>)
      %dma_wait3A_331 = tpu.memref_slice %arg3[%add3A_326] : memref<320000xi32, #tpu.memory_space<hbm>> -> memref<80xi32, #tpu.memory_space<hbm>>
      %dma_wait3A_332 = tpu.memref_slice %arg3[%add3A_326] : memref<320000xi32, #tpu.memory_space<hbm>> -> memref<80xi32, #tpu.memory_space<hbm>>
      tpu.wait_dma2 semaphore(%run_scoped3A_328 : memref<!tpu.dma_semaphore, #tpu.memory_space<semaphore_mem>>) src(%dma_wait3A_332 : memref<80xi32, #tpu.memory_space<hbm>>) dst(%arg17 : memref<80xi32, #tpu.memory_space<vmem>>)
      tpu.yield
    }) : () -> ()
    "tpu.region"() ({
      %run_scoped3A_328 = tpu.sem_alloc : memref<!tpu.dma_semaphore, #tpu.memory_space<semaphore_mem>>
      %dma_start3A_329 = arith.constant 0 : i32
      %dma_start3A_330 = arith.constant 0 : i32
      %dma_start3A_331 = tpu.memref_slice %arg25[%dma_start3A_329, %dma_start3A_330] : memref<10240x128xf32, #tpu.memory_space<vmem_shared>> -> memref<10240x128xf32, #tpu.memory_space<vmem_shared>>
      tpu.enqueue_indirect_dma source(%arg7 : memref<80x128xf32, #tpu.memory_space<vmem>>) target(%dma_start3A_331 : memref<10240x128xf32, #tpu.memory_space<vmem_shared>>) offsets(%arg9 : memref<80xi32, #tpu.memory_space<vmem>>) semaphore(%run_scoped3A_328 : memref<!tpu.dma_semaphore, #tpu.memory_space<semaphore_mem>>) {add = true}
      %dma_wait3A_332 = arith.constant 0 : i32
      %dma_wait3A_333 = arith.constant 0 : i32
      %dma_wait3A_334 = tpu.memref_slice %arg25[%dma_wait3A_332, %dma_wait3A_333] : memref<10240x128xf32, #tpu.memory_space<vmem_shared>> -> memref<10240x128xf32, #tpu.memory_space<vmem_shared>>
      tpu.wait_indirect_dma semaphore(%run_scoped3A_328 : memref<!tpu.dma_semaphore, #tpu.memory_space<semaphore_mem>>) src(%arg7 : memref<80x128xf32, #tpu.memory_space<vmem>>) dst(%dma_wait3A_334 : memref<10240x128xf32, #tpu.memory_space<vmem_shared>>)
      tpu.yield
    }) : () -> ()
    "tpu.region"() ({
      %run_scoped3A_328 = tpu.sem_alloc : memref<!tpu.dma_semaphore, #tpu.memory_space<semaphore_mem>>
      %dma_start3A_329 = arith.constant 0 : i32
      %dma_start3A_330 = arith.constant 0 : i32
      %dma_start3A_331 = tpu.memref_slice %arg25[%dma_start3A_329, %dma_start3A_330] : memref<10240x128xf32, #tpu.memory_space<vmem_shared>> -> memref<10240x128xf32, #tpu.memory_space<vmem_shared>>
      tpu.enqueue_indirect_dma source(%arg8 : memref<80x128xf32, #tpu.memory_space<vmem>>) target(%dma_start3A_331 : memref<10240x128xf32, #tpu.memory_space<vmem_shared>>) offsets(%arg17 : memref<80xi32, #tpu.memory_space<vmem>>) semaphore(%run_scoped3A_328 : memref<!tpu.dma_semaphore, #tpu.memory_space<semaphore_mem>>) {add = true}
      %dma_wait3A_332 = arith.constant 0 : i32
      %dma_wait3A_333 = arith.constant 0 : i32
      %dma_wait3A_334 = tpu.memref_slice %arg25[%dma_wait3A_332, %dma_wait3A_333] : memref<10240x128xf32, #tpu.memory_space<vmem_shared>> -> memref<10240x128xf32, #tpu.memory_space<vmem_shared>>
      tpu.wait_indirect_dma semaphore(%run_scoped3A_328 : memref<!tpu.dma_semaphore, #tpu.memory_space<semaphore_mem>>) src(%arg8 : memref<80x128xf32, #tpu.memory_space<vmem>>) dst(%dma_wait3A_334 : memref<10240x128xf32, #tpu.memory_space<vmem_shared>>)
      tpu.yield
    }) : () -> ()
    %barrier3A_327 = arith.constant 0 : index
    tpu.barrier barrier_id(%barrier3A_327)
    "tpu.region"() ({
      %run_scoped3A_328 = tpu.sem_alloc : memref<!tpu.dma_semaphore, #tpu.memory_space<semaphore_mem>>
      %dma_start3A_329 = arith.constant 0 : i32
      %dma_start3A_330 = tpu.memref_slice %arg6[%arg0, %mul3A_4, %dma_start3A_329] : memref<2x10240x128xf32, #tpu.memory_space<hbm>> -> memref<1x640x128xf32, #tpu.memory_space<hbm>>
      %dma_start3A_331 = tpu.memref_squeeze %dma_start3A_330 : memref<1x640x128xf32, #tpu.memory_space<hbm>> -> memref<640x128xf32, #tpu.memory_space<hbm>>
      %dma_start3A_332 = arith.constant 0 : i32
      %dma_start3A_333 = tpu.memref_slice %arg25[%mul3A_4, %dma_start3A_332] : memref<10240x128xf32, #tpu.memory_space<vmem_shared>> -> memref<640x128xf32, #tpu.memory_space<vmem_shared>>
      tpu.enqueue_dma source(%dma_start3A_333 : memref<640x128xf32, #tpu.memory_space<vmem_shared>>) target(%dma_start3A_331 : memref<640x128xf32, #tpu.memory_space<hbm>>) target_semaphore(%run_scoped3A_328 : memref<!tpu.dma_semaphore, #tpu.memory_space<semaphore_mem>>)
      %dma_wait3A_334 = arith.constant 0 : i32
      %dma_wait3A_335 = tpu.memref_slice %arg6[%arg0, %mul3A_4, %dma_wait3A_334] : memref<2x10240x128xf32, #tpu.memory_space<hbm>> -> memref<1x640x128xf32, #tpu.memory_space<hbm>>
      %dma_wait3A_336 = tpu.memref_squeeze %dma_wait3A_335 : memref<1x640x128xf32, #tpu.memory_space<hbm>> -> memref<640x128xf32, #tpu.memory_space<hbm>>
      %dma_wait3A_337 = arith.constant 0 : i32
      %dma_wait3A_338 = tpu.memref_slice %arg25[%mul3A_4, %dma_wait3A_337] : memref<10240x128xf32, #tpu.memory_space<vmem_shared>> -> memref<640x128xf32, #tpu.memory_space<vmem_shared>>
      tpu.wait_dma2 semaphore(%run_scoped3A_328 : memref<!tpu.dma_semaphore, #tpu.memory_space<semaphore_mem>>) src(%dma_wait3A_338 : memref<640x128xf32, #tpu.memory_space<vmem_shared>>) dst(%dma_wait3A_336 : memref<640x128xf32, #tpu.memory_space<hbm>>)
      tpu.yield
    }) : () -> ()
    return
  }
}

#map = affine_map<(d0, d1) -> (0, 0)>
#map1 = affine_map<(d0, d1) -> (0)>
#map2 = affine_map<(d0, d1) -> (0, 0, 0)>
module attributes {stable_mosaic.version = 14 : i64} {
  func.func @_scatter_kernel(%arg0: i32, %arg1: i32, %arg2: memref<10000x128xf32, #tpu.memory_space<hbm>>, %arg3: memref<320000xi32, #tpu.memory_space<hbm>>, %arg4: memref<320000xi32, #tpu.memory_space<hbm>>, %arg5: memref<640x128xf32, #tpu.memory_space<hbm>>, %arg6: memref<2x10240x128xf32, #tpu.memory_space<hbm>>, %arg7: memref<80xi32, #tpu.memory_space<vmem>>, %arg8: memref<80xi32, #tpu.memory_space<vmem>>, %arg9: memref<80xi32, #tpu.memory_space<vmem>>, %arg10: memref<80xi32, #tpu.memory_space<vmem>>, %arg11: memref<80xi32, #tpu.memory_space<vmem>>, %arg12: memref<80xi32, #tpu.memory_space<vmem>>, %arg13: memref<80xi32, #tpu.memory_space<vmem>>, %arg14: memref<80xi32, #tpu.memory_space<vmem>>, %arg15: memref<80xi32, #tpu.memory_space<vmem>>, %arg16: memref<80xi32, #tpu.memory_space<vmem>>, %arg17: memref<80xi32, #tpu.memory_space<vmem>>, %arg18: memref<80xi32, #tpu.memory_space<vmem>>, %arg19: memref<80xi32, #tpu.memory_space<vmem>>, %arg20: memref<80xi32, #tpu.memory_space<vmem>>, %arg21: memref<80xi32, #tpu.memory_space<vmem>>, %arg22: memref<80xi32, #tpu.memory_space<vmem>>, %arg23: memref<80x128xf32, #tpu.memory_space<vmem>>, %arg24: memref<80x128xf32, #tpu.memory_space<vmem>>, %arg25: memref<80x128xf32, #tpu.memory_space<vmem>>, %arg26: memref<80x128xf32, #tpu.memory_space<vmem>>, %arg27: memref<10240x128xf32, #tpu.memory_space<vmem_shared>>, %arg28: memref<!tpu.dma_semaphore, #tpu.memory_space<semaphore_mem>>, %arg29: memref<!tpu.dma_semaphore, #tpu.memory_space<semaphore_mem>>, %arg30: memref<!tpu.dma_semaphore, #tpu.memory_space<semaphore_mem>>, %arg31: memref<!tpu.dma_semaphore, #tpu.memory_space<semaphore_mem>>, %arg32: memref<!tpu.dma_semaphore, #tpu.memory_space<semaphore_mem>>, %arg33: memref<!tpu.dma_semaphore, #tpu.memory_space<semaphore_mem>>, %arg34: memref<!tpu.dma_semaphore, #tpu.memory_space<semaphore_mem>>, %arg35: memref<!tpu.dma_semaphore, #tpu.memory_space<semaphore_mem>>) attributes {dimension_semantics = [#tpu.dimension_semantics<core_parallel>, #tpu.dimension_semantics<subcore_parallel>], iteration_bounds = array<i64: 2, 16>, scalar_prefetch = 0 : i64, scratch_operands = 29 : i64, tpu.core_type = #tpu.core_type<sc_vector_subcore>, window_params = [{transform_indices = #map}, {transform_indices = #map1}, {transform_indices = #map1}, {transform_indices = #map}, {transform_indices = #map2}]} {
    %mul3A = arith.constant 2 : i32
    %mul3A_0 = arith.muli %arg1, %mul3A : i32
    %add3A = arith.addi %mul3A_0, %arg0 : i32
    %mul3A_1 = arith.constant 10000 : i32
    %mul3A_2 = arith.muli %add3A, %mul3A_1 : i32
    %mul3A_3 = arith.constant 640 : i32
    %mul3A_4 = arith.muli %arg1, %mul3A_3 : i32
    %dma_start3A = arith.constant 0 : i32
    %dma_start3A_5 = tpu.memref_slice %arg27[%mul3A_4, %dma_start3A] : memref<10240x128xf32, #tpu.memory_space<vmem_shared>> -> memref<640x128xf32, #tpu.memory_space<vmem_shared>>
    tpu.enqueue_dma source(%arg5 : memref<640x128xf32, #tpu.memory_space<hbm>>) target(%dma_start3A_5 : memref<640x128xf32, #tpu.memory_space<vmem_shared>>) target_semaphore(%arg35 : memref<!tpu.dma_semaphore, #tpu.memory_space<semaphore_mem>>)
    %add3A_6 = arith.constant 0 : i32
    %add3A_7 = arith.addi %mul3A_2, %add3A_6 : i32
    %add3A_8 = arith.constant 0 : i32
    %add3A_9 = arith.addi %add3A_7, %add3A_8 : i32
    %dma_start3A_10 = tpu.memref_slice %arg3[%add3A_9] : memref<320000xi32, #tpu.memory_space<hbm>> -> memref<80xi32, #tpu.memory_space<hbm>>
    %dma_start3A_11 = tpu.memref_slice %arg3[%add3A_9] : memref<320000xi32, #tpu.memory_space<hbm>> -> memref<80xi32, #tpu.memory_space<hbm>>
    tpu.enqueue_dma source(%dma_start3A_11 : memref<80xi32, #tpu.memory_space<hbm>>) target(%arg7 : memref<80xi32, #tpu.memory_space<vmem>>) target_semaphore(%arg28 : memref<!tpu.dma_semaphore, #tpu.memory_space<semaphore_mem>>)
    %dma_start3A_12 = tpu.memref_slice %arg4[%add3A_9] : memref<320000xi32, #tpu.memory_space<hbm>> -> memref<80xi32, #tpu.memory_space<hbm>>
    %dma_start3A_13 = tpu.memref_slice %arg4[%add3A_9] : memref<320000xi32, #tpu.memory_space<hbm>> -> memref<80xi32, #tpu.memory_space<hbm>>
    tpu.enqueue_dma source(%dma_start3A_13 : memref<80xi32, #tpu.memory_space<hbm>>) target(%arg15 : memref<80xi32, #tpu.memory_space<vmem>>) target_semaphore(%arg28 : memref<!tpu.dma_semaphore, #tpu.memory_space<semaphore_mem>>)
    %add3A_14 = arith.constant 80 : i32
    %add3A_15 = arith.addi %add3A_7, %add3A_14 : i32
    %dma_start3A_16 = tpu.memref_slice %arg3[%add3A_15] : memref<320000xi32, #tpu.memory_space<hbm>> -> memref<80xi32, #tpu.memory_space<hbm>>
    %dma_start3A_17 = tpu.memref_slice %arg3[%add3A_15] : memref<320000xi32, #tpu.memory_space<hbm>> -> memref<80xi32, #tpu.memory_space<hbm>>
    tpu.enqueue_dma source(%dma_start3A_17 : memref<80xi32, #tpu.memory_space<hbm>>) target(%arg8 : memref<80xi32, #tpu.memory_space<vmem>>) target_semaphore(%arg28 : memref<!tpu.dma_semaphore, #tpu.memory_space<semaphore_mem>>)
    %dma_start3A_18 = tpu.memref_slice %arg4[%add3A_15] : memref<320000xi32, #tpu.memory_space<hbm>> -> memref<80xi32, #tpu.memory_space<hbm>>
    %dma_start3A_19 = tpu.memref_slice %arg4[%add3A_15] : memref<320000xi32, #tpu.memory_space<hbm>> -> memref<80xi32, #tpu.memory_space<hbm>>
    tpu.enqueue_dma source(%dma_start3A_19 : memref<80xi32, #tpu.memory_space<hbm>>) target(%arg16 : memref<80xi32, #tpu.memory_space<vmem>>) target_semaphore(%arg28 : memref<!tpu.dma_semaphore, #tpu.memory_space<semaphore_mem>>)
    %add3A_20 = arith.constant 160 : i32
    %add3A_21 = arith.addi %mul3A_2, %add3A_20 : i32
    %add3A_22 = arith.constant 0 : i32
    %add3A_23 = arith.addi %add3A_21, %add3A_22 : i32
    %dma_start3A_24 = tpu.memref_slice %arg3[%add3A_23] : memref<320000xi32, #tpu.memory_space<hbm>> -> memref<80xi32, #tpu.memory_space<hbm>>
    %dma_start3A_25 = tpu.memref_slice %arg3[%add3A_23] : memref<320000xi32, #tpu.memory_space<hbm>> -> memref<80xi32, #tpu.memory_space<hbm>>
    tpu.enqueue_dma source(%dma_start3A_25 : memref<80xi32, #tpu.memory_space<hbm>>) target(%arg9 : memref<80xi32, #tpu.memory_space<vmem>>) target_semaphore(%arg29 : memref<!tpu.dma_semaphore, #tpu.memory_space<semaphore_mem>>)
    %dma_start3A_26 = tpu.memref_slice %arg4[%add3A_23] : memref<320000xi32, #tpu.memory_space<hbm>> -> memref<80xi32, #tpu.memory_space<hbm>>
    %dma_start3A_27 = tpu.memref_slice %arg4[%add3A_23] : memref<320000xi32, #tpu.memory_space<hbm>> -> memref<80xi32, #tpu.memory_space<hbm>>
    tpu.enqueue_dma source(%dma_start3A_27 : memref<80xi32, #tpu.memory_space<hbm>>) target(%arg17 : memref<80xi32, #tpu.memory_space<vmem>>) target_semaphore(%arg29 : memref<!tpu.dma_semaphore, #tpu.memory_space<semaphore_mem>>)
    %add3A_28 = arith.constant 80 : i32
    %add3A_29 = arith.addi %add3A_21, %add3A_28 : i32
    %dma_start3A_30 = tpu.memref_slice %arg3[%add3A_29] : memref<320000xi32, #tpu.memory_space<hbm>> -> memref<80xi32, #tpu.memory_space<hbm>>
    %dma_start3A_31 = tpu.memref_slice %arg3[%add3A_29] : memref<320000xi32, #tpu.memory_space<hbm>> -> memref<80xi32, #tpu.memory_space<hbm>>
    tpu.enqueue_dma source(%dma_start3A_31 : memref<80xi32, #tpu.memory_space<hbm>>) target(%arg10 : memref<80xi32, #tpu.memory_space<vmem>>) target_semaphore(%arg29 : memref<!tpu.dma_semaphore, #tpu.memory_space<semaphore_mem>>)
    %dma_start3A_32 = tpu.memref_slice %arg4[%add3A_29] : memref<320000xi32, #tpu.memory_space<hbm>> -> memref<80xi32, #tpu.memory_space<hbm>>
    %dma_start3A_33 = tpu.memref_slice %arg4[%add3A_29] : memref<320000xi32, #tpu.memory_space<hbm>> -> memref<80xi32, #tpu.memory_space<hbm>>
    tpu.enqueue_dma source(%dma_start3A_33 : memref<80xi32, #tpu.memory_space<hbm>>) target(%arg18 : memref<80xi32, #tpu.memory_space<vmem>>) target_semaphore(%arg29 : memref<!tpu.dma_semaphore, #tpu.memory_space<semaphore_mem>>)
    %dma_wait3A = arith.constant 0 : i32
    %dma_wait3A_34 = tpu.memref_slice %arg27[%mul3A_4, %dma_wait3A] : memref<10240x128xf32, #tpu.memory_space<vmem_shared>> -> memref<640x128xf32, #tpu.memory_space<vmem_shared>>
    tpu.wait_dma2 semaphore(%arg35 : memref<!tpu.dma_semaphore, #tpu.memory_space<semaphore_mem>>) src(%arg5 : memref<640x128xf32, #tpu.memory_space<hbm>>) dst(%dma_wait3A_34 : memref<640x128xf32, #tpu.memory_space<vmem_shared>>)
    %barrier3A = arith.constant 0 : index
    tpu.barrier barrier_id(%barrier3A)
    %add3A_35 = arith.constant 0 : i32
    %add3A_36 = arith.addi %mul3A_2, %add3A_35 : i32
    %add3A_37 = arith.constant 0 : i32
    %add3A_38 = arith.addi %add3A_36, %add3A_37 : i32
    %dma_wait3A_39 = tpu.memref_slice %arg3[%add3A_38] : memref<320000xi32, #tpu.memory_space<hbm>> -> memref<80xi32, #tpu.memory_space<hbm>>
    %dma_wait3A_40 = tpu.memref_slice %arg3[%add3A_38] : memref<320000xi32, #tpu.memory_space<hbm>> -> memref<80xi32, #tpu.memory_space<hbm>>
    tpu.wait_dma2 semaphore(%arg28 : memref<!tpu.dma_semaphore, #tpu.memory_space<semaphore_mem>>) src(%dma_wait3A_40 : memref<80xi32, #tpu.memory_space<hbm>>) dst(%arg7 : memref<80xi32, #tpu.memory_space<vmem>>)
    %dma_wait3A_41 = tpu.memref_slice %arg4[%add3A_38] : memref<320000xi32, #tpu.memory_space<hbm>> -> memref<80xi32, #tpu.memory_space<hbm>>
    %dma_wait3A_42 = tpu.memref_slice %arg4[%add3A_38] : memref<320000xi32, #tpu.memory_space<hbm>> -> memref<80xi32, #tpu.memory_space<hbm>>
    tpu.wait_dma2 semaphore(%arg28 : memref<!tpu.dma_semaphore, #tpu.memory_space<semaphore_mem>>) src(%dma_wait3A_42 : memref<80xi32, #tpu.memory_space<hbm>>) dst(%arg15 : memref<80xi32, #tpu.memory_space<vmem>>)
    %add3A_43 = arith.constant 80 : i32
    %add3A_44 = arith.addi %add3A_36, %add3A_43 : i32
    %dma_wait3A_45 = tpu.memref_slice %arg3[%add3A_44] : memref<320000xi32, #tpu.memory_space<hbm>> -> memref<80xi32, #tpu.memory_space<hbm>>
    %dma_wait3A_46 = tpu.memref_slice %arg3[%add3A_44] : memref<320000xi32, #tpu.memory_space<hbm>> -> memref<80xi32, #tpu.memory_space<hbm>>
    tpu.wait_dma2 semaphore(%arg28 : memref<!tpu.dma_semaphore, #tpu.memory_space<semaphore_mem>>) src(%dma_wait3A_46 : memref<80xi32, #tpu.memory_space<hbm>>) dst(%arg8 : memref<80xi32, #tpu.memory_space<vmem>>)
    %dma_wait3A_47 = tpu.memref_slice %arg4[%add3A_44] : memref<320000xi32, #tpu.memory_space<hbm>> -> memref<80xi32, #tpu.memory_space<hbm>>
    %dma_wait3A_48 = tpu.memref_slice %arg4[%add3A_44] : memref<320000xi32, #tpu.memory_space<hbm>> -> memref<80xi32, #tpu.memory_space<hbm>>
    tpu.wait_dma2 semaphore(%arg28 : memref<!tpu.dma_semaphore, #tpu.memory_space<semaphore_mem>>) src(%dma_wait3A_48 : memref<80xi32, #tpu.memory_space<hbm>>) dst(%arg16 : memref<80xi32, #tpu.memory_space<vmem>>)
    %add3A_49 = arith.constant 320 : i32
    %add3A_50 = arith.addi %mul3A_2, %add3A_49 : i32
    %add3A_51 = arith.constant 0 : i32
    %add3A_52 = arith.addi %add3A_50, %add3A_51 : i32
    %dma_start3A_53 = tpu.memref_slice %arg3[%add3A_52] : memref<320000xi32, #tpu.memory_space<hbm>> -> memref<80xi32, #tpu.memory_space<hbm>>
    %dma_start3A_54 = tpu.memref_slice %arg3[%add3A_52] : memref<320000xi32, #tpu.memory_space<hbm>> -> memref<80xi32, #tpu.memory_space<hbm>>
    tpu.enqueue_dma source(%dma_start3A_54 : memref<80xi32, #tpu.memory_space<hbm>>) target(%arg11 : memref<80xi32, #tpu.memory_space<vmem>>) target_semaphore(%arg30 : memref<!tpu.dma_semaphore, #tpu.memory_space<semaphore_mem>>)
    %dma_start3A_55 = tpu.memref_slice %arg4[%add3A_52] : memref<320000xi32, #tpu.memory_space<hbm>> -> memref<80xi32, #tpu.memory_space<hbm>>
    %dma_start3A_56 = tpu.memref_slice %arg4[%add3A_52] : memref<320000xi32, #tpu.memory_space<hbm>> -> memref<80xi32, #tpu.memory_space<hbm>>
    tpu.enqueue_dma source(%dma_start3A_56 : memref<80xi32, #tpu.memory_space<hbm>>) target(%arg19 : memref<80xi32, #tpu.memory_space<vmem>>) target_semaphore(%arg30 : memref<!tpu.dma_semaphore, #tpu.memory_space<semaphore_mem>>)
    %add3A_57 = arith.constant 80 : i32
    %add3A_58 = arith.addi %add3A_50, %add3A_57 : i32
    %dma_start3A_59 = tpu.memref_slice %arg3[%add3A_58] : memref<320000xi32, #tpu.memory_space<hbm>> -> memref<80xi32, #tpu.memory_space<hbm>>
    %dma_start3A_60 = tpu.memref_slice %arg3[%add3A_58] : memref<320000xi32, #tpu.memory_space<hbm>> -> memref<80xi32, #tpu.memory_space<hbm>>
    tpu.enqueue_dma source(%dma_start3A_60 : memref<80xi32, #tpu.memory_space<hbm>>) target(%arg12 : memref<80xi32, #tpu.memory_space<vmem>>) target_semaphore(%arg30 : memref<!tpu.dma_semaphore, #tpu.memory_space<semaphore_mem>>)
    %dma_start3A_61 = tpu.memref_slice %arg4[%add3A_58] : memref<320000xi32, #tpu.memory_space<hbm>> -> memref<80xi32, #tpu.memory_space<hbm>>
    %dma_start3A_62 = tpu.memref_slice %arg4[%add3A_58] : memref<320000xi32, #tpu.memory_space<hbm>> -> memref<80xi32, #tpu.memory_space<hbm>>
    tpu.enqueue_dma source(%dma_start3A_62 : memref<80xi32, #tpu.memory_space<hbm>>) target(%arg20 : memref<80xi32, #tpu.memory_space<vmem>>) target_semaphore(%arg30 : memref<!tpu.dma_semaphore, #tpu.memory_space<semaphore_mem>>)
    %dma_start3A_63 = arith.constant 0 : i32
    %dma_start3A_64 = arith.constant 0 : i32
    %dma_start3A_65 = tpu.memref_slice %arg2[%dma_start3A_63, %dma_start3A_64] : memref<10000x128xf32, #tpu.memory_space<hbm>> -> memref<10000x128xf32, #tpu.memory_space<hbm>>
    tpu.enqueue_indirect_dma source(%dma_start3A_65 : memref<10000x128xf32, #tpu.memory_space<hbm>>) target(%arg23 : memref<80x128xf32, #tpu.memory_space<vmem>>) offsets(%arg7 : memref<80xi32, #tpu.memory_space<vmem>>) semaphore(%arg32 : memref<!tpu.dma_semaphore, #tpu.memory_space<semaphore_mem>>)
    %dma_start3A_66 = arith.constant 0 : i32
    %dma_start3A_67 = arith.constant 0 : i32
    %dma_start3A_68 = tpu.memref_slice %arg2[%dma_start3A_66, %dma_start3A_67] : memref<10000x128xf32, #tpu.memory_space<hbm>> -> memref<10000x128xf32, #tpu.memory_space<hbm>>
    tpu.enqueue_indirect_dma source(%dma_start3A_68 : memref<10000x128xf32, #tpu.memory_space<hbm>>) target(%arg24 : memref<80x128xf32, #tpu.memory_space<vmem>>) offsets(%arg8 : memref<80xi32, #tpu.memory_space<vmem>>) semaphore(%arg32 : memref<!tpu.dma_semaphore, #tpu.memory_space<semaphore_mem>>)
    %dma_wait3A_69 = arith.constant 0 : i32
    %dma_wait3A_70 = arith.constant 0 : i32
    %dma_wait3A_71 = tpu.memref_slice %arg2[%dma_wait3A_69, %dma_wait3A_70] : memref<10000x128xf32, #tpu.memory_space<hbm>> -> memref<10000x128xf32, #tpu.memory_space<hbm>>
    tpu.wait_indirect_dma semaphore(%arg32 : memref<!tpu.dma_semaphore, #tpu.memory_space<semaphore_mem>>) src(%dma_wait3A_71 : memref<10000x128xf32, #tpu.memory_space<hbm>>) dst(%arg23 : memref<80x128xf32, #tpu.memory_space<vmem>>)
    %dma_wait3A_72 = arith.constant 0 : i32
    %dma_wait3A_73 = arith.constant 0 : i32
    %dma_wait3A_74 = tpu.memref_slice %arg2[%dma_wait3A_72, %dma_wait3A_73] : memref<10000x128xf32, #tpu.memory_space<hbm>> -> memref<10000x128xf32, #tpu.memory_space<hbm>>
    tpu.wait_indirect_dma semaphore(%arg32 : memref<!tpu.dma_semaphore, #tpu.memory_space<semaphore_mem>>) src(%dma_wait3A_74 : memref<10000x128xf32, #tpu.memory_space<hbm>>) dst(%arg24 : memref<80x128xf32, #tpu.memory_space<vmem>>)
    %dma_start3A_75 = arith.constant 0 : i32
    %dma_start3A_76 = arith.constant 0 : i32
    %dma_start3A_77 = tpu.memref_slice %arg27[%dma_start3A_75, %dma_start3A_76] : memref<10240x128xf32, #tpu.memory_space<vmem_shared>> -> memref<10240x128xf32, #tpu.memory_space<vmem_shared>>
    tpu.enqueue_indirect_dma source(%arg23 : memref<80x128xf32, #tpu.memory_space<vmem>>) target(%dma_start3A_77 : memref<10240x128xf32, #tpu.memory_space<vmem_shared>>) offsets(%arg15 : memref<80xi32, #tpu.memory_space<vmem>>) semaphore(%arg33 : memref<!tpu.dma_semaphore, #tpu.memory_space<semaphore_mem>>) {add = true}
    %dma_start3A_78 = arith.constant 0 : i32
    %dma_start3A_79 = arith.constant 0 : i32
    %dma_start3A_80 = tpu.memref_slice %arg27[%dma_start3A_78, %dma_start3A_79] : memref<10240x128xf32, #tpu.memory_space<vmem_shared>> -> memref<10240x128xf32, #tpu.memory_space<vmem_shared>>
    tpu.enqueue_indirect_dma source(%arg24 : memref<80x128xf32, #tpu.memory_space<vmem>>) target(%dma_start3A_80 : memref<10240x128xf32, #tpu.memory_space<vmem_shared>>) offsets(%arg16 : memref<80xi32, #tpu.memory_space<vmem>>) semaphore(%arg33 : memref<!tpu.dma_semaphore, #tpu.memory_space<semaphore_mem>>) {add = true}
    %add3A_81 = arith.constant 160 : i32
    %add3A_82 = arith.addi %mul3A_2, %add3A_81 : i32
    %add3A_83 = arith.constant 0 : i32
    %add3A_84 = arith.addi %add3A_82, %add3A_83 : i32
    %dma_wait3A_85 = tpu.memref_slice %arg3[%add3A_84] : memref<320000xi32, #tpu.memory_space<hbm>> -> memref<80xi32, #tpu.memory_space<hbm>>
    %dma_wait3A_86 = tpu.memref_slice %arg3[%add3A_84] : memref<320000xi32, #tpu.memory_space<hbm>> -> memref<80xi32, #tpu.memory_space<hbm>>
    tpu.wait_dma2 semaphore(%arg29 : memref<!tpu.dma_semaphore, #tpu.memory_space<semaphore_mem>>) src(%dma_wait3A_86 : memref<80xi32, #tpu.memory_space<hbm>>) dst(%arg9 : memref<80xi32, #tpu.memory_space<vmem>>)
    %dma_wait3A_87 = tpu.memref_slice %arg4[%add3A_84] : memref<320000xi32, #tpu.memory_space<hbm>> -> memref<80xi32, #tpu.memory_space<hbm>>
    %dma_wait3A_88 = tpu.memref_slice %arg4[%add3A_84] : memref<320000xi32, #tpu.memory_space<hbm>> -> memref<80xi32, #tpu.memory_space<hbm>>
    tpu.wait_dma2 semaphore(%arg29 : memref<!tpu.dma_semaphore, #tpu.memory_space<semaphore_mem>>) src(%dma_wait3A_88 : memref<80xi32, #tpu.memory_space<hbm>>) dst(%arg17 : memref<80xi32, #tpu.memory_space<vmem>>)
    %add3A_89 = arith.constant 80 : i32
    %add3A_90 = arith.addi %add3A_82, %add3A_89 : i32
    %dma_wait3A_91 = tpu.memref_slice %arg3[%add3A_90] : memref<320000xi32, #tpu.memory_space<hbm>> -> memref<80xi32, #tpu.memory_space<hbm>>
    %dma_wait3A_92 = tpu.memref_slice %arg3[%add3A_90] : memref<320000xi32, #tpu.memory_space<hbm>> -> memref<80xi32, #tpu.memory_space<hbm>>
    tpu.wait_dma2 semaphore(%arg29 : memref<!tpu.dma_semaphore, #tpu.memory_space<semaphore_mem>>) src(%dma_wait3A_92 : memref<80xi32, #tpu.memory_space<hbm>>) dst(%arg10 : memref<80xi32, #tpu.memory_space<vmem>>)
    %dma_wait3A_93 = tpu.memref_slice %arg4[%add3A_90] : memref<320000xi32, #tpu.memory_space<hbm>> -> memref<80xi32, #tpu.memory_space<hbm>>
    %dma_wait3A_94 = tpu.memref_slice %arg4[%add3A_90] : memref<320000xi32, #tpu.memory_space<hbm>> -> memref<80xi32, #tpu.memory_space<hbm>>
    tpu.wait_dma2 semaphore(%arg29 : memref<!tpu.dma_semaphore, #tpu.memory_space<semaphore_mem>>) src(%dma_wait3A_94 : memref<80xi32, #tpu.memory_space<hbm>>) dst(%arg18 : memref<80xi32, #tpu.memory_space<vmem>>)
    %add3A_95 = arith.constant 480 : i32
    %add3A_96 = arith.addi %mul3A_2, %add3A_95 : i32
    %add3A_97 = arith.constant 0 : i32
    %add3A_98 = arith.addi %add3A_96, %add3A_97 : i32
    %dma_start3A_99 = tpu.memref_slice %arg3[%add3A_98] : memref<320000xi32, #tpu.memory_space<hbm>> -> memref<80xi32, #tpu.memory_space<hbm>>
    %dma_start3A_100 = tpu.memref_slice %arg3[%add3A_98] : memref<320000xi32, #tpu.memory_space<hbm>> -> memref<80xi32, #tpu.memory_space<hbm>>
    tpu.enqueue_dma source(%dma_start3A_100 : memref<80xi32, #tpu.memory_space<hbm>>) target(%arg13 : memref<80xi32, #tpu.memory_space<vmem>>) target_semaphore(%arg31 : memref<!tpu.dma_semaphore, #tpu.memory_space<semaphore_mem>>)
    %dma_start3A_101 = tpu.memref_slice %arg4[%add3A_98] : memref<320000xi32, #tpu.memory_space<hbm>> -> memref<80xi32, #tpu.memory_space<hbm>>
    %dma_start3A_102 = tpu.memref_slice %arg4[%add3A_98] : memref<320000xi32, #tpu.memory_space<hbm>> -> memref<80xi32, #tpu.memory_space<hbm>>
    tpu.enqueue_dma source(%dma_start3A_102 : memref<80xi32, #tpu.memory_space<hbm>>) target(%arg21 : memref<80xi32, #tpu.memory_space<vmem>>) target_semaphore(%arg31 : memref<!tpu.dma_semaphore, #tpu.memory_space<semaphore_mem>>)
    %add3A_103 = arith.constant 80 : i32
    %add3A_104 = arith.addi %add3A_96, %add3A_103 : i32
    %dma_start3A_105 = tpu.memref_slice %arg3[%add3A_104] : memref<320000xi32, #tpu.memory_space<hbm>> -> memref<80xi32, #tpu.memory_space<hbm>>
    %dma_start3A_106 = tpu.memref_slice %arg3[%add3A_104] : memref<320000xi32, #tpu.memory_space<hbm>> -> memref<80xi32, #tpu.memory_space<hbm>>
    tpu.enqueue_dma source(%dma_start3A_106 : memref<80xi32, #tpu.memory_space<hbm>>) target(%arg14 : memref<80xi32, #tpu.memory_space<vmem>>) target_semaphore(%arg31 : memref<!tpu.dma_semaphore, #tpu.memory_space<semaphore_mem>>)
    %dma_start3A_107 = tpu.memref_slice %arg4[%add3A_104] : memref<320000xi32, #tpu.memory_space<hbm>> -> memref<80xi32, #tpu.memory_space<hbm>>
    %dma_start3A_108 = tpu.memref_slice %arg4[%add3A_104] : memref<320000xi32, #tpu.memory_space<hbm>> -> memref<80xi32, #tpu.memory_space<hbm>>
    tpu.enqueue_dma source(%dma_start3A_108 : memref<80xi32, #tpu.memory_space<hbm>>) target(%arg22 : memref<80xi32, #tpu.memory_space<vmem>>) target_semaphore(%arg31 : memref<!tpu.dma_semaphore, #tpu.memory_space<semaphore_mem>>)
    %dma_start3A_109 = arith.constant 0 : i32
    %dma_start3A_110 = arith.constant 0 : i32
    %dma_start3A_111 = tpu.memref_slice %arg2[%dma_start3A_109, %dma_start3A_110] : memref<10000x128xf32, #tpu.memory_space<hbm>> -> memref<10000x128xf32, #tpu.memory_space<hbm>>
    tpu.enqueue_indirect_dma source(%dma_start3A_111 : memref<10000x128xf32, #tpu.memory_space<hbm>>) target(%arg25 : memref<80x128xf32, #tpu.memory_space<vmem>>) offsets(%arg9 : memref<80xi32, #tpu.memory_space<vmem>>) semaphore(%arg32 : memref<!tpu.dma_semaphore, #tpu.memory_space<semaphore_mem>>)
    %dma_start3A_112 = arith.constant 0 : i32
    %dma_start3A_113 = arith.constant 0 : i32
    %dma_start3A_114 = tpu.memref_slice %arg2[%dma_start3A_112, %dma_start3A_113] : memref<10000x128xf32, #tpu.memory_space<hbm>> -> memref<10000x128xf32, #tpu.memory_space<hbm>>
    tpu.enqueue_indirect_dma source(%dma_start3A_114 : memref<10000x128xf32, #tpu.memory_space<hbm>>) target(%arg26 : memref<80x128xf32, #tpu.memory_space<vmem>>) offsets(%arg10 : memref<80xi32, #tpu.memory_space<vmem>>) semaphore(%arg32 : memref<!tpu.dma_semaphore, #tpu.memory_space<semaphore_mem>>)
    %dma_wait3A_115 = arith.constant 0 : i32
    %dma_wait3A_116 = arith.constant 0 : i32
    %dma_wait3A_117 = tpu.memref_slice %arg2[%dma_wait3A_115, %dma_wait3A_116] : memref<10000x128xf32, #tpu.memory_space<hbm>> -> memref<10000x128xf32, #tpu.memory_space<hbm>>
    tpu.wait_indirect_dma semaphore(%arg32 : memref<!tpu.dma_semaphore, #tpu.memory_space<semaphore_mem>>) src(%dma_wait3A_117 : memref<10000x128xf32, #tpu.memory_space<hbm>>) dst(%arg25 : memref<80x128xf32, #tpu.memory_space<vmem>>)
    %dma_wait3A_118 = arith.constant 0 : i32
    %dma_wait3A_119 = arith.constant 0 : i32
    %dma_wait3A_120 = tpu.memref_slice %arg2[%dma_wait3A_118, %dma_wait3A_119] : memref<10000x128xf32, #tpu.memory_space<hbm>> -> memref<10000x128xf32, #tpu.memory_space<hbm>>
    tpu.wait_indirect_dma semaphore(%arg32 : memref<!tpu.dma_semaphore, #tpu.memory_space<semaphore_mem>>) src(%dma_wait3A_120 : memref<10000x128xf32, #tpu.memory_space<hbm>>) dst(%arg26 : memref<80x128xf32, #tpu.memory_space<vmem>>)
    %dma_start3A_121 = arith.constant 0 : i32
    %dma_start3A_122 = arith.constant 0 : i32
    %dma_start3A_123 = tpu.memref_slice %arg27[%dma_start3A_121, %dma_start3A_122] : memref<10240x128xf32, #tpu.memory_space<vmem_shared>> -> memref<10240x128xf32, #tpu.memory_space<vmem_shared>>
    tpu.enqueue_indirect_dma source(%arg25 : memref<80x128xf32, #tpu.memory_space<vmem>>) target(%dma_start3A_123 : memref<10240x128xf32, #tpu.memory_space<vmem_shared>>) offsets(%arg17 : memref<80xi32, #tpu.memory_space<vmem>>) semaphore(%arg34 : memref<!tpu.dma_semaphore, #tpu.memory_space<semaphore_mem>>) {add = true}
    %dma_start3A_124 = arith.constant 0 : i32
    %dma_start3A_125 = arith.constant 0 : i32
    %dma_start3A_126 = tpu.memref_slice %arg27[%dma_start3A_124, %dma_start3A_125] : memref<10240x128xf32, #tpu.memory_space<vmem_shared>> -> memref<10240x128xf32, #tpu.memory_space<vmem_shared>>
    tpu.enqueue_indirect_dma source(%arg26 : memref<80x128xf32, #tpu.memory_space<vmem>>) target(%dma_start3A_126 : memref<10240x128xf32, #tpu.memory_space<vmem_shared>>) offsets(%arg18 : memref<80xi32, #tpu.memory_space<vmem>>) semaphore(%arg34 : memref<!tpu.dma_semaphore, #tpu.memory_space<semaphore_mem>>) {add = true}
    %scan3A = arith.constant 0 : i32
    %scan3A_127 = arith.constant 0 : i32
    %scan3A_128 = arith.constant 14 : i32
    %scan3A_129 = arith.addi %scan3A_127, %scan3A_128 : i32
    %scan3A_130 = arith.constant 1 : i32
    scf.for %scan3A_333 = %scan3A_127 to %scan3A_129 step %scan3A_130  : i32 {
      %mul3A_334 = arith.constant 4 : i32
      %mul3A_335 = arith.muli %mul3A_334, %scan3A_333 : i32
      %add3A_336 = arith.constant 2 : i32
      %add3A_337 = arith.addi %mul3A_335, %add3A_336 : i32
      %add3A_338 = arith.constant 0 : i32
      %add3A_339 = arith.addi %add3A_337, %add3A_338 : i32
      %dma_wait3A_340 = arith.constant 0 : i32
      %dma_wait3A_341 = arith.constant 0 : i32
      %dma_wait3A_342 = tpu.memref_slice %arg27[%dma_wait3A_340, %dma_wait3A_341] : memref<10240x128xf32, #tpu.memory_space<vmem_shared>> -> memref<10240x128xf32, #tpu.memory_space<vmem_shared>>
      tpu.wait_indirect_dma semaphore(%arg33 : memref<!tpu.dma_semaphore, #tpu.memory_space<semaphore_mem>>) src(%arg23 : memref<80x128xf32, #tpu.memory_space<vmem>>) dst(%dma_wait3A_342 : memref<10240x128xf32, #tpu.memory_space<vmem_shared>>)
      %dma_wait3A_343 = arith.constant 0 : i32
      %dma_wait3A_344 = arith.constant 0 : i32
      %dma_wait3A_345 = tpu.memref_slice %arg27[%dma_wait3A_343, %dma_wait3A_344] : memref<10240x128xf32, #tpu.memory_space<vmem_shared>> -> memref<10240x128xf32, #tpu.memory_space<vmem_shared>>
      tpu.wait_indirect_dma semaphore(%arg33 : memref<!tpu.dma_semaphore, #tpu.memory_space<semaphore_mem>>) src(%arg24 : memref<80x128xf32, #tpu.memory_space<vmem>>) dst(%dma_wait3A_345 : memref<10240x128xf32, #tpu.memory_space<vmem_shared>>)
      %add3A_346 = arith.constant 2 : i32
      %add3A_347 = arith.addi %add3A_339, %add3A_346 : i32
      %mul3A_348 = arith.constant 160 : i32
      %mul3A_349 = arith.muli %add3A_347, %mul3A_348 : i32
      %add3A_350 = arith.addi %mul3A_2, %mul3A_349 : i32
      %add3A_351 = arith.constant 0 : i32
      %add3A_352 = arith.addi %add3A_350, %add3A_351 : i32
      %dma_start3A_353 = tpu.memref_slice %arg3[%add3A_352] : memref<320000xi32, #tpu.memory_space<hbm>> -> memref<80xi32, #tpu.memory_space<hbm>>
      %dma_start3A_354 = tpu.memref_slice %arg3[%add3A_352] : memref<320000xi32, #tpu.memory_space<hbm>> -> memref<80xi32, #tpu.memory_space<hbm>>
      tpu.enqueue_dma source(%dma_start3A_354 : memref<80xi32, #tpu.memory_space<hbm>>) target(%arg7 : memref<80xi32, #tpu.memory_space<vmem>>) target_semaphore(%arg28 : memref<!tpu.dma_semaphore, #tpu.memory_space<semaphore_mem>>)
      %dma_start3A_355 = tpu.memref_slice %arg4[%add3A_352] : memref<320000xi32, #tpu.memory_space<hbm>> -> memref<80xi32, #tpu.memory_space<hbm>>
      %dma_start3A_356 = tpu.memref_slice %arg4[%add3A_352] : memref<320000xi32, #tpu.memory_space<hbm>> -> memref<80xi32, #tpu.memory_space<hbm>>
      tpu.enqueue_dma source(%dma_start3A_356 : memref<80xi32, #tpu.memory_space<hbm>>) target(%arg15 : memref<80xi32, #tpu.memory_space<vmem>>) target_semaphore(%arg28 : memref<!tpu.dma_semaphore, #tpu.memory_space<semaphore_mem>>)
      %add3A_357 = arith.constant 80 : i32
      %add3A_358 = arith.addi %add3A_350, %add3A_357 : i32
      %dma_start3A_359 = tpu.memref_slice %arg3[%add3A_358] : memref<320000xi32, #tpu.memory_space<hbm>> -> memref<80xi32, #tpu.memory_space<hbm>>
      %dma_start3A_360 = tpu.memref_slice %arg3[%add3A_358] : memref<320000xi32, #tpu.memory_space<hbm>> -> memref<80xi32, #tpu.memory_space<hbm>>
      tpu.enqueue_dma source(%dma_start3A_360 : memref<80xi32, #tpu.memory_space<hbm>>) target(%arg8 : memref<80xi32, #tpu.memory_space<vmem>>) target_semaphore(%arg28 : memref<!tpu.dma_semaphore, #tpu.memory_space<semaphore_mem>>)
      %dma_start3A_361 = tpu.memref_slice %arg4[%add3A_358] : memref<320000xi32, #tpu.memory_space<hbm>> -> memref<80xi32, #tpu.memory_space<hbm>>
      %dma_start3A_362 = tpu.memref_slice %arg4[%add3A_358] : memref<320000xi32, #tpu.memory_space<hbm>> -> memref<80xi32, #tpu.memory_space<hbm>>
      tpu.enqueue_dma source(%dma_start3A_362 : memref<80xi32, #tpu.memory_space<hbm>>) target(%arg16 : memref<80xi32, #tpu.memory_space<vmem>>) target_semaphore(%arg28 : memref<!tpu.dma_semaphore, #tpu.memory_space<semaphore_mem>>)
      %mul3A_363 = arith.constant 160 : i32
      %mul3A_364 = arith.muli %add3A_339, %mul3A_363 : i32
      %add3A_365 = arith.addi %mul3A_2, %mul3A_364 : i32
      %add3A_366 = arith.constant 0 : i32
      %add3A_367 = arith.addi %add3A_365, %add3A_366 : i32
      %dma_wait3A_368 = tpu.memref_slice %arg3[%add3A_367] : memref<320000xi32, #tpu.memory_space<hbm>> -> memref<80xi32, #tpu.memory_space<hbm>>
      %dma_wait3A_369 = tpu.memref_slice %arg3[%add3A_367] : memref<320000xi32, #tpu.memory_space<hbm>> -> memref<80xi32, #tpu.memory_space<hbm>>
      tpu.wait_dma2 semaphore(%arg30 : memref<!tpu.dma_semaphore, #tpu.memory_space<semaphore_mem>>) src(%dma_wait3A_369 : memref<80xi32, #tpu.memory_space<hbm>>) dst(%arg11 : memref<80xi32, #tpu.memory_space<vmem>>)
      %dma_wait3A_370 = tpu.memref_slice %arg4[%add3A_367] : memref<320000xi32, #tpu.memory_space<hbm>> -> memref<80xi32, #tpu.memory_space<hbm>>
      %dma_wait3A_371 = tpu.memref_slice %arg4[%add3A_367] : memref<320000xi32, #tpu.memory_space<hbm>> -> memref<80xi32, #tpu.memory_space<hbm>>
      tpu.wait_dma2 semaphore(%arg30 : memref<!tpu.dma_semaphore, #tpu.memory_space<semaphore_mem>>) src(%dma_wait3A_371 : memref<80xi32, #tpu.memory_space<hbm>>) dst(%arg19 : memref<80xi32, #tpu.memory_space<vmem>>)
      %add3A_372 = arith.constant 80 : i32
      %add3A_373 = arith.addi %add3A_365, %add3A_372 : i32
      %dma_wait3A_374 = tpu.memref_slice %arg3[%add3A_373] : memref<320000xi32, #tpu.memory_space<hbm>> -> memref<80xi32, #tpu.memory_space<hbm>>
      %dma_wait3A_375 = tpu.memref_slice %arg3[%add3A_373] : memref<320000xi32, #tpu.memory_space<hbm>> -> memref<80xi32, #tpu.memory_space<hbm>>
      tpu.wait_dma2 semaphore(%arg30 : memref<!tpu.dma_semaphore, #tpu.memory_space<semaphore_mem>>) src(%dma_wait3A_375 : memref<80xi32, #tpu.memory_space<hbm>>) dst(%arg12 : memref<80xi32, #tpu.memory_space<vmem>>)
      %dma_wait3A_376 = tpu.memref_slice %arg4[%add3A_373] : memref<320000xi32, #tpu.memory_space<hbm>> -> memref<80xi32, #tpu.memory_space<hbm>>
      %dma_wait3A_377 = tpu.memref_slice %arg4[%add3A_373] : memref<320000xi32, #tpu.memory_space<hbm>> -> memref<80xi32, #tpu.memory_space<hbm>>
      tpu.wait_dma2 semaphore(%arg30 : memref<!tpu.dma_semaphore, #tpu.memory_space<semaphore_mem>>) src(%dma_wait3A_377 : memref<80xi32, #tpu.memory_space<hbm>>) dst(%arg20 : memref<80xi32, #tpu.memory_space<vmem>>)
      %dma_start3A_378 = arith.constant 0 : i32
      %dma_start3A_379 = arith.constant 0 : i32
      %dma_start3A_380 = tpu.memref_slice %arg2[%dma_start3A_378, %dma_start3A_379] : memref<10000x128xf32, #tpu.memory_space<hbm>> -> memref<10000x128xf32, #tpu.memory_space<hbm>>
      tpu.enqueue_indirect_dma source(%dma_start3A_380 : memref<10000x128xf32, #tpu.memory_space<hbm>>) target(%arg23 : memref<80x128xf32, #tpu.memory_space<vmem>>) offsets(%arg11 : memref<80xi32, #tpu.memory_space<vmem>>) semaphore(%arg32 : memref<!tpu.dma_semaphore, #tpu.memory_space<semaphore_mem>>)
      %dma_start3A_381 = arith.constant 0 : i32
      %dma_start3A_382 = arith.constant 0 : i32
      %dma_start3A_383 = tpu.memref_slice %arg2[%dma_start3A_381, %dma_start3A_382] : memref<10000x128xf32, #tpu.memory_space<hbm>> -> memref<10000x128xf32, #tpu.memory_space<hbm>>
      tpu.enqueue_indirect_dma source(%dma_start3A_383 : memref<10000x128xf32, #tpu.memory_space<hbm>>) target(%arg24 : memref<80x128xf32, #tpu.memory_space<vmem>>) offsets(%arg12 : memref<80xi32, #tpu.memory_space<vmem>>) semaphore(%arg32 : memref<!tpu.dma_semaphore, #tpu.memory_space<semaphore_mem>>)
      %dma_wait3A_384 = arith.constant 0 : i32
      %dma_wait3A_385 = arith.constant 0 : i32
      %dma_wait3A_386 = tpu.memref_slice %arg2[%dma_wait3A_384, %dma_wait3A_385] : memref<10000x128xf32, #tpu.memory_space<hbm>> -> memref<10000x128xf32, #tpu.memory_space<hbm>>
      tpu.wait_indirect_dma semaphore(%arg32 : memref<!tpu.dma_semaphore, #tpu.memory_space<semaphore_mem>>) src(%dma_wait3A_386 : memref<10000x128xf32, #tpu.memory_space<hbm>>) dst(%arg23 : memref<80x128xf32, #tpu.memory_space<vmem>>)
      %dma_wait3A_387 = arith.constant 0 : i32
      %dma_wait3A_388 = arith.constant 0 : i32
      %dma_wait3A_389 = tpu.memref_slice %arg2[%dma_wait3A_387, %dma_wait3A_388] : memref<10000x128xf32, #tpu.memory_space<hbm>> -> memref<10000x128xf32, #tpu.memory_space<hbm>>
      tpu.wait_indirect_dma semaphore(%arg32 : memref<!tpu.dma_semaphore, #tpu.memory_space<semaphore_mem>>) src(%dma_wait3A_389 : memref<10000x128xf32, #tpu.memory_space<hbm>>) dst(%arg24 : memref<80x128xf32, #tpu.memory_space<vmem>>)
      %dma_start3A_390 = arith.constant 0 : i32
      %dma_start3A_391 = arith.constant 0 : i32
      %dma_start3A_392 = tpu.memref_slice %arg27[%dma_start3A_390, %dma_start3A_391] : memref<10240x128xf32, #tpu.memory_space<vmem_shared>> -> memref<10240x128xf32, #tpu.memory_space<vmem_shared>>
      tpu.enqueue_indirect_dma source(%arg23 : memref<80x128xf32, #tpu.memory_space<vmem>>) target(%dma_start3A_392 : memref<10240x128xf32, #tpu.memory_space<vmem_shared>>) offsets(%arg19 : memref<80xi32, #tpu.memory_space<vmem>>) semaphore(%arg33 : memref<!tpu.dma_semaphore, #tpu.memory_space<semaphore_mem>>) {add = true}
      %dma_start3A_393 = arith.constant 0 : i32
      %dma_start3A_394 = arith.constant 0 : i32
      %dma_start3A_395 = tpu.memref_slice %arg27[%dma_start3A_393, %dma_start3A_394] : memref<10240x128xf32, #tpu.memory_space<vmem_shared>> -> memref<10240x128xf32, #tpu.memory_space<vmem_shared>>
      tpu.enqueue_indirect_dma source(%arg24 : memref<80x128xf32, #tpu.memory_space<vmem>>) target(%dma_start3A_395 : memref<10240x128xf32, #tpu.memory_space<vmem_shared>>) offsets(%arg20 : memref<80xi32, #tpu.memory_space<vmem>>) semaphore(%arg33 : memref<!tpu.dma_semaphore, #tpu.memory_space<semaphore_mem>>) {add = true}
      %mul3A_396 = arith.constant 4 : i32
      %mul3A_397 = arith.muli %mul3A_396, %scan3A_333 : i32
      %add3A_398 = arith.constant 2 : i32
      %add3A_399 = arith.addi %mul3A_397, %add3A_398 : i32
      %add3A_400 = arith.constant 1 : i32
      %add3A_401 = arith.addi %add3A_399, %add3A_400 : i32
      %dma_wait3A_402 = arith.constant 0 : i32
      %dma_wait3A_403 = arith.constant 0 : i32
      %dma_wait3A_404 = tpu.memref_slice %arg27[%dma_wait3A_402, %dma_wait3A_403] : memref<10240x128xf32, #tpu.memory_space<vmem_shared>> -> memref<10240x128xf32, #tpu.memory_space<vmem_shared>>
      tpu.wait_indirect_dma semaphore(%arg34 : memref<!tpu.dma_semaphore, #tpu.memory_space<semaphore_mem>>) src(%arg25 : memref<80x128xf32, #tpu.memory_space<vmem>>) dst(%dma_wait3A_404 : memref<10240x128xf32, #tpu.memory_space<vmem_shared>>)
      %dma_wait3A_405 = arith.constant 0 : i32
      %dma_wait3A_406 = arith.constant 0 : i32
      %dma_wait3A_407 = tpu.memref_slice %arg27[%dma_wait3A_405, %dma_wait3A_406] : memref<10240x128xf32, #tpu.memory_space<vmem_shared>> -> memref<10240x128xf32, #tpu.memory_space<vmem_shared>>
      tpu.wait_indirect_dma semaphore(%arg34 : memref<!tpu.dma_semaphore, #tpu.memory_space<semaphore_mem>>) src(%arg26 : memref<80x128xf32, #tpu.memory_space<vmem>>) dst(%dma_wait3A_407 : memref<10240x128xf32, #tpu.memory_space<vmem_shared>>)
      %add3A_408 = arith.constant 2 : i32
      %add3A_409 = arith.addi %add3A_401, %add3A_408 : i32
      %mul3A_410 = arith.constant 160 : i32
      %mul3A_411 = arith.muli %add3A_409, %mul3A_410 : i32
      %add3A_412 = arith.addi %mul3A_2, %mul3A_411 : i32
      %add3A_413 = arith.constant 0 : i32
      %add3A_414 = arith.addi %add3A_412, %add3A_413 : i32
      %dma_start3A_415 = tpu.memref_slice %arg3[%add3A_414] : memref<320000xi32, #tpu.memory_space<hbm>> -> memref<80xi32, #tpu.memory_space<hbm>>
      %dma_start3A_416 = tpu.memref_slice %arg3[%add3A_414] : memref<320000xi32, #tpu.memory_space<hbm>> -> memref<80xi32, #tpu.memory_space<hbm>>
      tpu.enqueue_dma source(%dma_start3A_416 : memref<80xi32, #tpu.memory_space<hbm>>) target(%arg9 : memref<80xi32, #tpu.memory_space<vmem>>) target_semaphore(%arg29 : memref<!tpu.dma_semaphore, #tpu.memory_space<semaphore_mem>>)
      %dma_start3A_417 = tpu.memref_slice %arg4[%add3A_414] : memref<320000xi32, #tpu.memory_space<hbm>> -> memref<80xi32, #tpu.memory_space<hbm>>
      %dma_start3A_418 = tpu.memref_slice %arg4[%add3A_414] : memref<320000xi32, #tpu.memory_space<hbm>> -> memref<80xi32, #tpu.memory_space<hbm>>
      tpu.enqueue_dma source(%dma_start3A_418 : memref<80xi32, #tpu.memory_space<hbm>>) target(%arg17 : memref<80xi32, #tpu.memory_space<vmem>>) target_semaphore(%arg29 : memref<!tpu.dma_semaphore, #tpu.memory_space<semaphore_mem>>)
      %add3A_419 = arith.constant 80 : i32
      %add3A_420 = arith.addi %add3A_412, %add3A_419 : i32
      %dma_start3A_421 = tpu.memref_slice %arg3[%add3A_420] : memref<320000xi32, #tpu.memory_space<hbm>> -> memref<80xi32, #tpu.memory_space<hbm>>
      %dma_start3A_422 = tpu.memref_slice %arg3[%add3A_420] : memref<320000xi32, #tpu.memory_space<hbm>> -> memref<80xi32, #tpu.memory_space<hbm>>
      tpu.enqueue_dma source(%dma_start3A_422 : memref<80xi32, #tpu.memory_space<hbm>>) target(%arg10 : memref<80xi32, #tpu.memory_space<vmem>>) target_semaphore(%arg29 : memref<!tpu.dma_semaphore, #tpu.memory_space<semaphore_mem>>)
      %dma_start3A_423 = tpu.memref_slice %arg4[%add3A_420] : memref<320000xi32, #tpu.memory_space<hbm>> -> memref<80xi32, #tpu.memory_space<hbm>>
      %dma_start3A_424 = tpu.memref_slice %arg4[%add3A_420] : memref<320000xi32, #tpu.memory_space<hbm>> -> memref<80xi32, #tpu.memory_space<hbm>>
      tpu.enqueue_dma source(%dma_start3A_424 : memref<80xi32, #tpu.memory_space<hbm>>) target(%arg18 : memref<80xi32, #tpu.memory_space<vmem>>) target_semaphore(%arg29 : memref<!tpu.dma_semaphore, #tpu.memory_space<semaphore_mem>>)
      %mul3A_425 = arith.constant 160 : i32
      %mul3A_426 = arith.muli %add3A_401, %mul3A_425 : i32
      %add3A_427 = arith.addi %mul3A_2, %mul3A_426 : i32
      %add3A_428 = arith.constant 0 : i32
      %add3A_429 = arith.addi %add3A_427, %add3A_428 : i32
      %dma_wait3A_430 = tpu.memref_slice %arg3[%add3A_429] : memref<320000xi32, #tpu.memory_space<hbm>> -> memref<80xi32, #tpu.memory_space<hbm>>
      %dma_wait3A_431 = tpu.memref_slice %arg3[%add3A_429] : memref<320000xi32, #tpu.memory_space<hbm>> -> memref<80xi32, #tpu.memory_space<hbm>>
      tpu.wait_dma2 semaphore(%arg31 : memref<!tpu.dma_semaphore, #tpu.memory_space<semaphore_mem>>) src(%dma_wait3A_431 : memref<80xi32, #tpu.memory_space<hbm>>) dst(%arg13 : memref<80xi32, #tpu.memory_space<vmem>>)
      %dma_wait3A_432 = tpu.memref_slice %arg4[%add3A_429] : memref<320000xi32, #tpu.memory_space<hbm>> -> memref<80xi32, #tpu.memory_space<hbm>>
      %dma_wait3A_433 = tpu.memref_slice %arg4[%add3A_429] : memref<320000xi32, #tpu.memory_space<hbm>> -> memref<80xi32, #tpu.memory_space<hbm>>
      tpu.wait_dma2 semaphore(%arg31 : memref<!tpu.dma_semaphore, #tpu.memory_space<semaphore_mem>>) src(%dma_wait3A_433 : memref<80xi32, #tpu.memory_space<hbm>>) dst(%arg21 : memref<80xi32, #tpu.memory_space<vmem>>)
      %add3A_434 = arith.constant 80 : i32
      %add3A_435 = arith.addi %add3A_427, %add3A_434 : i32
      %dma_wait3A_436 = tpu.memref_slice %arg3[%add3A_435] : memref<320000xi32, #tpu.memory_space<hbm>> -> memref<80xi32, #tpu.memory_space<hbm>>
      %dma_wait3A_437 = tpu.memref_slice %arg3[%add3A_435] : memref<320000xi32, #tpu.memory_space<hbm>> -> memref<80xi32, #tpu.memory_space<hbm>>
      tpu.wait_dma2 semaphore(%arg31 : memref<!tpu.dma_semaphore, #tpu.memory_space<semaphore_mem>>) src(%dma_wait3A_437 : memref<80xi32, #tpu.memory_space<hbm>>) dst(%arg14 : memref<80xi32, #tpu.memory_space<vmem>>)
      %dma_wait3A_438 = tpu.memref_slice %arg4[%add3A_435] : memref<320000xi32, #tpu.memory_space<hbm>> -> memref<80xi32, #tpu.memory_space<hbm>>
      %dma_wait3A_439 = tpu.memref_slice %arg4[%add3A_435] : memref<320000xi32, #tpu.memory_space<hbm>> -> memref<80xi32, #tpu.memory_space<hbm>>
      tpu.wait_dma2 semaphore(%arg31 : memref<!tpu.dma_semaphore, #tpu.memory_space<semaphore_mem>>) src(%dma_wait3A_439 : memref<80xi32, #tpu.memory_space<hbm>>) dst(%arg22 : memref<80xi32, #tpu.memory_space<vmem>>)
      %dma_start3A_440 = arith.constant 0 : i32
      %dma_start3A_441 = arith.constant 0 : i32
      %dma_start3A_442 = tpu.memref_slice %arg2[%dma_start3A_440, %dma_start3A_441] : memref<10000x128xf32, #tpu.memory_space<hbm>> -> memref<10000x128xf32, #tpu.memory_space<hbm>>
      tpu.enqueue_indirect_dma source(%dma_start3A_442 : memref<10000x128xf32, #tpu.memory_space<hbm>>) target(%arg25 : memref<80x128xf32, #tpu.memory_space<vmem>>) offsets(%arg13 : memref<80xi32, #tpu.memory_space<vmem>>) semaphore(%arg32 : memref<!tpu.dma_semaphore, #tpu.memory_space<semaphore_mem>>)
      %dma_start3A_443 = arith.constant 0 : i32
      %dma_start3A_444 = arith.constant 0 : i32
      %dma_start3A_445 = tpu.memref_slice %arg2[%dma_start3A_443, %dma_start3A_444] : memref<10000x128xf32, #tpu.memory_space<hbm>> -> memref<10000x128xf32, #tpu.memory_space<hbm>>
      tpu.enqueue_indirect_dma source(%dma_start3A_445 : memref<10000x128xf32, #tpu.memory_space<hbm>>) target(%arg26 : memref<80x128xf32, #tpu.memory_space<vmem>>) offsets(%arg14 : memref<80xi32, #tpu.memory_space<vmem>>) semaphore(%arg32 : memref<!tpu.dma_semaphore, #tpu.memory_space<semaphore_mem>>)
      %dma_wait3A_446 = arith.constant 0 : i32
      %dma_wait3A_447 = arith.constant 0 : i32
      %dma_wait3A_448 = tpu.memref_slice %arg2[%dma_wait3A_446, %dma_wait3A_447] : memref<10000x128xf32, #tpu.memory_space<hbm>> -> memref<10000x128xf32, #tpu.memory_space<hbm>>
      tpu.wait_indirect_dma semaphore(%arg32 : memref<!tpu.dma_semaphore, #tpu.memory_space<semaphore_mem>>) src(%dma_wait3A_448 : memref<10000x128xf32, #tpu.memory_space<hbm>>) dst(%arg25 : memref<80x128xf32, #tpu.memory_space<vmem>>)
      %dma_wait3A_449 = arith.constant 0 : i32
      %dma_wait3A_450 = arith.constant 0 : i32
      %dma_wait3A_451 = tpu.memref_slice %arg2[%dma_wait3A_449, %dma_wait3A_450] : memref<10000x128xf32, #tpu.memory_space<hbm>> -> memref<10000x128xf32, #tpu.memory_space<hbm>>
      tpu.wait_indirect_dma semaphore(%arg32 : memref<!tpu.dma_semaphore, #tpu.memory_space<semaphore_mem>>) src(%dma_wait3A_451 : memref<10000x128xf32, #tpu.memory_space<hbm>>) dst(%arg26 : memref<80x128xf32, #tpu.memory_space<vmem>>)
      %dma_start3A_452 = arith.constant 0 : i32
      %dma_start3A_453 = arith.constant 0 : i32
      %dma_start3A_454 = tpu.memref_slice %arg27[%dma_start3A_452, %dma_start3A_453] : memref<10240x128xf32, #tpu.memory_space<vmem_shared>> -> memref<10240x128xf32, #tpu.memory_space<vmem_shared>>
      tpu.enqueue_indirect_dma source(%arg25 : memref<80x128xf32, #tpu.memory_space<vmem>>) target(%dma_start3A_454 : memref<10240x128xf32, #tpu.memory_space<vmem_shared>>) offsets(%arg21 : memref<80xi32, #tpu.memory_space<vmem>>) semaphore(%arg34 : memref<!tpu.dma_semaphore, #tpu.memory_space<semaphore_mem>>) {add = true}
      %dma_start3A_455 = arith.constant 0 : i32
      %dma_start3A_456 = arith.constant 0 : i32
      %dma_start3A_457 = tpu.memref_slice %arg27[%dma_start3A_455, %dma_start3A_456] : memref<10240x128xf32, #tpu.memory_space<vmem_shared>> -> memref<10240x128xf32, #tpu.memory_space<vmem_shared>>
      tpu.enqueue_indirect_dma source(%arg26 : memref<80x128xf32, #tpu.memory_space<vmem>>) target(%dma_start3A_457 : memref<10240x128xf32, #tpu.memory_space<vmem_shared>>) offsets(%arg22 : memref<80xi32, #tpu.memory_space<vmem>>) semaphore(%arg34 : memref<!tpu.dma_semaphore, #tpu.memory_space<semaphore_mem>>) {add = true}
      %mul3A_458 = arith.constant 4 : i32
      %mul3A_459 = arith.muli %mul3A_458, %scan3A_333 : i32
      %add3A_460 = arith.constant 2 : i32
      %add3A_461 = arith.addi %mul3A_459, %add3A_460 : i32
      %add3A_462 = arith.constant 2 : i32
      %add3A_463 = arith.addi %add3A_461, %add3A_462 : i32
      %dma_wait3A_464 = arith.constant 0 : i32
      %dma_wait3A_465 = arith.constant 0 : i32
      %dma_wait3A_466 = tpu.memref_slice %arg27[%dma_wait3A_464, %dma_wait3A_465] : memref<10240x128xf32, #tpu.memory_space<vmem_shared>> -> memref<10240x128xf32, #tpu.memory_space<vmem_shared>>
      tpu.wait_indirect_dma semaphore(%arg33 : memref<!tpu.dma_semaphore, #tpu.memory_space<semaphore_mem>>) src(%arg23 : memref<80x128xf32, #tpu.memory_space<vmem>>) dst(%dma_wait3A_466 : memref<10240x128xf32, #tpu.memory_space<vmem_shared>>)
      %dma_wait3A_467 = arith.constant 0 : i32
      %dma_wait3A_468 = arith.constant 0 : i32
      %dma_wait3A_469 = tpu.memref_slice %arg27[%dma_wait3A_467, %dma_wait3A_468] : memref<10240x128xf32, #tpu.memory_space<vmem_shared>> -> memref<10240x128xf32, #tpu.memory_space<vmem_shared>>
      tpu.wait_indirect_dma semaphore(%arg33 : memref<!tpu.dma_semaphore, #tpu.memory_space<semaphore_mem>>) src(%arg24 : memref<80x128xf32, #tpu.memory_space<vmem>>) dst(%dma_wait3A_469 : memref<10240x128xf32, #tpu.memory_space<vmem_shared>>)
      %add3A_470 = arith.constant 2 : i32
      %add3A_471 = arith.addi %add3A_463, %add3A_470 : i32
      %mul3A_472 = arith.constant 160 : i32
      %mul3A_473 = arith.muli %add3A_471, %mul3A_472 : i32
      %add3A_474 = arith.addi %mul3A_2, %mul3A_473 : i32
      %add3A_475 = arith.constant 0 : i32
      %add3A_476 = arith.addi %add3A_474, %add3A_475 : i32
      %dma_start3A_477 = tpu.memref_slice %arg3[%add3A_476] : memref<320000xi32, #tpu.memory_space<hbm>> -> memref<80xi32, #tpu.memory_space<hbm>>
      %dma_start3A_478 = tpu.memref_slice %arg3[%add3A_476] : memref<320000xi32, #tpu.memory_space<hbm>> -> memref<80xi32, #tpu.memory_space<hbm>>
      tpu.enqueue_dma source(%dma_start3A_478 : memref<80xi32, #tpu.memory_space<hbm>>) target(%arg11 : memref<80xi32, #tpu.memory_space<vmem>>) target_semaphore(%arg30 : memref<!tpu.dma_semaphore, #tpu.memory_space<semaphore_mem>>)
      %dma_start3A_479 = tpu.memref_slice %arg4[%add3A_476] : memref<320000xi32, #tpu.memory_space<hbm>> -> memref<80xi32, #tpu.memory_space<hbm>>
      %dma_start3A_480 = tpu.memref_slice %arg4[%add3A_476] : memref<320000xi32, #tpu.memory_space<hbm>> -> memref<80xi32, #tpu.memory_space<hbm>>
      tpu.enqueue_dma source(%dma_start3A_480 : memref<80xi32, #tpu.memory_space<hbm>>) target(%arg19 : memref<80xi32, #tpu.memory_space<vmem>>) target_semaphore(%arg30 : memref<!tpu.dma_semaphore, #tpu.memory_space<semaphore_mem>>)
      %add3A_481 = arith.constant 80 : i32
      %add3A_482 = arith.addi %add3A_474, %add3A_481 : i32
      %dma_start3A_483 = tpu.memref_slice %arg3[%add3A_482] : memref<320000xi32, #tpu.memory_space<hbm>> -> memref<80xi32, #tpu.memory_space<hbm>>
      %dma_start3A_484 = tpu.memref_slice %arg3[%add3A_482] : memref<320000xi32, #tpu.memory_space<hbm>> -> memref<80xi32, #tpu.memory_space<hbm>>
      tpu.enqueue_dma source(%dma_start3A_484 : memref<80xi32, #tpu.memory_space<hbm>>) target(%arg12 : memref<80xi32, #tpu.memory_space<vmem>>) target_semaphore(%arg30 : memref<!tpu.dma_semaphore, #tpu.memory_space<semaphore_mem>>)
      %dma_start3A_485 = tpu.memref_slice %arg4[%add3A_482] : memref<320000xi32, #tpu.memory_space<hbm>> -> memref<80xi32, #tpu.memory_space<hbm>>
      %dma_start3A_486 = tpu.memref_slice %arg4[%add3A_482] : memref<320000xi32, #tpu.memory_space<hbm>> -> memref<80xi32, #tpu.memory_space<hbm>>
      tpu.enqueue_dma source(%dma_start3A_486 : memref<80xi32, #tpu.memory_space<hbm>>) target(%arg20 : memref<80xi32, #tpu.memory_space<vmem>>) target_semaphore(%arg30 : memref<!tpu.dma_semaphore, #tpu.memory_space<semaphore_mem>>)
      %mul3A_487 = arith.constant 160 : i32
      %mul3A_488 = arith.muli %add3A_463, %mul3A_487 : i32
      %add3A_489 = arith.addi %mul3A_2, %mul3A_488 : i32
      %add3A_490 = arith.constant 0 : i32
      %add3A_491 = arith.addi %add3A_489, %add3A_490 : i32
      %dma_wait3A_492 = tpu.memref_slice %arg3[%add3A_491] : memref<320000xi32, #tpu.memory_space<hbm>> -> memref<80xi32, #tpu.memory_space<hbm>>
      %dma_wait3A_493 = tpu.memref_slice %arg3[%add3A_491] : memref<320000xi32, #tpu.memory_space<hbm>> -> memref<80xi32, #tpu.memory_space<hbm>>
      tpu.wait_dma2 semaphore(%arg28 : memref<!tpu.dma_semaphore, #tpu.memory_space<semaphore_mem>>) src(%dma_wait3A_493 : memref<80xi32, #tpu.memory_space<hbm>>) dst(%arg7 : memref<80xi32, #tpu.memory_space<vmem>>)
      %dma_wait3A_494 = tpu.memref_slice %arg4[%add3A_491] : memref<320000xi32, #tpu.memory_space<hbm>> -> memref<80xi32, #tpu.memory_space<hbm>>
      %dma_wait3A_495 = tpu.memref_slice %arg4[%add3A_491] : memref<320000xi32, #tpu.memory_space<hbm>> -> memref<80xi32, #tpu.memory_space<hbm>>
      tpu.wait_dma2 semaphore(%arg28 : memref<!tpu.dma_semaphore, #tpu.memory_space<semaphore_mem>>) src(%dma_wait3A_495 : memref<80xi32, #tpu.memory_space<hbm>>) dst(%arg15 : memref<80xi32, #tpu.memory_space<vmem>>)
      %add3A_496 = arith.constant 80 : i32
      %add3A_497 = arith.addi %add3A_489, %add3A_496 : i32
      %dma_wait3A_498 = tpu.memref_slice %arg3[%add3A_497] : memref<320000xi32, #tpu.memory_space<hbm>> -> memref<80xi32, #tpu.memory_space<hbm>>
      %dma_wait3A_499 = tpu.memref_slice %arg3[%add3A_497] : memref<320000xi32, #tpu.memory_space<hbm>> -> memref<80xi32, #tpu.memory_space<hbm>>
      tpu.wait_dma2 semaphore(%arg28 : memref<!tpu.dma_semaphore, #tpu.memory_space<semaphore_mem>>) src(%dma_wait3A_499 : memref<80xi32, #tpu.memory_space<hbm>>) dst(%arg8 : memref<80xi32, #tpu.memory_space<vmem>>)
      %dma_wait3A_500 = tpu.memref_slice %arg4[%add3A_497] : memref<320000xi32, #tpu.memory_space<hbm>> -> memref<80xi32, #tpu.memory_space<hbm>>
      %dma_wait3A_501 = tpu.memref_slice %arg4[%add3A_497] : memref<320000xi32, #tpu.memory_space<hbm>> -> memref<80xi32, #tpu.memory_space<hbm>>
      tpu.wait_dma2 semaphore(%arg28 : memref<!tpu.dma_semaphore, #tpu.memory_space<semaphore_mem>>) src(%dma_wait3A_501 : memref<80xi32, #tpu.memory_space<hbm>>) dst(%arg16 : memref<80xi32, #tpu.memory_space<vmem>>)
      %dma_start3A_502 = arith.constant 0 : i32
      %dma_start3A_503 = arith.constant 0 : i32
      %dma_start3A_504 = tpu.memref_slice %arg2[%dma_start3A_502, %dma_start3A_503] : memref<10000x128xf32, #tpu.memory_space<hbm>> -> memref<10000x128xf32, #tpu.memory_space<hbm>>
      tpu.enqueue_indirect_dma source(%dma_start3A_504 : memref<10000x128xf32, #tpu.memory_space<hbm>>) target(%arg23 : memref<80x128xf32, #tpu.memory_space<vmem>>) offsets(%arg7 : memref<80xi32, #tpu.memory_space<vmem>>) semaphore(%arg32 : memref<!tpu.dma_semaphore, #tpu.memory_space<semaphore_mem>>)
      %dma_start3A_505 = arith.constant 0 : i32
      %dma_start3A_506 = arith.constant 0 : i32
      %dma_start3A_507 = tpu.memref_slice %arg2[%dma_start3A_505, %dma_start3A_506] : memref<10000x128xf32, #tpu.memory_space<hbm>> -> memref<10000x128xf32, #tpu.memory_space<hbm>>
      tpu.enqueue_indirect_dma source(%dma_start3A_507 : memref<10000x128xf32, #tpu.memory_space<hbm>>) target(%arg24 : memref<80x128xf32, #tpu.memory_space<vmem>>) offsets(%arg8 : memref<80xi32, #tpu.memory_space<vmem>>) semaphore(%arg32 : memref<!tpu.dma_semaphore, #tpu.memory_space<semaphore_mem>>)
      %dma_wait3A_508 = arith.constant 0 : i32
      %dma_wait3A_509 = arith.constant 0 : i32
      %dma_wait3A_510 = tpu.memref_slice %arg2[%dma_wait3A_508, %dma_wait3A_509] : memref<10000x128xf32, #tpu.memory_space<hbm>> -> memref<10000x128xf32, #tpu.memory_space<hbm>>
      tpu.wait_indirect_dma semaphore(%arg32 : memref<!tpu.dma_semaphore, #tpu.memory_space<semaphore_mem>>) src(%dma_wait3A_510 : memref<10000x128xf32, #tpu.memory_space<hbm>>) dst(%arg23 : memref<80x128xf32, #tpu.memory_space<vmem>>)
      %dma_wait3A_511 = arith.constant 0 : i32
      %dma_wait3A_512 = arith.constant 0 : i32
      %dma_wait3A_513 = tpu.memref_slice %arg2[%dma_wait3A_511, %dma_wait3A_512] : memref<10000x128xf32, #tpu.memory_space<hbm>> -> memref<10000x128xf32, #tpu.memory_space<hbm>>
      tpu.wait_indirect_dma semaphore(%arg32 : memref<!tpu.dma_semaphore, #tpu.memory_space<semaphore_mem>>) src(%dma_wait3A_513 : memref<10000x128xf32, #tpu.memory_space<hbm>>) dst(%arg24 : memref<80x128xf32, #tpu.memory_space<vmem>>)
      %dma_start3A_514 = arith.constant 0 : i32
      %dma_start3A_515 = arith.constant 0 : i32
      %dma_start3A_516 = tpu.memref_slice %arg27[%dma_start3A_514, %dma_start3A_515] : memref<10240x128xf32, #tpu.memory_space<vmem_shared>> -> memref<10240x128xf32, #tpu.memory_space<vmem_shared>>
      tpu.enqueue_indirect_dma source(%arg23 : memref<80x128xf32, #tpu.memory_space<vmem>>) target(%dma_start3A_516 : memref<10240x128xf32, #tpu.memory_space<vmem_shared>>) offsets(%arg15 : memref<80xi32, #tpu.memory_space<vmem>>) semaphore(%arg33 : memref<!tpu.dma_semaphore, #tpu.memory_space<semaphore_mem>>) {add = true}
      %dma_start3A_517 = arith.constant 0 : i32
      %dma_start3A_518 = arith.constant 0 : i32
      %dma_start3A_519 = tpu.memref_slice %arg27[%dma_start3A_517, %dma_start3A_518] : memref<10240x128xf32, #tpu.memory_space<vmem_shared>> -> memref<10240x128xf32, #tpu.memory_space<vmem_shared>>
      tpu.enqueue_indirect_dma source(%arg24 : memref<80x128xf32, #tpu.memory_space<vmem>>) target(%dma_start3A_519 : memref<10240x128xf32, #tpu.memory_space<vmem_shared>>) offsets(%arg16 : memref<80xi32, #tpu.memory_space<vmem>>) semaphore(%arg33 : memref<!tpu.dma_semaphore, #tpu.memory_space<semaphore_mem>>) {add = true}
      %mul3A_520 = arith.constant 4 : i32
      %mul3A_521 = arith.muli %mul3A_520, %scan3A_333 : i32
      %add3A_522 = arith.constant 2 : i32
      %add3A_523 = arith.addi %mul3A_521, %add3A_522 : i32
      %add3A_524 = arith.constant 3 : i32
      %add3A_525 = arith.addi %add3A_523, %add3A_524 : i32
      %dma_wait3A_526 = arith.constant 0 : i32
      %dma_wait3A_527 = arith.constant 0 : i32
      %dma_wait3A_528 = tpu.memref_slice %arg27[%dma_wait3A_526, %dma_wait3A_527] : memref<10240x128xf32, #tpu.memory_space<vmem_shared>> -> memref<10240x128xf32, #tpu.memory_space<vmem_shared>>
      tpu.wait_indirect_dma semaphore(%arg34 : memref<!tpu.dma_semaphore, #tpu.memory_space<semaphore_mem>>) src(%arg25 : memref<80x128xf32, #tpu.memory_space<vmem>>) dst(%dma_wait3A_528 : memref<10240x128xf32, #tpu.memory_space<vmem_shared>>)
      %dma_wait3A_529 = arith.constant 0 : i32
      %dma_wait3A_530 = arith.constant 0 : i32
      %dma_wait3A_531 = tpu.memref_slice %arg27[%dma_wait3A_529, %dma_wait3A_530] : memref<10240x128xf32, #tpu.memory_space<vmem_shared>> -> memref<10240x128xf32, #tpu.memory_space<vmem_shared>>
      tpu.wait_indirect_dma semaphore(%arg34 : memref<!tpu.dma_semaphore, #tpu.memory_space<semaphore_mem>>) src(%arg26 : memref<80x128xf32, #tpu.memory_space<vmem>>) dst(%dma_wait3A_531 : memref<10240x128xf32, #tpu.memory_space<vmem_shared>>)
      %add3A_532 = arith.constant 2 : i32
      %add3A_533 = arith.addi %add3A_525, %add3A_532 : i32
      %mul3A_534 = arith.constant 160 : i32
      %mul3A_535 = arith.muli %add3A_533, %mul3A_534 : i32
      %add3A_536 = arith.addi %mul3A_2, %mul3A_535 : i32
      %add3A_537 = arith.constant 0 : i32
      %add3A_538 = arith.addi %add3A_536, %add3A_537 : i32
      %dma_start3A_539 = tpu.memref_slice %arg3[%add3A_538] : memref<320000xi32, #tpu.memory_space<hbm>> -> memref<80xi32, #tpu.memory_space<hbm>>
      %dma_start3A_540 = tpu.memref_slice %arg3[%add3A_538] : memref<320000xi32, #tpu.memory_space<hbm>> -> memref<80xi32, #tpu.memory_space<hbm>>
      tpu.enqueue_dma source(%dma_start3A_540 : memref<80xi32, #tpu.memory_space<hbm>>) target(%arg13 : memref<80xi32, #tpu.memory_space<vmem>>) target_semaphore(%arg31 : memref<!tpu.dma_semaphore, #tpu.memory_space<semaphore_mem>>)
      %dma_start3A_541 = tpu.memref_slice %arg4[%add3A_538] : memref<320000xi32, #tpu.memory_space<hbm>> -> memref<80xi32, #tpu.memory_space<hbm>>
      %dma_start3A_542 = tpu.memref_slice %arg4[%add3A_538] : memref<320000xi32, #tpu.memory_space<hbm>> -> memref<80xi32, #tpu.memory_space<hbm>>
      tpu.enqueue_dma source(%dma_start3A_542 : memref<80xi32, #tpu.memory_space<hbm>>) target(%arg21 : memref<80xi32, #tpu.memory_space<vmem>>) target_semaphore(%arg31 : memref<!tpu.dma_semaphore, #tpu.memory_space<semaphore_mem>>)
      %add3A_543 = arith.constant 80 : i32
      %add3A_544 = arith.addi %add3A_536, %add3A_543 : i32
      %dma_start3A_545 = tpu.memref_slice %arg3[%add3A_544] : memref<320000xi32, #tpu.memory_space<hbm>> -> memref<80xi32, #tpu.memory_space<hbm>>
      %dma_start3A_546 = tpu.memref_slice %arg3[%add3A_544] : memref<320000xi32, #tpu.memory_space<hbm>> -> memref<80xi32, #tpu.memory_space<hbm>>
      tpu.enqueue_dma source(%dma_start3A_546 : memref<80xi32, #tpu.memory_space<hbm>>) target(%arg14 : memref<80xi32, #tpu.memory_space<vmem>>) target_semaphore(%arg31 : memref<!tpu.dma_semaphore, #tpu.memory_space<semaphore_mem>>)
      %dma_start3A_547 = tpu.memref_slice %arg4[%add3A_544] : memref<320000xi32, #tpu.memory_space<hbm>> -> memref<80xi32, #tpu.memory_space<hbm>>
      %dma_start3A_548 = tpu.memref_slice %arg4[%add3A_544] : memref<320000xi32, #tpu.memory_space<hbm>> -> memref<80xi32, #tpu.memory_space<hbm>>
      tpu.enqueue_dma source(%dma_start3A_548 : memref<80xi32, #tpu.memory_space<hbm>>) target(%arg22 : memref<80xi32, #tpu.memory_space<vmem>>) target_semaphore(%arg31 : memref<!tpu.dma_semaphore, #tpu.memory_space<semaphore_mem>>)
      %mul3A_549 = arith.constant 160 : i32
      %mul3A_550 = arith.muli %add3A_525, %mul3A_549 : i32
      %add3A_551 = arith.addi %mul3A_2, %mul3A_550 : i32
      %add3A_552 = arith.constant 0 : i32
      %add3A_553 = arith.addi %add3A_551, %add3A_552 : i32
      %dma_wait3A_554 = tpu.memref_slice %arg3[%add3A_553] : memref<320000xi32, #tpu.memory_space<hbm>> -> memref<80xi32, #tpu.memory_space<hbm>>
      %dma_wait3A_555 = tpu.memref_slice %arg3[%add3A_553] : memref<320000xi32, #tpu.memory_space<hbm>> -> memref<80xi32, #tpu.memory_space<hbm>>
      tpu.wait_dma2 semaphore(%arg29 : memref<!tpu.dma_semaphore, #tpu.memory_space<semaphore_mem>>) src(%dma_wait3A_555 : memref<80xi32, #tpu.memory_space<hbm>>) dst(%arg9 : memref<80xi32, #tpu.memory_space<vmem>>)
      %dma_wait3A_556 = tpu.memref_slice %arg4[%add3A_553] : memref<320000xi32, #tpu.memory_space<hbm>> -> memref<80xi32, #tpu.memory_space<hbm>>
      %dma_wait3A_557 = tpu.memref_slice %arg4[%add3A_553] : memref<320000xi32, #tpu.memory_space<hbm>> -> memref<80xi32, #tpu.memory_space<hbm>>
      tpu.wait_dma2 semaphore(%arg29 : memref<!tpu.dma_semaphore, #tpu.memory_space<semaphore_mem>>) src(%dma_wait3A_557 : memref<80xi32, #tpu.memory_space<hbm>>) dst(%arg17 : memref<80xi32, #tpu.memory_space<vmem>>)
      %add3A_558 = arith.constant 80 : i32
      %add3A_559 = arith.addi %add3A_551, %add3A_558 : i32
      %dma_wait3A_560 = tpu.memref_slice %arg3[%add3A_559] : memref<320000xi32, #tpu.memory_space<hbm>> -> memref<80xi32, #tpu.memory_space<hbm>>
      %dma_wait3A_561 = tpu.memref_slice %arg3[%add3A_559] : memref<320000xi32, #tpu.memory_space<hbm>> -> memref<80xi32, #tpu.memory_space<hbm>>
      tpu.wait_dma2 semaphore(%arg29 : memref<!tpu.dma_semaphore, #tpu.memory_space<semaphore_mem>>) src(%dma_wait3A_561 : memref<80xi32, #tpu.memory_space<hbm>>) dst(%arg10 : memref<80xi32, #tpu.memory_space<vmem>>)
      %dma_wait3A_562 = tpu.memref_slice %arg4[%add3A_559] : memref<320000xi32, #tpu.memory_space<hbm>> -> memref<80xi32, #tpu.memory_space<hbm>>
      %dma_wait3A_563 = tpu.memref_slice %arg4[%add3A_559] : memref<320000xi32, #tpu.memory_space<hbm>> -> memref<80xi32, #tpu.memory_space<hbm>>
      tpu.wait_dma2 semaphore(%arg29 : memref<!tpu.dma_semaphore, #tpu.memory_space<semaphore_mem>>) src(%dma_wait3A_563 : memref<80xi32, #tpu.memory_space<hbm>>) dst(%arg18 : memref<80xi32, #tpu.memory_space<vmem>>)
      %dma_start3A_564 = arith.constant 0 : i32
      %dma_start3A_565 = arith.constant 0 : i32
      %dma_start3A_566 = tpu.memref_slice %arg2[%dma_start3A_564, %dma_start3A_565] : memref<10000x128xf32, #tpu.memory_space<hbm>> -> memref<10000x128xf32, #tpu.memory_space<hbm>>
      tpu.enqueue_indirect_dma source(%dma_start3A_566 : memref<10000x128xf32, #tpu.memory_space<hbm>>) target(%arg25 : memref<80x128xf32, #tpu.memory_space<vmem>>) offsets(%arg9 : memref<80xi32, #tpu.memory_space<vmem>>) semaphore(%arg32 : memref<!tpu.dma_semaphore, #tpu.memory_space<semaphore_mem>>)
      %dma_start3A_567 = arith.constant 0 : i32
      %dma_start3A_568 = arith.constant 0 : i32
      %dma_start3A_569 = tpu.memref_slice %arg2[%dma_start3A_567, %dma_start3A_568] : memref<10000x128xf32, #tpu.memory_space<hbm>> -> memref<10000x128xf32, #tpu.memory_space<hbm>>
      tpu.enqueue_indirect_dma source(%dma_start3A_569 : memref<10000x128xf32, #tpu.memory_space<hbm>>) target(%arg26 : memref<80x128xf32, #tpu.memory_space<vmem>>) offsets(%arg10 : memref<80xi32, #tpu.memory_space<vmem>>) semaphore(%arg32 : memref<!tpu.dma_semaphore, #tpu.memory_space<semaphore_mem>>)
      %dma_wait3A_570 = arith.constant 0 : i32
      %dma_wait3A_571 = arith.constant 0 : i32
      %dma_wait3A_572 = tpu.memref_slice %arg2[%dma_wait3A_570, %dma_wait3A_571] : memref<10000x128xf32, #tpu.memory_space<hbm>> -> memref<10000x128xf32, #tpu.memory_space<hbm>>
      tpu.wait_indirect_dma semaphore(%arg32 : memref<!tpu.dma_semaphore, #tpu.memory_space<semaphore_mem>>) src(%dma_wait3A_572 : memref<10000x128xf32, #tpu.memory_space<hbm>>) dst(%arg25 : memref<80x128xf32, #tpu.memory_space<vmem>>)
      %dma_wait3A_573 = arith.constant 0 : i32
      %dma_wait3A_574 = arith.constant 0 : i32
      %dma_wait3A_575 = tpu.memref_slice %arg2[%dma_wait3A_573, %dma_wait3A_574] : memref<10000x128xf32, #tpu.memory_space<hbm>> -> memref<10000x128xf32, #tpu.memory_space<hbm>>
      tpu.wait_indirect_dma semaphore(%arg32 : memref<!tpu.dma_semaphore, #tpu.memory_space<semaphore_mem>>) src(%dma_wait3A_575 : memref<10000x128xf32, #tpu.memory_space<hbm>>) dst(%arg26 : memref<80x128xf32, #tpu.memory_space<vmem>>)
      %dma_start3A_576 = arith.constant 0 : i32
      %dma_start3A_577 = arith.constant 0 : i32
      %dma_start3A_578 = tpu.memref_slice %arg27[%dma_start3A_576, %dma_start3A_577] : memref<10240x128xf32, #tpu.memory_space<vmem_shared>> -> memref<10240x128xf32, #tpu.memory_space<vmem_shared>>
      tpu.enqueue_indirect_dma source(%arg25 : memref<80x128xf32, #tpu.memory_space<vmem>>) target(%dma_start3A_578 : memref<10240x128xf32, #tpu.memory_space<vmem_shared>>) offsets(%arg17 : memref<80xi32, #tpu.memory_space<vmem>>) semaphore(%arg34 : memref<!tpu.dma_semaphore, #tpu.memory_space<semaphore_mem>>) {add = true}
      %dma_start3A_579 = arith.constant 0 : i32
      %dma_start3A_580 = arith.constant 0 : i32
      %dma_start3A_581 = tpu.memref_slice %arg27[%dma_start3A_579, %dma_start3A_580] : memref<10240x128xf32, #tpu.memory_space<vmem_shared>> -> memref<10240x128xf32, #tpu.memory_space<vmem_shared>>
      tpu.enqueue_indirect_dma source(%arg26 : memref<80x128xf32, #tpu.memory_space<vmem>>) target(%dma_start3A_581 : memref<10240x128xf32, #tpu.memory_space<vmem_shared>>) offsets(%arg18 : memref<80xi32, #tpu.memory_space<vmem>>) semaphore(%arg34 : memref<!tpu.dma_semaphore, #tpu.memory_space<semaphore_mem>>) {add = true}
    }
    %scan3A_131 = arith.constant 14 : i32
    %dma_wait3A_132 = arith.constant 0 : i32
    %dma_wait3A_133 = arith.constant 0 : i32
    %dma_wait3A_134 = tpu.memref_slice %arg27[%dma_wait3A_132, %dma_wait3A_133] : memref<10240x128xf32, #tpu.memory_space<vmem_shared>> -> memref<10240x128xf32, #tpu.memory_space<vmem_shared>>
    tpu.wait_indirect_dma semaphore(%arg33 : memref<!tpu.dma_semaphore, #tpu.memory_space<semaphore_mem>>) src(%arg23 : memref<80x128xf32, #tpu.memory_space<vmem>>) dst(%dma_wait3A_134 : memref<10240x128xf32, #tpu.memory_space<vmem_shared>>)
    %dma_wait3A_135 = arith.constant 0 : i32
    %dma_wait3A_136 = arith.constant 0 : i32
    %dma_wait3A_137 = tpu.memref_slice %arg27[%dma_wait3A_135, %dma_wait3A_136] : memref<10240x128xf32, #tpu.memory_space<vmem_shared>> -> memref<10240x128xf32, #tpu.memory_space<vmem_shared>>
    tpu.wait_indirect_dma semaphore(%arg33 : memref<!tpu.dma_semaphore, #tpu.memory_space<semaphore_mem>>) src(%arg24 : memref<80x128xf32, #tpu.memory_space<vmem>>) dst(%dma_wait3A_137 : memref<10240x128xf32, #tpu.memory_space<vmem_shared>>)
    %add3A_138 = arith.constant 9600 : i32
    %add3A_139 = arith.addi %mul3A_2, %add3A_138 : i32
    %add3A_140 = arith.constant 0 : i32
    %add3A_141 = arith.addi %add3A_139, %add3A_140 : i32
    %dma_start3A_142 = tpu.memref_slice %arg3[%add3A_141] : memref<320000xi32, #tpu.memory_space<hbm>> -> memref<80xi32, #tpu.memory_space<hbm>>
    %dma_start3A_143 = tpu.memref_slice %arg3[%add3A_141] : memref<320000xi32, #tpu.memory_space<hbm>> -> memref<80xi32, #tpu.memory_space<hbm>>
    tpu.enqueue_dma source(%dma_start3A_143 : memref<80xi32, #tpu.memory_space<hbm>>) target(%arg7 : memref<80xi32, #tpu.memory_space<vmem>>) target_semaphore(%arg28 : memref<!tpu.dma_semaphore, #tpu.memory_space<semaphore_mem>>)
    %dma_start3A_144 = tpu.memref_slice %arg4[%add3A_141] : memref<320000xi32, #tpu.memory_space<hbm>> -> memref<80xi32, #tpu.memory_space<hbm>>
    %dma_start3A_145 = tpu.memref_slice %arg4[%add3A_141] : memref<320000xi32, #tpu.memory_space<hbm>> -> memref<80xi32, #tpu.memory_space<hbm>>
    tpu.enqueue_dma source(%dma_start3A_145 : memref<80xi32, #tpu.memory_space<hbm>>) target(%arg15 : memref<80xi32, #tpu.memory_space<vmem>>) target_semaphore(%arg28 : memref<!tpu.dma_semaphore, #tpu.memory_space<semaphore_mem>>)
    %add3A_146 = arith.constant 80 : i32
    %add3A_147 = arith.addi %add3A_139, %add3A_146 : i32
    %dma_start3A_148 = tpu.memref_slice %arg3[%add3A_147] : memref<320000xi32, #tpu.memory_space<hbm>> -> memref<80xi32, #tpu.memory_space<hbm>>
    %dma_start3A_149 = tpu.memref_slice %arg3[%add3A_147] : memref<320000xi32, #tpu.memory_space<hbm>> -> memref<80xi32, #tpu.memory_space<hbm>>
    tpu.enqueue_dma source(%dma_start3A_149 : memref<80xi32, #tpu.memory_space<hbm>>) target(%arg8 : memref<80xi32, #tpu.memory_space<vmem>>) target_semaphore(%arg28 : memref<!tpu.dma_semaphore, #tpu.memory_space<semaphore_mem>>)
    %dma_start3A_150 = tpu.memref_slice %arg4[%add3A_147] : memref<320000xi32, #tpu.memory_space<hbm>> -> memref<80xi32, #tpu.memory_space<hbm>>
    %dma_start3A_151 = tpu.memref_slice %arg4[%add3A_147] : memref<320000xi32, #tpu.memory_space<hbm>> -> memref<80xi32, #tpu.memory_space<hbm>>
    tpu.enqueue_dma source(%dma_start3A_151 : memref<80xi32, #tpu.memory_space<hbm>>) target(%arg16 : memref<80xi32, #tpu.memory_space<vmem>>) target_semaphore(%arg28 : memref<!tpu.dma_semaphore, #tpu.memory_space<semaphore_mem>>)
    %add3A_152 = arith.constant 9280 : i32
    %add3A_153 = arith.addi %mul3A_2, %add3A_152 : i32
    %add3A_154 = arith.constant 0 : i32
    %add3A_155 = arith.addi %add3A_153, %add3A_154 : i32
    %dma_wait3A_156 = tpu.memref_slice %arg3[%add3A_155] : memref<320000xi32, #tpu.memory_space<hbm>> -> memref<80xi32, #tpu.memory_space<hbm>>
    %dma_wait3A_157 = tpu.memref_slice %arg3[%add3A_155] : memref<320000xi32, #tpu.memory_space<hbm>> -> memref<80xi32, #tpu.memory_space<hbm>>
    tpu.wait_dma2 semaphore(%arg30 : memref<!tpu.dma_semaphore, #tpu.memory_space<semaphore_mem>>) src(%dma_wait3A_157 : memref<80xi32, #tpu.memory_space<hbm>>) dst(%arg11 : memref<80xi32, #tpu.memory_space<vmem>>)
    %dma_wait3A_158 = tpu.memref_slice %arg4[%add3A_155] : memref<320000xi32, #tpu.memory_space<hbm>> -> memref<80xi32, #tpu.memory_space<hbm>>
    %dma_wait3A_159 = tpu.memref_slice %arg4[%add3A_155] : memref<320000xi32, #tpu.memory_space<hbm>> -> memref<80xi32, #tpu.memory_space<hbm>>
    tpu.wait_dma2 semaphore(%arg30 : memref<!tpu.dma_semaphore, #tpu.memory_space<semaphore_mem>>) src(%dma_wait3A_159 : memref<80xi32, #tpu.memory_space<hbm>>) dst(%arg19 : memref<80xi32, #tpu.memory_space<vmem>>)
    %add3A_160 = arith.constant 80 : i32
    %add3A_161 = arith.addi %add3A_153, %add3A_160 : i32
    %dma_wait3A_162 = tpu.memref_slice %arg3[%add3A_161] : memref<320000xi32, #tpu.memory_space<hbm>> -> memref<80xi32, #tpu.memory_space<hbm>>
    %dma_wait3A_163 = tpu.memref_slice %arg3[%add3A_161] : memref<320000xi32, #tpu.memory_space<hbm>> -> memref<80xi32, #tpu.memory_space<hbm>>
    tpu.wait_dma2 semaphore(%arg30 : memref<!tpu.dma_semaphore, #tpu.memory_space<semaphore_mem>>) src(%dma_wait3A_163 : memref<80xi32, #tpu.memory_space<hbm>>) dst(%arg12 : memref<80xi32, #tpu.memory_space<vmem>>)
    %dma_wait3A_164 = tpu.memref_slice %arg4[%add3A_161] : memref<320000xi32, #tpu.memory_space<hbm>> -> memref<80xi32, #tpu.memory_space<hbm>>
    %dma_wait3A_165 = tpu.memref_slice %arg4[%add3A_161] : memref<320000xi32, #tpu.memory_space<hbm>> -> memref<80xi32, #tpu.memory_space<hbm>>
    tpu.wait_dma2 semaphore(%arg30 : memref<!tpu.dma_semaphore, #tpu.memory_space<semaphore_mem>>) src(%dma_wait3A_165 : memref<80xi32, #tpu.memory_space<hbm>>) dst(%arg20 : memref<80xi32, #tpu.memory_space<vmem>>)
    %dma_start3A_166 = arith.constant 0 : i32
    %dma_start3A_167 = arith.constant 0 : i32
    %dma_start3A_168 = tpu.memref_slice %arg2[%dma_start3A_166, %dma_start3A_167] : memref<10000x128xf32, #tpu.memory_space<hbm>> -> memref<10000x128xf32, #tpu.memory_space<hbm>>
    tpu.enqueue_indirect_dma source(%dma_start3A_168 : memref<10000x128xf32, #tpu.memory_space<hbm>>) target(%arg23 : memref<80x128xf32, #tpu.memory_space<vmem>>) offsets(%arg11 : memref<80xi32, #tpu.memory_space<vmem>>) semaphore(%arg32 : memref<!tpu.dma_semaphore, #tpu.memory_space<semaphore_mem>>)
    %dma_start3A_169 = arith.constant 0 : i32
    %dma_start3A_170 = arith.constant 0 : i32
    %dma_start3A_171 = tpu.memref_slice %arg2[%dma_start3A_169, %dma_start3A_170] : memref<10000x128xf32, #tpu.memory_space<hbm>> -> memref<10000x128xf32, #tpu.memory_space<hbm>>
    tpu.enqueue_indirect_dma source(%dma_start3A_171 : memref<10000x128xf32, #tpu.memory_space<hbm>>) target(%arg24 : memref<80x128xf32, #tpu.memory_space<vmem>>) offsets(%arg12 : memref<80xi32, #tpu.memory_space<vmem>>) semaphore(%arg32 : memref<!tpu.dma_semaphore, #tpu.memory_space<semaphore_mem>>)
    %dma_wait3A_172 = arith.constant 0 : i32
    %dma_wait3A_173 = arith.constant 0 : i32
    %dma_wait3A_174 = tpu.memref_slice %arg2[%dma_wait3A_172, %dma_wait3A_173] : memref<10000x128xf32, #tpu.memory_space<hbm>> -> memref<10000x128xf32, #tpu.memory_space<hbm>>
    tpu.wait_indirect_dma semaphore(%arg32 : memref<!tpu.dma_semaphore, #tpu.memory_space<semaphore_mem>>) src(%dma_wait3A_174 : memref<10000x128xf32, #tpu.memory_space<hbm>>) dst(%arg23 : memref<80x128xf32, #tpu.memory_space<vmem>>)
    %dma_wait3A_175 = arith.constant 0 : i32
    %dma_wait3A_176 = arith.constant 0 : i32
    %dma_wait3A_177 = tpu.memref_slice %arg2[%dma_wait3A_175, %dma_wait3A_176] : memref<10000x128xf32, #tpu.memory_space<hbm>> -> memref<10000x128xf32, #tpu.memory_space<hbm>>
    tpu.wait_indirect_dma semaphore(%arg32 : memref<!tpu.dma_semaphore, #tpu.memory_space<semaphore_mem>>) src(%dma_wait3A_177 : memref<10000x128xf32, #tpu.memory_space<hbm>>) dst(%arg24 : memref<80x128xf32, #tpu.memory_space<vmem>>)
    %dma_start3A_178 = arith.constant 0 : i32
    %dma_start3A_179 = arith.constant 0 : i32
    %dma_start3A_180 = tpu.memref_slice %arg27[%dma_start3A_178, %dma_start3A_179] : memref<10240x128xf32, #tpu.memory_space<vmem_shared>> -> memref<10240x128xf32, #tpu.memory_space<vmem_shared>>
    tpu.enqueue_indirect_dma source(%arg23 : memref<80x128xf32, #tpu.memory_space<vmem>>) target(%dma_start3A_180 : memref<10240x128xf32, #tpu.memory_space<vmem_shared>>) offsets(%arg19 : memref<80xi32, #tpu.memory_space<vmem>>) semaphore(%arg33 : memref<!tpu.dma_semaphore, #tpu.memory_space<semaphore_mem>>) {add = true}
    %dma_start3A_181 = arith.constant 0 : i32
    %dma_start3A_182 = arith.constant 0 : i32
    %dma_start3A_183 = tpu.memref_slice %arg27[%dma_start3A_181, %dma_start3A_182] : memref<10240x128xf32, #tpu.memory_space<vmem_shared>> -> memref<10240x128xf32, #tpu.memory_space<vmem_shared>>
    tpu.enqueue_indirect_dma source(%arg24 : memref<80x128xf32, #tpu.memory_space<vmem>>) target(%dma_start3A_183 : memref<10240x128xf32, #tpu.memory_space<vmem_shared>>) offsets(%arg20 : memref<80xi32, #tpu.memory_space<vmem>>) semaphore(%arg33 : memref<!tpu.dma_semaphore, #tpu.memory_space<semaphore_mem>>) {add = true}
    %dma_wait3A_184 = arith.constant 0 : i32
    %dma_wait3A_185 = arith.constant 0 : i32
    %dma_wait3A_186 = tpu.memref_slice %arg27[%dma_wait3A_184, %dma_wait3A_185] : memref<10240x128xf32, #tpu.memory_space<vmem_shared>> -> memref<10240x128xf32, #tpu.memory_space<vmem_shared>>
    tpu.wait_indirect_dma semaphore(%arg34 : memref<!tpu.dma_semaphore, #tpu.memory_space<semaphore_mem>>) src(%arg25 : memref<80x128xf32, #tpu.memory_space<vmem>>) dst(%dma_wait3A_186 : memref<10240x128xf32, #tpu.memory_space<vmem_shared>>)
    %dma_wait3A_187 = arith.constant 0 : i32
    %dma_wait3A_188 = arith.constant 0 : i32
    %dma_wait3A_189 = tpu.memref_slice %arg27[%dma_wait3A_187, %dma_wait3A_188] : memref<10240x128xf32, #tpu.memory_space<vmem_shared>> -> memref<10240x128xf32, #tpu.memory_space<vmem_shared>>
    tpu.wait_indirect_dma semaphore(%arg34 : memref<!tpu.dma_semaphore, #tpu.memory_space<semaphore_mem>>) src(%arg26 : memref<80x128xf32, #tpu.memory_space<vmem>>) dst(%dma_wait3A_189 : memref<10240x128xf32, #tpu.memory_space<vmem_shared>>)
    %add3A_190 = arith.constant 9760 : i32
    %add3A_191 = arith.addi %mul3A_2, %add3A_190 : i32
    %add3A_192 = arith.constant 0 : i32
    %add3A_193 = arith.addi %add3A_191, %add3A_192 : i32
    %dma_start3A_194 = tpu.memref_slice %arg3[%add3A_193] : memref<320000xi32, #tpu.memory_space<hbm>> -> memref<80xi32, #tpu.memory_space<hbm>>
    %dma_start3A_195 = tpu.memref_slice %arg3[%add3A_193] : memref<320000xi32, #tpu.memory_space<hbm>> -> memref<80xi32, #tpu.memory_space<hbm>>
    tpu.enqueue_dma source(%dma_start3A_195 : memref<80xi32, #tpu.memory_space<hbm>>) target(%arg9 : memref<80xi32, #tpu.memory_space<vmem>>) target_semaphore(%arg29 : memref<!tpu.dma_semaphore, #tpu.memory_space<semaphore_mem>>)
    %dma_start3A_196 = tpu.memref_slice %arg4[%add3A_193] : memref<320000xi32, #tpu.memory_space<hbm>> -> memref<80xi32, #tpu.memory_space<hbm>>
    %dma_start3A_197 = tpu.memref_slice %arg4[%add3A_193] : memref<320000xi32, #tpu.memory_space<hbm>> -> memref<80xi32, #tpu.memory_space<hbm>>
    tpu.enqueue_dma source(%dma_start3A_197 : memref<80xi32, #tpu.memory_space<hbm>>) target(%arg17 : memref<80xi32, #tpu.memory_space<vmem>>) target_semaphore(%arg29 : memref<!tpu.dma_semaphore, #tpu.memory_space<semaphore_mem>>)
    %add3A_198 = arith.constant 80 : i32
    %add3A_199 = arith.addi %add3A_191, %add3A_198 : i32
    %dma_start3A_200 = tpu.memref_slice %arg3[%add3A_199] : memref<320000xi32, #tpu.memory_space<hbm>> -> memref<80xi32, #tpu.memory_space<hbm>>
    %dma_start3A_201 = tpu.memref_slice %arg3[%add3A_199] : memref<320000xi32, #tpu.memory_space<hbm>> -> memref<80xi32, #tpu.memory_space<hbm>>
    tpu.enqueue_dma source(%dma_start3A_201 : memref<80xi32, #tpu.memory_space<hbm>>) target(%arg10 : memref<80xi32, #tpu.memory_space<vmem>>) target_semaphore(%arg29 : memref<!tpu.dma_semaphore, #tpu.memory_space<semaphore_mem>>)
    %dma_start3A_202 = tpu.memref_slice %arg4[%add3A_199] : memref<320000xi32, #tpu.memory_space<hbm>> -> memref<80xi32, #tpu.memory_space<hbm>>
    %dma_start3A_203 = tpu.memref_slice %arg4[%add3A_199] : memref<320000xi32, #tpu.memory_space<hbm>> -> memref<80xi32, #tpu.memory_space<hbm>>
    tpu.enqueue_dma source(%dma_start3A_203 : memref<80xi32, #tpu.memory_space<hbm>>) target(%arg18 : memref<80xi32, #tpu.memory_space<vmem>>) target_semaphore(%arg29 : memref<!tpu.dma_semaphore, #tpu.memory_space<semaphore_mem>>)
    %add3A_204 = arith.constant 9440 : i32
    %add3A_205 = arith.addi %mul3A_2, %add3A_204 : i32
    %add3A_206 = arith.constant 0 : i32
    %add3A_207 = arith.addi %add3A_205, %add3A_206 : i32
    %dma_wait3A_208 = tpu.memref_slice %arg3[%add3A_207] : memref<320000xi32, #tpu.memory_space<hbm>> -> memref<80xi32, #tpu.memory_space<hbm>>
    %dma_wait3A_209 = tpu.memref_slice %arg3[%add3A_207] : memref<320000xi32, #tpu.memory_space<hbm>> -> memref<80xi32, #tpu.memory_space<hbm>>
    tpu.wait_dma2 semaphore(%arg31 : memref<!tpu.dma_semaphore, #tpu.memory_space<semaphore_mem>>) src(%dma_wait3A_209 : memref<80xi32, #tpu.memory_space<hbm>>) dst(%arg13 : memref<80xi32, #tpu.memory_space<vmem>>)
    %dma_wait3A_210 = tpu.memref_slice %arg4[%add3A_207] : memref<320000xi32, #tpu.memory_space<hbm>> -> memref<80xi32, #tpu.memory_space<hbm>>
    %dma_wait3A_211 = tpu.memref_slice %arg4[%add3A_207] : memref<320000xi32, #tpu.memory_space<hbm>> -> memref<80xi32, #tpu.memory_space<hbm>>
    tpu.wait_dma2 semaphore(%arg31 : memref<!tpu.dma_semaphore, #tpu.memory_space<semaphore_mem>>) src(%dma_wait3A_211 : memref<80xi32, #tpu.memory_space<hbm>>) dst(%arg21 : memref<80xi32, #tpu.memory_space<vmem>>)
    %add3A_212 = arith.constant 80 : i32
    %add3A_213 = arith.addi %add3A_205, %add3A_212 : i32
    %dma_wait3A_214 = tpu.memref_slice %arg3[%add3A_213] : memref<320000xi32, #tpu.memory_space<hbm>> -> memref<80xi32, #tpu.memory_space<hbm>>
    %dma_wait3A_215 = tpu.memref_slice %arg3[%add3A_213] : memref<320000xi32, #tpu.memory_space<hbm>> -> memref<80xi32, #tpu.memory_space<hbm>>
    tpu.wait_dma2 semaphore(%arg31 : memref<!tpu.dma_semaphore, #tpu.memory_space<semaphore_mem>>) src(%dma_wait3A_215 : memref<80xi32, #tpu.memory_space<hbm>>) dst(%arg14 : memref<80xi32, #tpu.memory_space<vmem>>)
    %dma_wait3A_216 = tpu.memref_slice %arg4[%add3A_213] : memref<320000xi32, #tpu.memory_space<hbm>> -> memref<80xi32, #tpu.memory_space<hbm>>
    %dma_wait3A_217 = tpu.memref_slice %arg4[%add3A_213] : memref<320000xi32, #tpu.memory_space<hbm>> -> memref<80xi32, #tpu.memory_space<hbm>>
    tpu.wait_dma2 semaphore(%arg31 : memref<!tpu.dma_semaphore, #tpu.memory_space<semaphore_mem>>) src(%dma_wait3A_217 : memref<80xi32, #tpu.memory_space<hbm>>) dst(%arg22 : memref<80xi32, #tpu.memory_space<vmem>>)
    %dma_start3A_218 = arith.constant 0 : i32
    %dma_start3A_219 = arith.constant 0 : i32
    %dma_start3A_220 = tpu.memref_slice %arg2[%dma_start3A_218, %dma_start3A_219] : memref<10000x128xf32, #tpu.memory_space<hbm>> -> memref<10000x128xf32, #tpu.memory_space<hbm>>
    tpu.enqueue_indirect_dma source(%dma_start3A_220 : memref<10000x128xf32, #tpu.memory_space<hbm>>) target(%arg25 : memref<80x128xf32, #tpu.memory_space<vmem>>) offsets(%arg13 : memref<80xi32, #tpu.memory_space<vmem>>) semaphore(%arg32 : memref<!tpu.dma_semaphore, #tpu.memory_space<semaphore_mem>>)
    %dma_start3A_221 = arith.constant 0 : i32
    %dma_start3A_222 = arith.constant 0 : i32
    %dma_start3A_223 = tpu.memref_slice %arg2[%dma_start3A_221, %dma_start3A_222] : memref<10000x128xf32, #tpu.memory_space<hbm>> -> memref<10000x128xf32, #tpu.memory_space<hbm>>
    tpu.enqueue_indirect_dma source(%dma_start3A_223 : memref<10000x128xf32, #tpu.memory_space<hbm>>) target(%arg26 : memref<80x128xf32, #tpu.memory_space<vmem>>) offsets(%arg14 : memref<80xi32, #tpu.memory_space<vmem>>) semaphore(%arg32 : memref<!tpu.dma_semaphore, #tpu.memory_space<semaphore_mem>>)
    %dma_wait3A_224 = arith.constant 0 : i32
    %dma_wait3A_225 = arith.constant 0 : i32
    %dma_wait3A_226 = tpu.memref_slice %arg2[%dma_wait3A_224, %dma_wait3A_225] : memref<10000x128xf32, #tpu.memory_space<hbm>> -> memref<10000x128xf32, #tpu.memory_space<hbm>>
    tpu.wait_indirect_dma semaphore(%arg32 : memref<!tpu.dma_semaphore, #tpu.memory_space<semaphore_mem>>) src(%dma_wait3A_226 : memref<10000x128xf32, #tpu.memory_space<hbm>>) dst(%arg25 : memref<80x128xf32, #tpu.memory_space<vmem>>)
    %dma_wait3A_227 = arith.constant 0 : i32
    %dma_wait3A_228 = arith.constant 0 : i32
    %dma_wait3A_229 = tpu.memref_slice %arg2[%dma_wait3A_227, %dma_wait3A_228] : memref<10000x128xf32, #tpu.memory_space<hbm>> -> memref<10000x128xf32, #tpu.memory_space<hbm>>
    tpu.wait_indirect_dma semaphore(%arg32 : memref<!tpu.dma_semaphore, #tpu.memory_space<semaphore_mem>>) src(%dma_wait3A_229 : memref<10000x128xf32, #tpu.memory_space<hbm>>) dst(%arg26 : memref<80x128xf32, #tpu.memory_space<vmem>>)
    %dma_start3A_230 = arith.constant 0 : i32
    %dma_start3A_231 = arith.constant 0 : i32
    %dma_start3A_232 = tpu.memref_slice %arg27[%dma_start3A_230, %dma_start3A_231] : memref<10240x128xf32, #tpu.memory_space<vmem_shared>> -> memref<10240x128xf32, #tpu.memory_space<vmem_shared>>
    tpu.enqueue_indirect_dma source(%arg25 : memref<80x128xf32, #tpu.memory_space<vmem>>) target(%dma_start3A_232 : memref<10240x128xf32, #tpu.memory_space<vmem_shared>>) offsets(%arg21 : memref<80xi32, #tpu.memory_space<vmem>>) semaphore(%arg34 : memref<!tpu.dma_semaphore, #tpu.memory_space<semaphore_mem>>) {add = true}
    %dma_start3A_233 = arith.constant 0 : i32
    %dma_start3A_234 = arith.constant 0 : i32
    %dma_start3A_235 = tpu.memref_slice %arg27[%dma_start3A_233, %dma_start3A_234] : memref<10240x128xf32, #tpu.memory_space<vmem_shared>> -> memref<10240x128xf32, #tpu.memory_space<vmem_shared>>
    tpu.enqueue_indirect_dma source(%arg26 : memref<80x128xf32, #tpu.memory_space<vmem>>) target(%dma_start3A_235 : memref<10240x128xf32, #tpu.memory_space<vmem_shared>>) offsets(%arg22 : memref<80xi32, #tpu.memory_space<vmem>>) semaphore(%arg34 : memref<!tpu.dma_semaphore, #tpu.memory_space<semaphore_mem>>) {add = true}
    %dma_wait3A_236 = arith.constant 0 : i32
    %dma_wait3A_237 = arith.constant 0 : i32
    %dma_wait3A_238 = tpu.memref_slice %arg27[%dma_wait3A_236, %dma_wait3A_237] : memref<10240x128xf32, #tpu.memory_space<vmem_shared>> -> memref<10240x128xf32, #tpu.memory_space<vmem_shared>>
    tpu.wait_indirect_dma semaphore(%arg33 : memref<!tpu.dma_semaphore, #tpu.memory_space<semaphore_mem>>) src(%arg23 : memref<80x128xf32, #tpu.memory_space<vmem>>) dst(%dma_wait3A_238 : memref<10240x128xf32, #tpu.memory_space<vmem_shared>>)
    %dma_wait3A_239 = arith.constant 0 : i32
    %dma_wait3A_240 = arith.constant 0 : i32
    %dma_wait3A_241 = tpu.memref_slice %arg27[%dma_wait3A_239, %dma_wait3A_240] : memref<10240x128xf32, #tpu.memory_space<vmem_shared>> -> memref<10240x128xf32, #tpu.memory_space<vmem_shared>>
    tpu.wait_indirect_dma semaphore(%arg33 : memref<!tpu.dma_semaphore, #tpu.memory_space<semaphore_mem>>) src(%arg24 : memref<80x128xf32, #tpu.memory_space<vmem>>) dst(%dma_wait3A_241 : memref<10240x128xf32, #tpu.memory_space<vmem_shared>>)
    %add3A_242 = arith.constant 9600 : i32
    %add3A_243 = arith.addi %mul3A_2, %add3A_242 : i32
    %add3A_244 = arith.constant 0 : i32
    %add3A_245 = arith.addi %add3A_243, %add3A_244 : i32
    %dma_wait3A_246 = tpu.memref_slice %arg3[%add3A_245] : memref<320000xi32, #tpu.memory_space<hbm>> -> memref<80xi32, #tpu.memory_space<hbm>>
    %dma_wait3A_247 = tpu.memref_slice %arg3[%add3A_245] : memref<320000xi32, #tpu.memory_space<hbm>> -> memref<80xi32, #tpu.memory_space<hbm>>
    tpu.wait_dma2 semaphore(%arg28 : memref<!tpu.dma_semaphore, #tpu.memory_space<semaphore_mem>>) src(%dma_wait3A_247 : memref<80xi32, #tpu.memory_space<hbm>>) dst(%arg7 : memref<80xi32, #tpu.memory_space<vmem>>)
    %dma_wait3A_248 = tpu.memref_slice %arg4[%add3A_245] : memref<320000xi32, #tpu.memory_space<hbm>> -> memref<80xi32, #tpu.memory_space<hbm>>
    %dma_wait3A_249 = tpu.memref_slice %arg4[%add3A_245] : memref<320000xi32, #tpu.memory_space<hbm>> -> memref<80xi32, #tpu.memory_space<hbm>>
    tpu.wait_dma2 semaphore(%arg28 : memref<!tpu.dma_semaphore, #tpu.memory_space<semaphore_mem>>) src(%dma_wait3A_249 : memref<80xi32, #tpu.memory_space<hbm>>) dst(%arg15 : memref<80xi32, #tpu.memory_space<vmem>>)
    %add3A_250 = arith.constant 80 : i32
    %add3A_251 = arith.addi %add3A_243, %add3A_250 : i32
    %dma_wait3A_252 = tpu.memref_slice %arg3[%add3A_251] : memref<320000xi32, #tpu.memory_space<hbm>> -> memref<80xi32, #tpu.memory_space<hbm>>
    %dma_wait3A_253 = tpu.memref_slice %arg3[%add3A_251] : memref<320000xi32, #tpu.memory_space<hbm>> -> memref<80xi32, #tpu.memory_space<hbm>>
    tpu.wait_dma2 semaphore(%arg28 : memref<!tpu.dma_semaphore, #tpu.memory_space<semaphore_mem>>) src(%dma_wait3A_253 : memref<80xi32, #tpu.memory_space<hbm>>) dst(%arg8 : memref<80xi32, #tpu.memory_space<vmem>>)
    %dma_wait3A_254 = tpu.memref_slice %arg4[%add3A_251] : memref<320000xi32, #tpu.memory_space<hbm>> -> memref<80xi32, #tpu.memory_space<hbm>>
    %dma_wait3A_255 = tpu.memref_slice %arg4[%add3A_251] : memref<320000xi32, #tpu.memory_space<hbm>> -> memref<80xi32, #tpu.memory_space<hbm>>
    tpu.wait_dma2 semaphore(%arg28 : memref<!tpu.dma_semaphore, #tpu.memory_space<semaphore_mem>>) src(%dma_wait3A_255 : memref<80xi32, #tpu.memory_space<hbm>>) dst(%arg16 : memref<80xi32, #tpu.memory_space<vmem>>)
    %dma_start3A_256 = arith.constant 0 : i32
    %dma_start3A_257 = arith.constant 0 : i32
    %dma_start3A_258 = tpu.memref_slice %arg2[%dma_start3A_256, %dma_start3A_257] : memref<10000x128xf32, #tpu.memory_space<hbm>> -> memref<10000x128xf32, #tpu.memory_space<hbm>>
    tpu.enqueue_indirect_dma source(%dma_start3A_258 : memref<10000x128xf32, #tpu.memory_space<hbm>>) target(%arg23 : memref<80x128xf32, #tpu.memory_space<vmem>>) offsets(%arg7 : memref<80xi32, #tpu.memory_space<vmem>>) semaphore(%arg32 : memref<!tpu.dma_semaphore, #tpu.memory_space<semaphore_mem>>)
    %dma_start3A_259 = arith.constant 0 : i32
    %dma_start3A_260 = arith.constant 0 : i32
    %dma_start3A_261 = tpu.memref_slice %arg2[%dma_start3A_259, %dma_start3A_260] : memref<10000x128xf32, #tpu.memory_space<hbm>> -> memref<10000x128xf32, #tpu.memory_space<hbm>>
    tpu.enqueue_indirect_dma source(%dma_start3A_261 : memref<10000x128xf32, #tpu.memory_space<hbm>>) target(%arg24 : memref<80x128xf32, #tpu.memory_space<vmem>>) offsets(%arg8 : memref<80xi32, #tpu.memory_space<vmem>>) semaphore(%arg32 : memref<!tpu.dma_semaphore, #tpu.memory_space<semaphore_mem>>)
    %dma_wait3A_262 = arith.constant 0 : i32
    %dma_wait3A_263 = arith.constant 0 : i32
    %dma_wait3A_264 = tpu.memref_slice %arg2[%dma_wait3A_262, %dma_wait3A_263] : memref<10000x128xf32, #tpu.memory_space<hbm>> -> memref<10000x128xf32, #tpu.memory_space<hbm>>
    tpu.wait_indirect_dma semaphore(%arg32 : memref<!tpu.dma_semaphore, #tpu.memory_space<semaphore_mem>>) src(%dma_wait3A_264 : memref<10000x128xf32, #tpu.memory_space<hbm>>) dst(%arg23 : memref<80x128xf32, #tpu.memory_space<vmem>>)
    %dma_wait3A_265 = arith.constant 0 : i32
    %dma_wait3A_266 = arith.constant 0 : i32
    %dma_wait3A_267 = tpu.memref_slice %arg2[%dma_wait3A_265, %dma_wait3A_266] : memref<10000x128xf32, #tpu.memory_space<hbm>> -> memref<10000x128xf32, #tpu.memory_space<hbm>>
    tpu.wait_indirect_dma semaphore(%arg32 : memref<!tpu.dma_semaphore, #tpu.memory_space<semaphore_mem>>) src(%dma_wait3A_267 : memref<10000x128xf32, #tpu.memory_space<hbm>>) dst(%arg24 : memref<80x128xf32, #tpu.memory_space<vmem>>)
    %dma_start3A_268 = arith.constant 0 : i32
    %dma_start3A_269 = arith.constant 0 : i32
    %dma_start3A_270 = tpu.memref_slice %arg27[%dma_start3A_268, %dma_start3A_269] : memref<10240x128xf32, #tpu.memory_space<vmem_shared>> -> memref<10240x128xf32, #tpu.memory_space<vmem_shared>>
    tpu.enqueue_indirect_dma source(%arg23 : memref<80x128xf32, #tpu.memory_space<vmem>>) target(%dma_start3A_270 : memref<10240x128xf32, #tpu.memory_space<vmem_shared>>) offsets(%arg15 : memref<80xi32, #tpu.memory_space<vmem>>) semaphore(%arg33 : memref<!tpu.dma_semaphore, #tpu.memory_space<semaphore_mem>>) {add = true}
    %dma_start3A_271 = arith.constant 0 : i32
    %dma_start3A_272 = arith.constant 0 : i32
    %dma_start3A_273 = tpu.memref_slice %arg27[%dma_start3A_271, %dma_start3A_272] : memref<10240x128xf32, #tpu.memory_space<vmem_shared>> -> memref<10240x128xf32, #tpu.memory_space<vmem_shared>>
    tpu.enqueue_indirect_dma source(%arg24 : memref<80x128xf32, #tpu.memory_space<vmem>>) target(%dma_start3A_273 : memref<10240x128xf32, #tpu.memory_space<vmem_shared>>) offsets(%arg16 : memref<80xi32, #tpu.memory_space<vmem>>) semaphore(%arg33 : memref<!tpu.dma_semaphore, #tpu.memory_space<semaphore_mem>>) {add = true}
    %dma_wait3A_274 = arith.constant 0 : i32
    %dma_wait3A_275 = arith.constant 0 : i32
    %dma_wait3A_276 = tpu.memref_slice %arg27[%dma_wait3A_274, %dma_wait3A_275] : memref<10240x128xf32, #tpu.memory_space<vmem_shared>> -> memref<10240x128xf32, #tpu.memory_space<vmem_shared>>
    tpu.wait_indirect_dma semaphore(%arg34 : memref<!tpu.dma_semaphore, #tpu.memory_space<semaphore_mem>>) src(%arg25 : memref<80x128xf32, #tpu.memory_space<vmem>>) dst(%dma_wait3A_276 : memref<10240x128xf32, #tpu.memory_space<vmem_shared>>)
    %dma_wait3A_277 = arith.constant 0 : i32
    %dma_wait3A_278 = arith.constant 0 : i32
    %dma_wait3A_279 = tpu.memref_slice %arg27[%dma_wait3A_277, %dma_wait3A_278] : memref<10240x128xf32, #tpu.memory_space<vmem_shared>> -> memref<10240x128xf32, #tpu.memory_space<vmem_shared>>
    tpu.wait_indirect_dma semaphore(%arg34 : memref<!tpu.dma_semaphore, #tpu.memory_space<semaphore_mem>>) src(%arg26 : memref<80x128xf32, #tpu.memory_space<vmem>>) dst(%dma_wait3A_279 : memref<10240x128xf32, #tpu.memory_space<vmem_shared>>)
    %add3A_280 = arith.constant 9760 : i32
    %add3A_281 = arith.addi %mul3A_2, %add3A_280 : i32
    %add3A_282 = arith.constant 0 : i32
    %add3A_283 = arith.addi %add3A_281, %add3A_282 : i32
    %dma_wait3A_284 = tpu.memref_slice %arg3[%add3A_283] : memref<320000xi32, #tpu.memory_space<hbm>> -> memref<80xi32, #tpu.memory_space<hbm>>
    %dma_wait3A_285 = tpu.memref_slice %arg3[%add3A_283] : memref<320000xi32, #tpu.memory_space<hbm>> -> memref<80xi32, #tpu.memory_space<hbm>>
    tpu.wait_dma2 semaphore(%arg29 : memref<!tpu.dma_semaphore, #tpu.memory_space<semaphore_mem>>) src(%dma_wait3A_285 : memref<80xi32, #tpu.memory_space<hbm>>) dst(%arg9 : memref<80xi32, #tpu.memory_space<vmem>>)
    %dma_wait3A_286 = tpu.memref_slice %arg4[%add3A_283] : memref<320000xi32, #tpu.memory_space<hbm>> -> memref<80xi32, #tpu.memory_space<hbm>>
    %dma_wait3A_287 = tpu.memref_slice %arg4[%add3A_283] : memref<320000xi32, #tpu.memory_space<hbm>> -> memref<80xi32, #tpu.memory_space<hbm>>
    tpu.wait_dma2 semaphore(%arg29 : memref<!tpu.dma_semaphore, #tpu.memory_space<semaphore_mem>>) src(%dma_wait3A_287 : memref<80xi32, #tpu.memory_space<hbm>>) dst(%arg17 : memref<80xi32, #tpu.memory_space<vmem>>)
    %add3A_288 = arith.constant 80 : i32
    %add3A_289 = arith.addi %add3A_281, %add3A_288 : i32
    %dma_wait3A_290 = tpu.memref_slice %arg3[%add3A_289] : memref<320000xi32, #tpu.memory_space<hbm>> -> memref<80xi32, #tpu.memory_space<hbm>>
    %dma_wait3A_291 = tpu.memref_slice %arg3[%add3A_289] : memref<320000xi32, #tpu.memory_space<hbm>> -> memref<80xi32, #tpu.memory_space<hbm>>
    tpu.wait_dma2 semaphore(%arg29 : memref<!tpu.dma_semaphore, #tpu.memory_space<semaphore_mem>>) src(%dma_wait3A_291 : memref<80xi32, #tpu.memory_space<hbm>>) dst(%arg10 : memref<80xi32, #tpu.memory_space<vmem>>)
    %dma_wait3A_292 = tpu.memref_slice %arg4[%add3A_289] : memref<320000xi32, #tpu.memory_space<hbm>> -> memref<80xi32, #tpu.memory_space<hbm>>
    %dma_wait3A_293 = tpu.memref_slice %arg4[%add3A_289] : memref<320000xi32, #tpu.memory_space<hbm>> -> memref<80xi32, #tpu.memory_space<hbm>>
    tpu.wait_dma2 semaphore(%arg29 : memref<!tpu.dma_semaphore, #tpu.memory_space<semaphore_mem>>) src(%dma_wait3A_293 : memref<80xi32, #tpu.memory_space<hbm>>) dst(%arg18 : memref<80xi32, #tpu.memory_space<vmem>>)
    %dma_start3A_294 = arith.constant 0 : i32
    %dma_start3A_295 = arith.constant 0 : i32
    %dma_start3A_296 = tpu.memref_slice %arg2[%dma_start3A_294, %dma_start3A_295] : memref<10000x128xf32, #tpu.memory_space<hbm>> -> memref<10000x128xf32, #tpu.memory_space<hbm>>
    tpu.enqueue_indirect_dma source(%dma_start3A_296 : memref<10000x128xf32, #tpu.memory_space<hbm>>) target(%arg25 : memref<80x128xf32, #tpu.memory_space<vmem>>) offsets(%arg9 : memref<80xi32, #tpu.memory_space<vmem>>) semaphore(%arg32 : memref<!tpu.dma_semaphore, #tpu.memory_space<semaphore_mem>>)
    %dma_start3A_297 = arith.constant 0 : i32
    %dma_start3A_298 = arith.constant 0 : i32
    %dma_start3A_299 = tpu.memref_slice %arg2[%dma_start3A_297, %dma_start3A_298] : memref<10000x128xf32, #tpu.memory_space<hbm>> -> memref<10000x128xf32, #tpu.memory_space<hbm>>
    tpu.enqueue_indirect_dma source(%dma_start3A_299 : memref<10000x128xf32, #tpu.memory_space<hbm>>) target(%arg26 : memref<80x128xf32, #tpu.memory_space<vmem>>) offsets(%arg10 : memref<80xi32, #tpu.memory_space<vmem>>) semaphore(%arg32 : memref<!tpu.dma_semaphore, #tpu.memory_space<semaphore_mem>>)
    %dma_wait3A_300 = arith.constant 0 : i32
    %dma_wait3A_301 = arith.constant 0 : i32
    %dma_wait3A_302 = tpu.memref_slice %arg2[%dma_wait3A_300, %dma_wait3A_301] : memref<10000x128xf32, #tpu.memory_space<hbm>> -> memref<10000x128xf32, #tpu.memory_space<hbm>>
    tpu.wait_indirect_dma semaphore(%arg32 : memref<!tpu.dma_semaphore, #tpu.memory_space<semaphore_mem>>) src(%dma_wait3A_302 : memref<10000x128xf32, #tpu.memory_space<hbm>>) dst(%arg25 : memref<80x128xf32, #tpu.memory_space<vmem>>)
    %dma_wait3A_303 = arith.constant 0 : i32
    %dma_wait3A_304 = arith.constant 0 : i32
    %dma_wait3A_305 = tpu.memref_slice %arg2[%dma_wait3A_303, %dma_wait3A_304] : memref<10000x128xf32, #tpu.memory_space<hbm>> -> memref<10000x128xf32, #tpu.memory_space<hbm>>
    tpu.wait_indirect_dma semaphore(%arg32 : memref<!tpu.dma_semaphore, #tpu.memory_space<semaphore_mem>>) src(%dma_wait3A_305 : memref<10000x128xf32, #tpu.memory_space<hbm>>) dst(%arg26 : memref<80x128xf32, #tpu.memory_space<vmem>>)
    %dma_start3A_306 = arith.constant 0 : i32
    %dma_start3A_307 = arith.constant 0 : i32
    %dma_start3A_308 = tpu.memref_slice %arg27[%dma_start3A_306, %dma_start3A_307] : memref<10240x128xf32, #tpu.memory_space<vmem_shared>> -> memref<10240x128xf32, #tpu.memory_space<vmem_shared>>
    tpu.enqueue_indirect_dma source(%arg25 : memref<80x128xf32, #tpu.memory_space<vmem>>) target(%dma_start3A_308 : memref<10240x128xf32, #tpu.memory_space<vmem_shared>>) offsets(%arg17 : memref<80xi32, #tpu.memory_space<vmem>>) semaphore(%arg34 : memref<!tpu.dma_semaphore, #tpu.memory_space<semaphore_mem>>) {add = true}
    %dma_start3A_309 = arith.constant 0 : i32
    %dma_start3A_310 = arith.constant 0 : i32
    %dma_start3A_311 = tpu.memref_slice %arg27[%dma_start3A_309, %dma_start3A_310] : memref<10240x128xf32, #tpu.memory_space<vmem_shared>> -> memref<10240x128xf32, #tpu.memory_space<vmem_shared>>
    tpu.enqueue_indirect_dma source(%arg26 : memref<80x128xf32, #tpu.memory_space<vmem>>) target(%dma_start3A_311 : memref<10240x128xf32, #tpu.memory_space<vmem_shared>>) offsets(%arg18 : memref<80xi32, #tpu.memory_space<vmem>>) semaphore(%arg34 : memref<!tpu.dma_semaphore, #tpu.memory_space<semaphore_mem>>) {add = true}
    %dma_wait3A_312 = arith.constant 0 : i32
    %dma_wait3A_313 = arith.constant 0 : i32
    %dma_wait3A_314 = tpu.memref_slice %arg27[%dma_wait3A_312, %dma_wait3A_313] : memref<10240x128xf32, #tpu.memory_space<vmem_shared>> -> memref<10240x128xf32, #tpu.memory_space<vmem_shared>>
    tpu.wait_indirect_dma semaphore(%arg33 : memref<!tpu.dma_semaphore, #tpu.memory_space<semaphore_mem>>) src(%arg23 : memref<80x128xf32, #tpu.memory_space<vmem>>) dst(%dma_wait3A_314 : memref<10240x128xf32, #tpu.memory_space<vmem_shared>>)
    %dma_wait3A_315 = arith.constant 0 : i32
    %dma_wait3A_316 = arith.constant 0 : i32
    %dma_wait3A_317 = tpu.memref_slice %arg27[%dma_wait3A_315, %dma_wait3A_316] : memref<10240x128xf32, #tpu.memory_space<vmem_shared>> -> memref<10240x128xf32, #tpu.memory_space<vmem_shared>>
    tpu.wait_indirect_dma semaphore(%arg33 : memref<!tpu.dma_semaphore, #tpu.memory_space<semaphore_mem>>) src(%arg24 : memref<80x128xf32, #tpu.memory_space<vmem>>) dst(%dma_wait3A_317 : memref<10240x128xf32, #tpu.memory_space<vmem_shared>>)
    %dma_wait3A_318 = arith.constant 0 : i32
    %dma_wait3A_319 = arith.constant 0 : i32
    %dma_wait3A_320 = tpu.memref_slice %arg27[%dma_wait3A_318, %dma_wait3A_319] : memref<10240x128xf32, #tpu.memory_space<vmem_shared>> -> memref<10240x128xf32, #tpu.memory_space<vmem_shared>>
    tpu.wait_indirect_dma semaphore(%arg34 : memref<!tpu.dma_semaphore, #tpu.memory_space<semaphore_mem>>) src(%arg25 : memref<80x128xf32, #tpu.memory_space<vmem>>) dst(%dma_wait3A_320 : memref<10240x128xf32, #tpu.memory_space<vmem_shared>>)
    %dma_wait3A_321 = arith.constant 0 : i32
    %dma_wait3A_322 = arith.constant 0 : i32
    %dma_wait3A_323 = tpu.memref_slice %arg27[%dma_wait3A_321, %dma_wait3A_322] : memref<10240x128xf32, #tpu.memory_space<vmem_shared>> -> memref<10240x128xf32, #tpu.memory_space<vmem_shared>>
    tpu.wait_indirect_dma semaphore(%arg34 : memref<!tpu.dma_semaphore, #tpu.memory_space<semaphore_mem>>) src(%arg26 : memref<80x128xf32, #tpu.memory_space<vmem>>) dst(%dma_wait3A_323 : memref<10240x128xf32, #tpu.memory_space<vmem_shared>>)
    %add3A_324 = arith.constant 9920 : i32
    %add3A_325 = arith.addi %mul3A_2, %add3A_324 : i32
    "tpu.region"() ({
      %run_scoped3A = tpu.sem_alloc : memref<!tpu.dma_semaphore, #tpu.memory_space<semaphore_mem>>
      %dma_start3A_333 = tpu.memref_slice %arg3[%add3A_325] : memref<320000xi32, #tpu.memory_space<hbm>> -> memref<80xi32, #tpu.memory_space<hbm>>
      %dma_start3A_334 = tpu.memref_slice %arg3[%add3A_325] : memref<320000xi32, #tpu.memory_space<hbm>> -> memref<80xi32, #tpu.memory_space<hbm>>
      tpu.enqueue_dma source(%dma_start3A_334 : memref<80xi32, #tpu.memory_space<hbm>>) target(%arg7 : memref<80xi32, #tpu.memory_space<vmem>>) target_semaphore(%run_scoped3A : memref<!tpu.dma_semaphore, #tpu.memory_space<semaphore_mem>>)
      %dma_wait3A_335 = tpu.memref_slice %arg3[%add3A_325] : memref<320000xi32, #tpu.memory_space<hbm>> -> memref<80xi32, #tpu.memory_space<hbm>>
      %dma_wait3A_336 = tpu.memref_slice %arg3[%add3A_325] : memref<320000xi32, #tpu.memory_space<hbm>> -> memref<80xi32, #tpu.memory_space<hbm>>
      tpu.wait_dma2 semaphore(%run_scoped3A : memref<!tpu.dma_semaphore, #tpu.memory_space<semaphore_mem>>) src(%dma_wait3A_336 : memref<80xi32, #tpu.memory_space<hbm>>) dst(%arg7 : memref<80xi32, #tpu.memory_space<vmem>>)
      tpu.yield
    }) : () -> ()
    %dma_start3A_326 = arith.constant 0 : i32
    %dma_start3A_327 = arith.constant 0 : i32
    %dma_start3A_328 = tpu.memref_slice %arg2[%dma_start3A_326, %dma_start3A_327] : memref<10000x128xf32, #tpu.memory_space<hbm>> -> memref<10000x128xf32, #tpu.memory_space<hbm>>
    tpu.enqueue_indirect_dma source(%dma_start3A_328 : memref<10000x128xf32, #tpu.memory_space<hbm>>) target(%arg23 : memref<80x128xf32, #tpu.memory_space<vmem>>) offsets(%arg7 : memref<80xi32, #tpu.memory_space<vmem>>) semaphore(%arg32 : memref<!tpu.dma_semaphore, #tpu.memory_space<semaphore_mem>>)
    %dma_wait3A_329 = arith.constant 0 : i32
    %dma_wait3A_330 = arith.constant 0 : i32
    %dma_wait3A_331 = tpu.memref_slice %arg2[%dma_wait3A_329, %dma_wait3A_330] : memref<10000x128xf32, #tpu.memory_space<hbm>> -> memref<10000x128xf32, #tpu.memory_space<hbm>>
    tpu.wait_indirect_dma semaphore(%arg32 : memref<!tpu.dma_semaphore, #tpu.memory_space<semaphore_mem>>) src(%dma_wait3A_331 : memref<10000x128xf32, #tpu.memory_space<hbm>>) dst(%arg23 : memref<80x128xf32, #tpu.memory_space<vmem>>)
    "tpu.region"() ({
      %run_scoped3A = tpu.sem_alloc : memref<!tpu.dma_semaphore, #tpu.memory_space<semaphore_mem>>
      %dma_start3A_333 = tpu.memref_slice %arg4[%add3A_325] : memref<320000xi32, #tpu.memory_space<hbm>> -> memref<80xi32, #tpu.memory_space<hbm>>
      %dma_start3A_334 = tpu.memref_slice %arg4[%add3A_325] : memref<320000xi32, #tpu.memory_space<hbm>> -> memref<80xi32, #tpu.memory_space<hbm>>
      tpu.enqueue_dma source(%dma_start3A_334 : memref<80xi32, #tpu.memory_space<hbm>>) target(%arg15 : memref<80xi32, #tpu.memory_space<vmem>>) target_semaphore(%run_scoped3A : memref<!tpu.dma_semaphore, #tpu.memory_space<semaphore_mem>>)
      %dma_wait3A_335 = tpu.memref_slice %arg4[%add3A_325] : memref<320000xi32, #tpu.memory_space<hbm>> -> memref<80xi32, #tpu.memory_space<hbm>>
      %dma_wait3A_336 = tpu.memref_slice %arg4[%add3A_325] : memref<320000xi32, #tpu.memory_space<hbm>> -> memref<80xi32, #tpu.memory_space<hbm>>
      tpu.wait_dma2 semaphore(%run_scoped3A : memref<!tpu.dma_semaphore, #tpu.memory_space<semaphore_mem>>) src(%dma_wait3A_336 : memref<80xi32, #tpu.memory_space<hbm>>) dst(%arg15 : memref<80xi32, #tpu.memory_space<vmem>>)
      tpu.yield
    }) : () -> ()
    "tpu.region"() ({
      %run_scoped3A = tpu.sem_alloc : memref<!tpu.dma_semaphore, #tpu.memory_space<semaphore_mem>>
      %dma_start3A_333 = arith.constant 0 : i32
      %dma_start3A_334 = arith.constant 0 : i32
      %dma_start3A_335 = tpu.memref_slice %arg27[%dma_start3A_333, %dma_start3A_334] : memref<10240x128xf32, #tpu.memory_space<vmem_shared>> -> memref<10240x128xf32, #tpu.memory_space<vmem_shared>>
      tpu.enqueue_indirect_dma source(%arg23 : memref<80x128xf32, #tpu.memory_space<vmem>>) target(%dma_start3A_335 : memref<10240x128xf32, #tpu.memory_space<vmem_shared>>) offsets(%arg15 : memref<80xi32, #tpu.memory_space<vmem>>) semaphore(%run_scoped3A : memref<!tpu.dma_semaphore, #tpu.memory_space<semaphore_mem>>) {add = true}
      %dma_wait3A_336 = arith.constant 0 : i32
      %dma_wait3A_337 = arith.constant 0 : i32
      %dma_wait3A_338 = tpu.memref_slice %arg27[%dma_wait3A_336, %dma_wait3A_337] : memref<10240x128xf32, #tpu.memory_space<vmem_shared>> -> memref<10240x128xf32, #tpu.memory_space<vmem_shared>>
      tpu.wait_indirect_dma semaphore(%run_scoped3A : memref<!tpu.dma_semaphore, #tpu.memory_space<semaphore_mem>>) src(%arg23 : memref<80x128xf32, #tpu.memory_space<vmem>>) dst(%dma_wait3A_338 : memref<10240x128xf32, #tpu.memory_space<vmem_shared>>)
      tpu.yield
    }) : () -> ()
    %barrier3A_332 = arith.constant 0 : index
    tpu.barrier barrier_id(%barrier3A_332)
    "tpu.region"() ({
      %run_scoped3A = tpu.sem_alloc : memref<!tpu.dma_semaphore, #tpu.memory_space<semaphore_mem>>
      %dma_start3A_333 = arith.constant 0 : i32
      %dma_start3A_334 = tpu.memref_slice %arg6[%arg0, %mul3A_4, %dma_start3A_333] : memref<2x10240x128xf32, #tpu.memory_space<hbm>> -> memref<1x640x128xf32, #tpu.memory_space<hbm>>
      %dma_start3A_335 = tpu.memref_squeeze %dma_start3A_334 : memref<1x640x128xf32, #tpu.memory_space<hbm>> -> memref<640x128xf32, #tpu.memory_space<hbm>>
      %dma_start3A_336 = arith.constant 0 : i32
      %dma_start3A_337 = tpu.memref_slice %arg27[%mul3A_4, %dma_start3A_336] : memref<10240x128xf32, #tpu.memory_space<vmem_shared>> -> memref<640x128xf32, #tpu.memory_space<vmem_shared>>
      tpu.enqueue_dma source(%dma_start3A_337 : memref<640x128xf32, #tpu.memory_space<vmem_shared>>) target(%dma_start3A_335 : memref<640x128xf32, #tpu.memory_space<hbm>>) target_semaphore(%run_scoped3A : memref<!tpu.dma_semaphore, #tpu.memory_space<semaphore_mem>>)
      %dma_wait3A_338 = arith.constant 0 : i32
      %dma_wait3A_339 = tpu.memref_slice %arg6[%arg0, %mul3A_4, %dma_wait3A_338] : memref<2x10240x128xf32, #tpu.memory_space<hbm>> -> memref<1x640x128xf32, #tpu.memory_space<hbm>>
      %dma_wait3A_340 = tpu.memref_squeeze %dma_wait3A_339 : memref<1x640x128xf32, #tpu.memory_space<hbm>> -> memref<640x128xf32, #tpu.memory_space<hbm>>
      %dma_wait3A_341 = arith.constant 0 : i32
      %dma_wait3A_342 = tpu.memref_slice %arg27[%mul3A_4, %dma_wait3A_341] : memref<10240x128xf32, #tpu.memory_space<vmem_shared>> -> memref<640x128xf32, #tpu.memory_space<vmem_shared>>
      tpu.wait_dma2 semaphore(%run_scoped3A : memref<!tpu.dma_semaphore, #tpu.memory_space<semaphore_mem>>) src(%dma_wait3A_342 : memref<640x128xf32, #tpu.memory_space<vmem_shared>>) dst(%dma_wait3A_340 : memref<640x128xf32, #tpu.memory_space<hbm>>)
      tpu.yield
    }) : () -> ()
    return
  }
}

module attributes {stable_mosaic.version = 14 : i64} {
  func.func @_tc2_body(%arg0: i32, %arg1: memref<2x1000x128xf32, #tpu.memory_space<vmem>>, %arg2: memref<1000x2xf32, #tpu.memory_space<vmem>>, %arg3: memref<128xf32, #tpu.memory_space<vmem>>, %arg4: memref<128x128xf32, #tpu.memory_space<vmem>>, %arg5: memref<1000x128xf32, #tpu.memory_space<vmem>>) attributes {dimension_semantics = [#tpu.dimension_semantics<arbitrary>], iteration_bounds = array<i64: 10>, scalar_prefetch = 0 : i64, scratch_operands = 0 : i64, tpu.core_type = #tpu.core_type<tc>, window_params = [{transform_indices = @transform_0, window_bounds = array<i64: 2, 1000, 128>}, {transform_indices = @transform_1, window_bounds = array<i64: 1000, 2>}, {pipeline_mode = #tpu.pipeline_mode<synchronous>, transform_indices = @transform_2, window_bounds = array<i64: 128>}, {pipeline_mode = #tpu.pipeline_mode<synchronous>, transform_indices = @transform_3, window_bounds = array<i64: 128, 128>}, {transform_indices = @transform_4, window_bounds = array<i64: 1000, 128>}]} {
    %get3A = arith.constant 0 : index
    %get3A_0 = arith.constant 0 : index
    %get3A_1 = arith.constant 0 : index
    %get3A_2 = vector.load %arg1[%get3A, %get3A_0, %get3A_1] : memref<2x1000x128xf32, #tpu.memory_space<vmem>>, vector<1x1000x128xf32>
    %get3A_3 = vector.shape_cast %get3A_2 : vector<1x1000x128xf32> to vector<1000x128xf32>
    %get3A_4 = arith.constant 1 : index
    %get3A_5 = arith.constant 0 : index
    %get3A_6 = arith.constant 0 : index
    %get3A_7 = vector.load %arg1[%get3A_4, %get3A_5, %get3A_6] : memref<2x1000x128xf32, #tpu.memory_space<vmem>>, vector<1x1000x128xf32>
    %get3A_8 = vector.shape_cast %get3A_7 : vector<1x1000x128xf32> to vector<1000x128xf32>
    %add3A = arith.addf %get3A_3, %get3A_8 : vector<1000x128xf32>
    %get3A_9 = arith.constant 0 : index
    %get3A_10 = arith.constant 0 : index
    %get3A_11 = vector.load %arg2[%get3A_9, %get3A_10] : memref<1000x2xf32, #tpu.memory_space<vmem>>, vector<1000x1xf32>
    %get3A_12 = arith.constant 0 : index
    %get3A_13 = arith.constant 1 : index
    %get3A_14 = vector.load %arg2[%get3A_12, %get3A_13] : memref<1000x2xf32, #tpu.memory_space<vmem>>, vector<1000x1xf32>
    %mul3A = vector.broadcast %get3A_14 : vector<1000x1xf32> to vector<1000x128xf32>
    %mul3A_15 = arith.mulf %add3A, %mul3A : vector<1000x128xf32>
    %get3A_16 = arith.constant 0 : index
    %get3A_17 = vector.load %arg3[%get3A_16] : memref<128xf32, #tpu.memory_space<vmem>>, vector<128xf32>
    %broadcast_in_dim3A = vector.shape_cast %get3A_17 : vector<128xf32> to vector<1x128xf32>
    %add3A_18 = vector.broadcast %broadcast_in_dim3A : vector<1x128xf32> to vector<1000x128xf32>
    %add3A_19 = arith.addf %mul3A_15, %add3A_18 : vector<1000x128xf32>
    %max3A = arith.constant 0.000000e+00 : f32
    %max3A_20 = vector.broadcast %max3A : f32 to vector<1000x128xf32>
    %max3A_21 = arith.maximumf %add3A_19, %max3A_20 : vector<1000x128xf32>
    %get3A_22 = arith.constant 0 : index
    %get3A_23 = arith.constant 0 : index
    %get3A_24 = vector.load %arg4[%get3A_22, %get3A_23] : memref<128x128xf32, #tpu.memory_space<vmem>>, vector<128x128xf32>
    %dot_general3A = arith.constant dense<0.000000e+00> : vector<1000x128xf32>
    %dot_general3A_25 = tpu.matmul %max3A_21, %get3A_24, %dot_general3A {dimension_numbers = #tpu.dot_dimension_numbers<[1], [0], [0], [1], [0, 0, 1, 1], [], []>, transpose_lhs_hint = false} : vector<1000x128xf32>, vector<128x128xf32>, vector<1000x128xf32> -> vector<1000x128xf32>
    %mul3A_26 = vector.broadcast %get3A_11 : vector<1000x1xf32> to vector<1000x128xf32>
    %mul3A_27 = arith.mulf %dot_general3A_25, %mul3A_26 : vector<1000x128xf32>
    %swap3A = arith.constant 0 : index
    %swap3A_28 = arith.constant 0 : index
    %swap3A_29 = vector.load %arg5[%swap3A, %swap3A_28] : memref<1000x128xf32, #tpu.memory_space<vmem>>, vector<1000x128xf32>
    tpu.vector_store %arg5[%swap3A, %swap3A_28], %mul3A_27 {strides = array<i32>} : memref<1000x128xf32, #tpu.memory_space<vmem>>, vector<1000x128xf32>,
    return
  }
  func.func @transform_0(%arg0: i32) -> (i32, i32, i32) {
    %c0_i32 = arith.constant 0 : i32
    %c0_i32_0 = arith.constant 0 : i32
    %c0_i32_1 = arith.constant 0 : i32
    return %c0_i32, %arg0, %c0_i32_0 : i32, i32, i32
  }
  func.func @transform_1(%arg0: i32) -> (i32, i32) {
    %c0_i32 = arith.constant 0 : i32
    %c0_i32_0 = arith.constant 0 : i32
    return %arg0, %c0_i32 : i32, i32
  }
  func.func @transform_2(%arg0: i32) -> i32 {
    %c0_i32 = arith.constant 0 : i32
    %c0_i32_0 = arith.constant 0 : i32
    return %c0_i32 : i32
  }
  func.func @transform_3(%arg0: i32) -> (i32, i32) {
    %c0_i32 = arith.constant 0 : i32
    %c0_i32_0 = arith.constant 0 : i32
    %c0_i32_1 = arith.constant 0 : i32
    return %c0_i32, %c0_i32_0 : i32, i32
  }
  func.func @transform_4(%arg0: i32) -> (i32, i32) {
    %c0_i32 = arith.constant 0 : i32
    %c0_i32_0 = arith.constant 0 : i32
    return %arg0, %c0_i32 : i32, i32
  }
}

module attributes {stable_mosaic.version = 14 : i64} {
  func.func @_tc3_body(%arg0: i32, %arg1: memref<2x1000x128xf32, #tpu.memory_space<vmem>>, %arg2: memref<1000x2xf32, #tpu.memory_space<vmem>>, %arg3: memref<128xf32, #tpu.memory_space<vmem>>, %arg4: memref<1000x128xf32, #tpu.memory_space<vmem>>) attributes {dimension_semantics = [#tpu.dimension_semantics<arbitrary>], iteration_bounds = array<i64: 10>, scalar_prefetch = 0 : i64, scratch_operands = 0 : i64, tpu.core_type = #tpu.core_type<tc>, window_params = [{transform_indices = @transform_0, window_bounds = array<i64: 2, 1000, 128>}, {transform_indices = @transform_1, window_bounds = array<i64: 1000, 2>}, {pipeline_mode = #tpu.pipeline_mode<synchronous>, transform_indices = @transform_2, window_bounds = array<i64: 128>}, {transform_indices = @transform_3, window_bounds = array<i64: 1000, 128>}]} {
    %get3A = arith.constant 0 : index
    %get3A_0 = arith.constant 0 : index
    %get3A_1 = arith.constant 0 : index
    %get3A_2 = vector.load %arg1[%get3A, %get3A_0, %get3A_1] : memref<2x1000x128xf32, #tpu.memory_space<vmem>>, vector<1x1000x128xf32>
    %get3A_3 = vector.shape_cast %get3A_2 : vector<1x1000x128xf32> to vector<1000x128xf32>
    %get3A_4 = arith.constant 1 : index
    %get3A_5 = arith.constant 0 : index
    %get3A_6 = arith.constant 0 : index
    %get3A_7 = vector.load %arg1[%get3A_4, %get3A_5, %get3A_6] : memref<2x1000x128xf32, #tpu.memory_space<vmem>>, vector<1x1000x128xf32>
    %get3A_8 = vector.shape_cast %get3A_7 : vector<1x1000x128xf32> to vector<1000x128xf32>
    %add3A = arith.addf %get3A_3, %get3A_8 : vector<1000x128xf32>
    %get3A_9 = arith.constant 0 : index
    %get3A_10 = arith.constant 1 : index
    %get3A_11 = vector.load %arg2[%get3A_9, %get3A_10] : memref<1000x2xf32, #tpu.memory_space<vmem>>, vector<1000x1xf32>
    %mul3A = vector.broadcast %get3A_11 : vector<1000x1xf32> to vector<1000x128xf32>
    %mul3A_12 = arith.mulf %add3A, %mul3A : vector<1000x128xf32>
    %get3A_13 = arith.constant 0 : index
    %get3A_14 = vector.load %arg3[%get3A_13] : memref<128xf32, #tpu.memory_space<vmem>>, vector<128xf32>
    %broadcast_in_dim3A = vector.shape_cast %get3A_14 : vector<128xf32> to vector<1x128xf32>
    %add3A_15 = vector.broadcast %broadcast_in_dim3A : vector<1x128xf32> to vector<1000x128xf32>
    %add3A_16 = arith.addf %mul3A_12, %add3A_15 : vector<1000x128xf32>
    %swap3A = arith.constant 0 : index
    %swap3A_17 = arith.constant 0 : index
    %swap3A_18 = vector.load %arg4[%swap3A, %swap3A_17] : memref<1000x128xf32, #tpu.memory_space<vmem>>, vector<1000x128xf32>
    tpu.vector_store %arg4[%swap3A, %swap3A_17], %add3A_16 {strides = array<i32>} : memref<1000x128xf32, #tpu.memory_space<vmem>>, vector<1000x128xf32>,
    return
  }
  func.func @transform_0(%arg0: i32) -> (i32, i32, i32) {
    %c0_i32 = arith.constant 0 : i32
    %c0_i32_0 = arith.constant 0 : i32
    %c0_i32_1 = arith.constant 0 : i32
    return %c0_i32, %arg0, %c0_i32_0 : i32, i32, i32
  }
  func.func @transform_1(%arg0: i32) -> (i32, i32) {
    %c0_i32 = arith.constant 0 : i32
    %c0_i32_0 = arith.constant 0 : i32
    return %arg0, %c0_i32 : i32, i32
  }
  func.func @transform_2(%arg0: i32) -> i32 {
    %c0_i32 = arith.constant 0 : i32
    %c0_i32_0 = arith.constant 0 : i32
    return %c0_i32 : i32
  }
  func.func @transform_3(%arg0: i32) -> (i32, i32) {
    %c0_i32 = arith.constant 0 : i32
    %c0_i32_0 = arith.constant 0 : i32
    return %arg0, %c0_i32 : i32, i32
  }
}

module attributes {stable_mosaic.version = 14 : i64} {
  func.func @_tc1_body(%arg0: i32, %arg1: memref<2x1000x128xf32, #tpu.memory_space<vmem>>, %arg2: memref<1000x128xf32, #tpu.memory_space<vmem>>, %arg3: memref<128x128xf32, #tpu.memory_space<vmem>>, %arg4: memref<1000x128xf32, #tpu.memory_space<vmem>>, %arg5: memref<1000x2xf32, #tpu.memory_space<vmem>>) attributes {dimension_semantics = [#tpu.dimension_semantics<arbitrary>], iteration_bounds = array<i64: 10>, scalar_prefetch = 0 : i64, scratch_operands = 0 : i64, tpu.core_type = #tpu.core_type<tc>, window_params = [{transform_indices = @transform_0, window_bounds = array<i64: 2, 1000, 128>}, {transform_indices = @transform_1, window_bounds = array<i64: 1000, 128>}, {pipeline_mode = #tpu.pipeline_mode<synchronous>, transform_indices = @transform_2, window_bounds = array<i64: 128, 128>}, {transform_indices = @transform_3, window_bounds = array<i64: 1000, 128>}, {transform_indices = @transform_4, window_bounds = array<i64: 1000, 2>}]} {
    %get3A = arith.constant 0 : index
    %get3A_0 = arith.constant 0 : index
    %get3A_1 = arith.constant 0 : index
    %get3A_2 = vector.load %arg1[%get3A, %get3A_0, %get3A_1] : memref<2x1000x128xf32, #tpu.memory_space<vmem>>, vector<1x1000x128xf32>
    %get3A_3 = vector.shape_cast %get3A_2 : vector<1x1000x128xf32> to vector<1000x128xf32>
    %get3A_4 = arith.constant 1 : index
    %get3A_5 = arith.constant 0 : index
    %get3A_6 = arith.constant 0 : index
    %get3A_7 = vector.load %arg1[%get3A_4, %get3A_5, %get3A_6] : memref<2x1000x128xf32, #tpu.memory_space<vmem>>, vector<1x1000x128xf32>
    %get3A_8 = vector.shape_cast %get3A_7 : vector<1x1000x128xf32> to vector<1000x128xf32>
    %add3A = arith.addf %get3A_3, %get3A_8 : vector<1000x128xf32>
    %slice3A = vector.extract_strided_slice %add3A {offsets = [0, 0], sizes = [1000, 16], strides = [1, 1]} : vector<1000x128xf32> to vector<1000x16xf32>
    %slice3A_9 = vector.extract_strided_slice %add3A {offsets = [0, 16], sizes = [1000, 16], strides = [1, 1]} : vector<1000x128xf32> to vector<1000x16xf32>
    %reduce_sum3A = arith.constant dense<0.000000e+00> : vector<1000xf32>
    %reduce_sum3A_10 = vector.multi_reduction <add>, %slice3A, %reduce_sum3A [1] : vector<1000x16xf32> to vector<1000xf32>
    %broadcast_in_dim3A = vector.shape_cast %reduce_sum3A_10 : vector<1000xf32> to vector<1000x1xf32>
    %max3A = arith.constant 1.000000e+00 : f32
    %max3A_11 = vector.broadcast %max3A : f32 to vector<1000x1xf32>
    %max3A_12 = arith.maximumf %broadcast_in_dim3A, %max3A_11 : vector<1000x1xf32>
    %reduce_sum3A_13 = arith.constant dense<0.000000e+00> : vector<1000xf32>
    %reduce_sum3A_14 = vector.multi_reduction <add>, %slice3A_9, %reduce_sum3A_13 [1] : vector<1000x16xf32> to vector<1000xf32>
    %broadcast_in_dim3A_15 = vector.shape_cast %reduce_sum3A_14 : vector<1000xf32> to vector<1000x1xf32>
    %max3A_16 = arith.constant 1.000000e+00 : f32
    %max3A_17 = vector.broadcast %max3A_16 : f32 to vector<1000x1xf32>
    %max3A_18 = arith.maximumf %broadcast_in_dim3A_15, %max3A_17 : vector<1000x1xf32>
    %rsqrt3A = math.rsqrt %max3A_12 : vector<1000x1xf32>
    %rsqrt3A_19 = math.rsqrt %max3A_18 : vector<1000x1xf32>
    %swap3A = arith.constant 0 : index
    %swap3A_20 = arith.constant 0 : index
    %swap3A_21 = vector.load %arg5[%swap3A, %swap3A_20] : memref<1000x2xf32, #tpu.memory_space<vmem>>, vector<1000x1xf32>
    tpu.vector_store %arg5[%swap3A, %swap3A_20], %rsqrt3A {strides = array<i32>} : memref<1000x2xf32, #tpu.memory_space<vmem>>, vector<1000x1xf32>,
    %swap3A_22 = arith.constant 0 : index
    %swap3A_23 = arith.constant 1 : index
    %swap3A_24 = vector.load %arg5[%swap3A_22, %swap3A_23] : memref<1000x2xf32, #tpu.memory_space<vmem>>, vector<1000x1xf32>
    tpu.vector_store %arg5[%swap3A_22, %swap3A_23], %rsqrt3A_19 {strides = array<i32>} : memref<1000x2xf32, #tpu.memory_space<vmem>>, vector<1000x1xf32>,
    %get3A_25 = arith.constant 0 : index
    %get3A_26 = arith.constant 0 : index
    %get3A_27 = vector.load %arg2[%get3A_25, %get3A_26] : memref<1000x128xf32, #tpu.memory_space<vmem>>, vector<1000x128xf32>
    %get3A_28 = arith.constant 0 : index
    %get3A_29 = arith.constant 0 : index
    %get3A_30 = vector.load %arg3[%get3A_28, %get3A_29] : memref<128x128xf32, #tpu.memory_space<vmem>>, vector<128x128xf32>
    %dot_general3A = arith.constant dense<0.000000e+00> : vector<1000x128xf32>
    %dot_general3A_31 = tpu.matmul %get3A_27, %get3A_30, %dot_general3A {dimension_numbers = #tpu.dot_dimension_numbers<[1], [0], [0], [1], [0, 0, 1, 1], [], []>, transpose_lhs_hint = false} : vector<1000x128xf32>, vector<128x128xf32>, vector<1000x128xf32> -> vector<1000x128xf32>
    %mul3A = vector.broadcast %rsqrt3A : vector<1000x1xf32> to vector<1000x128xf32>
    %mul3A_32 = arith.mulf %dot_general3A_31, %mul3A : vector<1000x128xf32>
    %swap3A_33 = arith.constant 0 : index
    %swap3A_34 = arith.constant 0 : index
    %swap3A_35 = vector.load %arg4[%swap3A_33, %swap3A_34] : memref<1000x128xf32, #tpu.memory_space<vmem>>, vector<1000x128xf32>
    tpu.vector_store %arg4[%swap3A_33, %swap3A_34], %mul3A_32 {strides = array<i32>} : memref<1000x128xf32, #tpu.memory_space<vmem>>, vector<1000x128xf32>,
    return
  }
  func.func @transform_0(%arg0: i32) -> (i32, i32, i32) {
    %c0_i32 = arith.constant 0 : i32
    %c0_i32_0 = arith.constant 0 : i32
    %c0_i32_1 = arith.constant 0 : i32
    return %c0_i32, %arg0, %c0_i32_0 : i32, i32, i32
  }
  func.func @transform_1(%arg0: i32) -> (i32, i32) {
    %c0_i32 = arith.constant 0 : i32
    %c0_i32_0 = arith.constant 0 : i32
    return %arg0, %c0_i32 : i32, i32
  }
  func.func @transform_2(%arg0: i32) -> (i32, i32) {
    %c0_i32 = arith.constant 0 : i32
    %c0_i32_0 = arith.constant 0 : i32
    %c0_i32_1 = arith.constant 0 : i32
    return %c0_i32, %c0_i32_0 : i32, i32
  }
  func.func @transform_3(%arg0: i32) -> (i32, i32) {
    %c0_i32 = arith.constant 0 : i32
    %c0_i32_0 = arith.constant 0 : i32
    return %arg0, %c0_i32 : i32, i32
  }
  func.func @transform_4(%arg0: i32) -> (i32, i32) {
    %c0_i32 = arith.constant 0 : i32
    %c0_i32_0 = arith.constant 0 : i32
    return %arg0, %c0_i32 : i32, i32
  }
}

</mosaic_0001>

<sc_bundles>
// kernel: kernel.11.cloned.1.call-start
scs
__scs_entry_jumppad:
0x0: {  	(pc) =	sbr.rel $0x88, $3  }
0x1: {  	(tag) =	ssettag $0x0;
	lr =	simm.s32 $0x1  }
0x2: {  	[smem:$0x3F9B] =	sst lr;
	_ =	strace $0xD0000000  }
0x3: {  	_ = 	snop  }
0x4: {  	_ = 	snop  }
0x5: {  	_ = 	snop  }
0x6: {  	_ = 	snop  }
0x7: {  	_ = 	snop  }
__scs_overlays_trampoline_lowered:
0x8: {  	[smem:$0x3FAA] =	sst s0  }
0x9: {  	[smem:$0x3FAB] =	sst s1  }
0xa: {  	[smem:$0x3FAC] =	sst s2  }
0xb: {  	[smem:$0x3FAD] =	sst s3  }
0xc: {  	[smem:$0x3FAE] =	sst s4  }
0xd: {  	[smem:$0x3FAF] =	sst s5  }
0xe: {  	[smem:$0x3FB0] =	sst s6  }
0xf: {  	[smem:$0x3FB1] =	sst s7  }
0x10: {  	[smem:$0x3FB2] =	sst s8  }
0x11: {  	[smem:$0x3FB3] =	sst s9;
	s0 =	simm.s32 @!p0 $0x0  }
0x12: {  	s1 =	sld [smem:$0x3F99];
	s0 =	simm.s32 @p0 $0x1  }
0x13: {  	[smem:$0x3FB4] =	sst s0;
	s0 =	simm.s32 @!p1 $0x0  }
0x14: {  	s2 =	sld [smem:$0x3F98];
	s0 =	simm.s32 @p1 $0x1  }
0x15: {  	[smem:$0x3FB5] =	sst s0;
	s0 =	simm.s32 @!p2 $0x0  }
0x16: {  	s3 =	sld [smem:$0x3FDB];
	s0 =	simm.s32 @p2 $0x1  }
0x17: {  	s4 =	simm.s32 $0x1BF5;
	[smem:$0x3FB7] =	sst s0  }
0x18: {  	s0 =	sld [smem:$0x3F9A];
	_ =	swait.ge [sflag:s4], $0x0  }
0x19: {  	s7 =	sld [smem:$0x3F9B]  }
0x1a: {  	s8 =	sadd.s32 $0xFFFFE003, lr  }
0x1b: {  	s9 =	sadd.s32 $0xFFFFFEF7, lr;
	s5 =	simm.s32 $0xFFFFFFFF;
	p2 =	slt.u32 s8, $0xFFFFF086  }
0x1c: {  	p1 =	slt.u32 s9, $0xF7A;
	s5 =	simm.s32 @!p2 $0x0  }
0x1d: {  	s5 =	simm.s32 @p1 $0x1;
	p0 =	seq.s32 s7, s2  }
0x1e: {  	s7 =	smul.u32 @!p0 $0xF7A, s2;
	p2 =	seq.s32 @!p0 s5, $0x0  }
0x1f: {  	s9 =	smul.u32 $0xF7A, s1;
	s8 =	simm.s32 @!p0 $0x1BF5;
	p2 =	por !p2, p0  }
0x20: {  	[sflag:s8] =	ssyncset.s32 @!p0 $0xFFFFF086;
	s6 =	sadd.s32 @!p0 s3, s7;
	s7 =	simm.s32 @!p0 $0x108  }
0x21: {  	s3 =	sadd.s32 s3, s9;
	s6 =	sadd.s32 @!p0 $0x88, s6;
	s7 =	simm.s32 @p2 $0x1082  }
0x22: {  	[simem:s7], [sflag:s8] =	dma.local @!p0 [hbm:s6], $0xF7A  }
0x23: {  	s9 =	sor.u32 $0xD0000000, s2;
	s6 =	simm.s32 $0x108;
	_ =	swait.ge @!p0 [sflag:s8], $0x0  }
0x24: {  	s3 =	sadd.s32 $0x88, s3;
	s6 =	simm.s32 @!p1 $0x1082;
	[sflag:s4] =	ssyncset.s32 $0xFFFFF086  }
0x25: {  	[simem:s6], [sflag:s4] =	dma.local [hbm:s3], $0xF7A  }
0x26: {  	[smem:$0x3F9B] =	sst s1;
	(tag) =	ssettag s2;
	_ =	strace s9  }
0x27: {  	s1 =	sld [smem:$0x3FAB]  }
0x28: {  	s2 =	sld [smem:$0x3FAC]  }
0x29: {  	s4 =	sld [smem:$0x3FAE]  }
0x2a: {  	p0 =	seq.s32 s5, $0x0;
	s5 =	sld [smem:$0x3FAF]  }
0x2b: {  	s6 =	sld [smem:$0x3FB0]  }
0x2c: {  	s7 =	sld [smem:$0x3FB1]  }
0x2d: {  	s3 =	simm.s32 $0x108;
	s8 =	sld [smem:$0x3FB2]  }
0x2e: {  	s3 =	simm.s32 @!p0 $0x1082;
	s9 =	sld [smem:$0x3FB3]  }
0x2f: {  	lr =	sadd.s32 s0, s3;
	s0 =	sld [smem:$0x3FAA]  }
0x30: {  	s3 =	sld [smem:$0x3FAD]  }
0x31: {  	[smem:$0x3FB6] =	sst s10  }
0x32: {  	s10 =	sld [smem:$0x3FB4];
	_ =	sdelay $0x3  }
0x33: {  	p0 =	seq.s32 s10, $0x1;
	s10 =	sld [smem:$0x3FB6];
	_ =	sdelay $0x3  }
0x34: {  	[smem:$0x3FB6] =	sst s10  }
0x35: {  	s10 =	sld [smem:$0x3FB5];
	_ =	sdelay $0x3  }
0x36: {  	p1 =	seq.s32 s10, $0x1;
	s10 =	sld [smem:$0x3FB6];
	_ =	sdelay $0x3  }
0x37: {  	[smem:$0x3FB6] =	sst s10  }
0x38: {  	s10 =	sld [smem:$0x3FB7]  }
0x39: {  	_ = 	snop;
	(pc) =	sbr.ind lr, $3  }
0x3a: {  	_ = 	snop  }
0x3b: {  	_ = 	snop  }
0x3c: {  	p2 =	seq.s32 s10, $0x1;
	s10 =	sld [smem:$0x3FB6]  }
0x3d: {  	_ =	shalt  }
0x3e: {  	_ =	shalt  }
0x3f: {  	_ =	shalt  }
0x40: {  	_ =	shalt  }
0x41: {  	_ =	shalt  }
0x42: {  	_ =	shalt  }
0x43: {  	_ =	shalt  }
0x44: {  	_ =	shalt  }
0x45: {  	_ =	shalt  }
0x46: {  	_ =	shalt  }
0x47: {  	_ =	shalt  }
0x48: {  	_ =	shalt  }
0x49: {  	_ =	shalt  }
0x4a: {  	_ =	shalt  }
0x4b: {  	_ =	shalt  }
0x4c: {  	_ =	shalt  }
0x4d: {  	_ =	shalt  }
0x4e: {  	_ =	shalt  }
0x4f: {  	_ =	shalt  }
0x50: {  	_ =	shalt  }
0x51: {  	_ =	shalt  }
0x52: {  	_ =	shalt  }
0x53: {  	_ =	shalt  }
0x54: {  	_ =	shalt  }
0x55: {  	_ =	shalt  }
0x56: {  	_ =	shalt  }
0x57: {  	_ =	shalt  }
0x58: {  	_ =	shalt  }
0x59: {  	_ =	shalt  }
0x5a: {  	_ =	shalt  }
0x5b: {  	_ =	shalt  }
0x5c: {  	_ =	shalt  }
0x5d: {  	_ =	shalt  }
0x5e: {  	_ =	shalt  }
0x5f: {  	_ =	shalt  }
0x60: {  	_ =	shalt  }
0x61: {  	_ =	shalt  }
0x62: {  	_ =	shalt  }
0x63: {  	_ =	shalt  }
0x64: {  	_ =	shalt  }
0x65: {  	_ =	shalt  }
0x66: {  	_ =	shalt  }
0x67: {  	_ =	shalt  }
0x68: {  	_ =	shalt  }
0x69: {  	_ =	shalt  }
0x6a: {  	_ =	shalt  }
0x6b: {  	_ =	shalt  }
0x6c: {  	_ =	shalt  }
0x6d: {  	_ =	shalt  }
0x6e: {  	_ =	shalt  }
0x6f: {  	_ =	shalt  }
0x70: {  	_ =	shalt  }
0x71: {  	_ =	shalt  }
0x72: {  	_ =	shalt  }
0x73: {  	_ =	shalt  }
0x74: {  	_ =	shalt  }
0x75: {  	_ =	shalt  }
0x76: {  	_ =	shalt  }
0x77: {  	_ =	shalt  }
0x78: {  	_ =	shalt  }
0x79: {  	_ =	shalt  }
0x7a: {  	_ =	shalt  }
0x7b: {  	_ =	shalt  }
0x7c: {  	_ =	shalt  }
0x7d: {  	_ =	shalt  }
0x7e: {  	_ =	shalt  }
0x7f: {  	_ =	shalt  }
0x80: {  	_ =	shalt  }
0x81: {  	_ =	shalt  }
0x82: {  	_ =	shalt  }
0x83: {  	_ =	shalt  }
0x84: {  	_ =	shalt  }
0x85: {  	_ =	shalt  }
0x86: {  	_ =	shalt  }
0x87: {  	_ =	shalt  }
.Lfunc_end0:
.L_simem_size_0:
called_computation.1_lowered:
.L_overlay_start_0:
0x88: {  	s2 =	sld [smem:$0x3FD9]  }
0x89: {  	s3 =	sld [smem:$0x3FFE];
	_ =	sdelay $0x1  }
0x8a: {  	s1 =	srdreg.scid  }
0x8b: {  	s0 =	sand.u32 $0x1, s1  }
0x8c: {  	s17 =	sshll.u32 s0, $0xA;
	s2 =	sadd.s32 s3, s2  }
0x8d: {  	s2 =	sadd.s32 s2, s17  }
0x8e: {  	[smem:$0x3FC2] =	sst s2  }
0x8f: {  	_ = 	snop  }
0x90: {  	s2 =	sld [smem:$0x3FD0];
	(tm) =	ssettm $0x1  }
0x91: {  	s18 =	sld [smem:$0x3FFB];
	_ =	sdelay $0x3  }
0x92: {  	_ =	strace s18  }
0x93: {  	s3 =	sld [smem:$0x3FFC];
	_ =	sdelay $0x3  }
0x94: {  	_ =	strace s3  }
0x95: {  	s3 =	sld [smem:$0x3FFD];
	_ =	sdelay $0x3  }
0x96: {  	_ =	strace s3  }
0x97: {  	_ =	strace $0x8FFFFFFF  }
0x98: {  	s19 =	sld [smem:$0x3FDB];
	_ =	sdelay $0x1  }
0x99: {  	s4 =	simm.s32 $_scs_section_size  }
0x9a: {  	s5 =	simm.s32 $_size__tile_overlayer_lowered;
	s6 =	simm.s32 $_tile_overlayer_lowered  }
0x9b: {  	s22 =	simm.s32 $0x1BFF;
	s21 =	sshll.u32 s6, $0x1;
	s3 =	sadd.s32 s4, s19  }
0x9c: {  	s7 =	simm.s32 $0x0;
	s20 =	sshll.u32 s5, $0x1;
	s5 =	sadd.s32 s21, s3  }
0x9d: {  	[timem:s7], [sflag:s22] =	dma.local [hbm:s5], s20  }
0x9e: {  	_ =	swait.ge [sflag:s22], s20  }
0x9f: {  	s4 =	ssub.s32 $0x0, s20;
	[sflag:s22] =	ssyncset.done $0x0  }
0xa0: {  	[sflag:s22] =	ssyncadd.s32 s4;
	_ =	sdelay $0x1  }
0xa1: {  	s23 =	simm.s32 $0x1B8B  }
0xa2: {  	_ =	swait.ge [sflag:s23], $0x1  }
0xa3: {  	[sflag:s23] =	ssyncset.done $0x0  }
0xa4: {  	s25 =	simm.s32 $0x1B8E;
	s24 =	sld [smem:$0x3FFE];
	[sflag:s23] =	ssyncadd.s32 $0xFFFFFFFF  }
0xa5: {  	s26 =	simm.s32 $execute0_lowered;
	[smem:$0x3FD2] =	sst s25  }
0xa6: {  	s5 =	sshll.u32 s26, $0x1;
	_ =	strace $0x80000049;
	[dreg:$0x1] =	wrdreg $0xFFFFFFFF  }
0xa7: {  	s28 =	simm.s32 $_size_execute0_lowered;
	s3 =	sadd.s32 s3, s5;
	[dreg:$0x0] =	wrdreg $0x0  }
0xa8: {  	s5 =	sshll.u32 s28, $0x1;
	[dreg:$0x2] =	wrdreg s3  }
0xa9: {  	[dreg:$0x3] =	wrdreg s5  }
0xaa: {  	[dreg:$0x4] =	wrdreg $0xC0  }
0xab: {  	_ =	task [dreg:s7], $0x5FFFF  }
0xac: {  	[dreg:$0x1] =	wrdreg $0xFFFFFFFF  }
0xad: {  	[dreg:$0x0] =	wrdreg $0x60  }
0xae: {  	[dreg:$0x2] =	wrdreg s2  }
0xaf: {  	[dreg:$0x3] =	wrdreg s24  }
0xb0: {  	[dreg:$0x4] =	wrdreg $0xA8000  }
0xb1: {  	[dreg:$0x5] =	wrdreg $0x9  }
0xb2: {  	_ =	task.clear_ibuf [dreg:s7], $0x6FFFF;
	_ =	strace $0x90000049  }
0xb3: {  	s29 =	simm.s32 $0x9;
	_ =	strace $0x8000004B  }
0xb4: {  	_ =	swait.ge [sflag:s29], $0x1  }
0xb5: {  	[sflag:s29] =	ssyncadd.s32 $0xFFFFFFFF  }
0xb6: {  	_ =	strace $0x9000004B  }
0xb7: {  	_ =	sfence  }
0xb8: {  	s30 =	sld [smem:$0x0];
	_ =	sdelay $0x2  }
0xb9: {  	s31 =	sshll.u32 s1, $0xD;
	s1 =	sshrl.u32 s1, $0x2  }
0xba: {  	s3 =	sand.u32 $0x4000, s31;
	s1 =	sadd.s32 s1, s30  }
0xbb: {  	s0 =	sor.u32 s3, s0;
	s1 =	sshll.u32 s1, $0x11  }
0xbc: {  	s0 =	sor.u32 s1, s0  }
0xbd: {  	s0 =	sadd.s32 $0x8F2B, s0  }
0xbe: {  	[sflag:s0] =	ssyncadd.remote.s32 $0x1  }
0xbf: {  	_ =	sfence.sel $0xFFFF  }
0xc0: {  	[dreg:$0x0] =	wrdreg $0xFFFFFFFF;
	(pc) =	sbr.abs _section_cstart, $3  }
0xc1: {  	[dreg:$0x1] =	wrdreg $0xFFFFFFFF  }
0xc2: {  	_ =	task.clear_ibuf [dreg:s7], $0x2FFFF;
	_ =	strace $0x9FFFFFFF  }
0xc3: {  	(tm) =	ssettm $0x7FFFFFFF  }
tec
execute0_lowered:
.L_overlay_start_1:
0x0: {  	(tag) =	ssettag $0x1  }
0x1: {  	s0 =	rddreg [dreg:$0x1]  }
0x2: {  	s1 =	rddreg [dreg:$0x2];
	s3 =	srdreg.scid  }
0x3: {  	s4 =	simm.s32 $0x0;
	s10 =	stileid.u32;
	s6 =	sand.u32 $0x1, s3  }
0x4: {  	[smem:$0x7FF] =	sst s4;
	s5 =	smul.u32 $0x14000, s10;
	s7 =	sshll.u32 s10, $0x1  }
0x5: {  	s17 =	sadd.s32 $0xBE00, s0;
	s25 =	sadd.s32 $0x2000, s0;
	s23 =	smul.u32 $0x50000, s10  }
0x6: {  	s8 =	sadd.s32 $0x15C00, s0;
	s3 =	smul.u32 $0x140000, s6;
	s7 =	sor.u32 s6, s7  }
0x7: {  	_ =	strace $0x8000004A;
	[dreg:$0x13] =	wrdreg s8;
	s22 =	smul.u32 $0x2710, s7  }
0x8: {  	s24 =	ssub.s32 $0x2, s6;
	s6 =	smul.u32 $0x2710, s6;
	[dreg:$0x12] =	wrdreg s25  }
0x9: {  	s7 =	sshrl.u32 s23, $0x2;
	s3 =	sadd.s32 s5, s3;
	s5 =	sshrl.u32 s22, $0x3  }
0xa: {  	s26 =	sshrl.u32 s24, $0x1;
	s7 =	sadd.s32 s7, s1;
	s29 =	sadd.s32 $0xA, s5  }
0xb: {  	s1 =	smul.u32 $0x4E20, s10;
	[dreg:$0x14] =	wrdreg s7;
	s30 =	sadd.s32 s17, s29  }
0xc: {  	s2 =	sadd.s32 $0x14, s5;
	s7 =	sadd.s32 s25, s29;
	[dreg:$0x15] =	wrdreg s30  }
0xd: {  	s3 =	sshrl.u32 s3, $0x3;
	s11 =	sadd.s32 s17, s2;
	[dreg:$0x16] =	wrdreg s7  }
0xe: {  	s9 =	sadd.s32 $0x1E, s5;
	s8 =	sadd.s32 s25, s2;
	[dreg:$0x17] =	wrdreg s11  }
0xf: {  	s13 =	sadd.s32 $0x28, s5;
	s12 =	sadd.s32 s25, s9;
	[dreg:$0x18] =	wrdreg s8  }
0x10: {  	s15 =	sadd.s32 $0x32, s5;
	s14 =	sadd.s32 s17, s13;
	[dreg:$0x1a] =	wrdreg s12  }
0x11: {  	s0 =	sadd.s32 s3, s0;
	s18 =	sadd.s32 s17, s15;
	[dreg:$0x1b] =	wrdreg s14  }
0x12: {  	s3 =	ssub.s32 s24, s26;
	s0 =	sadd.s32 $0x18400, s0;
	[dreg:$0x1d] =	wrdreg s18  }
0x13: {  	s3 =	smax.u32 s3, $0x1;
	[smem:$0x7F9] =	sst s0  }
0x14: {  	s6 =	sadd.s32 s6, s1;
	s11 =	sadd.s32 s17, s9;
	[smem:$0x7FA] =	sst s3  }
0x15: {  	s16 =	sadd.s32 $0x460, s6;
	s8 =	sadd.s32 s25, s13;
	[dreg:$0x19] =	wrdreg s11  }
0x16: {  	s19 =	sshrl.u32 s16, $0x3;
	s7 =	sadd.s32 s25, s15;
	[dreg:$0x1c] =	wrdreg s8  }
0x17: {  	s21 =	sadd.s32 $0x4B0, s6;
	[dreg:$0x1e] =	wrdreg s7;
	s20 =	sadd.s32 s19, s25  }
0x18: {  	s23 =	sshrl.u32 s21, $0x3;
	s22 =	sadd.s32 s19, s17;
	[dreg:$0x4] =	wrdreg s20  }
0x19: {  	s26 =	sadd.s32 $0x3C0, s6;
	s24 =	sadd.s32 s23, s25;
	[dreg:$0x5] =	wrdreg s22  }
0x1a: {  	s30 =	sshrl.u32 s26, $0x3;
	s29 =	sadd.s32 s23, s17;
	[dreg:$0x6] =	wrdreg s24  }
0x1b: {  	s2 =	sadd.s32 $0x410, s6;
	s1 =	sadd.s32 s30, s25;
	[dreg:$0x7] =	wrdreg s29  }
0x1c: {  	s12 =	sshrl.u32 s2, $0x3;
	s11 =	sadd.s32 s30, s17;
	[dreg:$0x8] =	wrdreg s1  }
0x1d: {  	s14 =	sadd.s32 $0x320, s6;
	s13 =	sadd.s32 s12, s25;
	[dreg:$0x9] =	wrdreg s11  }
0x1e: {  	s15 =	sadd.s32 s12, s17;
	s16 =	sshrl.u32 s14, $0x3;
	[dreg:$0xa] =	wrdreg s13  }
0x1f: {  	[dreg:$0xb] =	wrdreg s15;
	s18 =	sadd.s32 s16, s25  }
0x20: {  	s12 =	sadd.s32 $0x46, s5;
	s20 =	sadd.s32 s16, s17;
	[dreg:$0xc] =	wrdreg s18  }
0x21: {  	s19 =	sadd.s32 $0x370, s6;
	s13 =	sadd.s32 s17, s12;
	[dreg:$0xd] =	wrdreg s20  }
0x22: {  	s14 =	sadd.s32 $0x4B0, s5;
	s7 =	sadd.s32 s25, s12;
	[smem:$0x7EB] =	sst s13  }
0x23: {  	s21 =	sshrl.u32 s19, $0x3;
	s15 =	sadd.s32 s17, s14;
	[smem:$0x7EC] =	sst s7  }
0x24: {  	s23 =	sadd.s32 $0x2D0, s6;
	s22 =	sadd.s32 s21, s25;
	[smem:$0x7ED] =	sst s15  }
0x25: {  	s26 =	sshrl.u32 s23, $0x3;
	s24 =	sadd.s32 s21, s17;
	[dreg:$0xe] =	wrdreg s22  }
0x26: {  	s29 =	sadd.s32 $0x3C, s5;
	s30 =	sadd.s32 s26, s25;
	[dreg:$0xf] =	wrdreg s24  }
0x27: {  	s1 =	sadd.s32 s17, s29;
	[dreg:$0x10] =	wrdreg s30  }
0x28: {  	s11 =	sadd.s32 s25, s29;
	[dreg:$0x1f] =	wrdreg s1  }
0x29: {  	s2 =	sadd.s32 s26, s17;
	[smem:$0x7EA] =	sst s11  }
0x2a: {  	s16 =	sadd.s32 $0x4BA, s5;
	s7 =	sadd.s32 s25, s14;
	[dreg:$0x11] =	wrdreg s2  }
0x2b: {  	s19 =	sadd.s32 $0x4C4, s5;
	s18 =	sadd.s32 s17, s16;
	[smem:$0x7EE] =	sst s7  }
0x2c: {  	s20 =	sadd.s32 s17, s19;
	[smem:$0x7EF] =	sst s18  }
0x2d: {  	s21 =	sadd.s32 s17, s5;
	[smem:$0x7F1] =	sst s20  }
0x2e: {  	s29 =	sshll.u32 s10, $0x6;
	[smem:$0x7F3] =	sst s21  }
0x2f: {  	s28 =	simm.s32 $0x50;
	s7 =	sadd.s32 s25, s16;
	[smem:$0x7FC] =	sst s29  }
0x30: {  	s23 =	sadd.s32 $0x4CE, s5;
	s22 =	sadd.s32 s25, s5;
	[smem:$0x7F0] =	sst s7  }
0x31: {  	s31 =	simm.s32 $0x5;
	s24 =	sadd.s32 s17, s23;
	[smem:$0x7F4] =	sst s22  }
0x32: {  	s3 =	simm.s32 $0x1;
	s30 =	sadd.s32 $0x280, s6;
	[smem:$0x7F5] =	sst s24  }
0x33: {  	s12 =	simm.s32 $0x7;
	s0 =	sor.u32 $0x1C08, s29;
	[smem:$0x7FB] =	sst s30  }
0x34: {  	s5 =	sadd.s32 $0x4D8, s5;
	s7 =	sadd.s32 s25, s19;
	[smem:$0x7FD] =	sst s0  }
0x35: {  	s10 =	simm.s32 $0x6;
	s26 =	sadd.s32 s17, s5;
	[smem:$0x7F2] =	sst s7  }
0x36: {  	s21 =	simm.s32 $0x3;
	s5 =	sadd.s32 s25, s5;
	[smem:$0x7F7] =	sst s26  }
0x37: {  	s1 =	simm.s32 $0x0;
	s7 =	sadd.s32 s25, s23;
	[smem:$0x7F8] =	sst s5  }
0x38: {  	s0 =	simm.s32 $0x2;
	s5 =	simm.s32 $0x4;
	[smem:$0x7F6] =	sst s7  }
.LBB2_1:
0x39: {  	[smem:$0x7E8] =	sst s1  }
0x3a: {  	s6 =	rddreg [dreg:$0x14]  }
0x3b: {  	s14 =	sld [smem:$0x7FD]  }
0x3c: {  	s9 =	rddreg [dreg:$0x13];
	s8 =	sshrl.u32 s6, $0x3  }
0x3d: {  	[smem:$0x7E9] =	sst s8  }
0x3e: {  	[spmem:s8], [sflag:s14] =	dma.local [hbm:s9], $0x2800  }
0x3f: {  	s6 =	sld [smem:$0x7F3];
	_ =	sdelay $0x1  }
0x40: {  	s11 =	sld [smem:$0x7F4]  }
0x41: {  	[tilespmem:s4], [sflag:$0x1] =	stream.linear.gather [hbm4b:s6+s4], $0x50, $0x38;
	[tilespmem:$0x1E800] =	vst v63  }
0x42: {  	s13 =	simm.s32 $0x400  }
0x43: {  	[tilespmem:s13], [sflag:$0x1] =	stream.linear.gather [hbm4b:s11+s4], $0x50, $0x38;
	[tilespmem:$0x1E800] =	vst v63  }
0x44: {  	s23 =	simm.s32 $0x80;
	s14 =	rddreg [dreg:$0x15]  }
0x45: {  	[tilespmem:s23], [sflag:$0x1] =	stream.linear.gather [hbm4b:s14+s4], $0x50, $0x38;
	[tilespmem:$0x1E800] =	vst v63  }
0x46: {  	s30 =	simm.s32 $0x480;
	s15 =	rddreg [dreg:$0x16]  }
0x47: {  	[tilespmem:s30], [sflag:$0x1] =	stream.linear.gather [hbm4b:s15+s4], $0x50, $0x38;
	[tilespmem:$0x1E800] =	vst v63  }
0x48: {  	s18 =	simm.s32 $0x100;
	s16 =	rddreg [dreg:$0x17]  }
0x49: {  	[tilespmem:s18], [sflag:$0x2] =	stream.linear.gather [hbm4b:s16+s4], $0x50, $0x38;
	[tilespmem:$0x1E800] =	vst v63  }
0x4a: {  	s20 =	simm.s32 $0x500;
	s19 =	rddreg [dreg:$0x18]  }
0x4b: {  	[tilespmem:s20], [sflag:$0x2] =	stream.linear.gather [hbm4b:s19+s4], $0x50, $0x38;
	[tilespmem:$0x1E800] =	vst v63  }
0x4c: {  	s24 =	simm.s32 $0x180;
	s22 =	rddreg [dreg:$0x19]  }
0x4d: {  	[tilespmem:s24], [sflag:$0x2] =	stream.linear.gather [hbm4b:s22+s4], $0x50, $0x38;
	[tilespmem:$0x1E800] =	vst v63  }
0x4e: {  	s29 =	simm.s32 $0x8;
	s8 =	simm.s32 $0x580;
	s26 =	rddreg [dreg:$0x1a]  }
0x4f: {  	[tilespmem:s8], [sflag:$0x2] =	stream.linear.gather [hbm4b:s26+s4], $0x50, $0x38;
	[tilespmem:$0x1E800] =	vst v63  }
0x50: {  	_ =	swait.ge [sflag:s29], $0x2800  }
0x51: {  	[sflag:s29] =	ssyncset.done $0x0  }
0x52: {  	[sflag:s29] =	ssyncadd.s32 $0xFFFFD800  }
0x53: {  	[bflag:$0x0] =	sbarrier.arrive $0xFFFF  }
0x54: {  	_ =	swait.ge [sflag:s3], $0x50  }
0x55: {  	[sflag:s3] =	ssyncset.done $0x0  }
0x56: {  	[sflag:s3] =	ssyncadd.s32 $0xFFFFFFB0  }
0x57: {  	_ =	swait.ge [sflag:s3], $0x50  }
0x58: {  	[sflag:s3] =	ssyncset.done $0x0  }
0x59: {  	[sflag:s3] =	ssyncadd.s32 $0xFFFFFFB0  }
0x5a: {  	_ =	swait.ge [sflag:s3], $0x50  }
0x5b: {  	[sflag:s3] =	ssyncset.done $0x0  }
0x5c: {  	[sflag:s3] =	ssyncadd.s32 $0xFFFFFFB0  }
0x5d: {  	_ =	swait.ge [sflag:s3], $0x50  }
0x5e: {  	[sflag:s3] =	ssyncset.done $0x0  }
0x5f: {  	s19 =	simm.s32 $0x200;
	s1 =	rddreg [dreg:$0x1b];
	[sflag:s3] =	ssyncadd.s32 $0xFFFFFFB0  }
0x60: {  	[tilespmem:s19], [sflag:$0x3] =	stream.linear.gather [hbm4b:s1+s4], $0x50, $0x38;
	[tilespmem:$0x1E800] =	vst v63  }
0x61: {  	s20 =	simm.s32 $0x600;
	s7 =	rddreg [dreg:$0x1c]  }
0x62: {  	[tilespmem:s20], [sflag:$0x3] =	stream.linear.gather [hbm4b:s7+s4], $0x50, $0x38;
	[tilespmem:$0x1E800] =	vst v63  }
0x63: {  	s26 =	simm.s32 $0x280;
	s11 =	rddreg [dreg:$0x1d]  }
0x64: {  	[tilespmem:s26], [sflag:$0x3] =	stream.linear.gather [hbm4b:s11+s4], $0x50, $0x38;
	[tilespmem:$0x1E800] =	vst v63  }
0x65: {  	s24 =	simm.s32 $0x680;
	s13 =	rddreg [dreg:$0x1e]  }
0x66: {  	[tilespmem:s24], [sflag:$0x3] =	stream.linear.gather [hbm4b:s13+s4], $0x50, $0x38;
	[tilespmem:$0x1E800] =	vst v63  }
0x67: {  	s1 =	rddreg [dreg:$0x0];
	s11 =	simm.s32 $0x800  }
0x68: {  	[tilespmem:s11], [sflag:$0x5] =	stream.indirect.gather [hbm4b:s1+s28], $0x80, s4, s28, $0xb8;
	[tilespmem:$0x1E800] =	vst v63  }
0x69: {  	s13 =	simm.s32 $0x3000  }
0x6a: {  	[tilespmem:s13], [sflag:$0x5] =	stream.indirect.gather [hbm4b:s1+s28], $0x80, s23, s28, $0xb8;
	[tilespmem:$0x1E800] =	vst v63  }
0x6b: {  	_ =	swait.ge [sflag:s31], $0x2800  }
0x6c: {  	[sflag:s31] =	ssyncset.done $0x0  }
0x6d: {  	[sflag:s31] =	ssyncadd.s32 $0xFFFFD800  }
0x6e: {  	_ =	swait.ge [sflag:s31], $0x2800  }
0x6f: {  	[sflag:s31] =	ssyncset.done $0x0  }
0x70: {  	[sflag:s31] =	ssyncadd.s32 $0xFFFFD800  }
0x71: {  	s2 =	simm.s32 $0x400;
	s22 =	rddreg [dreg:$0x2]  }
0x72: {  	[spmem:s22] =	stream.indirect.scatter.add.f32 [tilespmem:s11], [sflag:$0x6], $0x80, s2, s28, $0xb8;
	[tilespmem:$0x1E800] =	vst v63  }
0x73: {  	_ = 	snop  }
0x74: {  	[spmem:s22] =	stream.indirect.scatter.add.f32 [tilespmem:s13], [sflag:$0x6], $0x80, s30, s28, $0xb8;
	[tilespmem:$0x1E800] =	vst v63  }
0x75: {  	_ =	swait.ge [sflag:s0], $0x50  }
0x76: {  	[sflag:s0] =	ssyncset.done $0x0  }
0x77: {  	[sflag:s0] =	ssyncadd.s32 $0xFFFFFFB0  }
0x78: {  	_ =	swait.ge [sflag:s0], $0x50  }
0x79: {  	[sflag:s0] =	ssyncset.done $0x0  }
0x7a: {  	[sflag:s0] =	ssyncadd.s32 $0xFFFFFFB0  }
0x7b: {  	_ =	swait.ge [sflag:s0], $0x50  }
0x7c: {  	[sflag:s0] =	ssyncset.done $0x0  }
0x7d: {  	[sflag:s0] =	ssyncadd.s32 $0xFFFFFFB0  }
0x7e: {  	_ =	swait.ge [sflag:s0], $0x50  }
0x7f: {  	[sflag:s0] =	ssyncset.done $0x0;
	s16 =	rddreg [dreg:$0x1f]  }
0x80: {  	s18 =	simm.s32 $0x300;
	s2 =	sld [smem:$0x7EA];
	[sflag:s0] =	ssyncadd.s32 $0xFFFFFFB0  }
0x81: {  	[tilespmem:s18], [sflag:$0x4] =	stream.linear.gather [hbm4b:s16+s4], $0x50, $0x38;
	[tilespmem:$0x1E800] =	vst v63  }
0x82: {  	s7 =	simm.s32 $0x700;
	s16 =	sld [smem:$0x7EB]  }
0x83: {  	[tilespmem:s7], [sflag:$0x4] =	stream.linear.gather [hbm4b:s2+s4], $0x50, $0x38;
	[tilespmem:$0x1E800] =	vst v63  }
0x84: {  	s18 =	simm.s32 $0x380;
	s2 =	sld [smem:$0x7EC]  }
0x85: {  	[tilespmem:s18], [sflag:$0x4] =	stream.linear.gather [hbm4b:s16+s4], $0x50, $0x38;
	[tilespmem:$0x1E800] =	vst v63  }
0x86: {  	s7 =	simm.s32 $0x780  }
0x87: {  	[tilespmem:s7], [sflag:$0x4] =	stream.linear.gather [hbm4b:s2+s4], $0x50, $0x38;
	[tilespmem:$0x1E800] =	vst v63  }
0x88: {  	s9 =	simm.s32 $0x100;
	s7 =	simm.s32 $0x5800  }
0x89: {  	[tilespmem:s7], [sflag:$0x5] =	stream.indirect.gather [hbm4b:s1+s28], $0x80, s9, s28, $0xb8;
	[tilespmem:$0x1E800] =	vst v63  }
0x8a: {  	s15 =	simm.s32 $0x180;
	s18 =	simm.s32 $0x8000  }
0x8b: {  	[tilespmem:s18], [sflag:$0x5] =	stream.indirect.gather [hbm4b:s1+s28], $0x80, s15, s28, $0xb8;
	[tilespmem:$0x1E800] =	vst v63  }
0x8c: {  	_ =	swait.ge [sflag:s31], $0x2800  }
0x8d: {  	[sflag:s31] =	ssyncset.done $0x0  }
0x8e: {  	[sflag:s31] =	ssyncadd.s32 $0xFFFFD800  }
0x8f: {  	_ =	swait.ge [sflag:s31], $0x2800  }
0x90: {  	[sflag:s31] =	ssyncset.done $0x0  }
0x91: {  	s14 =	simm.s32 $0x500;
	[sflag:s31] =	ssyncadd.s32 $0xFFFFD800  }
0x92: {  	[spmem:s22] =	stream.indirect.scatter.add.f32 [tilespmem:s7], [sflag:$0x7], $0x80, s14, s28, $0xb8;
	[tilespmem:$0x1E800] =	vst v63  }
0x93: {  	_ = 	snop  }
0x94: {  	[spmem:s22] =	stream.indirect.scatter.add.f32 [tilespmem:s18], [sflag:$0x7], $0x80, s8, s28, $0xb8;
	[tilespmem:$0x1E800] =	vst v63  }
0x95: {  	_ =	swait.ge [sflag:s10], $0x2800  }
0x96: {  	[sflag:s10] =	ssyncset.done $0x0  }
0x97: {  	[sflag:s10] =	ssyncadd.s32 $0xFFFFD800  }
0x98: {  	_ =	swait.ge [sflag:s10], $0x2800  }
0x99: {  	s15 =	sld [smem:$0x7FB];
	_ =	sdelay $0x2  }
0x9a: {  	[sflag:s10] =	ssyncset.done $0x0;
	s6 =	sshrl.u32 s15, $0x3  }
0x9b: {  	[sflag:s10] =	ssyncadd.s32 $0xFFFFD800;
	s9 =	sadd.s32 s17, s6  }
0x9c: {  	[tilespmem:s4], [sflag:$0x1] =	stream.linear.gather [hbm4b:s9+s4], $0x50, $0x38;
	[tilespmem:$0x1E800] =	vst v63  }
0x9d: {  	s29 =	simm.s32 $0x400;
	s6 =	sadd.s32 s25, s6;
	s9 =	rddreg [dreg:$0x11]  }
0x9e: {  	[tilespmem:s29], [sflag:$0x1] =	stream.linear.gather [hbm4b:s6+s4], $0x50, $0x38;
	[tilespmem:$0x1E800] =	vst v63  }
0x9f: {  	s25 =	rddreg [dreg:$0x10];
	s14 =	sadd.s32 $0x0, s9  }
0xa0: {  	[tilespmem:s23], [sflag:$0x1] =	stream.linear.gather [hbm4b:s14+s4], $0x50, $0x38;
	[tilespmem:$0x1E800] =	vst v63  }
0xa1: {  	s6 =	sadd.s32 $0x0, s25  }
0xa2: {  	[tilespmem:s30], [sflag:$0x1] =	stream.linear.gather [hbm4b:s6+s4], $0x50, $0x38;
	[tilespmem:$0x1E800] =	vst v63  }
0xa3: {  	_ =	swait.ge [sflag:s21], $0x50  }
0xa4: {  	[sflag:s21] =	ssyncset.done $0x0  }
0xa5: {  	[sflag:s21] =	ssyncadd.s32 $0xFFFFFFB0  }
0xa6: {  	_ =	swait.ge [sflag:s21], $0x50  }
0xa7: {  	[sflag:s21] =	ssyncset.done $0x0  }
0xa8: {  	[sflag:s21] =	ssyncadd.s32 $0xFFFFFFB0  }
0xa9: {  	_ =	swait.ge [sflag:s21], $0x50  }
0xaa: {  	[sflag:s21] =	ssyncset.done $0x0  }
0xab: {  	[sflag:s21] =	ssyncadd.s32 $0xFFFFFFB0  }
0xac: {  	_ =	swait.ge [sflag:s21], $0x50  }
0xad: {  	[sflag:s21] =	ssyncset.done $0x0  }
0xae: {  	[sflag:s21] =	ssyncadd.s32 $0xFFFFFFB0  }
0xaf: {  	[tilespmem:s11], [sflag:$0x5] =	stream.indirect.gather [hbm4b:s1+s28], $0x80, s19, s28, $0xb8;
	[tilespmem:$0x1E800] =	vst v63  }
0xb0: {  	_ = 	snop  }
0xb1: {  	[tilespmem:s13], [sflag:$0x5] =	stream.indirect.gather [hbm4b:s1+s28], $0x80, s26, s28, $0xb8;
	[tilespmem:$0x1E800] =	vst v63  }
0xb2: {  	_ =	swait.ge [sflag:s31], $0x2800  }
0xb3: {  	[sflag:s31] =	ssyncset.done $0x0  }
0xb4: {  	[sflag:s31] =	ssyncadd.s32 $0xFFFFD800  }
0xb5: {  	_ =	swait.ge [sflag:s31], $0x2800  }
0xb6: {  	[sflag:s31] =	ssyncset.done $0x0  }
0xb7: {  	[sflag:s31] =	ssyncadd.s32 $0xFFFFD800  }
0xb8: {  	[spmem:s22] =	stream.indirect.scatter.add.f32 [tilespmem:s11], [sflag:$0x6], $0x80, s20, s28, $0xb8;
	[tilespmem:$0x1E800] =	vst v63  }
0xb9: {  	_ = 	snop  }
0xba: {  	[spmem:s22] =	stream.indirect.scatter.add.f32 [tilespmem:s13], [sflag:$0x6], $0x80, s24, s28, $0xb8;
	[tilespmem:$0x1E800] =	vst v63  }
0xbb: {  	_ =	swait.ge [sflag:s12], $0x2800  }
0xbc: {  	[sflag:s12] =	ssyncset.done $0x0  }
0xbd: {  	[sflag:s12] =	ssyncadd.s32 $0xFFFFD800  }
0xbe: {  	_ =	swait.ge [sflag:s12], $0x2800  }
0xbf: {  	s2 =	simm.s32 $0x100;
	s29 =	rddreg [dreg:$0xd];
	[sflag:s12] =	ssyncset.done $0x0  }
0xc0: {  	s9 =	rddreg [dreg:$0xc];
	[sflag:s12] =	ssyncadd.s32 $0xFFFFD800;
	s6 =	sadd.s32 $0x0, s29  }
0xc1: {  	[tilespmem:s2], [sflag:$0x2] =	stream.linear.gather [hbm4b:s6+s4], $0x50, $0x38;
	[tilespmem:$0x1E800] =	vst v63  }
0xc2: {  	s16 =	simm.s32 $0x500;
	s29 =	rddreg [dreg:$0xf];
	s14 =	sadd.s32 $0x0, s9  }
0xc3: {  	[tilespmem:s16], [sflag:$0x2] =	stream.linear.gather [hbm4b:s14+s4], $0x50, $0x38;
	[tilespmem:$0x1E800] =	vst v63  }
0xc4: {  	s9 =	simm.s32 $0x180;
	s2 =	rddreg [dreg:$0xe];
	s6 =	sadd.s32 $0x0, s29  }
0xc5: {  	[tilespmem:s9], [sflag:$0x2] =	stream.linear.gather [hbm4b:s6+s4], $0x50, $0x38;
	[tilespmem:$0x1E800] =	vst v63  }
0xc6: {  	s14 =	sadd.s32 $0x0, s2  }
0xc7: {  	[tilespmem:s8], [sflag:$0x2] =	stream.linear.gather [hbm4b:s14+s4], $0x50, $0x38;
	[tilespmem:$0x1E800] =	vst v63  }
0xc8: {  	_ =	swait.ge [sflag:s5], $0x50  }
0xc9: {  	[sflag:s5] =	ssyncset.done $0x0  }
0xca: {  	[sflag:s5] =	ssyncadd.s32 $0xFFFFFFB0  }
0xcb: {  	_ =	swait.ge [sflag:s5], $0x50  }
0xcc: {  	[sflag:s5] =	ssyncset.done $0x0  }
0xcd: {  	[sflag:s5] =	ssyncadd.s32 $0xFFFFFFB0  }
0xce: {  	_ =	swait.ge [sflag:s5], $0x50  }
0xcf: {  	[sflag:s5] =	ssyncset.done $0x0  }
0xd0: {  	[sflag:s5] =	ssyncadd.s32 $0xFFFFFFB0  }
0xd1: {  	_ =	swait.ge [sflag:s5], $0x50  }
0xd2: {  	[sflag:s5] =	ssyncset.done $0x0  }
0xd3: {  	s9 =	simm.s32 $0x300;
	[sflag:s5] =	ssyncadd.s32 $0xFFFFFFB0  }
0xd4: {  	[tilespmem:s7], [sflag:$0x5] =	stream.indirect.gather [hbm4b:s1+s28], $0x80, s9, s28, $0xb8;
	[tilespmem:$0x1E800] =	vst v63  }
0xd5: {  	s29 =	simm.s32 $0x380  }
0xd6: {  	[tilespmem:s18], [sflag:$0x5] =	stream.indirect.gather [hbm4b:s1+s28], $0x80, s29, s28, $0xb8;
	[tilespmem:$0x1E800] =	vst v63  }
0xd7: {  	_ =	swait.ge [sflag:s31], $0x2800  }
0xd8: {  	[sflag:s31] =	ssyncset.done $0x0  }
0xd9: {  	[sflag:s31] =	ssyncadd.s32 $0xFFFFD800  }
0xda: {  	_ =	swait.ge [sflag:s31], $0x2800  }
0xdb: {  	[sflag:s31] =	ssyncset.done $0x0  }
0xdc: {  	s2 =	simm.s32 $0x700;
	[sflag:s31] =	ssyncadd.s32 $0xFFFFD800  }
0xdd: {  	[spmem:s22] =	stream.indirect.scatter.add.f32 [tilespmem:s7], [sflag:$0x7], $0x80, s2, s28, $0xb8;
	[tilespmem:$0x1E800] =	vst v63  }
0xde: {  	s8 =	simm.s32 $0x780  }
0xdf: {  	[spmem:s22] =	stream.indirect.scatter.add.f32 [tilespmem:s18], [sflag:$0x7], $0x80, s8, s28, $0xb8;
	[tilespmem:$0x1E800] =	vst v63  }
0xe0: {  	_ =	swait.ge [sflag:s10], $0x2800  }
0xe1: {  	[sflag:s10] =	ssyncset.done $0x0  }
0xe2: {  	[sflag:s10] =	ssyncadd.s32 $0xFFFFD800  }
0xe3: {  	_ =	swait.ge [sflag:s10], $0x2800  }
0xe4: {  	s6 =	rddreg [dreg:$0x9];
	[sflag:s10] =	ssyncset.done $0x0  }
0xe5: {  	s14 =	rddreg [dreg:$0x8];
	[sflag:s10] =	ssyncadd.s32 $0xFFFFD800;
	s6 =	sadd.s32 $0x0, s6  }
0xe6: {  	[tilespmem:s19], [sflag:$0x3] =	stream.linear.gather [hbm4b:s6+s4], $0x50, $0x38;
	[tilespmem:$0x1E800] =	vst v63  }
0xe7: {  	s14 =	sadd.s32 $0x0, s14;
	s19 =	rddreg [dreg:$0xb]  }
0xe8: {  	[tilespmem:s20], [sflag:$0x3] =	stream.linear.gather [hbm4b:s14+s4], $0x50, $0x38;
	[tilespmem:$0x1E800] =	vst v63  }
0xe9: {  	s6 =	sadd.s32 $0x0, s19;
	s20 =	rddreg [dreg:$0xa]  }
0xea: {  	[tilespmem:s26], [sflag:$0x3] =	stream.linear.gather [hbm4b:s6+s4], $0x50, $0x38;
	[tilespmem:$0x1E800] =	vst v63  }
0xeb: {  	s14 =	sadd.s32 $0x0, s20  }
0xec: {  	[tilespmem:s24], [sflag:$0x3] =	stream.linear.gather [hbm4b:s14+s4], $0x50, $0x38;
	[tilespmem:$0x1E800] =	vst v63  }
0xed: {  	_ =	swait.ge [sflag:s3], $0x50  }
0xee: {  	[sflag:s3] =	ssyncset.done $0x0  }
0xef: {  	[sflag:s3] =	ssyncadd.s32 $0xFFFFFFB0  }
0xf0: {  	_ =	swait.ge [sflag:s3], $0x50  }
0xf1: {  	[sflag:s3] =	ssyncset.done $0x0  }
0xf2: {  	[sflag:s3] =	ssyncadd.s32 $0xFFFFFFB0  }
0xf3: {  	_ =	swait.ge [sflag:s3], $0x50  }
0xf4: {  	[sflag:s3] =	ssyncset.done $0x0  }
0xf5: {  	[sflag:s3] =	ssyncadd.s32 $0xFFFFFFB0  }
0xf6: {  	_ =	swait.ge [sflag:s3], $0x50  }
0xf7: {  	[sflag:s3] =	ssyncset.done $0x0  }
0xf8: {  	[sflag:s3] =	ssyncadd.s32 $0xFFFFFFB0  }
0xf9: {  	[tilespmem:s11], [sflag:$0x5] =	stream.indirect.gather [hbm4b:s1+s28], $0x80, s4, s28, $0xb8;
	[tilespmem:$0x1E800] =	vst v63  }
0xfa: {  	_ = 	snop  }
0xfb: {  	[tilespmem:s13], [sflag:$0x5] =	stream.indirect.gather [hbm4b:s1+s28], $0x80, s23, s28, $0xb8;
	[tilespmem:$0x1E800] =	vst v63  }
0xfc: {  	_ =	swait.ge [sflag:s31], $0x2800  }
0xfd: {  	[sflag:s31] =	ssyncset.done $0x0  }
0xfe: {  	[sflag:s31] =	ssyncadd.s32 $0xFFFFD800  }
0xff: {  	_ =	swait.ge [sflag:s31], $0x2800  }
0x100: {  	[sflag:s31] =	ssyncset.done $0x0  }
0x101: {  	s19 =	simm.s32 $0x400;
	[sflag:s31] =	ssyncadd.s32 $0xFFFFD800  }
0x102: {  	[spmem:s22] =	stream.indirect.scatter.add.f32 [tilespmem:s11], [sflag:$0x6], $0x80, s19, s28, $0xb8;
	[tilespmem:$0x1E800] =	vst v63  }
0x103: {  	_ = 	snop  }
0x104: {  	[spmem:s22] =	stream.indirect.scatter.add.f32 [tilespmem:s13], [sflag:$0x6], $0x80, s30, s28, $0xb8;
	[tilespmem:$0x1E800] =	vst v63  }
0x105: {  	_ =	swait.ge [sflag:s12], $0x2800  }
0x106: {  	[sflag:s12] =	ssyncset.done $0x0  }
0x107: {  	[sflag:s12] =	ssyncadd.s32 $0xFFFFD800  }
0x108: {  	_ =	swait.ge [sflag:s12], $0x2800  }
0x109: {  	s20 =	rddreg [dreg:$0x5];
	[sflag:s12] =	ssyncset.done $0x0  }
0x10a: {  	s23 =	rddreg [dreg:$0x4];
	[sflag:s12] =	ssyncadd.s32 $0xFFFFD800;
	s6 =	sadd.s32 $0x0, s20  }
0x10b: {  	[tilespmem:s9], [sflag:$0x4] =	stream.linear.gather [hbm4b:s6+s4], $0x50, $0x38;
	[tilespmem:$0x1E800] =	vst v63  }
0x10c: {  	s24 =	rddreg [dreg:$0x7];
	s14 =	sadd.s32 $0x0, s23  }
0x10d: {  	[tilespmem:s2], [sflag:$0x4] =	stream.linear.gather [hbm4b:s14+s4], $0x50, $0x38;
	[tilespmem:$0x1E800] =	vst v63  }
0x10e: {  	s26 =	rddreg [dreg:$0x6];
	s6 =	sadd.s32 $0x0, s24  }
0x10f: {  	[tilespmem:s29], [sflag:$0x4] =	stream.linear.gather [hbm4b:s6+s4], $0x50, $0x38;
	[tilespmem:$0x1E800] =	vst v63  }
0x110: {  	s29 =	sadd.s32 $0x0, s26  }
0x111: {  	[tilespmem:s8], [sflag:$0x4] =	stream.linear.gather [hbm4b:s29+s4], $0x50, $0x38;
	[tilespmem:$0x1E800] =	vst v63  }
0x112: {  	_ =	swait.ge [sflag:s0], $0x50  }
0x113: {  	[sflag:s0] =	ssyncset.done $0x0  }
0x114: {  	[sflag:s0] =	ssyncadd.s32 $0xFFFFFFB0  }
0x115: {  	_ =	swait.ge [sflag:s0], $0x50  }
0x116: {  	[sflag:s0] =	ssyncset.done $0x0  }
0x117: {  	[sflag:s0] =	ssyncadd.s32 $0xFFFFFFB0  }
0x118: {  	_ =	swait.ge [sflag:s0], $0x50  }
0x119: {  	[sflag:s0] =	ssyncset.done $0x0  }
0x11a: {  	[sflag:s0] =	ssyncadd.s32 $0xFFFFFFB0  }
0x11b: {  	_ =	swait.ge [sflag:s0], $0x50  }
0x11c: {  	[sflag:s0] =	ssyncset.done $0x0  }
0x11d: {  	s25 =	simm.s32 $0x100;
	[sflag:s0] =	ssyncadd.s32 $0xFFFFFFB0  }
0x11e: {  	[tilespmem:s7], [sflag:$0x5] =	stream.indirect.gather [hbm4b:s1+s28], $0x80, s25, s28, $0xb8;
	[tilespmem:$0x1E800] =	vst v63  }
0x11f: {  	s16 =	simm.s32 $0x180  }
0x120: {  	[tilespmem:s18], [sflag:$0x5] =	stream.indirect.gather [hbm4b:s1+s28], $0x80, s16, s28, $0xb8;
	[tilespmem:$0x1E800] =	vst v63  }
0x121: {  	_ =	swait.ge [sflag:s31], $0x2800  }
0x122: {  	[sflag:s31] =	ssyncset.done $0x0  }
0x123: {  	[sflag:s31] =	ssyncadd.s32 $0xFFFFD800  }
0x124: {  	_ =	swait.ge [sflag:s31], $0x2800  }
0x125: {  	s30 =	simm.s32 $0x500;
	[sflag:s31] =	ssyncset.done $0x0  }
0x126: {  	s14 =	sadd.s32 $0x280, s15;
	s6 =	simm.s32 $0x50;
	[sflag:s31] =	ssyncadd.s32 $0xFFFFD800  }
0x127: {  	[spmem:s22] =	stream.indirect.scatter.add.f32 [tilespmem:s7], [sflag:$0x7], $0x80, s30, s28, $0xb8;
	[tilespmem:$0x1E800] =	vst v63  }
.LBB2_2:
0x128: {  	s8 =	simm.s32 $0x580;
	s22 =	rddreg [dreg:$0x2];
	s1 =	simm.s32 $0x8000  }
0x129: {  	[spmem:s22] =	stream.indirect.scatter.add.f32 [tilespmem:s1], [sflag:$0x7], $0x80, s8, s28, $0xb8;
	[tilespmem:$0x1E800] =	vst v63  }
0x12a: {  	_ =	swait.ge [sflag:s10], $0x2800  }
0x12b: {  	[sflag:s10] =	ssyncset.done $0x0  }
0x12c: {  	[sflag:s10] =	ssyncadd.s32 $0xFFFFD800  }
0x12d: {  	_ =	swait.ge [sflag:s10], $0x2800  }
0x12e: {  	s15 =	smov.u32 s6;
	s16 =	sshrl.u32 s14, $0x3;
	[sflag:s10] =	ssyncset.done $0x0  }
0x12f: {  	s1 =	sadd.s32 s17, s16;
	s2 =	rddreg [dreg:$0x12];
	[sflag:s10] =	ssyncadd.s32 $0xFFFFD800  }
0x130: {  	[tilespmem:s4], [sflag:$0x1] =	stream.linear.gather [hbm4b:s1+s4], $0x50, $0x38;
	[tilespmem:$0x1E800] =	vst v63  }
0x131: {  	s9 =	simm.s32 $0x400;
	s18 =	rddreg [dreg:$0x11];
	s16 =	sadd.s32 s2, s16  }
0x132: {  	[tilespmem:s9], [sflag:$0x1] =	stream.linear.gather [hbm4b:s16+s4], $0x50, $0x38;
	[tilespmem:$0x1E800] =	vst v63  }
0x133: {  	s24 =	simm.s32 $0x80;
	s7 =	rddreg [dreg:$0x10];
	s11 =	sadd.s32 s15, s18  }
0x134: {  	[tilespmem:s24], [sflag:$0x1] =	stream.linear.gather [hbm4b:s11+s4], $0x50, $0x38;
	[tilespmem:$0x1E800] =	vst v63  }
0x135: {  	s23 =	simm.s32 $0x480;
	s13 =	sadd.s32 s15, s7  }
0x136: {  	[tilespmem:s23], [sflag:$0x1] =	stream.linear.gather [hbm4b:s13+s4], $0x50, $0x38;
	[tilespmem:$0x1E800] =	vst v63  }
0x137: {  	_ =	swait.ge [sflag:s21], $0x50  }
0x138: {  	[sflag:s21] =	ssyncset.done $0x0  }
0x139: {  	[sflag:s21] =	ssyncadd.s32 $0xFFFFFFB0  }
0x13a: {  	_ =	swait.ge [sflag:s21], $0x50  }
0x13b: {  	[sflag:s21] =	ssyncset.done $0x0  }
0x13c: {  	[sflag:s21] =	ssyncadd.s32 $0xFFFFFFB0  }
0x13d: {  	_ =	swait.ge [sflag:s21], $0x50  }
0x13e: {  	[sflag:s21] =	ssyncset.done $0x0  }
0x13f: {  	[sflag:s21] =	ssyncadd.s32 $0xFFFFFFB0  }
0x140: {  	_ =	swait.ge [sflag:s21], $0x50  }
0x141: {  	[sflag:s21] =	ssyncset.done $0x0  }
0x142: {  	[sflag:s21] =	ssyncadd.s32 $0xFFFFFFB0  }
0x143: {  	s9 =	simm.s32 $0x200;
	s11 =	simm.s32 $0x800;
	s2 =	rddreg [dreg:$0x0]  }
0x144: {  	[tilespmem:s11], [sflag:$0x5] =	stream.indirect.gather [hbm4b:s2+s28], $0x80, s9, s28, $0xb8;
	[tilespmem:$0x1E800] =	vst v63  }
0x145: {  	s20 =	simm.s32 $0x280;
	s13 =	simm.s32 $0x3000  }
0x146: {  	[tilespmem:s13], [sflag:$0x5] =	stream.indirect.gather [hbm4b:s2+s28], $0x80, s20, s28, $0xb8;
	[tilespmem:$0x1E800] =	vst v63  }
0x147: {  	_ =	swait.ge [sflag:s31], $0x2800  }
0x148: {  	[sflag:s31] =	ssyncset.done $0x0  }
0x149: {  	[sflag:s31] =	ssyncadd.s32 $0xFFFFD800  }
0x14a: {  	_ =	swait.ge [sflag:s31], $0x2800  }
0x14b: {  	[sflag:s31] =	ssyncset.done $0x0  }
0x14c: {  	s29 =	simm.s32 $0x600;
	[sflag:s31] =	ssyncadd.s32 $0xFFFFD800  }
0x14d: {  	[spmem:s22] =	stream.indirect.scatter.add.f32 [tilespmem:s11], [sflag:$0x6], $0x80, s29, s28, $0xb8;
	[tilespmem:$0x1E800] =	vst v63  }
0x14e: {  	s30 =	simm.s32 $0x680  }
0x14f: {  	[spmem:s22] =	stream.indirect.scatter.add.f32 [tilespmem:s13], [sflag:$0x6], $0x80, s30, s28, $0xb8;
	[tilespmem:$0x1E800] =	vst v63  }
0x150: {  	_ =	swait.ge [sflag:s12], $0x2800  }
0x151: {  	[sflag:s12] =	ssyncset.done $0x0  }
0x152: {  	[sflag:s12] =	ssyncadd.s32 $0xFFFFD800  }
0x153: {  	s19 =	smov.u32 s17;
	_ =	swait.ge [sflag:s12], $0x2800  }
0x154: {  	s26 =	simm.s32 $0x100;
	s17 =	rddreg [dreg:$0xd];
	[sflag:s12] =	ssyncset.done $0x0  }
0x155: {  	s18 =	rddreg [dreg:$0xc];
	[sflag:s12] =	ssyncadd.s32 $0xFFFFD800;
	s16 =	sadd.s32 s15, s17  }
0x156: {  	[tilespmem:s26], [sflag:$0x2] =	stream.linear.gather [hbm4b:s16+s4], $0x50, $0x38;
	[tilespmem:$0x1E800] =	vst v63  }
0x157: {  	s7 =	simm.s32 $0x500;
	s25 =	rddreg [dreg:$0xf];
	s1 =	sadd.s32 s15, s18  }
0x158: {  	[tilespmem:s7], [sflag:$0x2] =	stream.linear.gather [hbm4b:s1+s4], $0x50, $0x38;
	[tilespmem:$0x1E800] =	vst v63  }
0x159: {  	s17 =	rddreg [dreg:$0xe];
	s25 =	sadd.s32 s15, s25;
	s26 =	simm.s32 $0x180  }
0x15a: {  	[tilespmem:s26], [sflag:$0x2] =	stream.linear.gather [hbm4b:s25+s4], $0x50, $0x38;
	[tilespmem:$0x1E800] =	vst v63  }
0x15b: {  	s7 =	sadd.s32 s15, s17  }
0x15c: {  	[tilespmem:s8], [sflag:$0x2] =	stream.linear.gather [hbm4b:s7+s4], $0x50, $0x38;
	[tilespmem:$0x1E800] =	vst v63  }
0x15d: {  	_ =	swait.ge [sflag:s5], $0x50  }
0x15e: {  	[sflag:s5] =	ssyncset.done $0x0  }
0x15f: {  	[sflag:s5] =	ssyncadd.s32 $0xFFFFFFB0  }
0x160: {  	_ =	swait.ge [sflag:s5], $0x50  }
0x161: {  	[sflag:s5] =	ssyncset.done $0x0  }
0x162: {  	[sflag:s5] =	ssyncadd.s32 $0xFFFFFFB0  }
0x163: {  	_ =	swait.ge [sflag:s5], $0x50  }
0x164: {  	[sflag:s5] =	ssyncset.done $0x0  }
0x165: {  	[sflag:s5] =	ssyncadd.s32 $0xFFFFFFB0  }
0x166: {  	_ =	swait.ge [sflag:s5], $0x50  }
0x167: {  	[sflag:s5] =	ssyncset.done $0x0  }
0x168: {  	s1 =	simm.s32 $0x300;
	s7 =	simm.s32 $0x5800;
	[sflag:s5] =	ssyncadd.s32 $0xFFFFFFB0  }
0x169: {  	[tilespmem:s7], [sflag:$0x5] =	stream.indirect.gather [hbm4b:s2+s28], $0x80, s1, s28, $0xb8;
	[tilespmem:$0x1E800] =	vst v63  }
0x16a: {  	s17 =	simm.s32 $0x8000;
	s25 =	simm.s32 $0x380  }
0x16b: {  	[tilespmem:s17], [sflag:$0x5] =	stream.indirect.gather [hbm4b:s2+s28], $0x80, s25, s28, $0xb8;
	[tilespmem:$0x1E800] =	vst v63  }
0x16c: {  	_ =	swait.ge [sflag:s31], $0x2800  }
0x16d: {  	[sflag:s31] =	ssyncset.done $0x0  }
0x16e: {  	[sflag:s31] =	ssyncadd.s32 $0xFFFFD800  }
0x16f: {  	_ =	swait.ge [sflag:s31], $0x2800  }
0x170: {  	[sflag:s31] =	ssyncset.done $0x0  }
0x171: {  	s8 =	simm.s32 $0x700;
	[sflag:s31] =	ssyncadd.s32 $0xFFFFD800  }
0x172: {  	[spmem:s22] =	stream.indirect.scatter.add.f32 [tilespmem:s7], [sflag:$0x7], $0x80, s8, s28, $0xb8;
	[tilespmem:$0x1E800] =	vst v63  }
0x173: {  	s26 =	simm.s32 $0x780  }
0x174: {  	[spmem:s22] =	stream.indirect.scatter.add.f32 [tilespmem:s17], [sflag:$0x7], $0x80, s26, s28, $0xb8;
	[tilespmem:$0x1E800] =	vst v63  }
0x175: {  	_ =	swait.ge [sflag:s10], $0x2800  }
0x176: {  	[sflag:s10] =	ssyncset.done $0x0  }
0x177: {  	[sflag:s10] =	ssyncadd.s32 $0xFFFFD800  }
0x178: {  	_ =	swait.ge [sflag:s10], $0x2800  }
0x179: {  	s18 =	rddreg [dreg:$0x9];
	[sflag:s10] =	ssyncset.done $0x0  }
0x17a: {  	s17 =	rddreg [dreg:$0x8];
	[sflag:s10] =	ssyncadd.s32 $0xFFFFD800;
	s16 =	sadd.s32 s15, s18  }
0x17b: {  	[tilespmem:s9], [sflag:$0x3] =	stream.linear.gather [hbm4b:s16+s4], $0x50, $0x38;
	[tilespmem:$0x1E800] =	vst v63  }
0x17c: {  	s18 =	rddreg [dreg:$0xb];
	s16 =	sadd.s32 s15, s17  }
0x17d: {  	[tilespmem:s29], [sflag:$0x3] =	stream.linear.gather [hbm4b:s16+s4], $0x50, $0x38;
	[tilespmem:$0x1E800] =	vst v63  }
0x17e: {  	s17 =	rddreg [dreg:$0xa];
	s18 =	sadd.s32 s15, s18  }
0x17f: {  	[tilespmem:s20], [sflag:$0x3] =	stream.linear.gather [hbm4b:s18+s4], $0x50, $0x38;
	[tilespmem:$0x1E800] =	vst v63  }
0x180: {  	s18 =	sadd.s32 s15, s17  }
0x181: {  	[tilespmem:s30], [sflag:$0x3] =	stream.linear.gather [hbm4b:s18+s4], $0x50, $0x38;
	[tilespmem:$0x1E800] =	vst v63  }
0x182: {  	_ =	swait.ge [sflag:s3], $0x50  }
0x183: {  	[sflag:s3] =	ssyncset.done $0x0  }
0x184: {  	[sflag:s3] =	ssyncadd.s32 $0xFFFFFFB0  }
0x185: {  	_ =	swait.ge [sflag:s3], $0x50  }
0x186: {  	[sflag:s3] =	ssyncset.done $0x0  }
0x187: {  	[sflag:s3] =	ssyncadd.s32 $0xFFFFFFB0  }
0x188: {  	_ =	swait.ge [sflag:s3], $0x50  }
0x189: {  	[sflag:s3] =	ssyncset.done $0x0  }
0x18a: {  	[sflag:s3] =	ssyncadd.s32 $0xFFFFFFB0  }
0x18b: {  	_ =	swait.ge [sflag:s3], $0x50  }
0x18c: {  	[sflag:s3] =	ssyncset.done $0x0  }
0x18d: {  	[sflag:s3] =	ssyncadd.s32 $0xFFFFFFB0  }
0x18e: {  	[tilespmem:s11], [sflag:$0x5] =	stream.indirect.gather [hbm4b:s2+s28], $0x80, s4, s28, $0xb8;
	[tilespmem:$0x1E800] =	vst v63  }
0x18f: {  	_ = 	snop  }
0x190: {  	[tilespmem:s13], [sflag:$0x5] =	stream.indirect.gather [hbm4b:s2+s28], $0x80, s24, s28, $0xb8;
	[tilespmem:$0x1E800] =	vst v63  }
0x191: {  	_ =	swait.ge [sflag:s31], $0x2800  }
0x192: {  	[sflag:s31] =	ssyncset.done $0x0  }
0x193: {  	[sflag:s31] =	ssyncadd.s32 $0xFFFFD800  }
0x194: {  	_ =	swait.ge [sflag:s31], $0x2800  }
0x195: {  	[sflag:s31] =	ssyncset.done $0x0  }
0x196: {  	s17 =	simm.s32 $0x400;
	[sflag:s31] =	ssyncadd.s32 $0xFFFFD800  }
0x197: {  	[spmem:s22] =	stream.indirect.scatter.add.f32 [tilespmem:s11], [sflag:$0x6], $0x80, s17, s28, $0xb8;
	[tilespmem:$0x1E800] =	vst v63  }
0x198: {  	_ = 	snop  }
0x199: {  	[spmem:s22] =	stream.indirect.scatter.add.f32 [tilespmem:s13], [sflag:$0x6], $0x80, s23, s28, $0xb8;
	[tilespmem:$0x1E800] =	vst v63  }
0x19a: {  	_ =	swait.ge [sflag:s12], $0x2800  }
0x19b: {  	[sflag:s12] =	ssyncset.done $0x0  }
0x19c: {  	[sflag:s12] =	ssyncadd.s32 $0xFFFFD800  }
0x19d: {  	_ =	swait.ge [sflag:s12], $0x2800  }
0x19e: {  	s18 =	rddreg [dreg:$0x5];
	[sflag:s12] =	ssyncset.done $0x0  }
0x19f: {  	s23 =	rddreg [dreg:$0x4];
	[sflag:s12] =	ssyncadd.s32 $0xFFFFD800;
	s16 =	sadd.s32 s15, s18  }
0x1a0: {  	[tilespmem:s1], [sflag:$0x4] =	stream.linear.gather [hbm4b:s16+s4], $0x50, $0x38;
	[tilespmem:$0x1E800] =	vst v63  }
0x1a1: {  	s24 =	rddreg [dreg:$0x7];
	s30 =	sadd.s32 s15, s23  }
0x1a2: {  	[tilespmem:s8], [sflag:$0x4] =	stream.linear.gather [hbm4b:s30+s4], $0x50, $0x38;
	[tilespmem:$0x1E800] =	vst v63  }
0x1a3: {  	s11 =	sadd.s32 s15, s24;
	s1 =	rddreg [dreg:$0x6]  }
0x1a4: {  	[tilespmem:s25], [sflag:$0x4] =	stream.linear.gather [hbm4b:s11+s4], $0x50, $0x38;
	[tilespmem:$0x1E800] =	vst v63  }
0x1a5: {  	s15 =	sadd.s32 s15, s1  }
0x1a6: {  	[tilespmem:s26], [sflag:$0x4] =	stream.linear.gather [hbm4b:s15+s4], $0x50, $0x38;
	[tilespmem:$0x1E800] =	vst v63  }
0x1a7: {  	_ =	swait.ge [sflag:s0], $0x50  }
0x1a8: {  	[sflag:s0] =	ssyncset.done $0x0  }
0x1a9: {  	[sflag:s0] =	ssyncadd.s32 $0xFFFFFFB0  }
0x1aa: {  	_ =	swait.ge [sflag:s0], $0x50  }
0x1ab: {  	[sflag:s0] =	ssyncset.done $0x0  }
0x1ac: {  	[sflag:s0] =	ssyncadd.s32 $0xFFFFFFB0  }
0x1ad: {  	_ =	swait.ge [sflag:s0], $0x50  }
0x1ae: {  	[sflag:s0] =	ssyncset.done $0x0  }
0x1af: {  	[sflag:s0] =	ssyncadd.s32 $0xFFFFFFB0  }
0x1b0: {  	_ =	swait.ge [sflag:s0], $0x50  }
0x1b1: {  	[sflag:s0] =	ssyncset.done $0x0  }
0x1b2: {  	s18 =	simm.s32 $0x100;
	[sflag:s0] =	ssyncadd.s32 $0xFFFFFFB0  }
0x1b3: {  	[tilespmem:s7], [sflag:$0x5] =	stream.indirect.gather [hbm4b:s2+s28], $0x80, s18, s28, $0xb8;
	[tilespmem:$0x1E800] =	vst v63  }
0x1b4: {  	s17 =	smov.u32 s19;
	s19 =	simm.s32 $0x180;
	s26 =	simm.s32 $0x8000  }
0x1b5: {  	[tilespmem:s26], [sflag:$0x5] =	stream.indirect.gather [hbm4b:s2+s28], $0x80, s19, s28, $0xb8;
	[tilespmem:$0x1E800] =	vst v63  }
0x1b6: {  	p0 =	sne.s32 s6, $0x410;
	s6 =	sadd.s32 $0x50, s6;
	_ =	swait.ge [sflag:s31], $0x2800  }
0x1b7: {  	s14 =	sadd.s32 $0x280, s14;
	s9 =	simm.s32 $0x600;
	[sflag:s31] =	ssyncset.done $0x0  }
.Ltmp0:
0x1b8: {  	s29 =	simm.s32 $0x280;
	[sflag:s31] =	ssyncadd.s32 $0xFFFFD800;
	(pc) =	sbr.rel @p0 .LBB2_2-.Ltmp0, $4  }
0x1b9: {  	s20 =	simm.s32 $0x680;
	s13 =	simm.s32 $0x300;
	_ =	swait.ge [sflag:s31], $0x2800  }
0x1ba: {  	s23 =	simm.s32 $0x700;
	s24 =	simm.s32 $0x380;
	[sflag:s31] =	ssyncset.done $0x0  }
0x1bb: {  	s30 =	simm.s32 $0x500;
	s25 =	simm.s32 $0x780;
	[sflag:s31] =	ssyncadd.s32 $0xFFFFD800  }
0x1bc: {  	[spmem:s22] =	stream.indirect.scatter.add.f32 [tilespmem:s7], [sflag:$0x7], $0x80, s30, s28, $0xb8;
	[tilespmem:$0x1E800] =	vst v63  }
0x1bd: {  	s19 =	simm.s32 $0x580;
	s2 =	rddreg [dreg:$0x2];
	s22 =	simm.s32 $0x8000  }
0x1be: {  	[spmem:s2] =	stream.indirect.scatter.add.f32 [tilespmem:s22], [sflag:$0x7], $0x80, s19, s28, $0xb8;
	[tilespmem:$0x1E800] =	vst v63  }
0x1bf: {  	_ =	swait.ge [sflag:s10], $0x2800  }
0x1c0: {  	[sflag:s10] =	ssyncset.done $0x0  }
0x1c1: {  	[sflag:s10] =	ssyncadd.s32 $0xFFFFD800  }
0x1c2: {  	_ =	swait.ge [sflag:s10], $0x2800  }
0x1c3: {  	s6 =	sld [smem:$0x7ED]  }
0x1c4: {  	[sflag:s10] =	ssyncset.done $0x0  }
0x1c5: {  	s16 =	sld [smem:$0x7EE];
	[sflag:s10] =	ssyncadd.s32 $0xFFFFD800  }
0x1c6: {  	[tilespmem:s4], [sflag:$0x1] =	stream.linear.gather [hbm4b:s6+s4], $0x50, $0x38;
	[tilespmem:$0x1E800] =	vst v63  }
0x1c7: {  	s14 =	simm.s32 $0x400;
	s18 =	sld [smem:$0x7EF]  }
0x1c8: {  	[tilespmem:s14], [sflag:$0x1] =	stream.linear.gather [hbm4b:s16+s4], $0x50, $0x38;
	[tilespmem:$0x1E800] =	vst v63  }
0x1c9: {  	s15 =	simm.s32 $0x80;
	s26 =	sld [smem:$0x7F0]  }
0x1ca: {  	[tilespmem:s15], [sflag:$0x1] =	stream.linear.gather [hbm4b:s18+s4], $0x50, $0x38;
	[tilespmem:$0x1E800] =	vst v63  }
0x1cb: {  	s16 =	simm.s32 $0x480  }
0x1cc: {  	[tilespmem:s16], [sflag:$0x1] =	stream.linear.gather [hbm4b:s26+s4], $0x50, $0x38;
	[tilespmem:$0x1E800] =	vst v63  }
0x1cd: {  	_ =	swait.ge [sflag:s21], $0x50  }
0x1ce: {  	[sflag:s21] =	ssyncset.done $0x0  }
0x1cf: {  	[sflag:s21] =	ssyncadd.s32 $0xFFFFFFB0  }
0x1d0: {  	_ =	swait.ge [sflag:s21], $0x50  }
0x1d1: {  	[sflag:s21] =	ssyncset.done $0x0  }
0x1d2: {  	[sflag:s21] =	ssyncadd.s32 $0xFFFFFFB0  }
0x1d3: {  	_ =	swait.ge [sflag:s21], $0x50  }
0x1d4: {  	[sflag:s21] =	ssyncset.done $0x0  }
0x1d5: {  	[sflag:s21] =	ssyncadd.s32 $0xFFFFFFB0  }
0x1d6: {  	_ =	swait.ge [sflag:s21], $0x50  }
0x1d7: {  	[sflag:s21] =	ssyncset.done $0x0  }
0x1d8: {  	[sflag:s21] =	ssyncadd.s32 $0xFFFFFFB0  }
0x1d9: {  	s11 =	simm.s32 $0x800;
	s30 =	simm.s32 $0x200;
	s1 =	rddreg [dreg:$0x0]  }
0x1da: {  	[tilespmem:s11], [sflag:$0x5] =	stream.indirect.gather [hbm4b:s1+s28], $0x80, s30, s28, $0xb8;
	[tilespmem:$0x1E800] =	vst v63  }
0x1db: {  	s8 =	simm.s32 $0x3000  }
0x1dc: {  	[tilespmem:s8], [sflag:$0x5] =	stream.indirect.gather [hbm4b:s1+s28], $0x80, s29, s28, $0xb8;
	[tilespmem:$0x1E800] =	vst v63  }
0x1dd: {  	_ =	swait.ge [sflag:s31], $0x2800  }
0x1de: {  	[sflag:s31] =	ssyncset.done $0x0  }
0x1df: {  	[sflag:s31] =	ssyncadd.s32 $0xFFFFD800  }
0x1e0: {  	_ =	swait.ge [sflag:s31], $0x2800  }
0x1e1: {  	[sflag:s31] =	ssyncset.done $0x0  }
0x1e2: {  	[sflag:s31] =	ssyncadd.s32 $0xFFFFD800  }
0x1e3: {  	[spmem:s2] =	stream.indirect.scatter.add.f32 [tilespmem:s11], [sflag:$0x6], $0x80, s9, s28, $0xb8;
	[tilespmem:$0x1E800] =	vst v63  }
0x1e4: {  	_ = 	snop  }
0x1e5: {  	[spmem:s2] =	stream.indirect.scatter.add.f32 [tilespmem:s8], [sflag:$0x6], $0x80, s20, s28, $0xb8;
	[tilespmem:$0x1E800] =	vst v63  }
0x1e6: {  	_ =	swait.ge [sflag:s12], $0x2800  }
0x1e7: {  	[sflag:s12] =	ssyncset.done $0x0  }
0x1e8: {  	[sflag:s12] =	ssyncadd.s32 $0xFFFFD800  }
0x1e9: {  	_ =	swait.ge [sflag:s12], $0x2800  }
0x1ea: {  	s7 =	sld [smem:$0x7F1]  }
0x1eb: {  	[sflag:s12] =	ssyncset.done $0x0  }
0x1ec: {  	s18 =	simm.s32 $0x100;
	s9 =	sld [smem:$0x7F2];
	[sflag:s12] =	ssyncadd.s32 $0xFFFFD800  }
0x1ed: {  	[tilespmem:s18], [sflag:$0x2] =	stream.linear.gather [hbm4b:s7+s4], $0x50, $0x38;
	[tilespmem:$0x1E800] =	vst v63  }
0x1ee: {  	s20 =	simm.s32 $0x500;
	s26 =	sld [smem:$0x7F5]  }
0x1ef: {  	[tilespmem:s20], [sflag:$0x2] =	stream.linear.gather [hbm4b:s9+s4], $0x50, $0x38;
	[tilespmem:$0x1E800] =	vst v63  }
0x1f0: {  	s29 =	sld [smem:$0x7F6];
	s7 =	simm.s32 $0x180  }
0x1f1: {  	[tilespmem:s7], [sflag:$0x2] =	stream.linear.gather [hbm4b:s26+s4], $0x50, $0x38;
	[tilespmem:$0x1E800] =	vst v63  }
0x1f2: {  	_ = 	snop  }
0x1f3: {  	[tilespmem:s19], [sflag:$0x2] =	stream.linear.gather [hbm4b:s29+s4], $0x50, $0x38;
	[tilespmem:$0x1E800] =	vst v63  }
0x1f4: {  	_ =	swait.ge [sflag:s5], $0x50  }
0x1f5: {  	[sflag:s5] =	ssyncset.done $0x0  }
0x1f6: {  	[sflag:s5] =	ssyncadd.s32 $0xFFFFFFB0  }
0x1f7: {  	_ =	swait.ge [sflag:s5], $0x50  }
0x1f8: {  	[sflag:s5] =	ssyncset.done $0x0  }
0x1f9: {  	[sflag:s5] =	ssyncadd.s32 $0xFFFFFFB0  }
0x1fa: {  	_ =	swait.ge [sflag:s5], $0x50  }
0x1fb: {  	[sflag:s5] =	ssyncset.done $0x0  }
0x1fc: {  	[sflag:s5] =	ssyncadd.s32 $0xFFFFFFB0  }
0x1fd: {  	_ =	swait.ge [sflag:s5], $0x50  }
0x1fe: {  	[sflag:s5] =	ssyncset.done $0x0  }
0x1ff: {  	s30 =	simm.s32 $0x5800;
	[sflag:s5] =	ssyncadd.s32 $0xFFFFFFB0  }
0x200: {  	[tilespmem:s30], [sflag:$0x5] =	stream.indirect.gather [hbm4b:s1+s28], $0x80, s13, s28, $0xb8;
	[tilespmem:$0x1E800] =	vst v63  }
0x201: {  	_ = 	snop  }
0x202: {  	[tilespmem:s22], [sflag:$0x5] =	stream.indirect.gather [hbm4b:s1+s28], $0x80, s24, s28, $0xb8;
	[tilespmem:$0x1E800] =	vst v63  }
0x203: {  	_ =	swait.ge [sflag:s31], $0x2800  }
0x204: {  	[sflag:s31] =	ssyncset.done $0x0  }
0x205: {  	[sflag:s31] =	ssyncadd.s32 $0xFFFFD800  }
0x206: {  	_ =	swait.ge [sflag:s31], $0x2800  }
0x207: {  	[sflag:s31] =	ssyncset.done $0x0  }
0x208: {  	[sflag:s31] =	ssyncadd.s32 $0xFFFFD800  }
0x209: {  	[spmem:s2] =	stream.indirect.scatter.add.f32 [tilespmem:s30], [sflag:$0x7], $0x80, s23, s28, $0xb8;
	[tilespmem:$0x1E800] =	vst v63  }
0x20a: {  	_ = 	snop  }
0x20b: {  	[spmem:s2] =	stream.indirect.scatter.add.f32 [tilespmem:s22], [sflag:$0x7], $0x80, s25, s28, $0xb8;
	[tilespmem:$0x1E800] =	vst v63  }
0x20c: {  	_ =	swait.ge [sflag:s10], $0x2800  }
0x20d: {  	[sflag:s10] =	ssyncset.done $0x0  }
0x20e: {  	[sflag:s10] =	ssyncadd.s32 $0xFFFFD800  }
0x20f: {  	_ =	swait.ge [sflag:s10], $0x2800  }
0x210: {  	[sflag:s10] =	ssyncset.done $0x0  }
0x211: {  	[sflag:s10] =	ssyncadd.s32 $0xFFFFD800  }
0x212: {  	_ =	swait.ge [sflag:s3], $0x50  }
0x213: {  	[sflag:s3] =	ssyncset.done $0x0  }
0x214: {  	[sflag:s3] =	ssyncadd.s32 $0xFFFFFFB0  }
0x215: {  	_ =	swait.ge [sflag:s3], $0x50  }
0x216: {  	[sflag:s3] =	ssyncset.done $0x0  }
0x217: {  	[sflag:s3] =	ssyncadd.s32 $0xFFFFFFB0  }
0x218: {  	_ =	swait.ge [sflag:s3], $0x50  }
0x219: {  	[sflag:s3] =	ssyncset.done $0x0  }
0x21a: {  	[sflag:s3] =	ssyncadd.s32 $0xFFFFFFB0  }
0x21b: {  	_ =	swait.ge [sflag:s3], $0x50  }
0x21c: {  	[sflag:s3] =	ssyncset.done $0x0  }
0x21d: {  	[sflag:s3] =	ssyncadd.s32 $0xFFFFFFB0  }
0x21e: {  	[tilespmem:s11], [sflag:$0x5] =	stream.indirect.gather [hbm4b:s1+s28], $0x80, s4, s28, $0xb8;
	[tilespmem:$0x1E800] =	vst v63  }
0x21f: {  	_ = 	snop  }
0x220: {  	[tilespmem:s8], [sflag:$0x5] =	stream.indirect.gather [hbm4b:s1+s28], $0x80, s15, s28, $0xb8;
	[tilespmem:$0x1E800] =	vst v63  }
0x221: {  	_ =	swait.ge [sflag:s31], $0x2800  }
0x222: {  	[sflag:s31] =	ssyncset.done $0x0  }
0x223: {  	[sflag:s31] =	ssyncadd.s32 $0xFFFFD800  }
0x224: {  	_ =	swait.ge [sflag:s31], $0x2800  }
0x225: {  	[sflag:s31] =	ssyncset.done $0x0  }
0x226: {  	[sflag:s31] =	ssyncadd.s32 $0xFFFFD800  }
0x227: {  	[spmem:s2] =	stream.indirect.scatter.add.f32 [tilespmem:s11], [sflag:$0x6], $0x80, s14, s28, $0xb8;
	[tilespmem:$0x1E800] =	vst v63  }
0x228: {  	_ = 	snop  }
0x229: {  	[spmem:s2] =	stream.indirect.scatter.add.f32 [tilespmem:s8], [sflag:$0x6], $0x80, s16, s28, $0xb8;
	[tilespmem:$0x1E800] =	vst v63  }
0x22a: {  	_ =	swait.ge [sflag:s12], $0x2800  }
0x22b: {  	[sflag:s12] =	ssyncset.done $0x0  }
0x22c: {  	[sflag:s12] =	ssyncadd.s32 $0xFFFFD800  }
0x22d: {  	_ =	swait.ge [sflag:s12], $0x2800  }
0x22e: {  	[sflag:s12] =	ssyncset.done $0x0  }
0x22f: {  	[sflag:s12] =	ssyncadd.s32 $0xFFFFD800  }
0x230: {  	_ =	swait.ge [sflag:s0], $0x50  }
0x231: {  	[sflag:s0] =	ssyncset.done $0x0  }
0x232: {  	[sflag:s0] =	ssyncadd.s32 $0xFFFFFFB0  }
0x233: {  	_ =	swait.ge [sflag:s0], $0x50  }
0x234: {  	[sflag:s0] =	ssyncset.done $0x0  }
0x235: {  	[sflag:s0] =	ssyncadd.s32 $0xFFFFFFB0  }
0x236: {  	_ =	swait.ge [sflag:s0], $0x50  }
0x237: {  	[sflag:s0] =	ssyncset.done $0x0  }
0x238: {  	[sflag:s0] =	ssyncadd.s32 $0xFFFFFFB0  }
0x239: {  	_ =	swait.ge [sflag:s0], $0x50  }
0x23a: {  	[sflag:s0] =	ssyncset.done $0x0  }
0x23b: {  	[sflag:s0] =	ssyncadd.s32 $0xFFFFFFB0  }
0x23c: {  	[tilespmem:s30], [sflag:$0x5] =	stream.indirect.gather [hbm4b:s1+s28], $0x80, s18, s28, $0xb8;
	[tilespmem:$0x1E800] =	vst v63  }
0x23d: {  	_ = 	snop  }
0x23e: {  	[tilespmem:s22], [sflag:$0x5] =	stream.indirect.gather [hbm4b:s1+s28], $0x80, s7, s28, $0xb8;
	[tilespmem:$0x1E800] =	vst v63  }
0x23f: {  	_ =	swait.ge [sflag:s31], $0x2800  }
0x240: {  	[sflag:s31] =	ssyncset.done $0x0  }
0x241: {  	[sflag:s31] =	ssyncadd.s32 $0xFFFFD800  }
0x242: {  	_ =	swait.ge [sflag:s31], $0x2800  }
0x243: {  	[sflag:s31] =	ssyncset.done $0x0  }
0x244: {  	[sflag:s31] =	ssyncadd.s32 $0xFFFFD800  }
0x245: {  	[spmem:s2] =	stream.indirect.scatter.add.f32 [tilespmem:s30], [sflag:$0x7], $0x80, s20, s28, $0xb8;
	[tilespmem:$0x1E800] =	vst v63  }
0x246: {  	_ = 	snop  }
0x247: {  	[spmem:s2] =	stream.indirect.scatter.add.f32 [tilespmem:s22], [sflag:$0x7], $0x80, s19, s28, $0xb8;
	[tilespmem:$0x1E800] =	vst v63  }
0x248: {  	_ =	swait.ge [sflag:s10], $0x2800  }
0x249: {  	[sflag:s10] =	ssyncset.done $0x0  }
0x24a: {  	[sflag:s10] =	ssyncadd.s32 $0xFFFFD800  }
0x24b: {  	_ =	swait.ge [sflag:s10], $0x2800  }
0x24c: {  	[sflag:s10] =	ssyncset.done $0x0  }
0x24d: {  	[sflag:s10] =	ssyncadd.s32 $0xFFFFD800  }
0x24e: {  	_ =	swait.ge [sflag:s12], $0x2800  }
0x24f: {  	[sflag:s12] =	ssyncset.done $0x0  }
0x250: {  	[sflag:s12] =	ssyncadd.s32 $0xFFFFD800  }
0x251: {  	_ =	swait.ge [sflag:s12], $0x2800  }
0x252: {  	s20 =	sld [smem:$0x7F7]  }
0x253: {  	[sflag:s12] =	ssyncset.done $0x0  }
0x254: {  	s22 =	simm.s32 $0x9;
	[sflag:s12] =	ssyncadd.s32 $0xFFFFD800  }
0x255: {  	[tilespmem:s4], [sflag:$0x9] =	stream.linear.gather [hbm4b:s20+s4], $0x50, $0x38;
	[tilespmem:$0x1E800] =	vst v63  }
0x256: {  	_ =	swait.ge [sflag:s22], $0x50  }
0x257: {  	[sflag:s22] =	ssyncset.done $0x0  }
0x258: {  	[sflag:s22] =	ssyncadd.s32 $0xFFFFFFB0  }
0x259: {  	[tilespmem:s11], [sflag:$0x5] =	stream.indirect.gather [hbm4b:s1+s28], $0x80, s4, s28, $0xb8;
	[tilespmem:$0x1E800] =	vst v63  }
0x25a: {  	_ =	swait.ge [sflag:s31], $0x2800  }
0x25b: {  	s23 =	sld [smem:$0x7F8]  }
0x25c: {  	[sflag:s31] =	ssyncset.done $0x0  }
0x25d: {  	[sflag:s31] =	ssyncadd.s32 $0xFFFFD800  }
0x25e: {  	[tilespmem:s14], [sflag:$0x9] =	stream.linear.gather [hbm4b:s23+s4], $0x50, $0x38;
	[tilespmem:$0x1E800] =	vst v63  }
0x25f: {  	_ =	swait.ge [sflag:s22], $0x50  }
0x260: {  	[sflag:s22] =	ssyncset.done $0x0  }
0x261: {  	[sflag:s22] =	ssyncadd.s32 $0xFFFFFFB0  }
0x262: {  	[spmem:s2] =	stream.indirect.scatter.add.f32 [tilespmem:s11], [sflag:$0x9], $0x80, s14, s28, $0xb8;
	[tilespmem:$0x1E800] =	vst v63  }
0x263: {  	_ =	swait.ge [sflag:s22], $0x2800  }
0x264: {  	[sflag:s22] =	ssyncset.done $0x0  }
0x265: {  	[sflag:s22] =	ssyncadd.s32 $0xFFFFD800  }
0x266: {  	[bflag:$0x0] =	sbarrier.arrive $0xFFFF  }
0x267: {  	s24 =	sld [smem:$0x7FC]  }
0x268: {  	s25 =	sld [smem:$0x7F9]  }
0x269: {  	s26 =	sld [smem:$0x7E9];
	_ =	sdelay $0x1  }
0x26a: {  	s6 =	sor.u32 $0x1C09, s24  }
0x26b: {  	[hbm:s25], [sflag:s6] =	dma.local [spmem:s26], $0x2800  }
0x26c: {  	_ =	swait.ge [sflag:s22], $0x2800  }
0x26d: {  	s29 =	sld [smem:$0x7E8]  }
0x26e: {  	s30 =	sld [smem:$0x7FA];
	_ =	sdelay $0x1  }
0x26f: {  	s1 =	sadd.s32 $0x1, s29  }
0x270: {  	p0 =	sne.s32 s1, s30  }
.Ltmp1:
0x271: {  	_ = 	snop;
	(pc) =	sbr.rel @p0 .LBB2_1-.Ltmp1, $3  }
0x272: {  	_ =	sdelay $0x1  }
0x273: {  	[sflag:s22] =	ssyncset.done $0x0  }
0x274: {  	s25 =	rddreg [dreg:$0x12];
	[sflag:s22] =	ssyncadd.s32 $0xFFFFD800  }
0x275: {  	_ =	sfence.sel $0x180000  }
0x276: {  	[bflag:$0x0] =	sbarrier.arrive $0xFFFF  }
0x277: {  	_ =	strace $0x9000004A  }
0x278: {  	s0 =	stileid.u32;
	[bflag:$0x2] =	sbarrier.arrive $0xFFFF  }
0x279: {  	p0 =	sne.s32 s0, $0x0;
	s0 =	rddreg [dreg:$0x3]  }
0x27a: {  	s0 =	sadd.s32 @!p0 $0x100000, s0  }
0x27b: {  	[sflag:s0] =	ssyncadd.tile.s32 @!p0 $0x1;
	_ =	shalt  }
.Lfunc_end2:
_tile_overlayer_lowered:
.L_overlay_start_2:
0x27c: {  	(tag) =	ssettag $0x2  }
0x27d: {  	s0 =	rddreg [dreg:$0x0];
	s2 =	stileid.u32  }
0x27e: {  	s1 =	rddreg [dreg:$0x1];
	p0 =	sne.s32 s2, $0x0  }
0x27f: {  	s3 =	rddreg [dreg:$0x2];
	[bflag:$0x3] =	sbarrier.arrive $0xFFFF;
	s2 =	simm.s32 @!p0 $0x1C09  }
0x280: {  	[timem:s3], [sflag:s2] =	dma.local @!p0 [hbm:s0], s1  }
0x281: {  	s0 =	simm.s32 @!p0 $0x9  }
0x282: {  	_ =	swait.ge @!p0 [sflag:s0], s1  }
0x283: {  	s1 =	ssub.s32 @!p0 $0x0, s1;
	[sflag:s0] =	ssyncset.done @!p0 $0x0  }
0x284: {  	[sflag:s0] =	ssyncadd.s32 @!p0 s1  }
0x285: {  	[bflag:$0x3] =	sbarrier.arrive $0xFFFF  }
0x286: {  	_ =	shalt  }

// kernel: kernel.14.cloned.1.call-start
scs
__scs_entry_jumppad:
0x0: {  	(pc) =	sbr.rel $0x88, $3  }
0x1: {  	(tag) =	ssettag $0x0;
	lr =	simm.s32 $0x1  }
0x2: {  	[smem:$0x3F9B] =	sst lr;
	_ =	strace $0xD0000000  }
0x3: {  	_ = 	snop  }
0x4: {  	_ = 	snop  }
0x5: {  	_ = 	snop  }
0x6: {  	_ = 	snop  }
0x7: {  	_ = 	snop  }
__scs_overlays_trampoline_lowered:
0x8: {  	[smem:$0x3FAA] =	sst s0  }
0x9: {  	[smem:$0x3FAB] =	sst s1  }
0xa: {  	[smem:$0x3FAC] =	sst s2  }
0xb: {  	[smem:$0x3FAD] =	sst s3  }
0xc: {  	[smem:$0x3FAE] =	sst s4  }
0xd: {  	[smem:$0x3FAF] =	sst s5  }
0xe: {  	[smem:$0x3FB0] =	sst s6  }
0xf: {  	[smem:$0x3FB1] =	sst s7  }
0x10: {  	[smem:$0x3FB2] =	sst s8  }
0x11: {  	[smem:$0x3FB3] =	sst s9;
	s0 =	simm.s32 @!p0 $0x0  }
0x12: {  	s1 =	sld [smem:$0x3F99];
	s0 =	simm.s32 @p0 $0x1  }
0x13: {  	[smem:$0x3FB4] =	sst s0;
	s0 =	simm.s32 @!p1 $0x0  }
0x14: {  	s2 =	sld [smem:$0x3F98];
	s0 =	simm.s32 @p1 $0x1  }
0x15: {  	[smem:$0x3FB5] =	sst s0;
	s0 =	simm.s32 @!p2 $0x0  }
0x16: {  	s3 =	sld [smem:$0x3FDB];
	s0 =	simm.s32 @p2 $0x1  }
0x17: {  	s4 =	simm.s32 $0x1BF5;
	[smem:$0x3FB7] =	sst s0  }
0x18: {  	s0 =	sld [smem:$0x3F9A];
	_ =	swait.ge [sflag:s4], $0x0  }
0x19: {  	s7 =	sld [smem:$0x3F9B]  }
0x1a: {  	s8 =	sadd.s32 $0xFFFFE003, lr  }
0x1b: {  	s9 =	sadd.s32 $0xFFFFFEF7, lr;
	s5 =	simm.s32 $0xFFFFFFFF;
	p2 =	slt.u32 s8, $0xFFFFF086  }
0x1c: {  	p1 =	slt.u32 s9, $0xF7A;
	s5 =	simm.s32 @!p2 $0x0  }
0x1d: {  	s5 =	simm.s32 @p1 $0x1;
	p0 =	seq.s32 s7, s2  }
0x1e: {  	s7 =	smul.u32 @!p0 $0xF7A, s2;
	p2 =	seq.s32 @!p0 s5, $0x0  }
0x1f: {  	s9 =	smul.u32 $0xF7A, s1;
	s8 =	simm.s32 @!p0 $0x1BF5;
	p2 =	por !p2, p0  }
0x20: {  	[sflag:s8] =	ssyncset.s32 @!p0 $0xFFFFF086;
	s6 =	sadd.s32 @!p0 s3, s7;
	s7 =	simm.s32 @!p0 $0x108  }
0x21: {  	s3 =	sadd.s32 s3, s9;
	s6 =	sadd.s32 @!p0 $0x88, s6;
	s7 =	simm.s32 @p2 $0x1082  }
0x22: {  	[simem:s7], [sflag:s8] =	dma.local @!p0 [hbm:s6], $0xF7A  }
0x23: {  	s9 =	sor.u32 $0xD0000000, s2;
	s6 =	simm.s32 $0x108;
	_ =	swait.ge @!p0 [sflag:s8], $0x0  }
0x24: {  	s3 =	sadd.s32 $0x88, s3;
	s6 =	simm.s32 @!p1 $0x1082;
	[sflag:s4] =	ssyncset.s32 $0xFFFFF086  }
0x25: {  	[simem:s6], [sflag:s4] =	dma.local [hbm:s3], $0xF7A  }
0x26: {  	[smem:$0x3F9B] =	sst s1;
	(tag) =	ssettag s2;
	_ =	strace s9  }
0x27: {  	s1 =	sld [smem:$0x3FAB]  }
0x28: {  	s2 =	sld [smem:$0x3FAC]  }
0x29: {  	s4 =	sld [smem:$0x3FAE]  }
0x2a: {  	p0 =	seq.s32 s5, $0x0;
	s5 =	sld [smem:$0x3FAF]  }
0x2b: {  	s6 =	sld [smem:$0x3FB0]  }
0x2c: {  	s7 =	sld [smem:$0x3FB1]  }
0x2d: {  	s3 =	simm.s32 $0x108;
	s8 =	sld [smem:$0x3FB2]  }
0x2e: {  	s3 =	simm.s32 @!p0 $0x1082;
	s9 =	sld [smem:$0x3FB3]  }
0x2f: {  	lr =	sadd.s32 s0, s3;
	s0 =	sld [smem:$0x3FAA]  }
0x30: {  	s3 =	sld [smem:$0x3FAD]  }
0x31: {  	[smem:$0x3FB6] =	sst s10  }
0x32: {  	s10 =	sld [smem:$0x3FB4];
	_ =	sdelay $0x3  }
0x33: {  	p0 =	seq.s32 s10, $0x1;
	s10 =	sld [smem:$0x3FB6];
	_ =	sdelay $0x3  }
0x34: {  	[smem:$0x3FB6] =	sst s10  }
0x35: {  	s10 =	sld [smem:$0x3FB5];
	_ =	sdelay $0x3  }
0x36: {  	p1 =	seq.s32 s10, $0x1;
	s10 =	sld [smem:$0x3FB6];
	_ =	sdelay $0x3  }
0x37: {  	[smem:$0x3FB6] =	sst s10  }
0x38: {  	s10 =	sld [smem:$0x3FB7]  }
0x39: {  	_ = 	snop;
	(pc) =	sbr.ind lr, $3  }
0x3a: {  	_ = 	snop  }
0x3b: {  	_ = 	snop  }
0x3c: {  	p2 =	seq.s32 s10, $0x1;
	s10 =	sld [smem:$0x3FB6]  }
0x3d: {  	_ =	shalt  }
0x3e: {  	_ =	shalt  }
0x3f: {  	_ =	shalt  }
0x40: {  	_ =	shalt  }
0x41: {  	_ =	shalt  }
0x42: {  	_ =	shalt  }
0x43: {  	_ =	shalt  }
0x44: {  	_ =	shalt  }
0x45: {  	_ =	shalt  }
0x46: {  	_ =	shalt  }
0x47: {  	_ =	shalt  }
0x48: {  	_ =	shalt  }
0x49: {  	_ =	shalt  }
0x4a: {  	_ =	shalt  }
0x4b: {  	_ =	shalt  }
0x4c: {  	_ =	shalt  }
0x4d: {  	_ =	shalt  }
0x4e: {  	_ =	shalt  }
0x4f: {  	_ =	shalt  }
0x50: {  	_ =	shalt  }
0x51: {  	_ =	shalt  }
0x52: {  	_ =	shalt  }
0x53: {  	_ =	shalt  }
0x54: {  	_ =	shalt  }
0x55: {  	_ =	shalt  }
0x56: {  	_ =	shalt  }
0x57: {  	_ =	shalt  }
0x58: {  	_ =	shalt  }
0x59: {  	_ =	shalt  }
0x5a: {  	_ =	shalt  }
0x5b: {  	_ =	shalt  }
0x5c: {  	_ =	shalt  }
0x5d: {  	_ =	shalt  }
0x5e: {  	_ =	shalt  }
0x5f: {  	_ =	shalt  }
0x60: {  	_ =	shalt  }
0x61: {  	_ =	shalt  }
0x62: {  	_ =	shalt  }
0x63: {  	_ =	shalt  }
0x64: {  	_ =	shalt  }
0x65: {  	_ =	shalt  }
0x66: {  	_ =	shalt  }
0x67: {  	_ =	shalt  }
0x68: {  	_ =	shalt  }
0x69: {  	_ =	shalt  }
0x6a: {  	_ =	shalt  }
0x6b: {  	_ =	shalt  }
0x6c: {  	_ =	shalt  }
0x6d: {  	_ =	shalt  }
0x6e: {  	_ =	shalt  }
0x6f: {  	_ =	shalt  }
0x70: {  	_ =	shalt  }
0x71: {  	_ =	shalt  }
0x72: {  	_ =	shalt  }
0x73: {  	_ =	shalt  }
0x74: {  	_ =	shalt  }
0x75: {  	_ =	shalt  }
0x76: {  	_ =	shalt  }
0x77: {  	_ =	shalt  }
0x78: {  	_ =	shalt  }
0x79: {  	_ =	shalt  }
0x7a: {  	_ =	shalt  }
0x7b: {  	_ =	shalt  }
0x7c: {  	_ =	shalt  }
0x7d: {  	_ =	shalt  }
0x7e: {  	_ =	shalt  }
0x7f: {  	_ =	shalt  }
0x80: {  	_ =	shalt  }
0x81: {  	_ =	shalt  }
0x82: {  	_ =	shalt  }
0x83: {  	_ =	shalt  }
0x84: {  	_ =	shalt  }
0x85: {  	_ =	shalt  }
0x86: {  	_ =	shalt  }
0x87: {  	_ =	shalt  }
.Lfunc_end0:
.L_simem_size_0:
called_computation.2_lowered:
.L_overlay_start_0:
0x88: {  	s2 =	sld [smem:$0x3FD9]  }
0x89: {  	s3 =	sld [smem:$0x3FFE];
	_ =	sdelay $0x1  }
0x8a: {  	s1 =	srdreg.scid  }
0x8b: {  	s0 =	sand.u32 $0x1, s1  }
0x8c: {  	s17 =	sshll.u32 s0, $0xA;
	s2 =	sadd.s32 s3, s2  }
0x8d: {  	s2 =	sadd.s32 s2, s17  }
0x8e: {  	[smem:$0x3FC2] =	sst s2  }
0x8f: {  	_ = 	snop  }
0x90: {  	s2 =	sld [smem:$0x3FD0];
	(tm) =	ssettm $0x1  }
0x91: {  	s18 =	sld [smem:$0x3FFB];
	_ =	sdelay $0x3  }
0x92: {  	_ =	strace s18  }
0x93: {  	s3 =	sld [smem:$0x3FFC];
	_ =	sdelay $0x3  }
0x94: {  	_ =	strace s3  }
0x95: {  	s3 =	sld [smem:$0x3FFD];
	_ =	sdelay $0x3  }
0x96: {  	_ =	strace s3  }
0x97: {  	_ =	strace $0x8FFFFFFF  }
0x98: {  	s19 =	sld [smem:$0x3FDB];
	_ =	sdelay $0x1  }
0x99: {  	s4 =	simm.s32 $_scs_section_size  }
0x9a: {  	s5 =	simm.s32 $_size__tile_overlayer_lowered;
	s6 =	simm.s32 $_tile_overlayer_lowered  }
0x9b: {  	s22 =	simm.s32 $0x1BFF;
	s21 =	sshll.u32 s6, $0x1;
	s3 =	sadd.s32 s4, s19  }
0x9c: {  	s7 =	simm.s32 $0x0;
	s20 =	sshll.u32 s5, $0x1;
	s5 =	sadd.s32 s21, s3  }
0x9d: {  	[timem:s7], [sflag:s22] =	dma.local [hbm:s5], s20  }
0x9e: {  	_ =	swait.ge [sflag:s22], s20  }
0x9f: {  	s4 =	ssub.s32 $0x0, s20;
	[sflag:s22] =	ssyncset.done $0x0  }
0xa0: {  	[sflag:s22] =	ssyncadd.s32 s4;
	_ =	sdelay $0x1  }
0xa1: {  	s23 =	simm.s32 $0x1B8B  }
0xa2: {  	_ =	swait.ge [sflag:s23], $0x1  }
0xa3: {  	[sflag:s23] =	ssyncset.done $0x0  }
0xa4: {  	s25 =	simm.s32 $0x1B8E;
	s24 =	sld [smem:$0x3FFE];
	[sflag:s23] =	ssyncadd.s32 $0xFFFFFFFF  }
0xa5: {  	s26 =	simm.s32 $execute0_lowered;
	[smem:$0x3FD2] =	sst s25  }
0xa6: {  	s5 =	sshll.u32 s26, $0x1;
	_ =	strace $0x8000004C;
	[dreg:$0x1] =	wrdreg $0xFFFFFFFF  }
0xa7: {  	s28 =	simm.s32 $_size_execute0_lowered;
	s3 =	sadd.s32 s3, s5;
	[dreg:$0x0] =	wrdreg $0x0  }
0xa8: {  	s5 =	sshll.u32 s28, $0x1;
	[dreg:$0x2] =	wrdreg s3  }
0xa9: {  	[dreg:$0x3] =	wrdreg s5  }
0xaa: {  	[dreg:$0x4] =	wrdreg $0xC0  }
0xab: {  	_ =	task [dreg:s7], $0x5FFFF  }
0xac: {  	[dreg:$0x1] =	wrdreg $0xFFFFFFFF  }
0xad: {  	[dreg:$0x0] =	wrdreg $0x60  }
0xae: {  	[dreg:$0x2] =	wrdreg s2  }
0xaf: {  	[dreg:$0x3] =	wrdreg s24  }
0xb0: {  	[dreg:$0x4] =	wrdreg $0xA8000  }
0xb1: {  	[dreg:$0x5] =	wrdreg $0x9  }
0xb2: {  	_ =	task.clear_ibuf [dreg:s7], $0x6FFFF;
	_ =	strace $0x9000004C  }
0xb3: {  	s29 =	simm.s32 $0x9;
	_ =	strace $0x8000004E  }
0xb4: {  	_ =	swait.ge [sflag:s29], $0x1  }
0xb5: {  	[sflag:s29] =	ssyncadd.s32 $0xFFFFFFFF  }
0xb6: {  	_ =	strace $0x9000004E  }
0xb7: {  	_ =	sfence  }
0xb8: {  	s30 =	sld [smem:$0x0];
	_ =	sdelay $0x2  }
0xb9: {  	s31 =	sshll.u32 s1, $0xD;
	s1 =	sshrl.u32 s1, $0x2  }
0xba: {  	s3 =	sand.u32 $0x4000, s31;
	s1 =	sadd.s32 s1, s30  }
0xbb: {  	s0 =	sor.u32 s3, s0;
	s1 =	sshll.u32 s1, $0x11  }
0xbc: {  	s0 =	sor.u32 s1, s0  }
0xbd: {  	s0 =	sadd.s32 $0x8F2B, s0  }
0xbe: {  	[sflag:s0] =	ssyncadd.remote.s32 $0x1  }
0xbf: {  	_ =	sfence.sel $0xFFFF  }
0xc0: {  	[dreg:$0x0] =	wrdreg $0xFFFFFFFF;
	(pc) =	sbr.abs _section_cstart, $3  }
0xc1: {  	[dreg:$0x1] =	wrdreg $0xFFFFFFFF  }
0xc2: {  	_ =	task.clear_ibuf [dreg:s7], $0x2FFFF;
	_ =	strace $0x9FFFFFFF  }
0xc3: {  	(tm) =	ssettm $0x7FFFFFFF  }
tec
execute0_lowered:
.L_overlay_start_1:
0x0: {  	(tag) =	ssettag $0x1  }
0x1: {  	s0 =	rddreg [dreg:$0x1]  }
0x2: {  	s1 =	rddreg [dreg:$0x2];
	s3 =	srdreg.scid  }
0x3: {  	s4 =	simm.s32 $0x0;
	s10 =	stileid.u32;
	s6 =	sand.u32 $0x1, s3  }
0x4: {  	[smem:$0x7FF] =	sst s4;
	s5 =	smul.u32 $0x14000, s10;
	s7 =	sshll.u32 s10, $0x1  }
0x5: {  	s17 =	sadd.s32 $0xBE00, s0;
	s25 =	sadd.s32 $0x2000, s0;
	s23 =	smul.u32 $0x50000, s10  }
0x6: {  	s8 =	sadd.s32 $0x15C00, s0;
	s3 =	smul.u32 $0x140000, s6;
	s7 =	sor.u32 s6, s7  }
0x7: {  	_ =	strace $0x8000004D;
	[dreg:$0x13] =	wrdreg s8;
	s22 =	smul.u32 $0x2710, s7  }
0x8: {  	s24 =	ssub.s32 $0x2, s6;
	s6 =	smul.u32 $0x2710, s6;
	[dreg:$0x12] =	wrdreg s25  }
0x9: {  	s7 =	sshrl.u32 s23, $0x2;
	s3 =	sadd.s32 s5, s3;
	s5 =	sshrl.u32 s22, $0x3  }
0xa: {  	s26 =	sshrl.u32 s24, $0x1;
	s7 =	sadd.s32 s7, s1;
	s29 =	sadd.s32 $0xA, s5  }
0xb: {  	s1 =	smul.u32 $0x4E20, s10;
	[dreg:$0x14] =	wrdreg s7;
	s30 =	sadd.s32 s17, s29  }
0xc: {  	s2 =	sadd.s32 $0x14, s5;
	s7 =	sadd.s32 s25, s29;
	[dreg:$0x15] =	wrdreg s30  }
0xd: {  	s3 =	sshrl.u32 s3, $0x3;
	s11 =	sadd.s32 s17, s2;
	[dreg:$0x16] =	wrdreg s7  }
0xe: {  	s9 =	sadd.s32 $0x1E, s5;
	s8 =	sadd.s32 s25, s2;
	[dreg:$0x17] =	wrdreg s11  }
0xf: {  	s13 =	sadd.s32 $0x28, s5;
	s12 =	sadd.s32 s25, s9;
	[dreg:$0x18] =	wrdreg s8  }
0x10: {  	s15 =	sadd.s32 $0x32, s5;
	s14 =	sadd.s32 s17, s13;
	[dreg:$0x1a] =	wrdreg s12  }
0x11: {  	s0 =	sadd.s32 s3, s0;
	s18 =	sadd.s32 s17, s15;
	[dreg:$0x1b] =	wrdreg s14  }
0x12: {  	s3 =	ssub.s32 s24, s26;
	s0 =	sadd.s32 $0x18400, s0;
	[dreg:$0x1d] =	wrdreg s18  }
0x13: {  	s3 =	smax.u32 s3, $0x1;
	[smem:$0x7F9] =	sst s0  }
0x14: {  	s6 =	sadd.s32 s6, s1;
	s11 =	sadd.s32 s17, s9;
	[smem:$0x7FA] =	sst s3  }
0x15: {  	s16 =	sadd.s32 $0x460, s6;
	s8 =	sadd.s32 s25, s13;
	[dreg:$0x19] =	wrdreg s11  }
0x16: {  	s19 =	sshrl.u32 s16, $0x3;
	s7 =	sadd.s32 s25, s15;
	[dreg:$0x1c] =	wrdreg s8  }
0x17: {  	s21 =	sadd.s32 $0x4B0, s6;
	[dreg:$0x1e] =	wrdreg s7;
	s20 =	sadd.s32 s19, s25  }
0x18: {  	s23 =	sshrl.u32 s21, $0x3;
	s22 =	sadd.s32 s19, s17;
	[dreg:$0x4] =	wrdreg s20  }
0x19: {  	s26 =	sadd.s32 $0x3C0, s6;
	s24 =	sadd.s32 s23, s25;
	[dreg:$0x5] =	wrdreg s22  }
0x1a: {  	s30 =	sshrl.u32 s26, $0x3;
	s29 =	sadd.s32 s23, s17;
	[dreg:$0x6] =	wrdreg s24  }
0x1b: {  	s2 =	sadd.s32 $0x410, s6;
	s1 =	sadd.s32 s30, s25;
	[dreg:$0x7] =	wrdreg s29  }
0x1c: {  	s12 =	sshrl.u32 s2, $0x3;
	s11 =	sadd.s32 s30, s17;
	[dreg:$0x8] =	wrdreg s1  }
0x1d: {  	s14 =	sadd.s32 $0x320, s6;
	s13 =	sadd.s32 s12, s25;
	[dreg:$0x9] =	wrdreg s11  }
0x1e: {  	s15 =	sadd.s32 s12, s17;
	s16 =	sshrl.u32 s14, $0x3;
	[dreg:$0xa] =	wrdreg s13  }
0x1f: {  	[dreg:$0xb] =	wrdreg s15;
	s18 =	sadd.s32 s16, s25  }
0x20: {  	s12 =	sadd.s32 $0x46, s5;
	s20 =	sadd.s32 s16, s17;
	[dreg:$0xc] =	wrdreg s18  }
0x21: {  	s19 =	sadd.s32 $0x370, s6;
	s13 =	sadd.s32 s17, s12;
	[dreg:$0xd] =	wrdreg s20  }
0x22: {  	s14 =	sadd.s32 $0x4B0, s5;
	s7 =	sadd.s32 s25, s12;
	[smem:$0x7EB] =	sst s13  }
0x23: {  	s21 =	sshrl.u32 s19, $0x3;
	s15 =	sadd.s32 s17, s14;
	[smem:$0x7EC] =	sst s7  }
0x24: {  	s23 =	sadd.s32 $0x2D0, s6;
	s22 =	sadd.s32 s21, s25;
	[smem:$0x7ED] =	sst s15  }
0x25: {  	s26 =	sshrl.u32 s23, $0x3;
	s24 =	sadd.s32 s21, s17;
	[dreg:$0xe] =	wrdreg s22  }
0x26: {  	s29 =	sadd.s32 $0x3C, s5;
	s30 =	sadd.s32 s26, s25;
	[dreg:$0xf] =	wrdreg s24  }
0x27: {  	s1 =	sadd.s32 s17, s29;
	[dreg:$0x10] =	wrdreg s30  }
0x28: {  	s11 =	sadd.s32 s25, s29;
	[dreg:$0x1f] =	wrdreg s1  }
0x29: {  	s2 =	sadd.s32 s26, s17;
	[smem:$0x7EA] =	sst s11  }
0x2a: {  	s16 =	sadd.s32 $0x4BA, s5;
	s7 =	sadd.s32 s25, s14;
	[dreg:$0x11] =	wrdreg s2  }
0x2b: {  	s19 =	sadd.s32 $0x4C4, s5;
	s18 =	sadd.s32 s17, s16;
	[smem:$0x7EE] =	sst s7  }
0x2c: {  	s20 =	sadd.s32 s17, s19;
	[smem:$0x7EF] =	sst s18  }
0x2d: {  	s21 =	sadd.s32 s17, s5;
	[smem:$0x7F1] =	sst s20  }
0x2e: {  	s29 =	sshll.u32 s10, $0x6;
	[smem:$0x7F3] =	sst s21  }
0x2f: {  	s28 =	simm.s32 $0x50;
	s7 =	sadd.s32 s25, s16;
	[smem:$0x7FC] =	sst s29  }
0x30: {  	s23 =	sadd.s32 $0x4CE, s5;
	s22 =	sadd.s32 s25, s5;
	[smem:$0x7F0] =	sst s7  }
0x31: {  	s31 =	simm.s32 $0x5;
	s24 =	sadd.s32 s17, s23;
	[smem:$0x7F4] =	sst s22  }
0x32: {  	s3 =	simm.s32 $0x1;
	s30 =	sadd.s32 $0x280, s6;
	[smem:$0x7F5] =	sst s24  }
0x33: {  	s12 =	simm.s32 $0x7;
	s0 =	sor.u32 $0x1C08, s29;
	[smem:$0x7FB] =	sst s30  }
0x34: {  	s5 =	sadd.s32 $0x4D8, s5;
	s7 =	sadd.s32 s25, s19;
	[smem:$0x7FD] =	sst s0  }
0x35: {  	s10 =	simm.s32 $0x6;
	s26 =	sadd.s32 s17, s5;
	[smem:$0x7F2] =	sst s7  }
0x36: {  	s21 =	simm.s32 $0x3;
	s5 =	sadd.s32 s25, s5;
	[smem:$0x7F7] =	sst s26  }
0x37: {  	s1 =	simm.s32 $0x0;
	s7 =	sadd.s32 s25, s23;
	[smem:$0x7F8] =	sst s5  }
0x38: {  	s0 =	simm.s32 $0x2;
	s5 =	simm.s32 $0x4;
	[smem:$0x7F6] =	sst s7  }
.LBB2_1:
0x39: {  	[smem:$0x7E8] =	sst s1  }
0x3a: {  	s6 =	rddreg [dreg:$0x14]  }
0x3b: {  	s14 =	sld [smem:$0x7FD]  }
0x3c: {  	s9 =	rddreg [dreg:$0x13];
	s8 =	sshrl.u32 s6, $0x3  }
0x3d: {  	[smem:$0x7E9] =	sst s8  }
0x3e: {  	[spmem:s8], [sflag:s14] =	dma.local [hbm:s9], $0x2800  }
0x3f: {  	s6 =	sld [smem:$0x7F3];
	_ =	sdelay $0x1  }
0x40: {  	s11 =	sld [smem:$0x7F4]  }
0x41: {  	[tilespmem:s4], [sflag:$0x1] =	stream.linear.gather [hbm4b:s6+s4], $0x50, $0x38;
	[tilespmem:$0x1E800] =	vst v63  }
0x42: {  	s13 =	simm.s32 $0x400  }
0x43: {  	[tilespmem:s13], [sflag:$0x1] =	stream.linear.gather [hbm4b:s11+s4], $0x50, $0x38;
	[tilespmem:$0x1E800] =	vst v63  }
0x44: {  	s23 =	simm.s32 $0x80;
	s14 =	rddreg [dreg:$0x15]  }
0x45: {  	[tilespmem:s23], [sflag:$0x1] =	stream.linear.gather [hbm4b:s14+s4], $0x50, $0x38;
	[tilespmem:$0x1E800] =	vst v63  }
0x46: {  	s30 =	simm.s32 $0x480;
	s15 =	rddreg [dreg:$0x16]  }
0x47: {  	[tilespmem:s30], [sflag:$0x1] =	stream.linear.gather [hbm4b:s15+s4], $0x50, $0x38;
	[tilespmem:$0x1E800] =	vst v63  }
0x48: {  	s18 =	simm.s32 $0x100;
	s16 =	rddreg [dreg:$0x17]  }
0x49: {  	[tilespmem:s18], [sflag:$0x2] =	stream.linear.gather [hbm4b:s16+s4], $0x50, $0x38;
	[tilespmem:$0x1E800] =	vst v63  }
0x4a: {  	s20 =	simm.s32 $0x500;
	s19 =	rddreg [dreg:$0x18]  }
0x4b: {  	[tilespmem:s20], [sflag:$0x2] =	stream.linear.gather [hbm4b:s19+s4], $0x50, $0x38;
	[tilespmem:$0x1E800] =	vst v63  }
0x4c: {  	s24 =	simm.s32 $0x180;
	s22 =	rddreg [dreg:$0x19]  }
0x4d: {  	[tilespmem:s24], [sflag:$0x2] =	stream.linear.gather [hbm4b:s22+s4], $0x50, $0x38;
	[tilespmem:$0x1E800] =	vst v63  }
0x4e: {  	s29 =	simm.s32 $0x8;
	s8 =	simm.s32 $0x580;
	s26 =	rddreg [dreg:$0x1a]  }
0x4f: {  	[tilespmem:s8], [sflag:$0x2] =	stream.linear.gather [hbm4b:s26+s4], $0x50, $0x38;
	[tilespmem:$0x1E800] =	vst v63  }
0x50: {  	_ =	swait.ge [sflag:s29], $0x2800  }
0x51: {  	[sflag:s29] =	ssyncset.done $0x0  }
0x52: {  	[sflag:s29] =	ssyncadd.s32 $0xFFFFD800  }
0x53: {  	[bflag:$0x0] =	sbarrier.arrive $0xFFFF  }
0x54: {  	_ =	swait.ge [sflag:s3], $0x50  }
0x55: {  	[sflag:s3] =	ssyncset.done $0x0  }
0x56: {  	[sflag:s3] =	ssyncadd.s32 $0xFFFFFFB0  }
0x57: {  	_ =	swait.ge [sflag:s3], $0x50  }
0x58: {  	[sflag:s3] =	ssyncset.done $0x0  }
0x59: {  	[sflag:s3] =	ssyncadd.s32 $0xFFFFFFB0  }
0x5a: {  	_ =	swait.ge [sflag:s3], $0x50  }
0x5b: {  	[sflag:s3] =	ssyncset.done $0x0  }
0x5c: {  	[sflag:s3] =	ssyncadd.s32 $0xFFFFFFB0  }
0x5d: {  	_ =	swait.ge [sflag:s3], $0x50  }
0x5e: {  	[sflag:s3] =	ssyncset.done $0x0  }
0x5f: {  	s19 =	simm.s32 $0x200;
	s1 =	rddreg [dreg:$0x1b];
	[sflag:s3] =	ssyncadd.s32 $0xFFFFFFB0  }
0x60: {  	[tilespmem:s19], [sflag:$0x3] =	stream.linear.gather [hbm4b:s1+s4], $0x50, $0x38;
	[tilespmem:$0x1E800] =	vst v63  }
0x61: {  	s20 =	simm.s32 $0x600;
	s7 =	rddreg [dreg:$0x1c]  }
0x62: {  	[tilespmem:s20], [sflag:$0x3] =	stream.linear.gather [hbm4b:s7+s4], $0x50, $0x38;
	[tilespmem:$0x1E800] =	vst v63  }
0x63: {  	s26 =	simm.s32 $0x280;
	s11 =	rddreg [dreg:$0x1d]  }
0x64: {  	[tilespmem:s26], [sflag:$0x3] =	stream.linear.gather [hbm4b:s11+s4], $0x50, $0x38;
	[tilespmem:$0x1E800] =	vst v63  }
0x65: {  	s24 =	simm.s32 $0x680;
	s13 =	rddreg [dreg:$0x1e]  }
0x66: {  	[tilespmem:s24], [sflag:$0x3] =	stream.linear.gather [hbm4b:s13+s4], $0x50, $0x38;
	[tilespmem:$0x1E800] =	vst v63  }
0x67: {  	s1 =	rddreg [dreg:$0x0];
	s11 =	simm.s32 $0x800  }
0x68: {  	[tilespmem:s11], [sflag:$0x5] =	stream.indirect.gather [hbm4b:s1+s28], $0x80, s4, s28, $0xb8;
	[tilespmem:$0x1E800] =	vst v63  }
0x69: {  	s13 =	simm.s32 $0x3000  }
0x6a: {  	[tilespmem:s13], [sflag:$0x5] =	stream.indirect.gather [hbm4b:s1+s28], $0x80, s23, s28, $0xb8;
	[tilespmem:$0x1E800] =	vst v63  }
0x6b: {  	_ =	swait.ge [sflag:s31], $0x2800  }
0x6c: {  	[sflag:s31] =	ssyncset.done $0x0  }
0x6d: {  	[sflag:s31] =	ssyncadd.s32 $0xFFFFD800  }
0x6e: {  	_ =	swait.ge [sflag:s31], $0x2800  }
0x6f: {  	[sflag:s31] =	ssyncset.done $0x0  }
0x70: {  	[sflag:s31] =	ssyncadd.s32 $0xFFFFD800  }
0x71: {  	s2 =	simm.s32 $0x400;
	s22 =	rddreg [dreg:$0x2]  }
0x72: {  	[spmem:s22] =	stream.indirect.scatter.add.f32 [tilespmem:s11], [sflag:$0x6], $0x80, s2, s28, $0xb8;
	[tilespmem:$0x1E800] =	vst v63  }
0x73: {  	_ = 	snop  }
0x74: {  	[spmem:s22] =	stream.indirect.scatter.add.f32 [tilespmem:s13], [sflag:$0x6], $0x80, s30, s28, $0xb8;
	[tilespmem:$0x1E800] =	vst v63  }
0x75: {  	_ =	swait.ge [sflag:s0], $0x50  }
0x76: {  	[sflag:s0] =	ssyncset.done $0x0  }
0x77: {  	[sflag:s0] =	ssyncadd.s32 $0xFFFFFFB0  }
0x78: {  	_ =	swait.ge [sflag:s0], $0x50  }
0x79: {  	[sflag:s0] =	ssyncset.done $0x0  }
0x7a: {  	[sflag:s0] =	ssyncadd.s32 $0xFFFFFFB0  }
0x7b: {  	_ =	swait.ge [sflag:s0], $0x50  }
0x7c: {  	[sflag:s0] =	ssyncset.done $0x0  }
0x7d: {  	[sflag:s0] =	ssyncadd.s32 $0xFFFFFFB0  }
0x7e: {  	_ =	swait.ge [sflag:s0], $0x50  }
0x7f: {  	[sflag:s0] =	ssyncset.done $0x0;
	s16 =	rddreg [dreg:$0x1f]  }
0x80: {  	s18 =	simm.s32 $0x300;
	s2 =	sld [smem:$0x7EA];
	[sflag:s0] =	ssyncadd.s32 $0xFFFFFFB0  }
0x81: {  	[tilespmem:s18], [sflag:$0x4] =	stream.linear.gather [hbm4b:s16+s4], $0x50, $0x38;
	[tilespmem:$0x1E800] =	vst v63  }
0x82: {  	s7 =	simm.s32 $0x700;
	s16 =	sld [smem:$0x7EB]  }
0x83: {  	[tilespmem:s7], [sflag:$0x4] =	stream.linear.gather [hbm4b:s2+s4], $0x50, $0x38;
	[tilespmem:$0x1E800] =	vst v63  }
0x84: {  	s18 =	simm.s32 $0x380;
	s2 =	sld [smem:$0x7EC]  }
0x85: {  	[tilespmem:s18], [sflag:$0x4] =	stream.linear.gather [hbm4b:s16+s4], $0x50, $0x38;
	[tilespmem:$0x1E800] =	vst v63  }
0x86: {  	s7 =	simm.s32 $0x780  }
0x87: {  	[tilespmem:s7], [sflag:$0x4] =	stream.linear.gather [hbm4b:s2+s4], $0x50, $0x38;
	[tilespmem:$0x1E800] =	vst v63  }
0x88: {  	s9 =	simm.s32 $0x100;
	s7 =	simm.s32 $0x5800  }
0x89: {  	[tilespmem:s7], [sflag:$0x5] =	stream.indirect.gather [hbm4b:s1+s28], $0x80, s9, s28, $0xb8;
	[tilespmem:$0x1E800] =	vst v63  }
0x8a: {  	s15 =	simm.s32 $0x180;
	s18 =	simm.s32 $0x8000  }
0x8b: {  	[tilespmem:s18], [sflag:$0x5] =	stream.indirect.gather [hbm4b:s1+s28], $0x80, s15, s28, $0xb8;
	[tilespmem:$0x1E800] =	vst v63  }
0x8c: {  	_ =	swait.ge [sflag:s31], $0x2800  }
0x8d: {  	[sflag:s31] =	ssyncset.done $0x0  }
0x8e: {  	[sflag:s31] =	ssyncadd.s32 $0xFFFFD800  }
0x8f: {  	_ =	swait.ge [sflag:s31], $0x2800  }
0x90: {  	[sflag:s31] =	ssyncset.done $0x0  }
0x91: {  	s14 =	simm.s32 $0x500;
	[sflag:s31] =	ssyncadd.s32 $0xFFFFD800  }
0x92: {  	[spmem:s22] =	stream.indirect.scatter.add.f32 [tilespmem:s7], [sflag:$0x7], $0x80, s14, s28, $0xb8;
	[tilespmem:$0x1E800] =	vst v63  }
0x93: {  	_ = 	snop  }
0x94: {  	[spmem:s22] =	stream.indirect.scatter.add.f32 [tilespmem:s18], [sflag:$0x7], $0x80, s8, s28, $0xb8;
	[tilespmem:$0x1E800] =	vst v63  }
0x95: {  	_ =	swait.ge [sflag:s10], $0x2800  }
0x96: {  	[sflag:s10] =	ssyncset.done $0x0  }
0x97: {  	[sflag:s10] =	ssyncadd.s32 $0xFFFFD800  }
0x98: {  	_ =	swait.ge [sflag:s10], $0x2800  }
0x99: {  	s15 =	sld [smem:$0x7FB];
	_ =	sdelay $0x2  }
0x9a: {  	[sflag:s10] =	ssyncset.done $0x0;
	s6 =	sshrl.u32 s15, $0x3  }
0x9b: {  	[sflag:s10] =	ssyncadd.s32 $0xFFFFD800;
	s9 =	sadd.s32 s17, s6  }
0x9c: {  	[tilespmem:s4], [sflag:$0x1] =	stream.linear.gather [hbm4b:s9+s4], $0x50, $0x38;
	[tilespmem:$0x1E800] =	vst v63  }
0x9d: {  	s29 =	simm.s32 $0x400;
	s6 =	sadd.s32 s25, s6;
	s9 =	rddreg [dreg:$0x11]  }
0x9e: {  	[tilespmem:s29], [sflag:$0x1] =	stream.linear.gather [hbm4b:s6+s4], $0x50, $0x38;
	[tilespmem:$0x1E800] =	vst v63  }
0x9f: {  	s25 =	rddreg [dreg:$0x10];
	s14 =	sadd.s32 $0x0, s9  }
0xa0: {  	[tilespmem:s23], [sflag:$0x1] =	stream.linear.gather [hbm4b:s14+s4], $0x50, $0x38;
	[tilespmem:$0x1E800] =	vst v63  }
0xa1: {  	s6 =	sadd.s32 $0x0, s25  }
0xa2: {  	[tilespmem:s30], [sflag:$0x1] =	stream.linear.gather [hbm4b:s6+s4], $0x50, $0x38;
	[tilespmem:$0x1E800] =	vst v63  }
0xa3: {  	_ =	swait.ge [sflag:s21], $0x50  }
0xa4: {  	[sflag:s21] =	ssyncset.done $0x0  }
0xa5: {  	[sflag:s21] =	ssyncadd.s32 $0xFFFFFFB0  }
0xa6: {  	_ =	swait.ge [sflag:s21], $0x50  }
0xa7: {  	[sflag:s21] =	ssyncset.done $0x0  }
0xa8: {  	[sflag:s21] =	ssyncadd.s32 $0xFFFFFFB0  }
0xa9: {  	_ =	swait.ge [sflag:s21], $0x50  }
0xaa: {  	[sflag:s21] =	ssyncset.done $0x0  }
0xab: {  	[sflag:s21] =	ssyncadd.s32 $0xFFFFFFB0  }
0xac: {  	_ =	swait.ge [sflag:s21], $0x50  }
0xad: {  	[sflag:s21] =	ssyncset.done $0x0  }
0xae: {  	[sflag:s21] =	ssyncadd.s32 $0xFFFFFFB0  }
0xaf: {  	[tilespmem:s11], [sflag:$0x5] =	stream.indirect.gather [hbm4b:s1+s28], $0x80, s19, s28, $0xb8;
	[tilespmem:$0x1E800] =	vst v63  }
0xb0: {  	_ = 	snop  }
0xb1: {  	[tilespmem:s13], [sflag:$0x5] =	stream.indirect.gather [hbm4b:s1+s28], $0x80, s26, s28, $0xb8;
	[tilespmem:$0x1E800] =	vst v63  }
0xb2: {  	_ =	swait.ge [sflag:s31], $0x2800  }
0xb3: {  	[sflag:s31] =	ssyncset.done $0x0  }
0xb4: {  	[sflag:s31] =	ssyncadd.s32 $0xFFFFD800  }
0xb5: {  	_ =	swait.ge [sflag:s31], $0x2800  }
0xb6: {  	[sflag:s31] =	ssyncset.done $0x0  }
0xb7: {  	[sflag:s31] =	ssyncadd.s32 $0xFFFFD800  }
0xb8: {  	[spmem:s22] =	stream.indirect.scatter.add.f32 [tilespmem:s11], [sflag:$0x6], $0x80, s20, s28, $0xb8;
	[tilespmem:$0x1E800] =	vst v63  }
0xb9: {  	_ = 	snop  }
0xba: {  	[spmem:s22] =	stream.indirect.scatter.add.f32 [tilespmem:s13], [sflag:$0x6], $0x80, s24, s28, $0xb8;
	[tilespmem:$0x1E800] =	vst v63  }
0xbb: {  	_ =	swait.ge [sflag:s12], $0x2800  }
0xbc: {  	[sflag:s12] =	ssyncset.done $0x0  }
0xbd: {  	[sflag:s12] =	ssyncadd.s32 $0xFFFFD800  }
0xbe: {  	_ =	swait.ge [sflag:s12], $0x2800  }
0xbf: {  	s2 =	simm.s32 $0x100;
	s29 =	rddreg [dreg:$0xd];
	[sflag:s12] =	ssyncset.done $0x0  }
0xc0: {  	s9 =	rddreg [dreg:$0xc];
	[sflag:s12] =	ssyncadd.s32 $0xFFFFD800;
	s6 =	sadd.s32 $0x0, s29  }
0xc1: {  	[tilespmem:s2], [sflag:$0x2] =	stream.linear.gather [hbm4b:s6+s4], $0x50, $0x38;
	[tilespmem:$0x1E800] =	vst v63  }
0xc2: {  	s16 =	simm.s32 $0x500;
	s29 =	rddreg [dreg:$0xf];
	s14 =	sadd.s32 $0x0, s9  }
0xc3: {  	[tilespmem:s16], [sflag:$0x2] =	stream.linear.gather [hbm4b:s14+s4], $0x50, $0x38;
	[tilespmem:$0x1E800] =	vst v63  }
0xc4: {  	s9 =	simm.s32 $0x180;
	s2 =	rddreg [dreg:$0xe];
	s6 =	sadd.s32 $0x0, s29  }
0xc5: {  	[tilespmem:s9], [sflag:$0x2] =	stream.linear.gather [hbm4b:s6+s4], $0x50, $0x38;
	[tilespmem:$0x1E800] =	vst v63  }
0xc6: {  	s14 =	sadd.s32 $0x0, s2  }
0xc7: {  	[tilespmem:s8], [sflag:$0x2] =	stream.linear.gather [hbm4b:s14+s4], $0x50, $0x38;
	[tilespmem:$0x1E800] =	vst v63  }
0xc8: {  	_ =	swait.ge [sflag:s5], $0x50  }
0xc9: {  	[sflag:s5] =	ssyncset.done $0x0  }
0xca: {  	[sflag:s5] =	ssyncadd.s32 $0xFFFFFFB0  }
0xcb: {  	_ =	swait.ge [sflag:s5], $0x50  }
0xcc: {  	[sflag:s5] =	ssyncset.done $0x0  }
0xcd: {  	[sflag:s5] =	ssyncadd.s32 $0xFFFFFFB0  }
0xce: {  	_ =	swait.ge [sflag:s5], $0x50  }
0xcf: {  	[sflag:s5] =	ssyncset.done $0x0  }
0xd0: {  	[sflag:s5] =	ssyncadd.s32 $0xFFFFFFB0  }
0xd1: {  	_ =	swait.ge [sflag:s5], $0x50  }
0xd2: {  	[sflag:s5] =	ssyncset.done $0x0  }
0xd3: {  	s9 =	simm.s32 $0x300;
	[sflag:s5] =	ssyncadd.s32 $0xFFFFFFB0  }
0xd4: {  	[tilespmem:s7], [sflag:$0x5] =	stream.indirect.gather [hbm4b:s1+s28], $0x80, s9, s28, $0xb8;
	[tilespmem:$0x1E800] =	vst v63  }
0xd5: {  	s29 =	simm.s32 $0x380  }
0xd6: {  	[tilespmem:s18], [sflag:$0x5] =	stream.indirect.gather [hbm4b:s1+s28], $0x80, s29, s28, $0xb8;
	[tilespmem:$0x1E800] =	vst v63  }
0xd7: {  	_ =	swait.ge [sflag:s31], $0x2800  }
0xd8: {  	[sflag:s31] =	ssyncset.done $0x0  }
0xd9: {  	[sflag:s31] =	ssyncadd.s32 $0xFFFFD800  }
0xda: {  	_ =	swait.ge [sflag:s31], $0x2800  }
0xdb: {  	[sflag:s31] =	ssyncset.done $0x0  }
0xdc: {  	s2 =	simm.s32 $0x700;
	[sflag:s31] =	ssyncadd.s32 $0xFFFFD800  }
0xdd: {  	[spmem:s22] =	stream.indirect.scatter.add.f32 [tilespmem:s7], [sflag:$0x7], $0x80, s2, s28, $0xb8;
	[tilespmem:$0x1E800] =	vst v63  }
0xde: {  	s8 =	simm.s32 $0x780  }
0xdf: {  	[spmem:s22] =	stream.indirect.scatter.add.f32 [tilespmem:s18], [sflag:$0x7], $0x80, s8, s28, $0xb8;
	[tilespmem:$0x1E800] =	vst v63  }
0xe0: {  	_ =	swait.ge [sflag:s10], $0x2800  }
0xe1: {  	[sflag:s10] =	ssyncset.done $0x0  }
0xe2: {  	[sflag:s10] =	ssyncadd.s32 $0xFFFFD800  }
0xe3: {  	_ =	swait.ge [sflag:s10], $0x2800  }
0xe4: {  	s6 =	rddreg [dreg:$0x9];
	[sflag:s10] =	ssyncset.done $0x0  }
0xe5: {  	s14 =	rddreg [dreg:$0x8];
	[sflag:s10] =	ssyncadd.s32 $0xFFFFD800;
	s6 =	sadd.s32 $0x0, s6  }
0xe6: {  	[tilespmem:s19], [sflag:$0x3] =	stream.linear.gather [hbm4b:s6+s4], $0x50, $0x38;
	[tilespmem:$0x1E800] =	vst v63  }
0xe7: {  	s14 =	sadd.s32 $0x0, s14;
	s19 =	rddreg [dreg:$0xb]  }
0xe8: {  	[tilespmem:s20], [sflag:$0x3] =	stream.linear.gather [hbm4b:s14+s4], $0x50, $0x38;
	[tilespmem:$0x1E800] =	vst v63  }
0xe9: {  	s6 =	sadd.s32 $0x0, s19;
	s20 =	rddreg [dreg:$0xa]  }
0xea: {  	[tilespmem:s26], [sflag:$0x3] =	stream.linear.gather [hbm4b:s6+s4], $0x50, $0x38;
	[tilespmem:$0x1E800] =	vst v63  }
0xeb: {  	s14 =	sadd.s32 $0x0, s20  }
0xec: {  	[tilespmem:s24], [sflag:$0x3] =	stream.linear.gather [hbm4b:s14+s4], $0x50, $0x38;
	[tilespmem:$0x1E800] =	vst v63  }
0xed: {  	_ =	swait.ge [sflag:s3], $0x50  }
0xee: {  	[sflag:s3] =	ssyncset.done $0x0  }
0xef: {  	[sflag:s3] =	ssyncadd.s32 $0xFFFFFFB0  }
0xf0: {  	_ =	swait.ge [sflag:s3], $0x50  }
0xf1: {  	[sflag:s3] =	ssyncset.done $0x0  }
0xf2: {  	[sflag:s3] =	ssyncadd.s32 $0xFFFFFFB0  }
0xf3: {  	_ =	swait.ge [sflag:s3], $0x50  }
0xf4: {  	[sflag:s3] =	ssyncset.done $0x0  }
0xf5: {  	[sflag:s3] =	ssyncadd.s32 $0xFFFFFFB0  }
0xf6: {  	_ =	swait.ge [sflag:s3], $0x50  }
0xf7: {  	[sflag:s3] =	ssyncset.done $0x0  }
0xf8: {  	[sflag:s3] =	ssyncadd.s32 $0xFFFFFFB0  }
0xf9: {  	[tilespmem:s11], [sflag:$0x5] =	stream.indirect.gather [hbm4b:s1+s28], $0x80, s4, s28, $0xb8;
	[tilespmem:$0x1E800] =	vst v63  }
0xfa: {  	_ = 	snop  }
0xfb: {  	[tilespmem:s13], [sflag:$0x5] =	stream.indirect.gather [hbm4b:s1+s28], $0x80, s23, s28, $0xb8;
	[tilespmem:$0x1E800] =	vst v63  }
0xfc: {  	_ =	swait.ge [sflag:s31], $0x2800  }
0xfd: {  	[sflag:s31] =	ssyncset.done $0x0  }
0xfe: {  	[sflag:s31] =	ssyncadd.s32 $0xFFFFD800  }
0xff: {  	_ =	swait.ge [sflag:s31], $0x2800  }
0x100: {  	[sflag:s31] =	ssyncset.done $0x0  }
0x101: {  	s19 =	simm.s32 $0x400;
	[sflag:s31] =	ssyncadd.s32 $0xFFFFD800  }
0x102: {  	[spmem:s22] =	stream.indirect.scatter.add.f32 [tilespmem:s11], [sflag:$0x6], $0x80, s19, s28, $0xb8;
	[tilespmem:$0x1E800] =	vst v63  }
0x103: {  	_ = 	snop  }
0x104: {  	[spmem:s22] =	stream.indirect.scatter.add.f32 [tilespmem:s13], [sflag:$0x6], $0x80, s30, s28, $0xb8;
	[tilespmem:$0x1E800] =	vst v63  }
0x105: {  	_ =	swait.ge [sflag:s12], $0x2800  }
0x106: {  	[sflag:s12] =	ssyncset.done $0x0  }
0x107: {  	[sflag:s12] =	ssyncadd.s32 $0xFFFFD800  }
0x108: {  	_ =	swait.ge [sflag:s12], $0x2800  }
0x109: {  	s20 =	rddreg [dreg:$0x5];
	[sflag:s12] =	ssyncset.done $0x0  }
0x10a: {  	s23 =	rddreg [dreg:$0x4];
	[sflag:s12] =	ssyncadd.s32 $0xFFFFD800;
	s6 =	sadd.s32 $0x0, s20  }
0x10b: {  	[tilespmem:s9], [sflag:$0x4] =	stream.linear.gather [hbm4b:s6+s4], $0x50, $0x38;
	[tilespmem:$0x1E800] =	vst v63  }
0x10c: {  	s24 =	rddreg [dreg:$0x7];
	s14 =	sadd.s32 $0x0, s23  }
0x10d: {  	[tilespmem:s2], [sflag:$0x4] =	stream.linear.gather [hbm4b:s14+s4], $0x50, $0x38;
	[tilespmem:$0x1E800] =	vst v63  }
0x10e: {  	s26 =	rddreg [dreg:$0x6];
	s6 =	sadd.s32 $0x0, s24  }
0x10f: {  	[tilespmem:s29], [sflag:$0x4] =	stream.linear.gather [hbm4b:s6+s4], $0x50, $0x38;
	[tilespmem:$0x1E800] =	vst v63  }
0x110: {  	s29 =	sadd.s32 $0x0, s26  }
0x111: {  	[tilespmem:s8], [sflag:$0x4] =	stream.linear.gather [hbm4b:s29+s4], $0x50, $0x38;
	[tilespmem:$0x1E800] =	vst v63  }
0x112: {  	_ =	swait.ge [sflag:s0], $0x50  }
0x113: {  	[sflag:s0] =	ssyncset.done $0x0  }
0x114: {  	[sflag:s0] =	ssyncadd.s32 $0xFFFFFFB0  }
0x115: {  	_ =	swait.ge [sflag:s0], $0x50  }
0x116: {  	[sflag:s0] =	ssyncset.done $0x0  }
0x117: {  	[sflag:s0] =	ssyncadd.s32 $0xFFFFFFB0  }
0x118: {  	_ =	swait.ge [sflag:s0], $0x50  }
0x119: {  	[sflag:s0] =	ssyncset.done $0x0  }
0x11a: {  	[sflag:s0] =	ssyncadd.s32 $0xFFFFFFB0  }
0x11b: {  	_ =	swait.ge [sflag:s0], $0x50  }
0x11c: {  	[sflag:s0] =	ssyncset.done $0x0  }
0x11d: {  	s25 =	simm.s32 $0x100;
	[sflag:s0] =	ssyncadd.s32 $0xFFFFFFB0  }
0x11e: {  	[tilespmem:s7], [sflag:$0x5] =	stream.indirect.gather [hbm4b:s1+s28], $0x80, s25, s28, $0xb8;
	[tilespmem:$0x1E800] =	vst v63  }
0x11f: {  	s16 =	simm.s32 $0x180  }
0x120: {  	[tilespmem:s18], [sflag:$0x5] =	stream.indirect.gather [hbm4b:s1+s28], $0x80, s16, s28, $0xb8;
	[tilespmem:$0x1E800] =	vst v63  }
0x121: {  	_ =	swait.ge [sflag:s31], $0x2800  }
0x122: {  	[sflag:s31] =	ssyncset.done $0x0  }
0x123: {  	[sflag:s31] =	ssyncadd.s32 $0xFFFFD800  }
0x124: {  	_ =	swait.ge [sflag:s31], $0x2800  }
0x125: {  	s30 =	simm.s32 $0x500;
	[sflag:s31] =	ssyncset.done $0x0  }
0x126: {  	s14 =	sadd.s32 $0x280, s15;
	s6 =	simm.s32 $0x50;
	[sflag:s31] =	ssyncadd.s32 $0xFFFFD800  }
0x127: {  	[spmem:s22] =	stream.indirect.scatter.add.f32 [tilespmem:s7], [sflag:$0x7], $0x80, s30, s28, $0xb8;
	[tilespmem:$0x1E800] =	vst v63  }
.LBB2_2:
0x128: {  	s8 =	simm.s32 $0x580;
	s22 =	rddreg [dreg:$0x2];
	s1 =	simm.s32 $0x8000  }
0x129: {  	[spmem:s22] =	stream.indirect.scatter.add.f32 [tilespmem:s1], [sflag:$0x7], $0x80, s8, s28, $0xb8;
	[tilespmem:$0x1E800] =	vst v63  }
0x12a: {  	_ =	swait.ge [sflag:s10], $0x2800  }
0x12b: {  	[sflag:s10] =	ssyncset.done $0x0  }
0x12c: {  	[sflag:s10] =	ssyncadd.s32 $0xFFFFD800  }
0x12d: {  	_ =	swait.ge [sflag:s10], $0x2800  }
0x12e: {  	s15 =	smov.u32 s6;
	s16 =	sshrl.u32 s14, $0x3;
	[sflag:s10] =	ssyncset.done $0x0  }
0x12f: {  	s1 =	sadd.s32 s17, s16;
	s2 =	rddreg [dreg:$0x12];
	[sflag:s10] =	ssyncadd.s32 $0xFFFFD800  }
0x130: {  	[tilespmem:s4], [sflag:$0x1] =	stream.linear.gather [hbm4b:s1+s4], $0x50, $0x38;
	[tilespmem:$0x1E800] =	vst v63  }
0x131: {  	s9 =	simm.s32 $0x400;
	s18 =	rddreg [dreg:$0x11];
	s16 =	sadd.s32 s2, s16  }
0x132: {  	[tilespmem:s9], [sflag:$0x1] =	stream.linear.gather [hbm4b:s16+s4], $0x50, $0x38;
	[tilespmem:$0x1E800] =	vst v63  }
0x133: {  	s24 =	simm.s32 $0x80;
	s7 =	rddreg [dreg:$0x10];
	s11 =	sadd.s32 s15, s18  }
0x134: {  	[tilespmem:s24], [sflag:$0x1] =	stream.linear.gather [hbm4b:s11+s4], $0x50, $0x38;
	[tilespmem:$0x1E800] =	vst v63  }
0x135: {  	s23 =	simm.s32 $0x480;
	s13 =	sadd.s32 s15, s7  }
0x136: {  	[tilespmem:s23], [sflag:$0x1] =	stream.linear.gather [hbm4b:s13+s4], $0x50, $0x38;
	[tilespmem:$0x1E800] =	vst v63  }
0x137: {  	_ =	swait.ge [sflag:s21], $0x50  }
0x138: {  	[sflag:s21] =	ssyncset.done $0x0  }
0x139: {  	[sflag:s21] =	ssyncadd.s32 $0xFFFFFFB0  }
0x13a: {  	_ =	swait.ge [sflag:s21], $0x50  }
0x13b: {  	[sflag:s21] =	ssyncset.done $0x0  }
0x13c: {  	[sflag:s21] =	ssyncadd.s32 $0xFFFFFFB0  }
0x13d: {  	_ =	swait.ge [sflag:s21], $0x50  }
0x13e: {  	[sflag:s21] =	ssyncset.done $0x0  }
0x13f: {  	[sflag:s21] =	ssyncadd.s32 $0xFFFFFFB0  }
0x140: {  	_ =	swait.ge [sflag:s21], $0x50  }
0x141: {  	[sflag:s21] =	ssyncset.done $0x0  }
0x142: {  	[sflag:s21] =	ssyncadd.s32 $0xFFFFFFB0  }
0x143: {  	s9 =	simm.s32 $0x200;
	s11 =	simm.s32 $0x800;
	s2 =	rddreg [dreg:$0x0]  }
0x144: {  	[tilespmem:s11], [sflag:$0x5] =	stream.indirect.gather [hbm4b:s2+s28], $0x80, s9, s28, $0xb8;
	[tilespmem:$0x1E800] =	vst v63  }
0x145: {  	s20 =	simm.s32 $0x280;
	s13 =	simm.s32 $0x3000  }
0x146: {  	[tilespmem:s13], [sflag:$0x5] =	stream.indirect.gather [hbm4b:s2+s28], $0x80, s20, s28, $0xb8;
	[tilespmem:$0x1E800] =	vst v63  }
0x147: {  	_ =	swait.ge [sflag:s31], $0x2800  }
0x148: {  	[sflag:s31] =	ssyncset.done $0x0  }
0x149: {  	[sflag:s31] =	ssyncadd.s32 $0xFFFFD800  }
0x14a: {  	_ =	swait.ge [sflag:s31], $0x2800  }
0x14b: {  	[sflag:s31] =	ssyncset.done $0x0  }
0x14c: {  	s29 =	simm.s32 $0x600;
	[sflag:s31] =	ssyncadd.s32 $0xFFFFD800  }
0x14d: {  	[spmem:s22] =	stream.indirect.scatter.add.f32 [tilespmem:s11], [sflag:$0x6], $0x80, s29, s28, $0xb8;
	[tilespmem:$0x1E800] =	vst v63  }
0x14e: {  	s30 =	simm.s32 $0x680  }
0x14f: {  	[spmem:s22] =	stream.indirect.scatter.add.f32 [tilespmem:s13], [sflag:$0x6], $0x80, s30, s28, $0xb8;
	[tilespmem:$0x1E800] =	vst v63  }
0x150: {  	_ =	swait.ge [sflag:s12], $0x2800  }
0x151: {  	[sflag:s12] =	ssyncset.done $0x0  }
0x152: {  	[sflag:s12] =	ssyncadd.s32 $0xFFFFD800  }
0x153: {  	s19 =	smov.u32 s17;
	_ =	swait.ge [sflag:s12], $0x2800  }
0x154: {  	s26 =	simm.s32 $0x100;
	s17 =	rddreg [dreg:$0xd];
	[sflag:s12] =	ssyncset.done $0x0  }
0x155: {  	s18 =	rddreg [dreg:$0xc];
	[sflag:s12] =	ssyncadd.s32 $0xFFFFD800;
	s16 =	sadd.s32 s15, s17  }
0x156: {  	[tilespmem:s26], [sflag:$0x2] =	stream.linear.gather [hbm4b:s16+s4], $0x50, $0x38;
	[tilespmem:$0x1E800] =	vst v63  }
0x157: {  	s7 =	simm.s32 $0x500;
	s25 =	rddreg [dreg:$0xf];
	s1 =	sadd.s32 s15, s18  }
0x158: {  	[tilespmem:s7], [sflag:$0x2] =	stream.linear.gather [hbm4b:s1+s4], $0x50, $0x38;
	[tilespmem:$0x1E800] =	vst v63  }
0x159: {  	s17 =	rddreg [dreg:$0xe];
	s25 =	sadd.s32 s15, s25;
	s26 =	simm.s32 $0x180  }
0x15a: {  	[tilespmem:s26], [sflag:$0x2] =	stream.linear.gather [hbm4b:s25+s4], $0x50, $0x38;
	[tilespmem:$0x1E800] =	vst v63  }
0x15b: {  	s7 =	sadd.s32 s15, s17  }
0x15c: {  	[tilespmem:s8], [sflag:$0x2] =	stream.linear.gather [hbm4b:s7+s4], $0x50, $0x38;
	[tilespmem:$0x1E800] =	vst v63  }
0x15d: {  	_ =	swait.ge [sflag:s5], $0x50  }
0x15e: {  	[sflag:s5] =	ssyncset.done $0x0  }
0x15f: {  	[sflag:s5] =	ssyncadd.s32 $0xFFFFFFB0  }
0x160: {  	_ =	swait.ge [sflag:s5], $0x50  }
0x161: {  	[sflag:s5] =	ssyncset.done $0x0  }
0x162: {  	[sflag:s5] =	ssyncadd.s32 $0xFFFFFFB0  }
0x163: {  	_ =	swait.ge [sflag:s5], $0x50  }
0x164: {  	[sflag:s5] =	ssyncset.done $0x0  }
0x165: {  	[sflag:s5] =	ssyncadd.s32 $0xFFFFFFB0  }
0x166: {  	_ =	swait.ge [sflag:s5], $0x50  }
0x167: {  	[sflag:s5] =	ssyncset.done $0x0  }
0x168: {  	s1 =	simm.s32 $0x300;
	s7 =	simm.s32 $0x5800;
	[sflag:s5] =	ssyncadd.s32 $0xFFFFFFB0  }
0x169: {  	[tilespmem:s7], [sflag:$0x5] =	stream.indirect.gather [hbm4b:s2+s28], $0x80, s1, s28, $0xb8;
	[tilespmem:$0x1E800] =	vst v63  }
0x16a: {  	s17 =	simm.s32 $0x8000;
	s25 =	simm.s32 $0x380  }
0x16b: {  	[tilespmem:s17], [sflag:$0x5] =	stream.indirect.gather [hbm4b:s2+s28], $0x80, s25, s28, $0xb8;
	[tilespmem:$0x1E800] =	vst v63  }
0x16c: {  	_ =	swait.ge [sflag:s31], $0x2800  }
0x16d: {  	[sflag:s31] =	ssyncset.done $0x0  }
0x16e: {  	[sflag:s31] =	ssyncadd.s32 $0xFFFFD800  }
0x16f: {  	_ =	swait.ge [sflag:s31], $0x2800  }
0x170: {  	[sflag:s31] =	ssyncset.done $0x0  }
0x171: {  	s8 =	simm.s32 $0x700;
	[sflag:s31] =	ssyncadd.s32 $0xFFFFD800  }
0x172: {  	[spmem:s22] =	stream.indirect.scatter.add.f32 [tilespmem:s7], [sflag:$0x7], $0x80, s8, s28, $0xb8;
	[tilespmem:$0x1E800] =	vst v63  }
0x173: {  	s26 =	simm.s32 $0x780  }
0x174: {  	[spmem:s22] =	stream.indirect.scatter.add.f32 [tilespmem:s17], [sflag:$0x7], $0x80, s26, s28, $0xb8;
	[tilespmem:$0x1E800] =	vst v63  }
0x175: {  	_ =	swait.ge [sflag:s10], $0x2800  }
0x176: {  	[sflag:s10] =	ssyncset.done $0x0  }
0x177: {  	[sflag:s10] =	ssyncadd.s32 $0xFFFFD800  }
0x178: {  	_ =	swait.ge [sflag:s10], $0x2800  }
0x179: {  	s18 =	rddreg [dreg:$0x9];
	[sflag:s10] =	ssyncset.done $0x0  }
0x17a: {  	s17 =	rddreg [dreg:$0x8];
	[sflag:s10] =	ssyncadd.s32 $0xFFFFD800;
	s16 =	sadd.s32 s15, s18  }
0x17b: {  	[tilespmem:s9], [sflag:$0x3] =	stream.linear.gather [hbm4b:s16+s4], $0x50, $0x38;
	[tilespmem:$0x1E800] =	vst v63  }
0x17c: {  	s18 =	rddreg [dreg:$0xb];
	s16 =	sadd.s32 s15, s17  }
0x17d: {  	[tilespmem:s29], [sflag:$0x3] =	stream.linear.gather [hbm4b:s16+s4], $0x50, $0x38;
	[tilespmem:$0x1E800] =	vst v63  }
0x17e: {  	s17 =	rddreg [dreg:$0xa];
	s18 =	sadd.s32 s15, s18  }
0x17f: {  	[tilespmem:s20], [sflag:$0x3] =	stream.linear.gather [hbm4b:s18+s4], $0x50, $0x38;
	[tilespmem:$0x1E800] =	vst v63  }
0x180: {  	s18 =	sadd.s32 s15, s17  }
0x181: {  	[tilespmem:s30], [sflag:$0x3] =	stream.linear.gather [hbm4b:s18+s4], $0x50, $0x38;
	[tilespmem:$0x1E800] =	vst v63  }
0x182: {  	_ =	swait.ge [sflag:s3], $0x50  }
0x183: {  	[sflag:s3] =	ssyncset.done $0x0  }
0x184: {  	[sflag:s3] =	ssyncadd.s32 $0xFFFFFFB0  }
0x185: {  	_ =	swait.ge [sflag:s3], $0x50  }
0x186: {  	[sflag:s3] =	ssyncset.done $0x0  }
0x187: {  	[sflag:s3] =	ssyncadd.s32 $0xFFFFFFB0  }
0x188: {  	_ =	swait.ge [sflag:s3], $0x50  }
0x189: {  	[sflag:s3] =	ssyncset.done $0x0  }
0x18a: {  	[sflag:s3] =	ssyncadd.s32 $0xFFFFFFB0  }
0x18b: {  	_ =	swait.ge [sflag:s3], $0x50  }
0x18c: {  	[sflag:s3] =	ssyncset.done $0x0  }
0x18d: {  	[sflag:s3] =	ssyncadd.s32 $0xFFFFFFB0  }
0x18e: {  	[tilespmem:s11], [sflag:$0x5] =	stream.indirect.gather [hbm4b:s2+s28], $0x80, s4, s28, $0xb8;
	[tilespmem:$0x1E800] =	vst v63  }
0x18f: {  	_ = 	snop  }
0x190: {  	[tilespmem:s13], [sflag:$0x5] =	stream.indirect.gather [hbm4b:s2+s28], $0x80, s24, s28, $0xb8;
	[tilespmem:$0x1E800] =	vst v63  }
0x191: {  	_ =	swait.ge [sflag:s31], $0x2800  }
0x192: {  	[sflag:s31] =	ssyncset.done $0x0  }
0x193: {  	[sflag:s31] =	ssyncadd.s32 $0xFFFFD800  }
0x194: {  	_ =	swait.ge [sflag:s31], $0x2800  }
0x195: {  	[sflag:s31] =	ssyncset.done $0x0  }
0x196: {  	s17 =	simm.s32 $0x400;
	[sflag:s31] =	ssyncadd.s32 $0xFFFFD800  }
0x197: {  	[spmem:s22] =	stream.indirect.scatter.add.f32 [tilespmem:s11], [sflag:$0x6], $0x80, s17, s28, $0xb8;
	[tilespmem:$0x1E800] =	vst v63  }
0x198: {  	_ = 	snop  }
0x199: {  	[spmem:s22] =	stream.indirect.scatter.add.f32 [tilespmem:s13], [sflag:$0x6], $0x80, s23, s28, $0xb8;
	[tilespmem:$0x1E800] =	vst v63  }
0x19a: {  	_ =	swait.ge [sflag:s12], $0x2800  }
0x19b: {  	[sflag:s12] =	ssyncset.done $0x0  }
0x19c: {  	[sflag:s12] =	ssyncadd.s32 $0xFFFFD800  }
0x19d: {  	_ =	swait.ge [sflag:s12], $0x2800  }
0x19e: {  	s18 =	rddreg [dreg:$0x5];
	[sflag:s12] =	ssyncset.done $0x0  }
0x19f: {  	s23 =	rddreg [dreg:$0x4];
	[sflag:s12] =	ssyncadd.s32 $0xFFFFD800;
	s16 =	sadd.s32 s15, s18  }
0x1a0: {  	[tilespmem:s1], [sflag:$0x4] =	stream.linear.gather [hbm4b:s16+s4], $0x50, $0x38;
	[tilespmem:$0x1E800] =	vst v63  }
0x1a1: {  	s24 =	rddreg [dreg:$0x7];
	s30 =	sadd.s32 s15, s23  }
0x1a2: {  	[tilespmem:s8], [sflag:$0x4] =	stream.linear.gather [hbm4b:s30+s4], $0x50, $0x38;
	[tilespmem:$0x1E800] =	vst v63  }
0x1a3: {  	s11 =	sadd.s32 s15, s24;
	s1 =	rddreg [dreg:$0x6]  }
0x1a4: {  	[tilespmem:s25], [sflag:$0x4] =	stream.linear.gather [hbm4b:s11+s4], $0x50, $0x38;
	[tilespmem:$0x1E800] =	vst v63  }
0x1a5: {  	s15 =	sadd.s32 s15, s1  }
0x1a6: {  	[tilespmem:s26], [sflag:$0x4] =	stream.linear.gather [hbm4b:s15+s4], $0x50, $0x38;
	[tilespmem:$0x1E800] =	vst v63  }
0x1a7: {  	_ =	swait.ge [sflag:s0], $0x50  }
0x1a8: {  	[sflag:s0] =	ssyncset.done $0x0  }
0x1a9: {  	[sflag:s0] =	ssyncadd.s32 $0xFFFFFFB0  }
0x1aa: {  	_ =	swait.ge [sflag:s0], $0x50  }
0x1ab: {  	[sflag:s0] =	ssyncset.done $0x0  }
0x1ac: {  	[sflag:s0] =	ssyncadd.s32 $0xFFFFFFB0  }
0x1ad: {  	_ =	swait.ge [sflag:s0], $0x50  }
0x1ae: {  	[sflag:s0] =	ssyncset.done $0x0  }
0x1af: {  	[sflag:s0] =	ssyncadd.s32 $0xFFFFFFB0  }
0x1b0: {  	_ =	swait.ge [sflag:s0], $0x50  }
0x1b1: {  	[sflag:s0] =	ssyncset.done $0x0  }
0x1b2: {  	s18 =	simm.s32 $0x100;
	[sflag:s0] =	ssyncadd.s32 $0xFFFFFFB0  }
0x1b3: {  	[tilespmem:s7], [sflag:$0x5] =	stream.indirect.gather [hbm4b:s2+s28], $0x80, s18, s28, $0xb8;
	[tilespmem:$0x1E800] =	vst v63  }
0x1b4: {  	s17 =	smov.u32 s19;
	s19 =	simm.s32 $0x180;
	s26 =	simm.s32 $0x8000  }
0x1b5: {  	[tilespmem:s26], [sflag:$0x5] =	stream.indirect.gather [hbm4b:s2+s28], $0x80, s19, s28, $0xb8;
	[tilespmem:$0x1E800] =	vst v63  }
0x1b6: {  	p0 =	sne.s32 s6, $0x410;
	s6 =	sadd.s32 $0x50, s6;
	_ =	swait.ge [sflag:s31], $0x2800  }
0x1b7: {  	s14 =	sadd.s32 $0x280, s14;
	s9 =	simm.s32 $0x600;
	[sflag:s31] =	ssyncset.done $0x0  }
.Ltmp0:
0x1b8: {  	s29 =	simm.s32 $0x280;
	[sflag:s31] =	ssyncadd.s32 $0xFFFFD800;
	(pc) =	sbr.rel @p0 .LBB2_2-.Ltmp0, $4  }
0x1b9: {  	s20 =	simm.s32 $0x680;
	s13 =	simm.s32 $0x300;
	_ =	swait.ge [sflag:s31], $0x2800  }
0x1ba: {  	s23 =	simm.s32 $0x700;
	s24 =	simm.s32 $0x380;
	[sflag:s31] =	ssyncset.done $0x0  }
0x1bb: {  	s30 =	simm.s32 $0x500;
	s25 =	simm.s32 $0x780;
	[sflag:s31] =	ssyncadd.s32 $0xFFFFD800  }
0x1bc: {  	[spmem:s22] =	stream.indirect.scatter.add.f32 [tilespmem:s7], [sflag:$0x7], $0x80, s30, s28, $0xb8;
	[tilespmem:$0x1E800] =	vst v63  }
0x1bd: {  	s19 =	simm.s32 $0x580;
	s2 =	rddreg [dreg:$0x2];
	s22 =	simm.s32 $0x8000  }
0x1be: {  	[spmem:s2] =	stream.indirect.scatter.add.f32 [tilespmem:s22], [sflag:$0x7], $0x80, s19, s28, $0xb8;
	[tilespmem:$0x1E800] =	vst v63  }
0x1bf: {  	_ =	swait.ge [sflag:s10], $0x2800  }
0x1c0: {  	[sflag:s10] =	ssyncset.done $0x0  }
0x1c1: {  	[sflag:s10] =	ssyncadd.s32 $0xFFFFD800  }
0x1c2: {  	_ =	swait.ge [sflag:s10], $0x2800  }
0x1c3: {  	s6 =	sld [smem:$0x7ED]  }
0x1c4: {  	[sflag:s10] =	ssyncset.done $0x0  }
0x1c5: {  	s16 =	sld [smem:$0x7EE];
	[sflag:s10] =	ssyncadd.s32 $0xFFFFD800  }
0x1c6: {  	[tilespmem:s4], [sflag:$0x1] =	stream.linear.gather [hbm4b:s6+s4], $0x50, $0x38;
	[tilespmem:$0x1E800] =	vst v63  }
0x1c7: {  	s14 =	simm.s32 $0x400;
	s18 =	sld [smem:$0x7EF]  }
0x1c8: {  	[tilespmem:s14], [sflag:$0x1] =	stream.linear.gather [hbm4b:s16+s4], $0x50, $0x38;
	[tilespmem:$0x1E800] =	vst v63  }
0x1c9: {  	s15 =	simm.s32 $0x80;
	s26 =	sld [smem:$0x7F0]  }
0x1ca: {  	[tilespmem:s15], [sflag:$0x1] =	stream.linear.gather [hbm4b:s18+s4], $0x50, $0x38;
	[tilespmem:$0x1E800] =	vst v63  }
0x1cb: {  	s16 =	simm.s32 $0x480  }
0x1cc: {  	[tilespmem:s16], [sflag:$0x1] =	stream.linear.gather [hbm4b:s26+s4], $0x50, $0x38;
	[tilespmem:$0x1E800] =	vst v63  }
0x1cd: {  	_ =	swait.ge [sflag:s21], $0x50  }
0x1ce: {  	[sflag:s21] =	ssyncset.done $0x0  }
0x1cf: {  	[sflag:s21] =	ssyncadd.s32 $0xFFFFFFB0  }
0x1d0: {  	_ =	swait.ge [sflag:s21], $0x50  }
0x1d1: {  	[sflag:s21] =	ssyncset.done $0x0  }
0x1d2: {  	[sflag:s21] =	ssyncadd.s32 $0xFFFFFFB0  }
0x1d3: {  	_ =	swait.ge [sflag:s21], $0x50  }
0x1d4: {  	[sflag:s21] =	ssyncset.done $0x0  }
0x1d5: {  	[sflag:s21] =	ssyncadd.s32 $0xFFFFFFB0  }
0x1d6: {  	_ =	swait.ge [sflag:s21], $0x50  }
0x1d7: {  	[sflag:s21] =	ssyncset.done $0x0  }
0x1d8: {  	[sflag:s21] =	ssyncadd.s32 $0xFFFFFFB0  }
0x1d9: {  	s11 =	simm.s32 $0x800;
	s30 =	simm.s32 $0x200;
	s1 =	rddreg [dreg:$0x0]  }
0x1da: {  	[tilespmem:s11], [sflag:$0x5] =	stream.indirect.gather [hbm4b:s1+s28], $0x80, s30, s28, $0xb8;
	[tilespmem:$0x1E800] =	vst v63  }
0x1db: {  	s8 =	simm.s32 $0x3000  }
0x1dc: {  	[tilespmem:s8], [sflag:$0x5] =	stream.indirect.gather [hbm4b:s1+s28], $0x80, s29, s28, $0xb8;
	[tilespmem:$0x1E800] =	vst v63  }
0x1dd: {  	_ =	swait.ge [sflag:s31], $0x2800  }
0x1de: {  	[sflag:s31] =	ssyncset.done $0x0  }
0x1df: {  	[sflag:s31] =	ssyncadd.s32 $0xFFFFD800  }
0x1e0: {  	_ =	swait.ge [sflag:s31], $0x2800  }
0x1e1: {  	[sflag:s31] =	ssyncset.done $0x0  }
0x1e2: {  	[sflag:s31] =	ssyncadd.s32 $0xFFFFD800  }
0x1e3: {  	[spmem:s2] =	stream.indirect.scatter.add.f32 [tilespmem:s11], [sflag:$0x6], $0x80, s9, s28, $0xb8;
	[tilespmem:$0x1E800] =	vst v63  }
0x1e4: {  	_ = 	snop  }
0x1e5: {  	[spmem:s2] =	stream.indirect.scatter.add.f32 [tilespmem:s8], [sflag:$0x6], $0x80, s20, s28, $0xb8;
	[tilespmem:$0x1E800] =	vst v63  }
0x1e6: {  	_ =	swait.ge [sflag:s12], $0x2800  }
0x1e7: {  	[sflag:s12] =	ssyncset.done $0x0  }
0x1e8: {  	[sflag:s12] =	ssyncadd.s32 $0xFFFFD800  }
0x1e9: {  	_ =	swait.ge [sflag:s12], $0x2800  }
0x1ea: {  	s7 =	sld [smem:$0x7F1]  }
0x1eb: {  	[sflag:s12] =	ssyncset.done $0x0  }
0x1ec: {  	s18 =	simm.s32 $0x100;
	s9 =	sld [smem:$0x7F2];
	[sflag:s12] =	ssyncadd.s32 $0xFFFFD800  }
0x1ed: {  	[tilespmem:s18], [sflag:$0x2] =	stream.linear.gather [hbm4b:s7+s4], $0x50, $0x38;
	[tilespmem:$0x1E800] =	vst v63  }
0x1ee: {  	s20 =	simm.s32 $0x500;
	s26 =	sld [smem:$0x7F5]  }
0x1ef: {  	[tilespmem:s20], [sflag:$0x2] =	stream.linear.gather [hbm4b:s9+s4], $0x50, $0x38;
	[tilespmem:$0x1E800] =	vst v63  }
0x1f0: {  	s29 =	sld [smem:$0x7F6];
	s7 =	simm.s32 $0x180  }
0x1f1: {  	[tilespmem:s7], [sflag:$0x2] =	stream.linear.gather [hbm4b:s26+s4], $0x50, $0x38;
	[tilespmem:$0x1E800] =	vst v63  }
0x1f2: {  	_ = 	snop  }
0x1f3: {  	[tilespmem:s19], [sflag:$0x2] =	stream.linear.gather [hbm4b:s29+s4], $0x50, $0x38;
	[tilespmem:$0x1E800] =	vst v63  }
0x1f4: {  	_ =	swait.ge [sflag:s5], $0x50  }
0x1f5: {  	[sflag:s5] =	ssyncset.done $0x0  }
0x1f6: {  	[sflag:s5] =	ssyncadd.s32 $0xFFFFFFB0  }
0x1f7: {  	_ =	swait.ge [sflag:s5], $0x50  }
0x1f8: {  	[sflag:s5] =	ssyncset.done $0x0  }
0x1f9: {  	[sflag:s5] =	ssyncadd.s32 $0xFFFFFFB0  }
0x1fa: {  	_ =	swait.ge [sflag:s5], $0x50  }
0x1fb: {  	[sflag:s5] =	ssyncset.done $0x0  }
0x1fc: {  	[sflag:s5] =	ssyncadd.s32 $0xFFFFFFB0  }
0x1fd: {  	_ =	swait.ge [sflag:s5], $0x50  }
0x1fe: {  	[sflag:s5] =	ssyncset.done $0x0  }
0x1ff: {  	s30 =	simm.s32 $0x5800;
	[sflag:s5] =	ssyncadd.s32 $0xFFFFFFB0  }
0x200: {  	[tilespmem:s30], [sflag:$0x5] =	stream.indirect.gather [hbm4b:s1+s28], $0x80, s13, s28, $0xb8;
	[tilespmem:$0x1E800] =	vst v63  }
0x201: {  	_ = 	snop  }
0x202: {  	[tilespmem:s22], [sflag:$0x5] =	stream.indirect.gather [hbm4b:s1+s28], $0x80, s24, s28, $0xb8;
	[tilespmem:$0x1E800] =	vst v63  }
0x203: {  	_ =	swait.ge [sflag:s31], $0x2800  }
0x204: {  	[sflag:s31] =	ssyncset.done $0x0  }
0x205: {  	[sflag:s31] =	ssyncadd.s32 $0xFFFFD800  }
0x206: {  	_ =	swait.ge [sflag:s31], $0x2800  }
0x207: {  	[sflag:s31] =	ssyncset.done $0x0  }
0x208: {  	[sflag:s31] =	ssyncadd.s32 $0xFFFFD800  }
0x209: {  	[spmem:s2] =	stream.indirect.scatter.add.f32 [tilespmem:s30], [sflag:$0x7], $0x80, s23, s28, $0xb8;
	[tilespmem:$0x1E800] =	vst v63  }
0x20a: {  	_ = 	snop  }
0x20b: {  	[spmem:s2] =	stream.indirect.scatter.add.f32 [tilespmem:s22], [sflag:$0x7], $0x80, s25, s28, $0xb8;
	[tilespmem:$0x1E800] =	vst v63  }
0x20c: {  	_ =	swait.ge [sflag:s10], $0x2800  }
0x20d: {  	[sflag:s10] =	ssyncset.done $0x0  }
0x20e: {  	[sflag:s10] =	ssyncadd.s32 $0xFFFFD800  }
0x20f: {  	_ =	swait.ge [sflag:s10], $0x2800  }
0x210: {  	[sflag:s10] =	ssyncset.done $0x0  }
0x211: {  	[sflag:s10] =	ssyncadd.s32 $0xFFFFD800  }
0x212: {  	_ =	swait.ge [sflag:s3], $0x50  }
0x213: {  	[sflag:s3] =	ssyncset.done $0x0  }
0x214: {  	[sflag:s3] =	ssyncadd.s32 $0xFFFFFFB0  }
0x215: {  	_ =	swait.ge [sflag:s3], $0x50  }
0x216: {  	[sflag:s3] =	ssyncset.done $0x0  }
0x217: {  	[sflag:s3] =	ssyncadd.s32 $0xFFFFFFB0  }
0x218: {  	_ =	swait.ge [sflag:s3], $0x50  }
0x219: {  	[sflag:s3] =	ssyncset.done $0x0  }
0x21a: {  	[sflag:s3] =	ssyncadd.s32 $0xFFFFFFB0  }
0x21b: {  	_ =	swait.ge [sflag:s3], $0x50  }
0x21c: {  	[sflag:s3] =	ssyncset.done $0x0  }
0x21d: {  	[sflag:s3] =	ssyncadd.s32 $0xFFFFFFB0  }
0x21e: {  	[tilespmem:s11], [sflag:$0x5] =	stream.indirect.gather [hbm4b:s1+s28], $0x80, s4, s28, $0xb8;
	[tilespmem:$0x1E800] =	vst v63  }
0x21f: {  	_ = 	snop  }
0x220: {  	[tilespmem:s8], [sflag:$0x5] =	stream.indirect.gather [hbm4b:s1+s28], $0x80, s15, s28, $0xb8;
	[tilespmem:$0x1E800] =	vst v63  }
0x221: {  	_ =	swait.ge [sflag:s31], $0x2800  }
0x222: {  	[sflag:s31] =	ssyncset.done $0x0  }
0x223: {  	[sflag:s31] =	ssyncadd.s32 $0xFFFFD800  }
0x224: {  	_ =	swait.ge [sflag:s31], $0x2800  }
0x225: {  	[sflag:s31] =	ssyncset.done $0x0  }
0x226: {  	[sflag:s31] =	ssyncadd.s32 $0xFFFFD800  }
0x227: {  	[spmem:s2] =	stream.indirect.scatter.add.f32 [tilespmem:s11], [sflag:$0x6], $0x80, s14, s28, $0xb8;
	[tilespmem:$0x1E800] =	vst v63  }
0x228: {  	_ = 	snop  }
0x229: {  	[spmem:s2] =	stream.indirect.scatter.add.f32 [tilespmem:s8], [sflag:$0x6], $0x80, s16, s28, $0xb8;
	[tilespmem:$0x1E800] =	vst v63  }
0x22a: {  	_ =	swait.ge [sflag:s12], $0x2800  }
0x22b: {  	[sflag:s12] =	ssyncset.done $0x0  }
0x22c: {  	[sflag:s12] =	ssyncadd.s32 $0xFFFFD800  }
0x22d: {  	_ =	swait.ge [sflag:s12], $0x2800  }
0x22e: {  	[sflag:s12] =	ssyncset.done $0x0  }
0x22f: {  	[sflag:s12] =	ssyncadd.s32 $0xFFFFD800  }
0x230: {  	_ =	swait.ge [sflag:s0], $0x50  }
0x231: {  	[sflag:s0] =	ssyncset.done $0x0  }
0x232: {  	[sflag:s0] =	ssyncadd.s32 $0xFFFFFFB0  }
0x233: {  	_ =	swait.ge [sflag:s0], $0x50  }
0x234: {  	[sflag:s0] =	ssyncset.done $0x0  }
0x235: {  	[sflag:s0] =	ssyncadd.s32 $0xFFFFFFB0  }
0x236: {  	_ =	swait.ge [sflag:s0], $0x50  }
0x237: {  	[sflag:s0] =	ssyncset.done $0x0  }
0x238: {  	[sflag:s0] =	ssyncadd.s32 $0xFFFFFFB0  }
0x239: {  	_ =	swait.ge [sflag:s0], $0x50  }
0x23a: {  	[sflag:s0] =	ssyncset.done $0x0  }
0x23b: {  	[sflag:s0] =	ssyncadd.s32 $0xFFFFFFB0  }
0x23c: {  	[tilespmem:s30], [sflag:$0x5] =	stream.indirect.gather [hbm4b:s1+s28], $0x80, s18, s28, $0xb8;
	[tilespmem:$0x1E800] =	vst v63  }
0x23d: {  	_ = 	snop  }
0x23e: {  	[tilespmem:s22], [sflag:$0x5] =	stream.indirect.gather [hbm4b:s1+s28], $0x80, s7, s28, $0xb8;
	[tilespmem:$0x1E800] =	vst v63  }
0x23f: {  	_ =	swait.ge [sflag:s31], $0x2800  }
0x240: {  	[sflag:s31] =	ssyncset.done $0x0  }
0x241: {  	[sflag:s31] =	ssyncadd.s32 $0xFFFFD800  }
0x242: {  	_ =	swait.ge [sflag:s31], $0x2800  }
0x243: {  	[sflag:s31] =	ssyncset.done $0x0  }
0x244: {  	[sflag:s31] =	ssyncadd.s32 $0xFFFFD800  }
0x245: {  	[spmem:s2] =	stream.indirect.scatter.add.f32 [tilespmem:s30], [sflag:$0x7], $0x80, s20, s28, $0xb8;
	[tilespmem:$0x1E800] =	vst v63  }
0x246: {  	_ = 	snop  }
0x247: {  	[spmem:s2] =	stream.indirect.scatter.add.f32 [tilespmem:s22], [sflag:$0x7], $0x80, s19, s28, $0xb8;
	[tilespmem:$0x1E800] =	vst v63  }
0x248: {  	_ =	swait.ge [sflag:s10], $0x2800  }
0x249: {  	[sflag:s10] =	ssyncset.done $0x0  }
0x24a: {  	[sflag:s10] =	ssyncadd.s32 $0xFFFFD800  }
0x24b: {  	_ =	swait.ge [sflag:s10], $0x2800  }
0x24c: {  	[sflag:s10] =	ssyncset.done $0x0  }
0x24d: {  	[sflag:s10] =	ssyncadd.s32 $0xFFFFD800  }
0x24e: {  	_ =	swait.ge [sflag:s12], $0x2800  }
0x24f: {  	[sflag:s12] =	ssyncset.done $0x0  }
0x250: {  	[sflag:s12] =	ssyncadd.s32 $0xFFFFD800  }
0x251: {  	_ =	swait.ge [sflag:s12], $0x2800  }
0x252: {  	s20 =	sld [smem:$0x7F7]  }
0x253: {  	[sflag:s12] =	ssyncset.done $0x0  }
0x254: {  	s22 =	simm.s32 $0x9;
	[sflag:s12] =	ssyncadd.s32 $0xFFFFD800  }
0x255: {  	[tilespmem:s4], [sflag:$0x9] =	stream.linear.gather [hbm4b:s20+s4], $0x50, $0x38;
	[tilespmem:$0x1E800] =	vst v63  }
0x256: {  	_ =	swait.ge [sflag:s22], $0x50  }
0x257: {  	[sflag:s22] =	ssyncset.done $0x0  }
0x258: {  	[sflag:s22] =	ssyncadd.s32 $0xFFFFFFB0  }
0x259: {  	[tilespmem:s11], [sflag:$0x5] =	stream.indirect.gather [hbm4b:s1+s28], $0x80, s4, s28, $0xb8;
	[tilespmem:$0x1E800] =	vst v63  }
0x25a: {  	_ =	swait.ge [sflag:s31], $0x2800  }
0x25b: {  	s23 =	sld [smem:$0x7F8]  }
0x25c: {  	[sflag:s31] =	ssyncset.done $0x0  }
0x25d: {  	[sflag:s31] =	ssyncadd.s32 $0xFFFFD800  }
0x25e: {  	[tilespmem:s14], [sflag:$0x9] =	stream.linear.gather [hbm4b:s23+s4], $0x50, $0x38;
	[tilespmem:$0x1E800] =	vst v63  }
0x25f: {  	_ =	swait.ge [sflag:s22], $0x50  }
0x260: {  	[sflag:s22] =	ssyncset.done $0x0  }
0x261: {  	[sflag:s22] =	ssyncadd.s32 $0xFFFFFFB0  }
0x262: {  	[spmem:s2] =	stream.indirect.scatter.add.f32 [tilespmem:s11], [sflag:$0x9], $0x80, s14, s28, $0xb8;
	[tilespmem:$0x1E800] =	vst v63  }
0x263: {  	_ =	swait.ge [sflag:s22], $0x2800  }
0x264: {  	[sflag:s22] =	ssyncset.done $0x0  }
0x265: {  	[sflag:s22] =	ssyncadd.s32 $0xFFFFD800  }
0x266: {  	[bflag:$0x0] =	sbarrier.arrive $0xFFFF  }
0x267: {  	s24 =	sld [smem:$0x7FC]  }
0x268: {  	s25 =	sld [smem:$0x7F9]  }
0x269: {  	s26 =	sld [smem:$0x7E9];
	_ =	sdelay $0x1  }
0x26a: {  	s6 =	sor.u32 $0x1C09, s24  }
0x26b: {  	[hbm:s25], [sflag:s6] =	dma.local [spmem:s26], $0x2800  }
0x26c: {  	_ =	swait.ge [sflag:s22], $0x2800  }
0x26d: {  	s29 =	sld [smem:$0x7E8]  }
0x26e: {  	s30 =	sld [smem:$0x7FA];
	_ =	sdelay $0x1  }
0x26f: {  	s1 =	sadd.s32 $0x1, s29  }
0x270: {  	p0 =	sne.s32 s1, s30  }
.Ltmp1:
0x271: {  	_ = 	snop;
	(pc) =	sbr.rel @p0 .LBB2_1-.Ltmp1, $3  }
0x272: {  	_ =	sdelay $0x1  }
0x273: {  	[sflag:s22] =	ssyncset.done $0x0  }
0x274: {  	s25 =	rddreg [dreg:$0x12];
	[sflag:s22] =	ssyncadd.s32 $0xFFFFD800  }
0x275: {  	_ =	sfence.sel $0x180000  }
0x276: {  	[bflag:$0x0] =	sbarrier.arrive $0xFFFF  }
0x277: {  	_ =	strace $0x9000004D  }
0x278: {  	s0 =	stileid.u32;
	[bflag:$0x2] =	sbarrier.arrive $0xFFFF  }
0x279: {  	p0 =	sne.s32 s0, $0x0;
	s0 =	rddreg [dreg:$0x3]  }
0x27a: {  	s0 =	sadd.s32 @!p0 $0x100000, s0  }
0x27b: {  	[sflag:s0] =	ssyncadd.tile.s32 @!p0 $0x1;
	_ =	shalt  }
.Lfunc_end2:
_tile_overlayer_lowered:
.L_overlay_start_2:
0x27c: {  	(tag) =	ssettag $0x2  }
0x27d: {  	s0 =	rddreg [dreg:$0x0];
	s2 =	stileid.u32  }
0x27e: {  	s1 =	rddreg [dreg:$0x1];
	p0 =	sne.s32 s2, $0x0  }
0x27f: {  	s3 =	rddreg [dreg:$0x2];
	[bflag:$0x3] =	sbarrier.arrive $0xFFFF;
	s2 =	simm.s32 @!p0 $0x1C09  }
0x280: {  	[timem:s3], [sflag:s2] =	dma.local @!p0 [hbm:s0], s1  }
0x281: {  	s0 =	simm.s32 @!p0 $0x9  }
0x282: {  	_ =	swait.ge @!p0 [sflag:s0], s1  }
0x283: {  	s1 =	ssub.s32 @!p0 $0x0, s1;
	[sflag:s0] =	ssyncset.done @!p0 $0x0  }
0x284: {  	[sflag:s0] =	ssyncadd.s32 @!p0 s1  }
0x285: {  	[bflag:$0x3] =	sbarrier.arrive $0xFFFF  }
0x286: {  	_ =	shalt  }

// kernel: kernel.8.cloned.1.call-start
scs
__scs_entry_jumppad:
0x0: {  	(pc) =	sbr.rel $0x88, $3  }
0x1: {  	(tag) =	ssettag $0x0;
	lr =	simm.s32 $0x1  }
0x2: {  	[smem:$0x3F9B] =	sst lr;
	_ =	strace $0xD0000000  }
0x3: {  	_ = 	snop  }
0x4: {  	_ = 	snop  }
0x5: {  	_ = 	snop  }
0x6: {  	_ = 	snop  }
0x7: {  	_ = 	snop  }
__scs_overlays_trampoline_lowered:
0x8: {  	[smem:$0x3FAA] =	sst s0  }
0x9: {  	[smem:$0x3FAB] =	sst s1  }
0xa: {  	[smem:$0x3FAC] =	sst s2  }
0xb: {  	[smem:$0x3FAD] =	sst s3  }
0xc: {  	[smem:$0x3FAE] =	sst s4  }
0xd: {  	[smem:$0x3FAF] =	sst s5  }
0xe: {  	[smem:$0x3FB0] =	sst s6  }
0xf: {  	[smem:$0x3FB1] =	sst s7  }
0x10: {  	[smem:$0x3FB2] =	sst s8  }
0x11: {  	[smem:$0x3FB3] =	sst s9;
	s0 =	simm.s32 @!p0 $0x0  }
0x12: {  	s1 =	sld [smem:$0x3F99];
	s0 =	simm.s32 @p0 $0x1  }
0x13: {  	[smem:$0x3FB4] =	sst s0;
	s0 =	simm.s32 @!p1 $0x0  }
0x14: {  	s2 =	sld [smem:$0x3F98];
	s0 =	simm.s32 @p1 $0x1  }
0x15: {  	[smem:$0x3FB5] =	sst s0;
	s0 =	simm.s32 @!p2 $0x0  }
0x16: {  	s3 =	sld [smem:$0x3FDB];
	s0 =	simm.s32 @p2 $0x1  }
0x17: {  	s4 =	simm.s32 $0x1BF5;
	[smem:$0x3FB7] =	sst s0  }
0x18: {  	s0 =	sld [smem:$0x3F9A];
	_ =	swait.ge [sflag:s4], $0x0  }
0x19: {  	s7 =	sld [smem:$0x3F9B]  }
0x1a: {  	s8 =	sadd.s32 $0xFFFFE003, lr  }
0x1b: {  	s9 =	sadd.s32 $0xFFFFFEF7, lr;
	s5 =	simm.s32 $0xFFFFFFFF;
	p2 =	slt.u32 s8, $0xFFFFF086  }
0x1c: {  	p1 =	slt.u32 s9, $0xF7A;
	s5 =	simm.s32 @!p2 $0x0  }
0x1d: {  	s5 =	simm.s32 @p1 $0x1;
	p0 =	seq.s32 s7, s2  }
0x1e: {  	s7 =	smul.u32 @!p0 $0xF7A, s2;
	p2 =	seq.s32 @!p0 s5, $0x0  }
0x1f: {  	s9 =	smul.u32 $0xF7A, s1;
	s8 =	simm.s32 @!p0 $0x1BF5;
	p2 =	por !p2, p0  }
0x20: {  	[sflag:s8] =	ssyncset.s32 @!p0 $0xFFFFF086;
	s6 =	sadd.s32 @!p0 s3, s7;
	s7 =	simm.s32 @!p0 $0x108  }
0x21: {  	s3 =	sadd.s32 s3, s9;
	s6 =	sadd.s32 @!p0 $0x88, s6;
	s7 =	simm.s32 @p2 $0x1082  }
0x22: {  	[simem:s7], [sflag:s8] =	dma.local @!p0 [hbm:s6], $0xF7A  }
0x23: {  	s9 =	sor.u32 $0xD0000000, s2;
	s6 =	simm.s32 $0x108;
	_ =	swait.ge @!p0 [sflag:s8], $0x0  }
0x24: {  	s3 =	sadd.s32 $0x88, s3;
	s6 =	simm.s32 @!p1 $0x1082;
	[sflag:s4] =	ssyncset.s32 $0xFFFFF086  }
0x25: {  	[simem:s6], [sflag:s4] =	dma.local [hbm:s3], $0xF7A  }
0x26: {  	[smem:$0x3F9B] =	sst s1;
	(tag) =	ssettag s2;
	_ =	strace s9  }
0x27: {  	s1 =	sld [smem:$0x3FAB]  }
0x28: {  	s2 =	sld [smem:$0x3FAC]  }
0x29: {  	s4 =	sld [smem:$0x3FAE]  }
0x2a: {  	p0 =	seq.s32 s5, $0x0;
	s5 =	sld [smem:$0x3FAF]  }
0x2b: {  	s6 =	sld [smem:$0x3FB0]  }
0x2c: {  	s7 =	sld [smem:$0x3FB1]  }
0x2d: {  	s3 =	simm.s32 $0x108;
	s8 =	sld [smem:$0x3FB2]  }
0x2e: {  	s3 =	simm.s32 @!p0 $0x1082;
	s9 =	sld [smem:$0x3FB3]  }
0x2f: {  	lr =	sadd.s32 s0, s3;
	s0 =	sld [smem:$0x3FAA]  }
0x30: {  	s3 =	sld [smem:$0x3FAD]  }
0x31: {  	[smem:$0x3FB6] =	sst s10  }
0x32: {  	s10 =	sld [smem:$0x3FB4];
	_ =	sdelay $0x3  }
0x33: {  	p0 =	seq.s32 s10, $0x1;
	s10 =	sld [smem:$0x3FB6];
	_ =	sdelay $0x3  }
0x34: {  	[smem:$0x3FB6] =	sst s10  }
0x35: {  	s10 =	sld [smem:$0x3FB5];
	_ =	sdelay $0x3  }
0x36: {  	p1 =	seq.s32 s10, $0x1;
	s10 =	sld [smem:$0x3FB6];
	_ =	sdelay $0x3  }
0x37: {  	[smem:$0x3FB6] =	sst s10  }
0x38: {  	s10 =	sld [smem:$0x3FB7]  }
0x39: {  	_ = 	snop;
	(pc) =	sbr.ind lr, $3  }
0x3a: {  	_ = 	snop  }
0x3b: {  	_ = 	snop  }
0x3c: {  	p2 =	seq.s32 s10, $0x1;
	s10 =	sld [smem:$0x3FB6]  }
0x3d: {  	_ =	shalt  }
0x3e: {  	_ =	shalt  }
0x3f: {  	_ =	shalt  }
0x40: {  	_ =	shalt  }
0x41: {  	_ =	shalt  }
0x42: {  	_ =	shalt  }
0x43: {  	_ =	shalt  }
0x44: {  	_ =	shalt  }
0x45: {  	_ =	shalt  }
0x46: {  	_ =	shalt  }
0x47: {  	_ =	shalt  }
0x48: {  	_ =	shalt  }
0x49: {  	_ =	shalt  }
0x4a: {  	_ =	shalt  }
0x4b: {  	_ =	shalt  }
0x4c: {  	_ =	shalt  }
0x4d: {  	_ =	shalt  }
0x4e: {  	_ =	shalt  }
0x4f: {  	_ =	shalt  }
0x50: {  	_ =	shalt  }
0x51: {  	_ =	shalt  }
0x52: {  	_ =	shalt  }
0x53: {  	_ =	shalt  }
0x54: {  	_ =	shalt  }
0x55: {  	_ =	shalt  }
0x56: {  	_ =	shalt  }
0x57: {  	_ =	shalt  }
0x58: {  	_ =	shalt  }
0x59: {  	_ =	shalt  }
0x5a: {  	_ =	shalt  }
0x5b: {  	_ =	shalt  }
0x5c: {  	_ =	shalt  }
0x5d: {  	_ =	shalt  }
0x5e: {  	_ =	shalt  }
0x5f: {  	_ =	shalt  }
0x60: {  	_ =	shalt  }
0x61: {  	_ =	shalt  }
0x62: {  	_ =	shalt  }
0x63: {  	_ =	shalt  }
0x64: {  	_ =	shalt  }
0x65: {  	_ =	shalt  }
0x66: {  	_ =	shalt  }
0x67: {  	_ =	shalt  }
0x68: {  	_ =	shalt  }
0x69: {  	_ =	shalt  }
0x6a: {  	_ =	shalt  }
0x6b: {  	_ =	shalt  }
0x6c: {  	_ =	shalt  }
0x6d: {  	_ =	shalt  }
0x6e: {  	_ =	shalt  }
0x6f: {  	_ =	shalt  }
0x70: {  	_ =	shalt  }
0x71: {  	_ =	shalt  }
0x72: {  	_ =	shalt  }
0x73: {  	_ =	shalt  }
0x74: {  	_ =	shalt  }
0x75: {  	_ =	shalt  }
0x76: {  	_ =	shalt  }
0x77: {  	_ =	shalt  }
0x78: {  	_ =	shalt  }
0x79: {  	_ =	shalt  }
0x7a: {  	_ =	shalt  }
0x7b: {  	_ =	shalt  }
0x7c: {  	_ =	shalt  }
0x7d: {  	_ =	shalt  }
0x7e: {  	_ =	shalt  }
0x7f: {  	_ =	shalt  }
0x80: {  	_ =	shalt  }
0x81: {  	_ =	shalt  }
0x82: {  	_ =	shalt  }
0x83: {  	_ =	shalt  }
0x84: {  	_ =	shalt  }
0x85: {  	_ =	shalt  }
0x86: {  	_ =	shalt  }
0x87: {  	_ =	shalt  }
.Lfunc_end0:
.L_simem_size_0:
called_computation_lowered:
.L_overlay_start_0:
0x88: {  	s2 =	sld [smem:$0x3FD9]  }
0x89: {  	s3 =	sld [smem:$0x3FFE];
	_ =	sdelay $0x1  }
0x8a: {  	s1 =	srdreg.scid  }
0x8b: {  	s0 =	sand.u32 $0x1, s1  }
0x8c: {  	s17 =	sshll.u32 s0, $0xA;
	s2 =	sadd.s32 s3, s2  }
0x8d: {  	s2 =	sadd.s32 s2, s17  }
0x8e: {  	[smem:$0x3FC2] =	sst s2  }
0x8f: {  	_ = 	snop  }
0x90: {  	s2 =	sld [smem:$0x3FD0];
	(tm) =	ssettm $0x1  }
0x91: {  	s18 =	sld [smem:$0x3FFB];
	_ =	sdelay $0x3  }
0x92: {  	_ =	strace s18  }
0x93: {  	s3 =	sld [smem:$0x3FFC];
	_ =	sdelay $0x3  }
0x94: {  	_ =	strace s3  }
0x95: {  	s3 =	sld [smem:$0x3FFD];
	_ =	sdelay $0x3  }
0x96: {  	_ =	strace s3  }
0x97: {  	_ =	strace $0x8FFFFFFF  }
0x98: {  	s19 =	sld [smem:$0x3FDB];
	_ =	sdelay $0x1  }
0x99: {  	s4 =	simm.s32 $_scs_section_size  }
0x9a: {  	s5 =	simm.s32 $_size__tile_overlayer_lowered;
	s6 =	simm.s32 $_tile_overlayer_lowered  }
0x9b: {  	s22 =	simm.s32 $0x1BFF;
	s21 =	sshll.u32 s6, $0x1;
	s3 =	sadd.s32 s4, s19  }
0x9c: {  	s7 =	simm.s32 $0x0;
	s20 =	sshll.u32 s5, $0x1;
	s5 =	sadd.s32 s21, s3  }
0x9d: {  	[timem:s7], [sflag:s22] =	dma.local [hbm:s5], s20  }
0x9e: {  	_ =	swait.ge [sflag:s22], s20  }
0x9f: {  	s4 =	ssub.s32 $0x0, s20;
	[sflag:s22] =	ssyncset.done $0x0  }
0xa0: {  	[sflag:s22] =	ssyncadd.s32 s4;
	_ =	sdelay $0x1  }
0xa1: {  	s23 =	simm.s32 $0x1B8B  }
0xa2: {  	_ =	swait.ge [sflag:s23], $0x1  }
0xa3: {  	[sflag:s23] =	ssyncset.done $0x0  }
0xa4: {  	s25 =	simm.s32 $0x1B8E;
	s24 =	sld [smem:$0x3FFE];
	[sflag:s23] =	ssyncadd.s32 $0xFFFFFFFF  }
0xa5: {  	s26 =	simm.s32 $execute0_lowered;
	[smem:$0x3FD2] =	sst s25  }
0xa6: {  	s5 =	sshll.u32 s26, $0x1;
	_ =	strace $0x80000046;
	[dreg:$0x1] =	wrdreg $0xFFFFFFFF  }
0xa7: {  	s28 =	simm.s32 $_size_execute0_lowered;
	s3 =	sadd.s32 s3, s5;
	[dreg:$0x0] =	wrdreg $0x0  }
0xa8: {  	s5 =	sshll.u32 s28, $0x1;
	[dreg:$0x2] =	wrdreg s3  }
0xa9: {  	[dreg:$0x3] =	wrdreg s5  }
0xaa: {  	[dreg:$0x4] =	wrdreg $0xC0  }
0xab: {  	_ =	task [dreg:s7], $0x5FFFF  }
0xac: {  	[dreg:$0x1] =	wrdreg $0xFFFFFFFF  }
0xad: {  	[dreg:$0x0] =	wrdreg $0x60  }
0xae: {  	[dreg:$0x2] =	wrdreg s24  }
0xaf: {  	[dreg:$0x3] =	wrdreg s2  }
0xb0: {  	[dreg:$0x4] =	wrdreg $0x58000  }
0xb1: {  	[dreg:$0x5] =	wrdreg $0x9  }
0xb2: {  	_ =	task.clear_ibuf [dreg:s7], $0x6FFFF;
	_ =	strace $0x90000046  }
0xb3: {  	s29 =	simm.s32 $0x9;
	_ =	strace $0x80000048  }
0xb4: {  	_ =	swait.ge [sflag:s29], $0x1  }
0xb5: {  	[sflag:s29] =	ssyncadd.s32 $0xFFFFFFFF  }
0xb6: {  	_ =	strace $0x90000048  }
0xb7: {  	_ =	sfence  }
0xb8: {  	s30 =	sld [smem:$0x0];
	_ =	sdelay $0x2  }
0xb9: {  	s31 =	sshll.u32 s1, $0xD;
	s1 =	sshrl.u32 s1, $0x2  }
0xba: {  	s3 =	sand.u32 $0x4000, s31;
	s1 =	sadd.s32 s1, s30  }
0xbb: {  	s0 =	sor.u32 s3, s0;
	s1 =	sshll.u32 s1, $0x11  }
0xbc: {  	s0 =	sor.u32 s1, s0  }
0xbd: {  	s0 =	sadd.s32 $0x8F2B, s0  }
0xbe: {  	[sflag:s0] =	ssyncadd.remote.s32 $0x1  }
0xbf: {  	_ =	sfence.sel $0xFFFF  }
0xc0: {  	[dreg:$0x0] =	wrdreg $0xFFFFFFFF;
	(pc) =	sbr.abs _section_cstart, $3  }
0xc1: {  	[dreg:$0x1] =	wrdreg $0xFFFFFFFF  }
0xc2: {  	_ =	task.clear_ibuf [dreg:s7], $0x2FFFF;
	_ =	strace $0x9FFFFFFF  }
0xc3: {  	(tm) =	ssettm $0x7FFFFFFF  }
tec
execute0_lowered:
.L_overlay_start_1:
0x0: {  	(tag) =	ssettag $0x1  }
0x1: {  	s0 =	rddreg [dreg:$0x0]  }
0x2: {  	s5 =	rddreg [dreg:$0x1]  }
0x3: {  	s2 =	rddreg [dreg:$0x2]  }
0x4: {  	s1 =	srdreg.scid;
	s4 =	simm.s32 $0x0;
	s12 =	stileid.u32  }
0x5: {  	s7 =	sand.u32 $0x1, s1;
	[smem:$0x7FF] =	sst s4;
	s3 =	smul.u32 $0x14000, s12  }
0x6: {  	s6 =	sshll.u32 s12, $0x1;
	s16 =	sadd.s32 $0xBE00, s0;
	s9 =	smul.u32 $0x50000, s12  }
0x7: {  	s15 =	sadd.s32 $0x2000, s0;
	s11 =	sadd.s32 $0x15C00, s0;
	s19 =	smul.u32 $0x4E20, s12  }
0x8: {  	s1 =	smul.u32 $0x140000, s7;
	_ =	strace $0x80000047;
	s8 =	sor.u32 s7, s6  }
0x9: {  	s10 =	ssub.s32 $0x2, s7;
	[dreg:$0x13] =	wrdreg s11;
	s30 =	smul.u32 $0x2710, s8  }
0xa: {  	[dreg:$0x12] =	wrdreg s15;
	s13 =	sshrl.u32 s10, $0x1;
	s14 =	sshrl.u32 s9, $0x2  }
0xb: {  	s1 =	sadd.s32 s3, s1;
	s17 =	sadd.s32 s14, s2;
	s3 =	sshrl.u32 s30, $0x3  }
0xc: {  	s1 =	sshrl.u32 s1, $0x3;
	[dreg:$0x14] =	wrdreg s17;
	s18 =	sadd.s32 $0xA, s3  }
0xd: {  	s0 =	sadd.s32 s1, s0;
	s1 =	ssub.s32 s10, s13;
	s20 =	sadd.s32 s16, s18  }
0xe: {  	s10 =	sadd.s32 $0x14, s3;
	s21 =	sadd.s32 s15, s18;
	[dreg:$0x15] =	wrdreg s20  }
0xf: {  	s7 =	smul.u32 $0x2710, s7;
	s22 =	sadd.s32 s16, s10;
	[dreg:$0x16] =	wrdreg s21  }
0x10: {  	s23 =	sadd.s32 $0x1E, s3;
	s24 =	sadd.s32 s15, s10;
	[dreg:$0x17] =	wrdreg s22  }
0x11: {  	s7 =	sadd.s32 s7, s19;
	s25 =	sadd.s32 s16, s23;
	[dreg:$0x18] =	wrdreg s24  }
0x12: {  	s28 =	sadd.s32 $0x28, s3;
	s26 =	sadd.s32 s15, s23;
	[dreg:$0x19] =	wrdreg s25  }
0x13: {  	s9 =	sadd.s32 $0x460, s7;
	s29 =	sadd.s32 s16, s28;
	[dreg:$0x1a] =	wrdreg s26  }
0x14: {  	s6 =	sshrl.u32 s9, $0x3;
	s30 =	sadd.s32 s15, s28;
	[dreg:$0x1b] =	wrdreg s29  }
0x15: {  	s11 =	sadd.s32 $0x4B0, s7;
	s13 =	sadd.s32 s6, s15;
	[dreg:$0x1c] =	wrdreg s30  }
0x16: {  	s14 =	sshrl.u32 s11, $0x3;
	s8 =	sadd.s32 s6, s16;
	[dreg:$0x4] =	wrdreg s13  }
0x17: {  	s9 =	sadd.s32 $0x32, s3;
	s17 =	sadd.s32 s14, s15;
	[dreg:$0x5] =	wrdreg s8  }
0x18: {  	s18 =	sadd.s32 $0x3C0, s7;
	s19 =	sadd.s32 s14, s16;
	[dreg:$0x6] =	wrdreg s17  }
0x19: {  	s6 =	sadd.s32 $0x370, s7;
	s0 =	sadd.s32 $0x18400, s0;
	[dreg:$0x7] =	wrdreg s19  }
0x1a: {  	s20 =	sshrl.u32 s18, $0x3;
	s19 =	sadd.s32 s16, s9;
	[smem:$0x7F8] =	sst s0  }
0x1b: {  	s14 =	sadd.s32 $0x2D0, s7;
	s21 =	sadd.s32 s20, s15;
	[dreg:$0x1d] =	wrdreg s19  }
0x1c: {  	s11 =	sshrl.u32 s6, $0x3;
	s23 =	sadd.s32 s20, s16;
	[dreg:$0x8] =	wrdreg s21  }
0x1d: {  	s22 =	sadd.s32 $0x410, s7;
	s13 =	sadd.s32 s11, s15;
	[dreg:$0x9] =	wrdreg s23  }
0x1e: {  	s18 =	sshrl.u32 s14, $0x3;
	s17 =	sadd.s32 s11, s16;
	[dreg:$0xe] =	wrdreg s13  }
0x1f: {  	s24 =	sshrl.u32 s22, $0x3;
	s20 =	sadd.s32 s18, s15;
	[dreg:$0xf] =	wrdreg s17  }
0x20: {  	s26 =	sadd.s32 $0x320, s7;
	s25 =	sadd.s32 s24, s15;
	[dreg:$0x10] =	wrdreg s20  }
0x21: {  	s29 =	sshrl.u32 s26, $0x3;
	s28 =	sadd.s32 s24, s16;
	[dreg:$0xa] =	wrdreg s25  }
0x22: {  	s30 =	sadd.s32 s29, s15;
	[dreg:$0xb] =	wrdreg s28  }
0x23: {  	s10 =	sadd.s32 s29, s16;
	[dreg:$0xc] =	wrdreg s30  }
0x24: {  	s22 =	sadd.s32 $0x3C, s3;
	s21 =	sadd.s32 s15, s9;
	[dreg:$0xd] =	wrdreg s10  }
0x25: {  	s23 =	sadd.s32 s16, s22;
	[dreg:$0x1e] =	wrdreg s21  }
0x26: {  	s26 =	sadd.s32 $0x46, s3;
	s24 =	sadd.s32 s15, s22;
	[dreg:$0x1f] =	wrdreg s23  }
0x27: {  	s11 =	sadd.s32 $0x4BA, s3;
	s29 =	sadd.s32 s16, s26;
	[smem:$0x7E9] =	sst s24  }
0x28: {  	s14 =	sadd.s32 s16, s11;
	[smem:$0x7EA] =	sst s29  }
0x29: {  	s17 =	sadd.s32 s15, s11;
	[smem:$0x7EE] =	sst s14  }
0x2a: {  	s20 =	sadd.s32 s16, s3;
	[smem:$0x7EF] =	sst s17  }
0x2b: {  	s22 =	sadd.s32 s15, s3;
	[smem:$0x7F2] =	sst s20  }
0x2c: {  	s25 =	sadd.s32 s18, s16;
	[smem:$0x7F3] =	sst s22  }
0x2d: {  	s13 =	sadd.s32 $0x4C4, s3;
	s30 =	sadd.s32 s15, s26;
	[dreg:$0x11] =	wrdreg s25  }
0x2e: {  	s18 =	sadd.s32 s16, s13;
	[smem:$0x7EB] =	sst s30  }
0x2f: {  	s19 =	sadd.s32 s15, s13;
	[smem:$0x7F0] =	sst s18  }
0x30: {  	s26 =	smax.u32 s1, $0x1;
	[smem:$0x7F1] =	sst s19  }
0x31: {  	s28 =	sadd.s32 $0x4B0, s3;
	s29 =	sadd.s32 $0x280, s7;
	[smem:$0x7F9] =	sst s26  }
0x32: {  	s31 =	simm.s32 $0x50;
	s8 =	sadd.s32 s16, s28;
	[smem:$0x7FA] =	sst s29  }
0x33: {  	s21 =	sadd.s32 $0x4CE, s3;
	s10 =	sadd.s32 s15, s28;
	[smem:$0x7EC] =	sst s8  }
0x34: {  	s11 =	simm.s32 $0x8;
	s23 =	sadd.s32 s16, s21;
	[smem:$0x7ED] =	sst s10  }
0x35: {  	s3 =	sadd.s32 $0x4D8, s3;
	s24 =	sadd.s32 s15, s21;
	[smem:$0x7F4] =	sst s23  }
0x36: {  	s9 =	simm.s32 $0x5;
	s25 =	sadd.s32 s16, s3;
	[smem:$0x7F5] =	sst s24  }
0x37: {  	s13 =	simm.s32 $0x6;
	s3 =	sadd.s32 s15, s3;
	[smem:$0x7F6] =	sst s25  }
0x38: {  	s1 =	simm.s32 $0x0;
	s28 =	sshll.u32 s12, $0x6;
	[smem:$0x7F7] =	sst s3  }
0x39: {  	s30 =	sadd.s32 $0x500, s5;
	s12 =	simm.s32 $0x3;
	[smem:$0x7FB] =	sst s28  }
0x3a: {  	s0 =	sor.u32 $0x1C07, s28;
	[smem:$0x7FD] =	sst s30;
	s23 =	simm.s32 $0x1  }
0x3b: {  	s10 =	simm.s32 $0x4;
	[smem:$0x7FC] =	sst s0;
	s0 =	simm.s32 $0x2  }
.LBB2_1:
0x3c: {  	[smem:$0x7E7] =	sst s1  }
0x3d: {  	s5 =	rddreg [dreg:$0x14]  }
0x3e: {  	s6 =	sld [smem:$0x7FC]  }
0x3f: {  	s19 =	rddreg [dreg:$0x13];
	s18 =	sshrl.u32 s5, $0x3  }
0x40: {  	[smem:$0x7E8] =	sst s18  }
0x41: {  	[spmem:s18], [sflag:s6] =	dma.local [hbm:s19], $0x2800  }
0x42: {  	s5 =	rddreg [dreg:$0x1]  }
0x43: {  	[tilespmem:s4], [sflag:$0x8] =	stream.linear.gather [hbm4b:s5+s4], $0x2800, $0x38;
	[tilespmem:$0x19800] =	vst v63  }
0x44: {  	_ =	swait.ge [sflag:s11], $0x2800  }
0x45: {  	s20 =	sld [smem:$0x7FD]  }
0x46: {  	[sflag:s11] =	ssyncset.done $0x0  }
0x47: {  	s18 =	simm.s32 $0x2800;
	[sflag:s11] =	ssyncadd.s32 $0xFFFFD800  }
0x48: {  	[tilespmem:s18], [sflag:$0x8] =	stream.linear.gather [hbm4b:s20+s4], $0x2800, $0x38;
	[tilespmem:$0x19800] =	vst v63  }
0x49: {  	_ =	swait.ge [sflag:s11], $0x2800  }
0x4a: {  	s21 =	sld [smem:$0x7F2]  }
0x4b: {  	[sflag:s11] =	ssyncset.done $0x0  }
0x4c: {  	s6 =	simm.s32 $0x5000;
	s22 =	sld [smem:$0x7F3];
	[sflag:s11] =	ssyncadd.s32 $0xFFFFD800  }
0x4d: {  	[tilespmem:s6], [sflag:$0x1] =	stream.linear.gather [hbm4b:s21+s4], $0x50, $0x38;
	[tilespmem:$0x19800] =	vst v63  }
0x4e: {  	s17 =	simm.s32 $0x5400  }
0x4f: {  	[tilespmem:s17], [sflag:$0x1] =	stream.linear.gather [hbm4b:s22+s4], $0x50, $0x38;
	[tilespmem:$0x19800] =	vst v63  }
0x50: {  	s25 =	simm.s32 $0x5080;
	s24 =	rddreg [dreg:$0x15]  }
0x51: {  	[tilespmem:s25], [sflag:$0x1] =	stream.linear.gather [hbm4b:s24+s4], $0x50, $0x38;
	[tilespmem:$0x19800] =	vst v63  }
0x52: {  	s20 =	simm.s32 $0x5480;
	s26 =	rddreg [dreg:$0x16]  }
0x53: {  	[tilespmem:s20], [sflag:$0x1] =	stream.linear.gather [hbm4b:s26+s4], $0x50, $0x38;
	[tilespmem:$0x19800] =	vst v63  }
0x54: {  	s28 =	rddreg [dreg:$0x17];
	s21 =	simm.s32 $0x5100  }
0x55: {  	[tilespmem:s21], [sflag:$0x2] =	stream.linear.gather [hbm4b:s28+s4], $0x50, $0x38;
	[tilespmem:$0x19800] =	vst v63  }
0x56: {  	s29 =	rddreg [dreg:$0x18];
	s22 =	simm.s32 $0x5500  }
0x57: {  	[tilespmem:s22], [sflag:$0x2] =	stream.linear.gather [hbm4b:s29+s4], $0x50, $0x38;
	[tilespmem:$0x19800] =	vst v63  }
0x58: {  	s19 =	simm.s32 $0x5180;
	s30 =	rddreg [dreg:$0x19]  }
0x59: {  	[tilespmem:s19], [sflag:$0x2] =	stream.linear.gather [hbm4b:s30+s4], $0x50, $0x38;
	[tilespmem:$0x19800] =	vst v63  }
0x5a: {  	s3 =	simm.s32 $0x7;
	s1 =	rddreg [dreg:$0x1a];
	s24 =	simm.s32 $0x5580  }
0x5b: {  	[tilespmem:s24], [sflag:$0x2] =	stream.linear.gather [hbm4b:s1+s4], $0x50, $0x38;
	[tilespmem:$0x19800] =	vst v63  }
0x5c: {  	_ =	swait.ge [sflag:s3], $0x2800  }
0x5d: {  	[sflag:s3] =	ssyncset.done $0x0  }
0x5e: {  	[sflag:s3] =	ssyncadd.s32 $0xFFFFD800  }
0x5f: {  	[bflag:$0x0] =	sbarrier.arrive $0xFFFF  }
0x60: {  	_ =	swait.ge [sflag:s23], $0x50  }
0x61: {  	[sflag:s23] =	ssyncset.done $0x0  }
0x62: {  	[sflag:s23] =	ssyncadd.s32 $0xFFFFFFB0  }
0x63: {  	_ =	swait.ge [sflag:s23], $0x50  }
0x64: {  	[sflag:s23] =	ssyncset.done $0x0  }
0x65: {  	[sflag:s23] =	ssyncadd.s32 $0xFFFFFFB0  }
0x66: {  	_ =	swait.ge [sflag:s23], $0x50  }
0x67: {  	[sflag:s23] =	ssyncset.done $0x0  }
0x68: {  	[sflag:s23] =	ssyncadd.s32 $0xFFFFFFB0  }
0x69: {  	_ =	swait.ge [sflag:s23], $0x50  }
0x6a: {  	[sflag:s23] =	ssyncset.done $0x0  }
0x6b: {  	s26 =	simm.s32 $0x5200;
	s7 =	rddreg [dreg:$0x1b];
	[sflag:s23] =	ssyncadd.s32 $0xFFFFFFB0  }
0x6c: {  	[tilespmem:s26], [sflag:$0x3] =	stream.linear.gather [hbm4b:s7+s4], $0x50, $0x38;
	[tilespmem:$0x19800] =	vst v63  }
0x6d: {  	s28 =	simm.s32 $0x5600;
	s8 =	rddreg [dreg:$0x1c]  }
0x6e: {  	[tilespmem:s28], [sflag:$0x3] =	stream.linear.gather [hbm4b:s8+s4], $0x50, $0x38;
	[tilespmem:$0x19800] =	vst v63  }
0x6f: {  	s3 =	simm.s32 $0x5280;
	s11 =	rddreg [dreg:$0x1d]  }
0x70: {  	[tilespmem:s3], [sflag:$0x3] =	stream.linear.gather [hbm4b:s11+s4], $0x50, $0x38;
	[tilespmem:$0x19800] =	vst v63  }
0x71: {  	s1 =	simm.s32 $0x5680;
	s14 =	rddreg [dreg:$0x1e]  }
0x72: {  	[tilespmem:s1], [sflag:$0x3] =	stream.linear.gather [hbm4b:s14+s4], $0x50, $0x38;
	[tilespmem:$0x19800] =	vst v63  }
0x73: {  	_ = 	snop  }
0x74: {  	[spmem:s2] =	stream.indirect.scatter.add.f32 [tilespmem:s4], [sflag:$0x5], $0x80, s6, s31, $0xb8;
	[tilespmem:$0x19800] =	vst v63  }
0x75: {  	_ = 	snop  }
0x76: {  	[spmem:s2] =	stream.indirect.scatter.add.f32 [tilespmem:s18], [sflag:$0x5], $0x80, s17, s31, $0xb8;
	[tilespmem:$0x19800] =	vst v63  }
0x77: {  	_ = 	snop  }
0x78: {  	[spmem:s2] =	stream.indirect.scatter.add.f32 [tilespmem:s4], [sflag:$0x5], $0x80, s25, s31, $0xb8;
	[tilespmem:$0x19800] =	vst v63  }
0x79: {  	_ = 	snop  }
0x7a: {  	[spmem:s2] =	stream.indirect.scatter.add.f32 [tilespmem:s18], [sflag:$0x5], $0x80, s20, s31, $0xb8;
	[tilespmem:$0x19800] =	vst v63  }
0x7b: {  	_ =	swait.ge [sflag:s0], $0x50  }
0x7c: {  	[sflag:s0] =	ssyncset.done $0x0  }
0x7d: {  	[sflag:s0] =	ssyncadd.s32 $0xFFFFFFB0  }
0x7e: {  	_ =	swait.ge [sflag:s0], $0x50  }
0x7f: {  	[sflag:s0] =	ssyncset.done $0x0  }
0x80: {  	[sflag:s0] =	ssyncadd.s32 $0xFFFFFFB0  }
0x81: {  	_ =	swait.ge [sflag:s0], $0x50  }
0x82: {  	[sflag:s0] =	ssyncset.done $0x0  }
0x83: {  	[sflag:s0] =	ssyncadd.s32 $0xFFFFFFB0  }
0x84: {  	_ =	swait.ge [sflag:s0], $0x50  }
0x85: {  	[sflag:s0] =	ssyncset.done $0x0;
	s29 =	rddreg [dreg:$0x1f]  }
0x86: {  	s7 =	simm.s32 $0x5300;
	s30 =	sld [smem:$0x7E9];
	[sflag:s0] =	ssyncadd.s32 $0xFFFFFFB0  }
0x87: {  	[tilespmem:s7], [sflag:$0x4] =	stream.linear.gather [hbm4b:s29+s4], $0x50, $0x38;
	[tilespmem:$0x19800] =	vst v63  }
0x88: {  	s8 =	simm.s32 $0x5700;
	s11 =	sld [smem:$0x7EA]  }
0x89: {  	[tilespmem:s8], [sflag:$0x4] =	stream.linear.gather [hbm4b:s30+s4], $0x50, $0x38;
	[tilespmem:$0x19800] =	vst v63  }
0x8a: {  	s14 =	sld [smem:$0x7EB];
	s29 =	simm.s32 $0x5380  }
0x8b: {  	[tilespmem:s29], [sflag:$0x4] =	stream.linear.gather [hbm4b:s11+s4], $0x50, $0x38;
	[tilespmem:$0x19800] =	vst v63  }
0x8c: {  	s30 =	simm.s32 $0x5780  }
0x8d: {  	[tilespmem:s30], [sflag:$0x4] =	stream.linear.gather [hbm4b:s14+s4], $0x50, $0x38;
	[tilespmem:$0x19800] =	vst v63  }
0x8e: {  	_ = 	snop  }
0x8f: {  	[spmem:s2] =	stream.indirect.scatter.add.f32 [tilespmem:s4], [sflag:$0x6], $0x80, s21, s31, $0xb8;
	[tilespmem:$0x19800] =	vst v63  }
0x90: {  	_ = 	snop  }
0x91: {  	[spmem:s2] =	stream.indirect.scatter.add.f32 [tilespmem:s18], [sflag:$0x6], $0x80, s22, s31, $0xb8;
	[tilespmem:$0x19800] =	vst v63  }
0x92: {  	_ = 	snop  }
0x93: {  	[spmem:s2] =	stream.indirect.scatter.add.f32 [tilespmem:s4], [sflag:$0x6], $0x80, s19, s31, $0xb8;
	[tilespmem:$0x19800] =	vst v63  }
0x94: {  	_ = 	snop  }
0x95: {  	[spmem:s2] =	stream.indirect.scatter.add.f32 [tilespmem:s18], [sflag:$0x6], $0x80, s24, s31, $0xb8;
	[tilespmem:$0x19800] =	vst v63  }
0x96: {  	_ =	swait.ge [sflag:s9], $0x2800  }
0x97: {  	[sflag:s9] =	ssyncset.done $0x0  }
0x98: {  	[sflag:s9] =	ssyncadd.s32 $0xFFFFD800  }
0x99: {  	_ =	swait.ge [sflag:s9], $0x2800  }
0x9a: {  	[sflag:s9] =	ssyncset.done $0x0  }
0x9b: {  	[sflag:s9] =	ssyncadd.s32 $0xFFFFD800  }
0x9c: {  	_ =	swait.ge [sflag:s9], $0x2800  }
0x9d: {  	[sflag:s9] =	ssyncset.done $0x0  }
0x9e: {  	[sflag:s9] =	ssyncadd.s32 $0xFFFFD800  }
0x9f: {  	_ =	swait.ge [sflag:s9], $0x2800  }
0xa0: {  	s5 =	sld [smem:$0x7FA];
	_ =	sdelay $0x2  }
0xa1: {  	[sflag:s9] =	ssyncset.done $0x0;
	s11 =	sshrl.u32 s5, $0x3  }
0xa2: {  	[sflag:s9] =	ssyncadd.s32 $0xFFFFD800;
	s14 =	sadd.s32 s16, s11  }
0xa3: {  	[tilespmem:s6], [sflag:$0x1] =	stream.linear.gather [hbm4b:s14+s4], $0x50, $0x38;
	[tilespmem:$0x19800] =	vst v63  }
0xa4: {  	s11 =	sadd.s32 s15, s11;
	s14 =	rddreg [dreg:$0x11]  }
0xa5: {  	[tilespmem:s17], [sflag:$0x1] =	stream.linear.gather [hbm4b:s11+s4], $0x50, $0x38;
	[tilespmem:$0x19800] =	vst v63  }
0xa6: {  	s15 =	rddreg [dreg:$0x10];
	s14 =	sadd.s32 $0x0, s14  }
0xa7: {  	[tilespmem:s25], [sflag:$0x1] =	stream.linear.gather [hbm4b:s14+s4], $0x50, $0x38;
	[tilespmem:$0x19800] =	vst v63  }
0xa8: {  	s11 =	sadd.s32 $0x0, s15  }
0xa9: {  	[tilespmem:s20], [sflag:$0x1] =	stream.linear.gather [hbm4b:s11+s4], $0x50, $0x38;
	[tilespmem:$0x19800] =	vst v63  }
0xaa: {  	_ =	swait.ge [sflag:s12], $0x50  }
0xab: {  	[sflag:s12] =	ssyncset.done $0x0  }
0xac: {  	[sflag:s12] =	ssyncadd.s32 $0xFFFFFFB0  }
0xad: {  	_ =	swait.ge [sflag:s12], $0x50  }
0xae: {  	[sflag:s12] =	ssyncset.done $0x0  }
0xaf: {  	[sflag:s12] =	ssyncadd.s32 $0xFFFFFFB0  }
0xb0: {  	_ =	swait.ge [sflag:s12], $0x50  }
0xb1: {  	[sflag:s12] =	ssyncset.done $0x0  }
0xb2: {  	[sflag:s12] =	ssyncadd.s32 $0xFFFFFFB0  }
0xb3: {  	_ =	swait.ge [sflag:s12], $0x50  }
0xb4: {  	[sflag:s12] =	ssyncset.done $0x0  }
0xb5: {  	[sflag:s12] =	ssyncadd.s32 $0xFFFFFFB0  }
0xb6: {  	[spmem:s2] =	stream.indirect.scatter.add.f32 [tilespmem:s4], [sflag:$0x5], $0x80, s26, s31, $0xb8;
	[tilespmem:$0x19800] =	vst v63  }
0xb7: {  	_ = 	snop  }
0xb8: {  	[spmem:s2] =	stream.indirect.scatter.add.f32 [tilespmem:s18], [sflag:$0x5], $0x80, s28, s31, $0xb8;
	[tilespmem:$0x19800] =	vst v63  }
0xb9: {  	_ = 	snop  }
0xba: {  	[spmem:s2] =	stream.indirect.scatter.add.f32 [tilespmem:s4], [sflag:$0x5], $0x80, s3, s31, $0xb8;
	[tilespmem:$0x19800] =	vst v63  }
0xbb: {  	_ = 	snop  }
0xbc: {  	[spmem:s2] =	stream.indirect.scatter.add.f32 [tilespmem:s18], [sflag:$0x5], $0x80, s1, s31, $0xb8;
	[tilespmem:$0x19800] =	vst v63  }
0xbd: {  	_ =	swait.ge [sflag:s13], $0x2800  }
0xbe: {  	[sflag:s13] =	ssyncset.done $0x0  }
0xbf: {  	[sflag:s13] =	ssyncadd.s32 $0xFFFFD800  }
0xc0: {  	_ =	swait.ge [sflag:s13], $0x2800  }
0xc1: {  	[sflag:s13] =	ssyncset.done $0x0  }
0xc2: {  	[sflag:s13] =	ssyncadd.s32 $0xFFFFD800  }
0xc3: {  	_ =	swait.ge [sflag:s13], $0x2800  }
0xc4: {  	[sflag:s13] =	ssyncset.done $0x0  }
0xc5: {  	[sflag:s13] =	ssyncadd.s32 $0xFFFFD800  }
0xc6: {  	_ =	swait.ge [sflag:s13], $0x2800  }
0xc7: {  	s14 =	rddreg [dreg:$0xd];
	[sflag:s13] =	ssyncset.done $0x0  }
0xc8: {  	s15 =	rddreg [dreg:$0xc];
	[sflag:s13] =	ssyncadd.s32 $0xFFFFD800;
	s11 =	sadd.s32 $0x0, s14  }
0xc9: {  	[tilespmem:s21], [sflag:$0x2] =	stream.linear.gather [hbm4b:s11+s4], $0x50, $0x38;
	[tilespmem:$0x19800] =	vst v63  }
0xca: {  	s14 =	sadd.s32 $0x0, s15;
	s11 =	rddreg [dreg:$0xf]  }
0xcb: {  	[tilespmem:s22], [sflag:$0x2] =	stream.linear.gather [hbm4b:s14+s4], $0x50, $0x38;
	[tilespmem:$0x19800] =	vst v63  }
0xcc: {  	s15 =	rddreg [dreg:$0xe];
	s11 =	sadd.s32 $0x0, s11  }
0xcd: {  	[tilespmem:s19], [sflag:$0x2] =	stream.linear.gather [hbm4b:s11+s4], $0x50, $0x38;
	[tilespmem:$0x19800] =	vst v63  }
0xce: {  	s14 =	sadd.s32 $0x0, s15  }
0xcf: {  	[tilespmem:s24], [sflag:$0x2] =	stream.linear.gather [hbm4b:s14+s4], $0x50, $0x38;
	[tilespmem:$0x19800] =	vst v63  }
0xd0: {  	_ =	swait.ge [sflag:s10], $0x50  }
0xd1: {  	[sflag:s10] =	ssyncset.done $0x0  }
0xd2: {  	[sflag:s10] =	ssyncadd.s32 $0xFFFFFFB0  }
0xd3: {  	_ =	swait.ge [sflag:s10], $0x50  }
0xd4: {  	[sflag:s10] =	ssyncset.done $0x0  }
0xd5: {  	[sflag:s10] =	ssyncadd.s32 $0xFFFFFFB0  }
0xd6: {  	_ =	swait.ge [sflag:s10], $0x50  }
0xd7: {  	[sflag:s10] =	ssyncset.done $0x0  }
0xd8: {  	[sflag:s10] =	ssyncadd.s32 $0xFFFFFFB0  }
0xd9: {  	_ =	swait.ge [sflag:s10], $0x50  }
0xda: {  	[sflag:s10] =	ssyncset.done $0x0  }
0xdb: {  	[sflag:s10] =	ssyncadd.s32 $0xFFFFFFB0  }
0xdc: {  	[spmem:s2] =	stream.indirect.scatter.add.f32 [tilespmem:s4], [sflag:$0x6], $0x80, s7, s31, $0xb8;
	[tilespmem:$0x19800] =	vst v63  }
0xdd: {  	_ = 	snop  }
0xde: {  	[spmem:s2] =	stream.indirect.scatter.add.f32 [tilespmem:s18], [sflag:$0x6], $0x80, s8, s31, $0xb8;
	[tilespmem:$0x19800] =	vst v63  }
0xdf: {  	_ = 	snop  }
0xe0: {  	[spmem:s2] =	stream.indirect.scatter.add.f32 [tilespmem:s4], [sflag:$0x6], $0x80, s29, s31, $0xb8;
	[tilespmem:$0x19800] =	vst v63  }
0xe1: {  	_ = 	snop  }
0xe2: {  	[spmem:s2] =	stream.indirect.scatter.add.f32 [tilespmem:s18], [sflag:$0x6], $0x80, s30, s31, $0xb8;
	[tilespmem:$0x19800] =	vst v63  }
0xe3: {  	_ =	swait.ge [sflag:s9], $0x2800  }
0xe4: {  	[sflag:s9] =	ssyncset.done $0x0  }
0xe5: {  	[sflag:s9] =	ssyncadd.s32 $0xFFFFD800  }
0xe6: {  	_ =	swait.ge [sflag:s9], $0x2800  }
0xe7: {  	[sflag:s9] =	ssyncset.done $0x0  }
0xe8: {  	[sflag:s9] =	ssyncadd.s32 $0xFFFFD800  }
0xe9: {  	_ =	swait.ge [sflag:s9], $0x2800  }
0xea: {  	[sflag:s9] =	ssyncset.done $0x0  }
0xeb: {  	[sflag:s9] =	ssyncadd.s32 $0xFFFFD800  }
0xec: {  	_ =	swait.ge [sflag:s9], $0x2800  }
0xed: {  	s15 =	rddreg [dreg:$0x9];
	[sflag:s9] =	ssyncset.done $0x0  }
0xee: {  	s24 =	rddreg [dreg:$0x8];
	[sflag:s9] =	ssyncadd.s32 $0xFFFFD800;
	s11 =	sadd.s32 $0x0, s15  }
0xef: {  	[tilespmem:s26], [sflag:$0x3] =	stream.linear.gather [hbm4b:s11+s4], $0x50, $0x38;
	[tilespmem:$0x19800] =	vst v63  }
0xf0: {  	s14 =	sadd.s32 $0x0, s24;
	s26 =	rddreg [dreg:$0xb]  }
0xf1: {  	[tilespmem:s28], [sflag:$0x3] =	stream.linear.gather [hbm4b:s14+s4], $0x50, $0x38;
	[tilespmem:$0x19800] =	vst v63  }
0xf2: {  	s11 =	sadd.s32 $0x0, s26;
	s28 =	rddreg [dreg:$0xa]  }
0xf3: {  	[tilespmem:s3], [sflag:$0x3] =	stream.linear.gather [hbm4b:s11+s4], $0x50, $0x38;
	[tilespmem:$0x19800] =	vst v63  }
0xf4: {  	s15 =	sadd.s32 $0x0, s28  }
0xf5: {  	[tilespmem:s1], [sflag:$0x3] =	stream.linear.gather [hbm4b:s15+s4], $0x50, $0x38;
	[tilespmem:$0x19800] =	vst v63  }
0xf6: {  	_ =	swait.ge [sflag:s23], $0x50  }
0xf7: {  	[sflag:s23] =	ssyncset.done $0x0  }
0xf8: {  	[sflag:s23] =	ssyncadd.s32 $0xFFFFFFB0  }
0xf9: {  	_ =	swait.ge [sflag:s23], $0x50  }
0xfa: {  	[sflag:s23] =	ssyncset.done $0x0  }
0xfb: {  	[sflag:s23] =	ssyncadd.s32 $0xFFFFFFB0  }
0xfc: {  	_ =	swait.ge [sflag:s23], $0x50  }
0xfd: {  	[sflag:s23] =	ssyncset.done $0x0  }
0xfe: {  	[sflag:s23] =	ssyncadd.s32 $0xFFFFFFB0  }
0xff: {  	_ =	swait.ge [sflag:s23], $0x50  }
0x100: {  	[sflag:s23] =	ssyncset.done $0x0  }
0x101: {  	[sflag:s23] =	ssyncadd.s32 $0xFFFFFFB0  }
0x102: {  	[spmem:s2] =	stream.indirect.scatter.add.f32 [tilespmem:s4], [sflag:$0x5], $0x80, s6, s31, $0xb8;
	[tilespmem:$0x19800] =	vst v63  }
0x103: {  	_ = 	snop  }
0x104: {  	[spmem:s2] =	stream.indirect.scatter.add.f32 [tilespmem:s18], [sflag:$0x5], $0x80, s17, s31, $0xb8;
	[tilespmem:$0x19800] =	vst v63  }
0x105: {  	_ = 	snop  }
0x106: {  	[spmem:s2] =	stream.indirect.scatter.add.f32 [tilespmem:s4], [sflag:$0x5], $0x80, s25, s31, $0xb8;
	[tilespmem:$0x19800] =	vst v63  }
0x107: {  	_ = 	snop  }
0x108: {  	[spmem:s2] =	stream.indirect.scatter.add.f32 [tilespmem:s18], [sflag:$0x5], $0x80, s20, s31, $0xb8;
	[tilespmem:$0x19800] =	vst v63  }
0x109: {  	_ =	swait.ge [sflag:s13], $0x2800  }
0x10a: {  	[sflag:s13] =	ssyncset.done $0x0  }
0x10b: {  	[sflag:s13] =	ssyncadd.s32 $0xFFFFD800  }
0x10c: {  	_ =	swait.ge [sflag:s13], $0x2800  }
0x10d: {  	[sflag:s13] =	ssyncset.done $0x0  }
0x10e: {  	[sflag:s13] =	ssyncadd.s32 $0xFFFFD800  }
0x10f: {  	_ =	swait.ge [sflag:s13], $0x2800  }
0x110: {  	[sflag:s13] =	ssyncset.done $0x0  }
0x111: {  	[sflag:s13] =	ssyncadd.s32 $0xFFFFD800  }
0x112: {  	_ =	swait.ge [sflag:s13], $0x2800  }
0x113: {  	s24 =	rddreg [dreg:$0x5];
	[sflag:s13] =	ssyncset.done $0x0  }
0x114: {  	s25 =	rddreg [dreg:$0x4];
	[sflag:s13] =	ssyncadd.s32 $0xFFFFD800;
	s11 =	sadd.s32 $0x0, s24  }
0x115: {  	[tilespmem:s7], [sflag:$0x4] =	stream.linear.gather [hbm4b:s11+s4], $0x50, $0x38;
	[tilespmem:$0x19800] =	vst v63  }
0x116: {  	s26 =	rddreg [dreg:$0x7];
	s14 =	sadd.s32 $0x0, s25  }
0x117: {  	[tilespmem:s8], [sflag:$0x4] =	stream.linear.gather [hbm4b:s14+s4], $0x50, $0x38;
	[tilespmem:$0x19800] =	vst v63  }
0x118: {  	s28 =	rddreg [dreg:$0x6];
	s11 =	sadd.s32 $0x0, s26  }
0x119: {  	[tilespmem:s29], [sflag:$0x4] =	stream.linear.gather [hbm4b:s11+s4], $0x50, $0x38;
	[tilespmem:$0x19800] =	vst v63  }
0x11a: {  	s29 =	sadd.s32 $0x0, s28  }
0x11b: {  	[tilespmem:s30], [sflag:$0x4] =	stream.linear.gather [hbm4b:s29+s4], $0x50, $0x38;
	[tilespmem:$0x19800] =	vst v63  }
0x11c: {  	_ =	swait.ge [sflag:s0], $0x50  }
0x11d: {  	[sflag:s0] =	ssyncset.done $0x0  }
0x11e: {  	[sflag:s0] =	ssyncadd.s32 $0xFFFFFFB0  }
0x11f: {  	_ =	swait.ge [sflag:s0], $0x50  }
0x120: {  	[sflag:s0] =	ssyncset.done $0x0  }
0x121: {  	[sflag:s0] =	ssyncadd.s32 $0xFFFFFFB0  }
0x122: {  	_ =	swait.ge [sflag:s0], $0x50  }
0x123: {  	[sflag:s0] =	ssyncset.done $0x0  }
0x124: {  	[sflag:s0] =	ssyncadd.s32 $0xFFFFFFB0  }
0x125: {  	_ =	swait.ge [sflag:s0], $0x50  }
0x126: {  	[sflag:s0] =	ssyncset.done $0x0  }
0x127: {  	[sflag:s0] =	ssyncadd.s32 $0xFFFFFFB0  }
0x128: {  	[spmem:s2] =	stream.indirect.scatter.add.f32 [tilespmem:s4], [sflag:$0x6], $0x80, s21, s31, $0xb8;
	[tilespmem:$0x19800] =	vst v63  }
0x129: {  	_ = 	snop  }
0x12a: {  	[spmem:s2] =	stream.indirect.scatter.add.f32 [tilespmem:s18], [sflag:$0x6], $0x80, s22, s31, $0xb8;
	[tilespmem:$0x19800] =	vst v63  }
0x12b: {  	s24 =	sadd.s32 $0x280, s5;
	s11 =	simm.s32 $0x50  }
0x12c: {  	[spmem:s2] =	stream.indirect.scatter.add.f32 [tilespmem:s4], [sflag:$0x6], $0x80, s19, s31, $0xb8;
	[tilespmem:$0x19800] =	vst v63  }
.LBB2_2:
0x12d: {  	s29 =	simm.s32 $0x5580;
	s25 =	simm.s32 $0x2800  }
0x12e: {  	[spmem:s2] =	stream.indirect.scatter.add.f32 [tilespmem:s25], [sflag:$0x6], $0x80, s29, s31, $0xb8;
	[tilespmem:$0x19800] =	vst v63  }
0x12f: {  	_ =	swait.ge [sflag:s9], $0x2800  }
0x130: {  	[sflag:s9] =	ssyncset.done $0x0  }
0x131: {  	[sflag:s9] =	ssyncadd.s32 $0xFFFFD800  }
0x132: {  	_ =	swait.ge [sflag:s9], $0x2800  }
0x133: {  	[sflag:s9] =	ssyncset.done $0x0  }
0x134: {  	[sflag:s9] =	ssyncadd.s32 $0xFFFFD800  }
0x135: {  	_ =	swait.ge [sflag:s9], $0x2800  }
0x136: {  	[sflag:s9] =	ssyncset.done $0x0  }
0x137: {  	[sflag:s9] =	ssyncadd.s32 $0xFFFFD800  }
0x138: {  	s14 =	smov.u32 s11;
	_ =	swait.ge [sflag:s9], $0x2800  }
0x139: {  	s5 =	sshrl.u32 s24, $0x3;
	s1 =	simm.s32 $0x5000;
	[sflag:s9] =	ssyncset.done $0x0  }
0x13a: {  	s6 =	sadd.s32 s16, s5;
	s8 =	rddreg [dreg:$0x12];
	[sflag:s9] =	ssyncadd.s32 $0xFFFFD800  }
0x13b: {  	[tilespmem:s1], [sflag:$0x1] =	stream.linear.gather [hbm4b:s6+s4], $0x50, $0x38;
	[tilespmem:$0x19800] =	vst v63  }
0x13c: {  	s20 =	simm.s32 $0x5400;
	s7 =	rddreg [dreg:$0x11];
	s5 =	sadd.s32 s8, s5  }
0x13d: {  	[tilespmem:s20], [sflag:$0x1] =	stream.linear.gather [hbm4b:s5+s4], $0x50, $0x38;
	[tilespmem:$0x19800] =	vst v63  }
0x13e: {  	s21 =	simm.s32 $0x5080;
	s15 =	rddreg [dreg:$0x10];
	s18 =	sadd.s32 s14, s7  }
0x13f: {  	[tilespmem:s21], [sflag:$0x1] =	stream.linear.gather [hbm4b:s18+s4], $0x50, $0x38;
	[tilespmem:$0x19800] =	vst v63  }
0x140: {  	s22 =	simm.s32 $0x5480;
	s19 =	sadd.s32 s14, s15  }
0x141: {  	[tilespmem:s22], [sflag:$0x1] =	stream.linear.gather [hbm4b:s19+s4], $0x50, $0x38;
	[tilespmem:$0x19800] =	vst v63  }
0x142: {  	_ =	swait.ge [sflag:s12], $0x50  }
0x143: {  	[sflag:s12] =	ssyncset.done $0x0  }
0x144: {  	[sflag:s12] =	ssyncadd.s32 $0xFFFFFFB0  }
0x145: {  	_ =	swait.ge [sflag:s12], $0x50  }
0x146: {  	[sflag:s12] =	ssyncset.done $0x0  }
0x147: {  	[sflag:s12] =	ssyncadd.s32 $0xFFFFFFB0  }
0x148: {  	_ =	swait.ge [sflag:s12], $0x50  }
0x149: {  	[sflag:s12] =	ssyncset.done $0x0  }
0x14a: {  	[sflag:s12] =	ssyncadd.s32 $0xFFFFFFB0  }
0x14b: {  	_ =	swait.ge [sflag:s12], $0x50  }
0x14c: {  	[sflag:s12] =	ssyncset.done $0x0  }
0x14d: {  	s30 =	simm.s32 $0x5200;
	[sflag:s12] =	ssyncadd.s32 $0xFFFFFFB0  }
0x14e: {  	[spmem:s2] =	stream.indirect.scatter.add.f32 [tilespmem:s4], [sflag:$0x5], $0x80, s30, s31, $0xb8;
	[tilespmem:$0x19800] =	vst v63  }
0x14f: {  	s3 =	simm.s32 $0x5600  }
0x150: {  	[spmem:s2] =	stream.indirect.scatter.add.f32 [tilespmem:s25], [sflag:$0x5], $0x80, s3, s31, $0xb8;
	[tilespmem:$0x19800] =	vst v63  }
0x151: {  	s1 =	simm.s32 $0x5280  }
0x152: {  	[spmem:s2] =	stream.indirect.scatter.add.f32 [tilespmem:s4], [sflag:$0x5], $0x80, s1, s31, $0xb8;
	[tilespmem:$0x19800] =	vst v63  }
0x153: {  	s7 =	simm.s32 $0x5680  }
0x154: {  	[spmem:s2] =	stream.indirect.scatter.add.f32 [tilespmem:s25], [sflag:$0x5], $0x80, s7, s31, $0xb8;
	[tilespmem:$0x19800] =	vst v63  }
0x155: {  	_ =	swait.ge [sflag:s13], $0x2800  }
0x156: {  	[sflag:s13] =	ssyncset.done $0x0  }
0x157: {  	[sflag:s13] =	ssyncadd.s32 $0xFFFFD800  }
0x158: {  	_ =	swait.ge [sflag:s13], $0x2800  }
0x159: {  	[sflag:s13] =	ssyncset.done $0x0  }
0x15a: {  	[sflag:s13] =	ssyncadd.s32 $0xFFFFD800  }
0x15b: {  	_ =	swait.ge [sflag:s13], $0x2800  }
0x15c: {  	[sflag:s13] =	ssyncset.done $0x0  }
0x15d: {  	[sflag:s13] =	ssyncadd.s32 $0xFFFFD800  }
0x15e: {  	_ =	swait.ge [sflag:s13], $0x2800  }
0x15f: {  	s8 =	simm.s32 $0x5100;
	s26 =	rddreg [dreg:$0xd];
	[sflag:s13] =	ssyncset.done $0x0  }
0x160: {  	s28 =	rddreg [dreg:$0xc];
	[sflag:s13] =	ssyncadd.s32 $0xFFFFD800;
	s5 =	sadd.s32 s14, s26  }
0x161: {  	[tilespmem:s8], [sflag:$0x2] =	stream.linear.gather [hbm4b:s5+s4], $0x50, $0x38;
	[tilespmem:$0x19800] =	vst v63  }
0x162: {  	s15 =	rddreg [dreg:$0xf];
	s18 =	sadd.s32 s14, s28;
	s26 =	simm.s32 $0x5500  }
0x163: {  	[tilespmem:s26], [sflag:$0x2] =	stream.linear.gather [hbm4b:s18+s4], $0x50, $0x38;
	[tilespmem:$0x19800] =	vst v63  }
0x164: {  	s19 =	rddreg [dreg:$0xe];
	s28 =	simm.s32 $0x5180;
	s8 =	sadd.s32 s14, s15  }
0x165: {  	[tilespmem:s28], [sflag:$0x2] =	stream.linear.gather [hbm4b:s8+s4], $0x50, $0x38;
	[tilespmem:$0x19800] =	vst v63  }
0x166: {  	s15 =	sadd.s32 s14, s19  }
0x167: {  	[tilespmem:s29], [sflag:$0x2] =	stream.linear.gather [hbm4b:s15+s4], $0x50, $0x38;
	[tilespmem:$0x19800] =	vst v63  }
0x168: {  	_ =	swait.ge [sflag:s10], $0x50  }
0x169: {  	[sflag:s10] =	ssyncset.done $0x0  }
0x16a: {  	[sflag:s10] =	ssyncadd.s32 $0xFFFFFFB0  }
0x16b: {  	_ =	swait.ge [sflag:s10], $0x50  }
0x16c: {  	[sflag:s10] =	ssyncset.done $0x0  }
0x16d: {  	[sflag:s10] =	ssyncadd.s32 $0xFFFFFFB0  }
0x16e: {  	_ =	swait.ge [sflag:s10], $0x50  }
0x16f: {  	[sflag:s10] =	ssyncset.done $0x0  }
0x170: {  	[sflag:s10] =	ssyncadd.s32 $0xFFFFFFB0  }
0x171: {  	_ =	swait.ge [sflag:s10], $0x50  }
0x172: {  	[sflag:s10] =	ssyncset.done $0x0  }
0x173: {  	s8 =	simm.s32 $0x5300;
	[sflag:s10] =	ssyncadd.s32 $0xFFFFFFB0  }
0x174: {  	[spmem:s2] =	stream.indirect.scatter.add.f32 [tilespmem:s4], [sflag:$0x6], $0x80, s8, s31, $0xb8;
	[tilespmem:$0x19800] =	vst v63  }
0x175: {  	s15 =	simm.s32 $0x5700  }
0x176: {  	[spmem:s2] =	stream.indirect.scatter.add.f32 [tilespmem:s25], [sflag:$0x6], $0x80, s15, s31, $0xb8;
	[tilespmem:$0x19800] =	vst v63  }
0x177: {  	s18 =	simm.s32 $0x5380  }
0x178: {  	[spmem:s2] =	stream.indirect.scatter.add.f32 [tilespmem:s4], [sflag:$0x6], $0x80, s18, s31, $0xb8;
	[tilespmem:$0x19800] =	vst v63  }
0x179: {  	s19 =	simm.s32 $0x5780  }
0x17a: {  	[spmem:s2] =	stream.indirect.scatter.add.f32 [tilespmem:s25], [sflag:$0x6], $0x80, s19, s31, $0xb8;
	[tilespmem:$0x19800] =	vst v63  }
0x17b: {  	_ =	swait.ge [sflag:s9], $0x2800  }
0x17c: {  	[sflag:s9] =	ssyncset.done $0x0  }
0x17d: {  	[sflag:s9] =	ssyncadd.s32 $0xFFFFD800  }
0x17e: {  	_ =	swait.ge [sflag:s9], $0x2800  }
0x17f: {  	[sflag:s9] =	ssyncset.done $0x0  }
0x180: {  	[sflag:s9] =	ssyncadd.s32 $0xFFFFD800  }
0x181: {  	_ =	swait.ge [sflag:s9], $0x2800  }
0x182: {  	[sflag:s9] =	ssyncset.done $0x0  }
0x183: {  	[sflag:s9] =	ssyncadd.s32 $0xFFFFD800  }
0x184: {  	_ =	swait.ge [sflag:s9], $0x2800  }
0x185: {  	s17 =	smov.u32 s16;
	s16 =	rddreg [dreg:$0x9];
	[sflag:s9] =	ssyncset.done $0x0  }
0x186: {  	s6 =	rddreg [dreg:$0x8];
	[sflag:s9] =	ssyncadd.s32 $0xFFFFD800;
	s5 =	sadd.s32 s14, s16  }
0x187: {  	[tilespmem:s30], [sflag:$0x3] =	stream.linear.gather [hbm4b:s5+s4], $0x50, $0x38;
	[tilespmem:$0x19800] =	vst v63  }
0x188: {  	s16 =	rddreg [dreg:$0xb];
	s5 =	sadd.s32 s14, s6  }
0x189: {  	[tilespmem:s3], [sflag:$0x3] =	stream.linear.gather [hbm4b:s5+s4], $0x50, $0x38;
	[tilespmem:$0x19800] =	vst v63  }
0x18a: {  	s6 =	rddreg [dreg:$0xa];
	s16 =	sadd.s32 s14, s16  }
0x18b: {  	[tilespmem:s1], [sflag:$0x3] =	stream.linear.gather [hbm4b:s16+s4], $0x50, $0x38;
	[tilespmem:$0x19800] =	vst v63  }
0x18c: {  	s6 =	sadd.s32 s14, s6  }
0x18d: {  	[tilespmem:s7], [sflag:$0x3] =	stream.linear.gather [hbm4b:s6+s4], $0x50, $0x38;
	[tilespmem:$0x19800] =	vst v63  }
0x18e: {  	_ =	swait.ge [sflag:s23], $0x50  }
0x18f: {  	[sflag:s23] =	ssyncset.done $0x0  }
0x190: {  	[sflag:s23] =	ssyncadd.s32 $0xFFFFFFB0  }
0x191: {  	_ =	swait.ge [sflag:s23], $0x50  }
0x192: {  	[sflag:s23] =	ssyncset.done $0x0  }
0x193: {  	[sflag:s23] =	ssyncadd.s32 $0xFFFFFFB0  }
0x194: {  	_ =	swait.ge [sflag:s23], $0x50  }
0x195: {  	[sflag:s23] =	ssyncset.done $0x0  }
0x196: {  	[sflag:s23] =	ssyncadd.s32 $0xFFFFFFB0  }
0x197: {  	_ =	swait.ge [sflag:s23], $0x50  }
0x198: {  	[sflag:s23] =	ssyncset.done $0x0  }
0x199: {  	s16 =	simm.s32 $0x5000;
	[sflag:s23] =	ssyncadd.s32 $0xFFFFFFB0  }
0x19a: {  	[spmem:s2] =	stream.indirect.scatter.add.f32 [tilespmem:s4], [sflag:$0x5], $0x80, s16, s31, $0xb8;
	[tilespmem:$0x19800] =	vst v63  }
0x19b: {  	_ = 	snop  }
0x19c: {  	[spmem:s2] =	stream.indirect.scatter.add.f32 [tilespmem:s25], [sflag:$0x5], $0x80, s20, s31, $0xb8;
	[tilespmem:$0x19800] =	vst v63  }
0x19d: {  	_ = 	snop  }
0x19e: {  	[spmem:s2] =	stream.indirect.scatter.add.f32 [tilespmem:s4], [sflag:$0x5], $0x80, s21, s31, $0xb8;
	[tilespmem:$0x19800] =	vst v63  }
0x19f: {  	_ = 	snop  }
0x1a0: {  	[spmem:s2] =	stream.indirect.scatter.add.f32 [tilespmem:s25], [sflag:$0x5], $0x80, s22, s31, $0xb8;
	[tilespmem:$0x19800] =	vst v63  }
0x1a1: {  	_ =	swait.ge [sflag:s13], $0x2800  }
0x1a2: {  	[sflag:s13] =	ssyncset.done $0x0  }
0x1a3: {  	[sflag:s13] =	ssyncadd.s32 $0xFFFFD800  }
0x1a4: {  	_ =	swait.ge [sflag:s13], $0x2800  }
0x1a5: {  	[sflag:s13] =	ssyncset.done $0x0  }
0x1a6: {  	[sflag:s13] =	ssyncadd.s32 $0xFFFFD800  }
0x1a7: {  	_ =	swait.ge [sflag:s13], $0x2800  }
0x1a8: {  	[sflag:s13] =	ssyncset.done $0x0  }
0x1a9: {  	[sflag:s13] =	ssyncadd.s32 $0xFFFFD800  }
0x1aa: {  	_ =	swait.ge [sflag:s13], $0x2800  }
0x1ab: {  	s20 =	rddreg [dreg:$0x5];
	[sflag:s13] =	ssyncset.done $0x0  }
0x1ac: {  	s21 =	rddreg [dreg:$0x4];
	[sflag:s13] =	ssyncadd.s32 $0xFFFFD800;
	s5 =	sadd.s32 s14, s20  }
0x1ad: {  	[tilespmem:s8], [sflag:$0x4] =	stream.linear.gather [hbm4b:s5+s4], $0x50, $0x38;
	[tilespmem:$0x19800] =	vst v63  }
0x1ae: {  	s22 =	rddreg [dreg:$0x7];
	s20 =	sadd.s32 s14, s21  }
0x1af: {  	[tilespmem:s15], [sflag:$0x4] =	stream.linear.gather [hbm4b:s20+s4], $0x50, $0x38;
	[tilespmem:$0x19800] =	vst v63  }
0x1b0: {  	s21 =	rddreg [dreg:$0x6];
	s22 =	sadd.s32 s14, s22  }
0x1b1: {  	[tilespmem:s18], [sflag:$0x4] =	stream.linear.gather [hbm4b:s22+s4], $0x50, $0x38;
	[tilespmem:$0x19800] =	vst v63  }
0x1b2: {  	s20 =	sadd.s32 s14, s21  }
0x1b3: {  	[tilespmem:s19], [sflag:$0x4] =	stream.linear.gather [hbm4b:s20+s4], $0x50, $0x38;
	[tilespmem:$0x19800] =	vst v63  }
0x1b4: {  	_ =	swait.ge [sflag:s0], $0x50  }
0x1b5: {  	[sflag:s0] =	ssyncset.done $0x0  }
0x1b6: {  	[sflag:s0] =	ssyncadd.s32 $0xFFFFFFB0  }
0x1b7: {  	_ =	swait.ge [sflag:s0], $0x50  }
0x1b8: {  	[sflag:s0] =	ssyncset.done $0x0  }
0x1b9: {  	[sflag:s0] =	ssyncadd.s32 $0xFFFFFFB0  }
0x1ba: {  	_ =	swait.ge [sflag:s0], $0x50  }
0x1bb: {  	[sflag:s0] =	ssyncset.done $0x0  }
0x1bc: {  	[sflag:s0] =	ssyncadd.s32 $0xFFFFFFB0  }
0x1bd: {  	p0 =	sne.s32 s11, $0x410;
	_ =	swait.ge [sflag:s0], $0x50  }
0x1be: {  	s11 =	sadd.s32 $0x50, s11;
	s24 =	sadd.s32 $0x280, s24;
	[sflag:s0] =	ssyncset.done $0x0  }
0x1bf: {  	s29 =	simm.s32 $0x5200;
	s21 =	simm.s32 $0x5100;
	[sflag:s0] =	ssyncadd.s32 $0xFFFFFFB0  }
0x1c0: {  	[spmem:s2] =	stream.indirect.scatter.add.f32 [tilespmem:s4], [sflag:$0x6], $0x80, s21, s31, $0xb8;
	[tilespmem:$0x19800] =	vst v63  }
.Ltmp0:
0x1c1: {  	s30 =	simm.s32 $0x5600;
	s3 =	simm.s32 $0x5280;
	(pc) =	sbr.rel @p0 .LBB2_2-.Ltmp0, $4  }
0x1c2: {  	s1 =	simm.s32 $0x5680;
	s7 =	simm.s32 $0x5300;
	s16 =	smov.u32 s17  }
0x1c3: {  	[spmem:s2] =	stream.indirect.scatter.add.f32 [tilespmem:s25], [sflag:$0x6], $0x80, s26, s31, $0xb8;
	[tilespmem:$0x19800] =	vst v63  }
0x1c4: {  	s8 =	simm.s32 $0x5700;
	s15 =	simm.s32 $0x5380;
	s22 =	simm.s32 $0x5780  }
0x1c5: {  	[spmem:s2] =	stream.indirect.scatter.add.f32 [tilespmem:s4], [sflag:$0x6], $0x80, s28, s31, $0xb8;
	[tilespmem:$0x19800] =	vst v63  }
0x1c6: {  	s19 =	simm.s32 $0x5580;
	s18 =	simm.s32 $0x2800  }
0x1c7: {  	[spmem:s2] =	stream.indirect.scatter.add.f32 [tilespmem:s18], [sflag:$0x6], $0x80, s19, s31, $0xb8;
	[tilespmem:$0x19800] =	vst v63  }
0x1c8: {  	_ =	swait.ge [sflag:s9], $0x2800  }
0x1c9: {  	[sflag:s9] =	ssyncset.done $0x0  }
0x1ca: {  	[sflag:s9] =	ssyncadd.s32 $0xFFFFD800  }
0x1cb: {  	_ =	swait.ge [sflag:s9], $0x2800  }
0x1cc: {  	[sflag:s9] =	ssyncset.done $0x0  }
0x1cd: {  	[sflag:s9] =	ssyncadd.s32 $0xFFFFD800  }
0x1ce: {  	_ =	swait.ge [sflag:s9], $0x2800  }
0x1cf: {  	[sflag:s9] =	ssyncset.done $0x0  }
0x1d0: {  	[sflag:s9] =	ssyncadd.s32 $0xFFFFD800  }
0x1d1: {  	_ =	swait.ge [sflag:s9], $0x2800  }
0x1d2: {  	s5 =	sld [smem:$0x7EC]  }
0x1d3: {  	[sflag:s9] =	ssyncset.done $0x0  }
0x1d4: {  	s6 =	simm.s32 $0x5000;
	s21 =	sld [smem:$0x7ED];
	[sflag:s9] =	ssyncadd.s32 $0xFFFFD800  }
0x1d5: {  	[tilespmem:s6], [sflag:$0x1] =	stream.linear.gather [hbm4b:s5+s4], $0x50, $0x38;
	[tilespmem:$0x19800] =	vst v63  }
0x1d6: {  	s14 =	simm.s32 $0x5400;
	s24 =	sld [smem:$0x7EE]  }
0x1d7: {  	[tilespmem:s14], [sflag:$0x1] =	stream.linear.gather [hbm4b:s21+s4], $0x50, $0x38;
	[tilespmem:$0x19800] =	vst v63  }
0x1d8: {  	s11 =	simm.s32 $0x5080;
	s25 =	sld [smem:$0x7EF]  }
0x1d9: {  	[tilespmem:s11], [sflag:$0x1] =	stream.linear.gather [hbm4b:s24+s4], $0x50, $0x38;
	[tilespmem:$0x19800] =	vst v63  }
0x1da: {  	s17 =	simm.s32 $0x5480  }
0x1db: {  	[tilespmem:s17], [sflag:$0x1] =	stream.linear.gather [hbm4b:s25+s4], $0x50, $0x38;
	[tilespmem:$0x19800] =	vst v63  }
0x1dc: {  	_ =	swait.ge [sflag:s12], $0x50  }
0x1dd: {  	[sflag:s12] =	ssyncset.done $0x0  }
0x1de: {  	[sflag:s12] =	ssyncadd.s32 $0xFFFFFFB0  }
0x1df: {  	_ =	swait.ge [sflag:s12], $0x50  }
0x1e0: {  	[sflag:s12] =	ssyncset.done $0x0  }
0x1e1: {  	[sflag:s12] =	ssyncadd.s32 $0xFFFFFFB0  }
0x1e2: {  	_ =	swait.ge [sflag:s12], $0x50  }
0x1e3: {  	[sflag:s12] =	ssyncset.done $0x0  }
0x1e4: {  	[sflag:s12] =	ssyncadd.s32 $0xFFFFFFB0  }
0x1e5: {  	_ =	swait.ge [sflag:s12], $0x50  }
0x1e6: {  	[sflag:s12] =	ssyncset.done $0x0  }
0x1e7: {  	[sflag:s12] =	ssyncadd.s32 $0xFFFFFFB0  }
0x1e8: {  	[spmem:s2] =	stream.indirect.scatter.add.f32 [tilespmem:s4], [sflag:$0x5], $0x80, s29, s31, $0xb8;
	[tilespmem:$0x19800] =	vst v63  }
0x1e9: {  	_ = 	snop  }
0x1ea: {  	[spmem:s2] =	stream.indirect.scatter.add.f32 [tilespmem:s18], [sflag:$0x5], $0x80, s30, s31, $0xb8;
	[tilespmem:$0x19800] =	vst v63  }
0x1eb: {  	_ = 	snop  }
0x1ec: {  	[spmem:s2] =	stream.indirect.scatter.add.f32 [tilespmem:s4], [sflag:$0x5], $0x80, s3, s31, $0xb8;
	[tilespmem:$0x19800] =	vst v63  }
0x1ed: {  	_ = 	snop  }
0x1ee: {  	[spmem:s2] =	stream.indirect.scatter.add.f32 [tilespmem:s18], [sflag:$0x5], $0x80, s1, s31, $0xb8;
	[tilespmem:$0x19800] =	vst v63  }
0x1ef: {  	_ =	swait.ge [sflag:s13], $0x2800  }
0x1f0: {  	[sflag:s13] =	ssyncset.done $0x0  }
0x1f1: {  	[sflag:s13] =	ssyncadd.s32 $0xFFFFD800  }
0x1f2: {  	_ =	swait.ge [sflag:s13], $0x2800  }
0x1f3: {  	[sflag:s13] =	ssyncset.done $0x0  }
0x1f4: {  	[sflag:s13] =	ssyncadd.s32 $0xFFFFD800  }
0x1f5: {  	_ =	swait.ge [sflag:s13], $0x2800  }
0x1f6: {  	[sflag:s13] =	ssyncset.done $0x0  }
0x1f7: {  	[sflag:s13] =	ssyncadd.s32 $0xFFFFD800  }
0x1f8: {  	_ =	swait.ge [sflag:s13], $0x2800  }
0x1f9: {  	s26 =	sld [smem:$0x7F0]  }
0x1fa: {  	[sflag:s13] =	ssyncset.done $0x0  }
0x1fb: {  	s28 =	simm.s32 $0x5100;
	s29 =	sld [smem:$0x7F1];
	[sflag:s13] =	ssyncadd.s32 $0xFFFFD800  }
0x1fc: {  	[tilespmem:s28], [sflag:$0x2] =	stream.linear.gather [hbm4b:s26+s4], $0x50, $0x38;
	[tilespmem:$0x19800] =	vst v63  }
0x1fd: {  	s20 =	simm.s32 $0x5500;
	s30 =	sld [smem:$0x7F4]  }
0x1fe: {  	[tilespmem:s20], [sflag:$0x2] =	stream.linear.gather [hbm4b:s29+s4], $0x50, $0x38;
	[tilespmem:$0x19800] =	vst v63  }
0x1ff: {  	s21 =	simm.s32 $0x5180;
	s3 =	sld [smem:$0x7F5]  }
0x200: {  	[tilespmem:s21], [sflag:$0x2] =	stream.linear.gather [hbm4b:s30+s4], $0x50, $0x38;
	[tilespmem:$0x19800] =	vst v63  }
0x201: {  	_ = 	snop  }
0x202: {  	[tilespmem:s19], [sflag:$0x2] =	stream.linear.gather [hbm4b:s3+s4], $0x50, $0x38;
	[tilespmem:$0x19800] =	vst v63  }
0x203: {  	_ =	swait.ge [sflag:s10], $0x50  }
0x204: {  	[sflag:s10] =	ssyncset.done $0x0  }
0x205: {  	[sflag:s10] =	ssyncadd.s32 $0xFFFFFFB0  }
0x206: {  	_ =	swait.ge [sflag:s10], $0x50  }
0x207: {  	[sflag:s10] =	ssyncset.done $0x0  }
0x208: {  	[sflag:s10] =	ssyncadd.s32 $0xFFFFFFB0  }
0x209: {  	_ =	swait.ge [sflag:s10], $0x50  }
0x20a: {  	[sflag:s10] =	ssyncset.done $0x0  }
0x20b: {  	[sflag:s10] =	ssyncadd.s32 $0xFFFFFFB0  }
0x20c: {  	_ =	swait.ge [sflag:s10], $0x50  }
0x20d: {  	[sflag:s10] =	ssyncset.done $0x0  }
0x20e: {  	[sflag:s10] =	ssyncadd.s32 $0xFFFFFFB0  }
0x20f: {  	[spmem:s2] =	stream.indirect.scatter.add.f32 [tilespmem:s4], [sflag:$0x6], $0x80, s7, s31, $0xb8;
	[tilespmem:$0x19800] =	vst v63  }
0x210: {  	_ = 	snop  }
0x211: {  	[spmem:s2] =	stream.indirect.scatter.add.f32 [tilespmem:s18], [sflag:$0x6], $0x80, s8, s31, $0xb8;
	[tilespmem:$0x19800] =	vst v63  }
0x212: {  	_ = 	snop  }
0x213: {  	[spmem:s2] =	stream.indirect.scatter.add.f32 [tilespmem:s4], [sflag:$0x6], $0x80, s15, s31, $0xb8;
	[tilespmem:$0x19800] =	vst v63  }
0x214: {  	_ = 	snop  }
0x215: {  	[spmem:s2] =	stream.indirect.scatter.add.f32 [tilespmem:s18], [sflag:$0x6], $0x80, s22, s31, $0xb8;
	[tilespmem:$0x19800] =	vst v63  }
0x216: {  	_ =	swait.ge [sflag:s9], $0x2800  }
0x217: {  	[sflag:s9] =	ssyncset.done $0x0  }
0x218: {  	[sflag:s9] =	ssyncadd.s32 $0xFFFFD800  }
0x219: {  	_ =	swait.ge [sflag:s9], $0x2800  }
0x21a: {  	[sflag:s9] =	ssyncset.done $0x0  }
0x21b: {  	[sflag:s9] =	ssyncadd.s32 $0xFFFFD800  }
0x21c: {  	_ =	swait.ge [sflag:s9], $0x2800  }
0x21d: {  	[sflag:s9] =	ssyncset.done $0x0  }
0x21e: {  	[sflag:s9] =	ssyncadd.s32 $0xFFFFD800  }
0x21f: {  	_ =	swait.ge [sflag:s9], $0x2800  }
0x220: {  	[sflag:s9] =	ssyncset.done $0x0  }
0x221: {  	[sflag:s9] =	ssyncadd.s32 $0xFFFFD800  }
0x222: {  	_ =	swait.ge [sflag:s23], $0x50  }
0x223: {  	[sflag:s23] =	ssyncset.done $0x0  }
0x224: {  	[sflag:s23] =	ssyncadd.s32 $0xFFFFFFB0  }
0x225: {  	_ =	swait.ge [sflag:s23], $0x50  }
0x226: {  	[sflag:s23] =	ssyncset.done $0x0  }
0x227: {  	[sflag:s23] =	ssyncadd.s32 $0xFFFFFFB0  }
0x228: {  	_ =	swait.ge [sflag:s23], $0x50  }
0x229: {  	[sflag:s23] =	ssyncset.done $0x0  }
0x22a: {  	[sflag:s23] =	ssyncadd.s32 $0xFFFFFFB0  }
0x22b: {  	_ =	swait.ge [sflag:s23], $0x50  }
0x22c: {  	[sflag:s23] =	ssyncset.done $0x0  }
0x22d: {  	[sflag:s23] =	ssyncadd.s32 $0xFFFFFFB0  }
0x22e: {  	[spmem:s2] =	stream.indirect.scatter.add.f32 [tilespmem:s4], [sflag:$0x5], $0x80, s6, s31, $0xb8;
	[tilespmem:$0x19800] =	vst v63  }
0x22f: {  	_ = 	snop  }
0x230: {  	[spmem:s2] =	stream.indirect.scatter.add.f32 [tilespmem:s18], [sflag:$0x5], $0x80, s14, s31, $0xb8;
	[tilespmem:$0x19800] =	vst v63  }
0x231: {  	_ = 	snop  }
0x232: {  	[spmem:s2] =	stream.indirect.scatter.add.f32 [tilespmem:s4], [sflag:$0x5], $0x80, s11, s31, $0xb8;
	[tilespmem:$0x19800] =	vst v63  }
0x233: {  	_ = 	snop  }
0x234: {  	[spmem:s2] =	stream.indirect.scatter.add.f32 [tilespmem:s18], [sflag:$0x5], $0x80, s17, s31, $0xb8;
	[tilespmem:$0x19800] =	vst v63  }
0x235: {  	_ =	swait.ge [sflag:s13], $0x2800  }
0x236: {  	[sflag:s13] =	ssyncset.done $0x0  }
0x237: {  	[sflag:s13] =	ssyncadd.s32 $0xFFFFD800  }
0x238: {  	_ =	swait.ge [sflag:s13], $0x2800  }
0x239: {  	[sflag:s13] =	ssyncset.done $0x0  }
0x23a: {  	[sflag:s13] =	ssyncadd.s32 $0xFFFFD800  }
0x23b: {  	_ =	swait.ge [sflag:s13], $0x2800  }
0x23c: {  	[sflag:s13] =	ssyncset.done $0x0  }
0x23d: {  	[sflag:s13] =	ssyncadd.s32 $0xFFFFD800  }
0x23e: {  	_ =	swait.ge [sflag:s13], $0x2800  }
0x23f: {  	[sflag:s13] =	ssyncset.done $0x0  }
0x240: {  	[sflag:s13] =	ssyncadd.s32 $0xFFFFD800  }
0x241: {  	_ =	swait.ge [sflag:s0], $0x50  }
0x242: {  	[sflag:s0] =	ssyncset.done $0x0  }
0x243: {  	[sflag:s0] =	ssyncadd.s32 $0xFFFFFFB0  }
0x244: {  	_ =	swait.ge [sflag:s0], $0x50  }
0x245: {  	[sflag:s0] =	ssyncset.done $0x0  }
0x246: {  	[sflag:s0] =	ssyncadd.s32 $0xFFFFFFB0  }
0x247: {  	_ =	swait.ge [sflag:s0], $0x50  }
0x248: {  	[sflag:s0] =	ssyncset.done $0x0  }
0x249: {  	[sflag:s0] =	ssyncadd.s32 $0xFFFFFFB0  }
0x24a: {  	_ =	swait.ge [sflag:s0], $0x50  }
0x24b: {  	[sflag:s0] =	ssyncset.done $0x0  }
0x24c: {  	[sflag:s0] =	ssyncadd.s32 $0xFFFFFFB0  }
0x24d: {  	[spmem:s2] =	stream.indirect.scatter.add.f32 [tilespmem:s4], [sflag:$0x6], $0x80, s28, s31, $0xb8;
	[tilespmem:$0x19800] =	vst v63  }
0x24e: {  	_ = 	snop  }
0x24f: {  	[spmem:s2] =	stream.indirect.scatter.add.f32 [tilespmem:s18], [sflag:$0x6], $0x80, s20, s31, $0xb8;
	[tilespmem:$0x19800] =	vst v63  }
0x250: {  	_ = 	snop  }
0x251: {  	[spmem:s2] =	stream.indirect.scatter.add.f32 [tilespmem:s4], [sflag:$0x6], $0x80, s21, s31, $0xb8;
	[tilespmem:$0x19800] =	vst v63  }
0x252: {  	_ = 	snop  }
0x253: {  	[spmem:s2] =	stream.indirect.scatter.add.f32 [tilespmem:s18], [sflag:$0x6], $0x80, s19, s31, $0xb8;
	[tilespmem:$0x19800] =	vst v63  }
0x254: {  	_ =	swait.ge [sflag:s9], $0x2800  }
0x255: {  	[sflag:s9] =	ssyncset.done $0x0  }
0x256: {  	[sflag:s9] =	ssyncadd.s32 $0xFFFFD800  }
0x257: {  	_ =	swait.ge [sflag:s9], $0x2800  }
0x258: {  	[sflag:s9] =	ssyncset.done $0x0  }
0x259: {  	[sflag:s9] =	ssyncadd.s32 $0xFFFFD800  }
0x25a: {  	_ =	swait.ge [sflag:s9], $0x2800  }
0x25b: {  	[sflag:s9] =	ssyncset.done $0x0  }
0x25c: {  	[sflag:s9] =	ssyncadd.s32 $0xFFFFD800  }
0x25d: {  	_ =	swait.ge [sflag:s9], $0x2800  }
0x25e: {  	[sflag:s9] =	ssyncset.done $0x0  }
0x25f: {  	[sflag:s9] =	ssyncadd.s32 $0xFFFFD800  }
0x260: {  	_ =	swait.ge [sflag:s13], $0x2800  }
0x261: {  	[sflag:s13] =	ssyncset.done $0x0  }
0x262: {  	[sflag:s13] =	ssyncadd.s32 $0xFFFFD800  }
0x263: {  	_ =	swait.ge [sflag:s13], $0x2800  }
0x264: {  	[sflag:s13] =	ssyncset.done $0x0  }
0x265: {  	[sflag:s13] =	ssyncadd.s32 $0xFFFFD800  }
0x266: {  	_ =	swait.ge [sflag:s13], $0x2800  }
0x267: {  	[sflag:s13] =	ssyncset.done $0x0  }
0x268: {  	[sflag:s13] =	ssyncadd.s32 $0xFFFFD800  }
0x269: {  	_ =	swait.ge [sflag:s13], $0x2800  }
0x26a: {  	s22 =	sld [smem:$0x7F6]  }
0x26b: {  	[sflag:s13] =	ssyncset.done $0x0  }
0x26c: {  	s11 =	simm.s32 $0x8;
	[sflag:s13] =	ssyncadd.s32 $0xFFFFD800  }
0x26d: {  	[tilespmem:s6], [sflag:$0x8] =	stream.linear.gather [hbm4b:s22+s4], $0x50, $0x38;
	[tilespmem:$0x19800] =	vst v63  }
0x26e: {  	_ =	swait.ge [sflag:s11], $0x50  }
0x26f: {  	s24 =	sld [smem:$0x7F7]  }
0x270: {  	[sflag:s11] =	ssyncset.done $0x0  }
0x271: {  	[sflag:s11] =	ssyncadd.s32 $0xFFFFFFB0  }
0x272: {  	[tilespmem:s14], [sflag:$0x8] =	stream.linear.gather [hbm4b:s24+s4], $0x50, $0x38;
	[tilespmem:$0x19800] =	vst v63  }
0x273: {  	_ =	swait.ge [sflag:s11], $0x50  }
0x274: {  	[sflag:s11] =	ssyncset.done $0x0  }
0x275: {  	[sflag:s11] =	ssyncadd.s32 $0xFFFFFFB0  }
0x276: {  	[spmem:s2] =	stream.indirect.scatter.add.f32 [tilespmem:s4], [sflag:$0x8], $0x80, s6, s31, $0xb8;
	[tilespmem:$0x19800] =	vst v63  }
0x277: {  	_ =	swait.ge [sflag:s11], $0x2800  }
0x278: {  	[sflag:s11] =	ssyncset.done $0x0  }
0x279: {  	[sflag:s11] =	ssyncadd.s32 $0xFFFFD800  }
0x27a: {  	[spmem:s2] =	stream.indirect.scatter.add.f32 [tilespmem:s18], [sflag:$0x8], $0x80, s14, s31, $0xb8;
	[tilespmem:$0x19800] =	vst v63  }
0x27b: {  	_ =	swait.ge [sflag:s11], $0x2800  }
0x27c: {  	[sflag:s11] =	ssyncset.done $0x0  }
0x27d: {  	[sflag:s11] =	ssyncadd.s32 $0xFFFFD800  }
0x27e: {  	[bflag:$0x0] =	sbarrier.arrive $0xFFFF  }
0x27f: {  	s25 =	sld [smem:$0x7FB]  }
0x280: {  	s26 =	sld [smem:$0x7F8]  }
0x281: {  	s28 =	sld [smem:$0x7E8];
	_ =	sdelay $0x1  }
0x282: {  	s5 =	sor.u32 $0x1C08, s25  }
0x283: {  	[hbm:s26], [sflag:s5] =	dma.local [spmem:s28], $0x2800  }
0x284: {  	_ =	swait.ge [sflag:s11], $0x2800  }
0x285: {  	s29 =	sld [smem:$0x7E7]  }
0x286: {  	s30 =	sld [smem:$0x7F9];
	_ =	sdelay $0x1  }
0x287: {  	s1 =	sadd.s32 $0x1, s29  }
0x288: {  	p0 =	sne.s32 s1, s30  }
.Ltmp1:
0x289: {  	_ = 	snop;
	(pc) =	sbr.rel @p0 .LBB2_1-.Ltmp1, $3  }
0x28a: {  	_ =	sdelay $0x1  }
0x28b: {  	[sflag:s11] =	ssyncset.done $0x0  }
0x28c: {  	s15 =	rddreg [dreg:$0x12];
	[sflag:s11] =	ssyncadd.s32 $0xFFFFD800  }
0x28d: {  	_ =	sfence.sel $0x180000  }
0x28e: {  	[bflag:$0x0] =	sbarrier.arrive $0xFFFF  }
0x28f: {  	_ =	strace $0x90000047  }
0x290: {  	s0 =	stileid.u32;
	[bflag:$0x2] =	sbarrier.arrive $0xFFFF  }
0x291: {  	p0 =	sne.s32 s0, $0x0;
	s0 =	rddreg [dreg:$0x3]  }
0x292: {  	s0 =	sadd.s32 @!p0 $0x100000, s0  }
0x293: {  	[sflag:s0] =	ssyncadd.tile.s32 @!p0 $0x1;
	_ =	shalt  }
.Lfunc_end2:
_tile_overlayer_lowered:
.L_overlay_start_2:
0x294: {  	(tag) =	ssettag $0x2  }
0x295: {  	s0 =	rddreg [dreg:$0x0];
	s2 =	stileid.u32  }
0x296: {  	s1 =	rddreg [dreg:$0x1];
	p0 =	sne.s32 s2, $0x0  }
0x297: {  	s3 =	rddreg [dreg:$0x2];
	[bflag:$0x3] =	sbarrier.arrive $0xFFFF;
	s2 =	simm.s32 @!p0 $0x1C08  }
0x298: {  	[timem:s3], [sflag:s2] =	dma.local @!p0 [hbm:s0], s1  }
0x299: {  	s0 =	simm.s32 @!p0 $0x8  }
0x29a: {  	_ =	swait.ge @!p0 [sflag:s0], s1  }
0x29b: {  	s1 =	ssub.s32 @!p0 $0x0, s1;
	[sflag:s0] =	ssyncset.done @!p0 $0x0  }
0x29c: {  	[sflag:s0] =	ssyncadd.s32 @!p0 s1  }
0x29d: {  	[bflag:$0x3] =	sbarrier.arrive $0xFFFF  }
0x29e: {  	_ =	shalt  }

</sc_bundles>
